<compile_context>
chip_gen: v7x
topology: tpu7x:2x2x1
jax: 0.10.2.dev20260603
libtpu: 0.0.44.dev20260713+nightly
codegen_flags: <defaults>
</compile_context>

<pallas_src>
import functools

import jax
import jax.numpy as jnp
from jax import lax
from jax.experimental import pallas as pl
from jax.experimental.pallas import tpu as pltpu
from jax.experimental.pallas import tpu_sc as plsc

N_NODES = 100000
N_EDGES = 3200000
F = 16
PK = 8
NC, NS = 2, 16
NW = NC * NS
ROW = 128
SUPK = 6
RW = 786
NSUP = RW // SUPK
PE = NW * RW * ROW
STRIPE = 6272
NPAD = NS * STRIPE
DUMP = N_NODES
BLK = 6272
BLKP = BLK // PK
NP_N = N_NODES // PK
NP_A = NPAD // PK
GRID = NPAD // BLK


def _sc_mesh():
    return plsc.VectorSubcoreMesh(core_axis_name="c", subcore_axis_name="s")


def _sc_degree(dst2d):

    def body(dst_hbm, out_hbm, didx, buf, dbuf, ebuf, deg_sh):
        cid = lax.axis_index("c")
        tid = lax.axis_index("s")
        wid = cid * NS + tid

        def fill(val):
            def w(i, c):
                buf[pl.ds(i * F, F)] = jnp.full((F,), val, jnp.float32)
                return c
            lax.fori_loop(0, ROW // F, w, 0)

        fill(0.0)

        def zcopy(t, c):
            pltpu.sync_copy(buf, deg_sh.at[pl.ds(tid * STRIPE + t * ROW, ROW)])
            return c

        lax.fori_loop(0, STRIPE // ROW, zcopy, 0)
        fill(1.0)
        plsc.subcore_barrier()

        base = wid * RW

        def sup(s, c):
            pltpu.sync_copy(dst_hbm.at[pl.ds(base + s * SUPK, SUPK)], didx)
            for j in range(SUPK):
                pltpu.sync_copy(buf, deg_sh.at[didx.at[j]], add=True)
            return c

        lax.fori_loop(0, NSUP, sup, 0)
        plsc.subcore_barrier()

        def exp(t, c):
            r0 = tid * STRIPE + t * ROW
            pltpu.sync_copy(deg_sh.at[pl.ds(r0, ROW)], dbuf)

            def bk(k16, c2):
                v = dbuf[pl.ds(k16 * F, F)]
                for j in range(F):
                    ebuf[k16 * F + j, :] = jnp.full((F,), 1.0, jnp.float32) * v[j]
                return c2

            lax.fori_loop(0, ROW // F, bk, 0)
            pltpu.sync_copy(ebuf, out_hbm.at[cid, pl.ds(r0, ROW)])
            return c

        lax.fori_loop(0, STRIPE // ROW, exp, 0)

    return pl.kernel(
        body,
        out_type=jax.ShapeDtypeStruct((NC, NPAD, F), jnp.float32),
        mesh=_sc_mesh(),
        compiler_params=pltpu.CompilerParams(use_tc_tiling_on_sc=False),
        scratch_types=[
            pltpu.VMEM((SUPK, ROW), jnp.int32),
            pltpu.VMEM((ROW,), jnp.float32),
            pltpu.VMEM((ROW,), jnp.float32),
            pltpu.VMEM((ROW, F), jnp.float32),
            pltpu.VMEM_SHARED((NPAD,), jnp.float32),
        ],
    )(dst2d)


def _sc_scatter(src2d, dst2d, g):

    def body(src_hbm, dst_hbm, g_hbm, out_hbm,
             sidx0, didx0, gbuf0, isem0, sem0,
             sidx1, didx1, gbuf1, isem1, sem1, acc_sh):
        cid = lax.axis_index("c")
        tid = lax.axis_index("s")
        wid = cid * NS + tid
        base = wid * RW

        def zrow(i, c):
            gbuf0[i, :] = jnp.zeros((F,), jnp.float32)
            return c

        lax.fori_loop(0, SUPK * ROW, zrow, 0)
        nz = STRIPE // (SUPK * ROW)
        for t in range(nz):
            pltpu.sync_copy(
                gbuf0, acc_sh.at[pl.ds(tid * STRIPE + t * SUPK * ROW, SUPK * ROW)])
        rem = STRIPE - nz * SUPK * ROW
        if rem:
            pltpu.sync_copy(
                gbuf0.at[pl.ds(0, rem)],
                acc_sh.at[pl.ds(tid * STRIPE + nz * SUPK * ROW, rem)])
        plsc.subcore_barrier()

        def load_idx(s, sidx, didx, isem):
            r0 = base + s * SUPK
            pltpu.async_copy(src_hbm.at[pl.ds(r0, SUPK)], sidx, isem)
            pltpu.async_copy(dst_hbm.at[pl.ds(r0, SUPK)], didx, isem)

        def wait_idx(s, sidx, didx, isem):
            r0 = base + s * SUPK
            pltpu.make_async_copy(src_hbm.at[pl.ds(r0, SUPK)], sidx, isem).wait()
            pltpu.make_async_copy(dst_hbm.at[pl.ds(r0, SUPK)], didx, isem).wait()

        def fire(sidx, gbuf, sem):
            for j in range(SUPK):
                pltpu.async_copy(g_hbm.at[sidx.at[j]],
                                 gbuf.at[pl.ds(j * ROW, ROW)], sem)

        def drain(sidx, didx, gbuf, sem):
            for j in range(SUPK):
                pltpu.make_async_copy(g_hbm.at[sidx.at[j]],
                                      gbuf.at[pl.ds(j * ROW, ROW)], sem).wait()
            for j in range(SUPK):
                pltpu.sync_copy(gbuf.at[pl.ds(j * ROW, ROW)],
                                acc_sh.at[didx.at[j]], add=True)

        load_idx(0, sidx0, didx0, isem0)
        wait_idx(0, sidx0, didx0, isem0)
        fire(sidx0, gbuf0, sem0)
        load_idx(1, sidx1, didx1, isem1)

        def step(s, c):
            def run(sa, da, ga, ia, sma, sb, db, gb, ib, smb):
                wait_idx(s, sa, da, ia)
                fire(sa, ga, sma)
                drain(sb, db, gb, smb)

                @pl.when(s + 1 < NSUP)
                def _():
                    load_idx(s + 1, sb, db, ib)

            @pl.when(s % 2 == 1)
            def _():
                run(sidx1, didx1, gbuf1, isem1, sem1,
                    sidx0, didx0, gbuf0, isem0, sem0)

            @pl.when(s % 2 == 0)
            def _():
                run(sidx0, didx0, gbuf0, isem0, sem0,
                    sidx1, didx1, gbuf1, isem1, sem1)

            return c

        lax.fori_loop(1, NSUP, step, 0)
        if (NSUP - 1) % 2 == 0:
            drain(sidx0, didx0, gbuf0, sem0)
        else:
            drain(sidx1, didx1, gbuf1, sem1)
        plsc.subcore_barrier()
        pltpu.sync_copy(acc_sh.at[pl.ds(tid * STRIPE, STRIPE)],
                        out_hbm.at[cid, pl.ds(tid * STRIPE, STRIPE)])

    return pl.kernel(
        body,
        out_type=jax.ShapeDtypeStruct((NC, NPAD, F), jnp.float32),
        mesh=_sc_mesh(),
        compiler_params=pltpu.CompilerParams(use_tc_tiling_on_sc=False),
        scratch_types=[
            pltpu.VMEM((SUPK, ROW), jnp.int32),
            pltpu.VMEM((SUPK, ROW), jnp.int32),
            pltpu.VMEM((SUPK * ROW, F), jnp.float32),
            pltpu.SemaphoreType.DMA,
            pltpu.SemaphoreType.DMA,
            pltpu.VMEM((SUPK, ROW), jnp.int32),
            pltpu.VMEM((SUPK, ROW), jnp.int32),
            pltpu.VMEM((SUPK * ROW, F), jnp.float32),
            pltpu.SemaphoreType.DMA,
            pltpu.SemaphoreType.DMA,
            pltpu.VMEM_SHARED((NPAD, F), jnp.float32),
        ],
    )(src2d, dst2d, g)


def _dinv_packed(degp):
    return lax.rsqrt(degp[0] + degp[1] + 1.0)


def _tc_embed(x, S, R, We1a, We1b, be1, We2, be2, Wg1):
    def body(x_ref, s_ref, r_ref, we1a, we1b, be1_r, we2, be2_r, wg1, g_ref):
        q = r_ref[...] @ we1b[...]
        h = jnp.tanh(x_ref[...] @ we1a[...] + s_ref[...] @ q + be1_r[...])
        h = jnp.tanh(h @ we2[...] + be2_r[...])
        g_ref[...] = h @ wg1[...]

    return pl.pallas_call(
        body,
        grid=(GRID,),
        in_specs=[
            pl.BlockSpec((BLK, 42), lambda i: (i, 0)),
            pl.BlockSpec((BLK, 128), lambda i: (i, 0)),
            pl.BlockSpec((128, 3), lambda i: (0, 0)),
            pl.BlockSpec((42, 32), lambda i: (0, 0)),
            pl.BlockSpec((3, 32), lambda i: (0, 0)),
            pl.BlockSpec((1, 32), lambda i: (0, 0)),
            pl.BlockSpec((32, F), lambda i: (0, 0)),
            pl.BlockSpec((1, F), lambda i: (0, 0)),
            pl.BlockSpec((F, F), lambda i: (0, 0)),
        ],
        out_specs=pl.BlockSpec((BLK, F), lambda i: (i, 0)),
        out_shape=jax.ShapeDtypeStruct((NPAD, F), jnp.float32),
    )(x, S, R, We1a, We1b, be1, We2, be2, Wg1)


def _tc_mid(accp, g1, degp, bg1t, Wg2b):
    def body(accp_ref, g1_ref, degp_ref, bg1_r, wg2, g2_ref):
        dinv = _dinv_packed(degp_ref[...])
        acc = accp_ref[0] + accp_ref[1] + g1_ref[...]
        h = jax.nn.relu(acc * dinv + bg1_r[...])
        g2_ref[...] = (h @ wg2[...]) * dinv

    return pl.pallas_call(
        body,
        grid=(GRID,),
        in_specs=[
            pl.BlockSpec((NC, BLKP, PK * F), lambda i: (0, i, 0)),
            pl.BlockSpec((BLKP, PK * F), lambda i: (i, 0)),
            pl.BlockSpec((NC, BLKP, PK * F), lambda i: (0, i, 0)),
            pl.BlockSpec((1, PK * F), lambda i: (0, 0)),
            pl.BlockSpec((PK * F, PK * F), lambda i: (0, 0)),
        ],
        out_specs=pl.BlockSpec((BLKP, PK * F), lambda i: (i, 0)),
        out_shape=jax.ShapeDtypeStruct((NP_A, PK * F), jnp.float32),
    )(accp, g1, degp, bg1t, Wg2b)


def _tc_pred(accp, g2, degp, bg2t, Wp1b, bp1t, Wp2b, bp2t, priorsp):
    def body(accp_ref, g2_ref, degp_ref, bg2_r, wp1, bp1_r, wp2, bp2_r, pri_ref,
             out_ref):
        dinv = _dinv_packed(degp_ref[...])
        acc = accp_ref[0] + accp_ref[1] + g2_ref[...]
        h = jax.nn.relu(acc * dinv + bg2_r[...])
        o = jnp.tanh(h @ wp1[...] + bp1_r[...])
        o = jnp.tanh(o @ wp2[...] + bp2_r[...])
        out_ref[...] = o + pri_ref[...]

    return pl.pallas_call(
        body,
        grid=(GRID,),
        in_specs=[
            pl.BlockSpec((NC, BLKP, PK * F), lambda i: (0, i, 0)),
            pl.BlockSpec((BLKP, PK * F), lambda i: (i, 0)),
            pl.BlockSpec((NC, BLKP, PK * F), lambda i: (0, i, 0)),
            pl.BlockSpec((1, PK * F), lambda i: (0, 0)),
            pl.BlockSpec((PK * F, PK * 8), lambda i: (0, 0)),
            pl.BlockSpec((1, PK * 8), lambda i: (0, 0)),
            pl.BlockSpec((PK * 8, PK), lambda i: (0, 0)),
            pl.BlockSpec((1, PK), lambda i: (0, 0)),
            pl.BlockSpec((BLKP, PK), lambda i: (i, 0)),
        ],
        out_specs=pl.BlockSpec((BLKP, PK), lambda i: (i, 0)),
        out_shape=jax.ShapeDtypeStruct((NP_N, PK), jnp.float32),
    )(accp, g2, degp, bg2t, Wp1b, bp1t, Wp2b, bp2t, priorsp)


def kernel(x, edge_index, priors, S, R, We1, be1, We2, be2, Wg1, bg1, Wg2, bg2,
           Wp1, bp1, Wp2, bp2):
    src = edge_index[0].astype(jnp.int32)
    dst = edge_index[1].astype(jnp.int32)
    pad = PE - N_EDGES
    src2d = jnp.concatenate([src, jnp.zeros((pad,), jnp.int32)]).reshape(-1, ROW)
    dst2d = jnp.concatenate([dst, jnp.full((pad,), DUMP, jnp.int32)]).reshape(-1, ROW)

    eye8 = jnp.eye(PK, dtype=jnp.float32)
    Wg2b = jnp.kron(eye8, Wg2)
    Wp1b = jnp.kron(eye8, Wp1)
    Wp2b = jnp.kron(eye8, Wp2)
    bg1t = jnp.tile(bg1, PK).reshape(1, -1)
    bg2t = jnp.tile(bg2, PK).reshape(1, -1)
    bp1t = jnp.tile(bp1, PK).reshape(1, -1)
    bp2t = jnp.tile(bp2, PK).reshape(1, -1)
    priorsp = priors.reshape(NP_N, PK)

    degp = _sc_degree(dst2d)
    degpk = degp.reshape(NC, NP_A, PK * F)
    hw1 = _tc_embed(x, S, R, We1[:42], We1[42:], be1.reshape(1, -1),
                    We2, be2.reshape(1, -1), Wg1)
    dinv_lin = lax.rsqrt(degp[0] + degp[1] + 1.0)
    g1 = hw1 * dinv_lin
    acc1 = _sc_scatter(src2d, dst2d, g1)
    g1p = g1.reshape(NP_A, PK * F)
    g2 = _tc_mid(acc1.reshape(NC, NP_A, PK * F), g1p, degpk, bg1t, Wg2b)
    acc2 = _sc_scatter(src2d, dst2d, g2.reshape(NPAD, F))
    outp = _tc_pred(acc2.reshape(NC, NP_A, PK * F), g2, degpk, bg2t,
                    Wp1b, bp1t, Wp2b, bp2t, priorsp)
    return outp.reshape(N_NODES, 1)

# --- scband reference (transcript-rebuilt; emitter-appended) ---
"""Pipeline reference for scband-reddit-skip-16827681866131 (READ-ONLY COPY).

The authoritative reference and input builder live on the scoring server;
editing this copy changes nothing except your own understanding.
"""

import jax, jax.numpy as jnp
import numpy as np

N_NODES = 100000
N_EDGES = 3200000
N_SUBS = 128
SUB_REP_DIM = 3
NODE_FEATURES = 42


def setup_inputs(seed: int = 0) -> dict:
    key = jax.random.key(seed)
    ks = jax.random.split(key, 20)
    inp = {}
    inp['x'] = jax.random.normal(ks[0], (N_NODES, NODE_FEATURES), dtype=jnp.float32)
    inp['edge_index'] = jax.random.randint(ks[1], (2, N_EDGES), 0, N_NODES, dtype=jnp.int64)
    inp['priors'] = jax.random.normal(ks[2], (N_NODES, 1), dtype=jnp.float32)
    # parameters
    inp['S'] = jax.random.uniform(ks[3], (N_NODES, N_SUBS), dtype=jnp.float32)
    inp['R'] = jax.random.uniform(ks[4], (N_SUBS, SUB_REP_DIM), dtype=jnp.float32)
    # MLP_embed: (45 -> 32 -> 16)
    inp['We1'] = jax.random.normal(ks[5], (NODE_FEATURES + SUB_REP_DIM, 32), dtype=jnp.float32) * 0.1
    inp['be1'] = jnp.zeros((32,), dtype=jnp.float32)
    inp['We2'] = jax.random.normal(ks[6], (32, 16), dtype=jnp.float32) * 0.1
    inp['be2'] = jnp.zeros((16,), dtype=jnp.float32)
    # GCN1, GCN2: 16 -> 16
    inp['Wg1'] = jax.random.normal(ks[7], (16, 16), dtype=jnp.float32) * 0.25
    inp['bg1'] = jnp.zeros((16,), dtype=jnp.float32)
    inp['Wg2'] = jax.random.normal(ks[8], (16, 16), dtype=jnp.float32) * 0.25
    inp['bg2'] = jnp.zeros((16,), dtype=jnp.float32)
    # MLP_pred: (16 -> 8 -> 1)
    inp['Wp1'] = jax.random.normal(ks[9], (16, 8), dtype=jnp.float32) * 0.25
    inp['bp1'] = jnp.zeros((8,), dtype=jnp.float32)
    inp['Wp2'] = jax.random.normal(ks[10], (8, 1), dtype=jnp.float32) * 0.25
    inp['bp2'] = jnp.zeros((1,), dtype=jnp.float32)
    return inp


def _gcn_conv(h, src, dst, n_nodes, W, b):
    # PyG GCNConv with self-loops and symmetric normalization
    hw = h @ W
    deg = jnp.zeros((n_nodes,), dtype=hw.dtype).at[dst].add(1.0)
    dinv = jnp.where(deg > 0, deg ** -0.5, 0.0)
    norm = dinv[src] * dinv[dst]
    msg = hw[src] * norm[:, None]
    out = jnp.zeros_like(hw).at[dst].add(msg)
    return out + b


def reference(x, edge_index, priors, S, R, We1, be1, We2, be2, Wg1, bg1, Wg2, bg2, Wp1, bp1, Wp2, bp2):
    n = x.shape[0]
    # add self loops once
    sl = jnp.arange(n, dtype=edge_index.dtype)
    src = jnp.concatenate([edge_index[0], sl])
    dst = jnp.concatenate([edge_index[1], sl])
    # AggregateSubreddits
    sub_agg = S @ R
    h = jnp.concatenate([x, sub_agg], axis=1)
    # MLP_embed
    h = jnp.tanh(h @ We1 + be1)
    h = jnp.tanh(h @ We2 + be2)
    # GCN1 (dropout is identity in eval mode)
    h = _gcn_conv(h, src, dst, n, Wg1, bg1)
    h = jax.nn.relu(h)
    # GCN2
    h = _gcn_conv(h, src, dst, n, Wg2, bg2)
    h = jax.nn.relu(h)
    # MLP_pred
    out = jnp.tanh(h @ Wp1 + bp1)
    out = jnp.tanh(out @ Wp2 + bp2)
    return out + priors

if __name__ == "__main__":
    import jax
    _d = setup_inputs()
    print(jax.jit(kernel)(*tuple(_d.values())))

</pallas_src>

<mosaic_0001>
#map = affine_map<(d0, d1) -> (0, 0)>
#map1 = affine_map<(d0, d1) -> (0, 0, 0)>
module attributes {stable_mosaic.version = 14 : i64} {
  func.func @body(%arg0: i32, %arg1: i32, %arg2: memref<25152x128xi32, #tpu.memory_space<hbm>>, %arg3: memref<2x100352x16xf32, #tpu.memory_space<hbm>>, %arg4: memref<6x128xi32, #tpu.memory_space<vmem>>, %arg5: memref<128xf32, #tpu.memory_space<vmem>>, %arg6: memref<128xf32, #tpu.memory_space<vmem>>, %arg7: memref<128x16xf32, #tpu.memory_space<vmem>>, %arg8: memref<100352xf32, #tpu.memory_space<vmem_shared>>) attributes {dimension_semantics = [#tpu.dimension_semantics<core_parallel>, #tpu.dimension_semantics<subcore_parallel>], iteration_bounds = array<i64: 2, 16>, scalar_prefetch = 0 : i64, scratch_operands = 5 : i64, tpu.core_type = #tpu.core_type<sc_vector_subcore>, window_params = [{transform_indices = #map}, {transform_indices = #map1}]} {
    %mul3A = arith.constant 16 : i32
    %mul3A_0 = arith.muli %arg0, %mul3A : i32
    %add3A = arith.addi %mul3A_0, %arg1 : i32
    %scan3A = arith.constant 0 : i32
    %scan3A_1 = arith.constant 0 : i32
    %scan3A_2 = arith.constant 8 : i32
    %scan3A_3 = arith.addi %scan3A_1, %scan3A_2 : i32
    %scan3A_4 = arith.constant 1 : i32
    scf.for %scan3A_33 = %scan3A_1 to %scan3A_3 step %scan3A_4  : i32 {
      %broadcast_in_dim3A = arith.constant 0.000000e+00 : f32
      %broadcast_in_dim3A_34 = vector.broadcast %broadcast_in_dim3A : f32 to vector<16xf32>
      %mul3A_35 = arith.constant 16 : i32
      %mul3A_36 = arith.muli %scan3A_33, %mul3A_35 : i32
      %swap3A = arith.index_cast %mul3A_36 : i32 to index
      %swap3A_37 = tpu.vector_load %arg5[%swap3A] {strides = array<i32>} : memref<128xf32, #tpu.memory_space<vmem>>, vector<16xf32>,
      %swap3A_38 = vector.shape_cast %swap3A_37 : vector<16xf32> to vector<16xf32>
      %swap3A_39 = vector.shape_cast %broadcast_in_dim3A_34 : vector<16xf32> to vector<16xf32>
      tpu.vector_store %arg5[%swap3A], %swap3A_39 {strides = array<i32>} : memref<128xf32, #tpu.memory_space<vmem>>, vector<16xf32>,
    }
    %scan3A_5 = arith.constant 8 : i32
    %scan3A_6 = arith.constant 0 : i32
    %scan3A_7 = arith.constant 0 : i32
    %scan3A_8 = arith.constant 49 : i32
    %scan3A_9 = arith.addi %scan3A_7, %scan3A_8 : i32
    %scan3A_10 = arith.constant 1 : i32
    scf.for %scan3A_33 = %scan3A_7 to %scan3A_9 step %scan3A_10  : i32 {
      %mul3A_34 = arith.constant 6272 : i32
      %mul3A_35 = arith.muli %arg1, %mul3A_34 : i32
      %mul3A_36 = arith.constant 128 : i32
      %mul3A_37 = arith.muli %scan3A_33, %mul3A_36 : i32
      %add3A_38 = arith.addi %mul3A_35, %mul3A_37 : i32
      "tpu.region"() ({
        %run_scoped3A = tpu.sem_alloc : memref<!tpu.dma_semaphore, #tpu.memory_space<semaphore_mem>>
        %dma_start3A = tpu.memref_slice %arg8[%add3A_38] : memref<100352xf32, #tpu.memory_space<vmem_shared>> -> memref<128xf32, #tpu.memory_space<vmem_shared>>
        %dma_start3A_39 = tpu.memref_slice %arg8[%add3A_38] : memref<100352xf32, #tpu.memory_space<vmem_shared>> -> memref<128xf32, #tpu.memory_space<vmem_shared>>
        tpu.enqueue_dma source(%arg5 : memref<128xf32, #tpu.memory_space<vmem>>) target(%dma_start3A_39 : memref<128xf32, #tpu.memory_space<vmem_shared>>) target_semaphore(%run_scoped3A : memref<!tpu.dma_semaphore, #tpu.memory_space<semaphore_mem>>)
        %dma_wait3A = tpu.memref_slice %arg8[%add3A_38] : memref<100352xf32, #tpu.memory_space<vmem_shared>> -> memref<128xf32, #tpu.memory_space<vmem_shared>>
        %dma_wait3A_40 = tpu.memref_slice %arg8[%add3A_38] : memref<100352xf32, #tpu.memory_space<vmem_shared>> -> memref<128xf32, #tpu.memory_space<vmem_shared>>
        tpu.wait_dma2 semaphore(%run_scoped3A : memref<!tpu.dma_semaphore, #tpu.memory_space<semaphore_mem>>) src(%arg5 : memref<128xf32, #tpu.memory_space<vmem>>) dst(%dma_wait3A_40 : memref<128xf32, #tpu.memory_space<vmem_shared>>)
        tpu.yield
      }) : () -> ()
    }
    %scan3A_11 = arith.constant 49 : i32
    %scan3A_12 = arith.constant 0 : i32
    %scan3A_13 = arith.constant 0 : i32
    %scan3A_14 = arith.constant 8 : i32
    %scan3A_15 = arith.addi %scan3A_13, %scan3A_14 : i32
    %scan3A_16 = arith.constant 1 : i32
    scf.for %scan3A_33 = %scan3A_13 to %scan3A_15 step %scan3A_16  : i32 {
      %broadcast_in_dim3A = arith.constant 1.000000e+00 : f32
      %broadcast_in_dim3A_34 = vector.broadcast %broadcast_in_dim3A : f32 to vector<16xf32>
      %mul3A_35 = arith.constant 16 : i32
      %mul3A_36 = arith.muli %scan3A_33, %mul3A_35 : i32
      %swap3A = arith.index_cast %mul3A_36 : i32 to index
      %swap3A_37 = tpu.vector_load %arg5[%swap3A] {strides = array<i32>} : memref<128xf32, #tpu.memory_space<vmem>>, vector<16xf32>,
      %swap3A_38 = vector.shape_cast %swap3A_37 : vector<16xf32> to vector<16xf32>
      %swap3A_39 = vector.shape_cast %broadcast_in_dim3A_34 : vector<16xf32> to vector<16xf32>
      tpu.vector_store %arg5[%swap3A], %swap3A_39 {strides = array<i32>} : memref<128xf32, #tpu.memory_space<vmem>>, vector<16xf32>,
    }
    %scan3A_17 = arith.constant 8 : i32
    %barrier3A = arith.constant 0 : index
    tpu.barrier barrier_id(%barrier3A)
    %mul3A_18 = arith.constant 786 : i32
    %mul3A_19 = arith.muli %add3A, %mul3A_18 : i32
    %scan3A_20 = arith.constant 0 : i32
    %scan3A_21 = arith.constant 0 : i32
    %scan3A_22 = arith.constant 131 : i32
    %scan3A_23 = arith.addi %scan3A_21, %scan3A_22 : i32
    %scan3A_24 = arith.constant 1 : i32
    scf.for %scan3A_33 = %scan3A_21 to %scan3A_23 step %scan3A_24  : i32 {
      %mul3A_34 = arith.constant 6 : i32
      %mul3A_35 = arith.muli %scan3A_33, %mul3A_34 : i32
      %add3A_36 = arith.addi %mul3A_19, %mul3A_35 : i32
      "tpu.region"() ({
        %run_scoped3A_42 = tpu.sem_alloc : memref<!tpu.dma_semaphore, #tpu.memory_space<semaphore_mem>>
        %dma_start3A = arith.constant 0 : i32
        %dma_start3A_43 = tpu.memref_slice %arg2[%add3A_36, %dma_start3A] : memref<25152x128xi32, #tpu.memory_space<hbm>> -> memref<6x128xi32, #tpu.memory_space<hbm>>
        %dma_start3A_44 = arith.constant 0 : i32
        %dma_start3A_45 = tpu.memref_slice %arg2[%add3A_36, %dma_start3A_44] : memref<25152x128xi32, #tpu.memory_space<hbm>> -> memref<6x128xi32, #tpu.memory_space<hbm>>
        tpu.enqueue_dma source(%dma_start3A_45 : memref<6x128xi32, #tpu.memory_space<hbm>>) target(%arg4 : memref<6x128xi32, #tpu.memory_space<vmem>>) target_semaphore(%run_scoped3A_42 : memref<!tpu.dma_semaphore, #tpu.memory_space<semaphore_mem>>)
        %dma_wait3A = arith.constant 0 : i32
        %dma_wait3A_46 = tpu.memref_slice %arg2[%add3A_36, %dma_wait3A] : memref<25152x128xi32, #tpu.memory_space<hbm>> -> memref<6x128xi32, #tpu.memory_space<hbm>>
        %dma_wait3A_47 = arith.constant 0 : i32
        %dma_wait3A_48 = tpu.memref_slice %arg2[%add3A_36, %dma_wait3A_47] : memref<25152x128xi32, #tpu.memory_space<hbm>> -> memref<6x128xi32, #tpu.memory_space<hbm>>
        tpu.wait_dma2 semaphore(%run_scoped3A_42 : memref<!tpu.dma_semaphore, #tpu.memory_space<semaphore_mem>>) src(%dma_wait3A_48 : memref<6x128xi32, #tpu.memory_space<hbm>>) dst(%arg4 : memref<6x128xi32, #tpu.memory_space<vmem>>)
        tpu.yield
      }) : () -> ()
      %run_scoped3A = arith.constant 0 : i32
      "tpu.region"() ({
        %run_scoped3A_42 = tpu.sem_alloc : memref<!tpu.dma_semaphore, #tpu.memory_space<semaphore_mem>>
        %dma_start3A = arith.constant 0 : i32
        %dma_start3A_43 = tpu.memref_slice %arg4[%run_scoped3A, %dma_start3A] : memref<6x128xi32, #tpu.memory_space<vmem>> -> memref<1x128xi32, #tpu.memory_space<vmem>>
        %dma_start3A_44 = tpu.memref_squeeze %dma_start3A_43 : memref<1x128xi32, #tpu.memory_space<vmem>> -> memref<128xi32, #tpu.memory_space<vmem>>
        %dma_start3A_45 = arith.constant 0 : i32
        %dma_start3A_46 = tpu.memref_slice %arg8[%dma_start3A_45] : memref<100352xf32, #tpu.memory_space<vmem_shared>> -> memref<100352xf32, #tpu.memory_space<vmem_shared>>
        tpu.enqueue_indirect_dma source(%arg5 : memref<128xf32, #tpu.memory_space<vmem>>) target(%dma_start3A_46 : memref<100352xf32, #tpu.memory_space<vmem_shared>>) offsets(%dma_start3A_44 : memref<128xi32, #tpu.memory_space<vmem>>) semaphore(%run_scoped3A_42 : memref<!tpu.dma_semaphore, #tpu.memory_space<semaphore_mem>>) {add = true}
        %dma_wait3A = arith.constant 0 : i32
        %dma_wait3A_47 = tpu.memref_slice %arg4[%run_scoped3A, %dma_wait3A] : memref<6x128xi32, #tpu.memory_space<vmem>> -> memref<1x128xi32, #tpu.memory_space<vmem>>
        %dma_wait3A_48 = tpu.memref_squeeze %dma_wait3A_47 : memref<1x128xi32, #tpu.memory_space<vmem>> -> memref<128xi32, #tpu.memory_space<vmem>>
        %dma_wait3A_49 = arith.constant 0 : i32
        %dma_wait3A_50 = tpu.memref_slice %arg8[%dma_wait3A_49] : memref<100352xf32, #tpu.memory_space<vmem_shared>> -> memref<100352xf32, #tpu.memory_space<vmem_shared>>
        tpu.wait_indirect_dma semaphore(%run_scoped3A_42 : memref<!tpu.dma_semaphore, #tpu.memory_space<semaphore_mem>>) src(%arg5 : memref<128xf32, #tpu.memory_space<vmem>>) dst(%dma_wait3A_50 : memref<100352xf32, #tpu.memory_space<vmem_shared>>)
        tpu.yield
      }) : () -> ()
      %run_scoped3A_37 = arith.constant 1 : i32
      "tpu.region"() ({
        %run_scoped3A_42 = tpu.sem_alloc : memref<!tpu.dma_semaphore, #tpu.memory_space<semaphore_mem>>
        %dma_start3A = arith.constant 0 : i32
        %dma_start3A_43 = tpu.memref_slice %arg4[%run_scoped3A_37, %dma_start3A] : memref<6x128xi32, #tpu.memory_space<vmem>> -> memref<1x128xi32, #tpu.memory_space<vmem>>
        %dma_start3A_44 = tpu.memref_squeeze %dma_start3A_43 : memref<1x128xi32, #tpu.memory_space<vmem>> -> memref<128xi32, #tpu.memory_space<vmem>>
        %dma_start3A_45 = arith.constant 0 : i32
        %dma_start3A_46 = tpu.memref_slice %arg8[%dma_start3A_45] : memref<100352xf32, #tpu.memory_space<vmem_shared>> -> memref<100352xf32, #tpu.memory_space<vmem_shared>>
        tpu.enqueue_indirect_dma source(%arg5 : memref<128xf32, #tpu.memory_space<vmem>>) target(%dma_start3A_46 : memref<100352xf32, #tpu.memory_space<vmem_shared>>) offsets(%dma_start3A_44 : memref<128xi32, #tpu.memory_space<vmem>>) semaphore(%run_scoped3A_42 : memref<!tpu.dma_semaphore, #tpu.memory_space<semaphore_mem>>) {add = true}
        %dma_wait3A = arith.constant 0 : i32
        %dma_wait3A_47 = tpu.memref_slice %arg4[%run_scoped3A_37, %dma_wait3A] : memref<6x128xi32, #tpu.memory_space<vmem>> -> memref<1x128xi32, #tpu.memory_space<vmem>>
        %dma_wait3A_48 = tpu.memref_squeeze %dma_wait3A_47 : memref<1x128xi32, #tpu.memory_space<vmem>> -> memref<128xi32, #tpu.memory_space<vmem>>
        %dma_wait3A_49 = arith.constant 0 : i32
        %dma_wait3A_50 = tpu.memref_slice %arg8[%dma_wait3A_49] : memref<100352xf32, #tpu.memory_space<vmem_shared>> -> memref<100352xf32, #tpu.memory_space<vmem_shared>>
        tpu.wait_indirect_dma semaphore(%run_scoped3A_42 : memref<!tpu.dma_semaphore, #tpu.memory_space<semaphore_mem>>) src(%arg5 : memref<128xf32, #tpu.memory_space<vmem>>) dst(%dma_wait3A_50 : memref<100352xf32, #tpu.memory_space<vmem_shared>>)
        tpu.yield
      }) : () -> ()
      %run_scoped3A_38 = arith.constant 2 : i32
      "tpu.region"() ({
        %run_scoped3A_42 = tpu.sem_alloc : memref<!tpu.dma_semaphore, #tpu.memory_space<semaphore_mem>>
        %dma_start3A = arith.constant 0 : i32
        %dma_start3A_43 = tpu.memref_slice %arg4[%run_scoped3A_38, %dma_start3A] : memref<6x128xi32, #tpu.memory_space<vmem>> -> memref<1x128xi32, #tpu.memory_space<vmem>>
        %dma_start3A_44 = tpu.memref_squeeze %dma_start3A_43 : memref<1x128xi32, #tpu.memory_space<vmem>> -> memref<128xi32, #tpu.memory_space<vmem>>
        %dma_start3A_45 = arith.constant 0 : i32
        %dma_start3A_46 = tpu.memref_slice %arg8[%dma_start3A_45] : memref<100352xf32, #tpu.memory_space<vmem_shared>> -> memref<100352xf32, #tpu.memory_space<vmem_shared>>
        tpu.enqueue_indirect_dma source(%arg5 : memref<128xf32, #tpu.memory_space<vmem>>) target(%dma_start3A_46 : memref<100352xf32, #tpu.memory_space<vmem_shared>>) offsets(%dma_start3A_44 : memref<128xi32, #tpu.memory_space<vmem>>) semaphore(%run_scoped3A_42 : memref<!tpu.dma_semaphore, #tpu.memory_space<semaphore_mem>>) {add = true}
        %dma_wait3A = arith.constant 0 : i32
        %dma_wait3A_47 = tpu.memref_slice %arg4[%run_scoped3A_38, %dma_wait3A] : memref<6x128xi32, #tpu.memory_space<vmem>> -> memref<1x128xi32, #tpu.memory_space<vmem>>
        %dma_wait3A_48 = tpu.memref_squeeze %dma_wait3A_47 : memref<1x128xi32, #tpu.memory_space<vmem>> -> memref<128xi32, #tpu.memory_space<vmem>>
        %dma_wait3A_49 = arith.constant 0 : i32
        %dma_wait3A_50 = tpu.memref_slice %arg8[%dma_wait3A_49] : memref<100352xf32, #tpu.memory_space<vmem_shared>> -> memref<100352xf32, #tpu.memory_space<vmem_shared>>
        tpu.wait_indirect_dma semaphore(%run_scoped3A_42 : memref<!tpu.dma_semaphore, #tpu.memory_space<semaphore_mem>>) src(%arg5 : memref<128xf32, #tpu.memory_space<vmem>>) dst(%dma_wait3A_50 : memref<100352xf32, #tpu.memory_space<vmem_shared>>)
        tpu.yield
      }) : () -> ()
      %run_scoped3A_39 = arith.constant 3 : i32
      "tpu.region"() ({
        %run_scoped3A_42 = tpu.sem_alloc : memref<!tpu.dma_semaphore, #tpu.memory_space<semaphore_mem>>
        %dma_start3A = arith.constant 0 : i32
        %dma_start3A_43 = tpu.memref_slice %arg4[%run_scoped3A_39, %dma_start3A] : memref<6x128xi32, #tpu.memory_space<vmem>> -> memref<1x128xi32, #tpu.memory_space<vmem>>
        %dma_start3A_44 = tpu.memref_squeeze %dma_start3A_43 : memref<1x128xi32, #tpu.memory_space<vmem>> -> memref<128xi32, #tpu.memory_space<vmem>>
        %dma_start3A_45 = arith.constant 0 : i32
        %dma_start3A_46 = tpu.memref_slice %arg8[%dma_start3A_45] : memref<100352xf32, #tpu.memory_space<vmem_shared>> -> memref<100352xf32, #tpu.memory_space<vmem_shared>>
        tpu.enqueue_indirect_dma source(%arg5 : memref<128xf32, #tpu.memory_space<vmem>>) target(%dma_start3A_46 : memref<100352xf32, #tpu.memory_space<vmem_shared>>) offsets(%dma_start3A_44 : memref<128xi32, #tpu.memory_space<vmem>>) semaphore(%run_scoped3A_42 : memref<!tpu.dma_semaphore, #tpu.memory_space<semaphore_mem>>) {add = true}
        %dma_wait3A = arith.constant 0 : i32
        %dma_wait3A_47 = tpu.memref_slice %arg4[%run_scoped3A_39, %dma_wait3A] : memref<6x128xi32, #tpu.memory_space<vmem>> -> memref<1x128xi32, #tpu.memory_space<vmem>>
        %dma_wait3A_48 = tpu.memref_squeeze %dma_wait3A_47 : memref<1x128xi32, #tpu.memory_space<vmem>> -> memref<128xi32, #tpu.memory_space<vmem>>
        %dma_wait3A_49 = arith.constant 0 : i32
        %dma_wait3A_50 = tpu.memref_slice %arg8[%dma_wait3A_49] : memref<100352xf32, #tpu.memory_space<vmem_shared>> -> memref<100352xf32, #tpu.memory_space<vmem_shared>>
        tpu.wait_indirect_dma semaphore(%run_scoped3A_42 : memref<!tpu.dma_semaphore, #tpu.memory_space<semaphore_mem>>) src(%arg5 : memref<128xf32, #tpu.memory_space<vmem>>) dst(%dma_wait3A_50 : memref<100352xf32, #tpu.memory_space<vmem_shared>>)
        tpu.yield
      }) : () -> ()
      %run_scoped3A_40 = arith.constant 4 : i32
      "tpu.region"() ({
        %run_scoped3A_42 = tpu.sem_alloc : memref<!tpu.dma_semaphore, #tpu.memory_space<semaphore_mem>>
        %dma_start3A = arith.constant 0 : i32
        %dma_start3A_43 = tpu.memref_slice %arg4[%run_scoped3A_40, %dma_start3A] : memref<6x128xi32, #tpu.memory_space<vmem>> -> memref<1x128xi32, #tpu.memory_space<vmem>>
        %dma_start3A_44 = tpu.memref_squeeze %dma_start3A_43 : memref<1x128xi32, #tpu.memory_space<vmem>> -> memref<128xi32, #tpu.memory_space<vmem>>
        %dma_start3A_45 = arith.constant 0 : i32
        %dma_start3A_46 = tpu.memref_slice %arg8[%dma_start3A_45] : memref<100352xf32, #tpu.memory_space<vmem_shared>> -> memref<100352xf32, #tpu.memory_space<vmem_shared>>
        tpu.enqueue_indirect_dma source(%arg5 : memref<128xf32, #tpu.memory_space<vmem>>) target(%dma_start3A_46 : memref<100352xf32, #tpu.memory_space<vmem_shared>>) offsets(%dma_start3A_44 : memref<128xi32, #tpu.memory_space<vmem>>) semaphore(%run_scoped3A_42 : memref<!tpu.dma_semaphore, #tpu.memory_space<semaphore_mem>>) {add = true}
        %dma_wait3A = arith.constant 0 : i32
        %dma_wait3A_47 = tpu.memref_slice %arg4[%run_scoped3A_40, %dma_wait3A] : memref<6x128xi32, #tpu.memory_space<vmem>> -> memref<1x128xi32, #tpu.memory_space<vmem>>
        %dma_wait3A_48 = tpu.memref_squeeze %dma_wait3A_47 : memref<1x128xi32, #tpu.memory_space<vmem>> -> memref<128xi32, #tpu.memory_space<vmem>>
        %dma_wait3A_49 = arith.constant 0 : i32
        %dma_wait3A_50 = tpu.memref_slice %arg8[%dma_wait3A_49] : memref<100352xf32, #tpu.memory_space<vmem_shared>> -> memref<100352xf32, #tpu.memory_space<vmem_shared>>
        tpu.wait_indirect_dma semaphore(%run_scoped3A_42 : memref<!tpu.dma_semaphore, #tpu.memory_space<semaphore_mem>>) src(%arg5 : memref<128xf32, #tpu.memory_space<vmem>>) dst(%dma_wait3A_50 : memref<100352xf32, #tpu.memory_space<vmem_shared>>)
        tpu.yield
      }) : () -> ()
      %run_scoped3A_41 = arith.constant 5 : i32
      "tpu.region"() ({
        %run_scoped3A_42 = tpu.sem_alloc : memref<!tpu.dma_semaphore, #tpu.memory_space<semaphore_mem>>
        %dma_start3A = arith.constant 0 : i32
        %dma_start3A_43 = tpu.memref_slice %arg4[%run_scoped3A_41, %dma_start3A] : memref<6x128xi32, #tpu.memory_space<vmem>> -> memref<1x128xi32, #tpu.memory_space<vmem>>
        %dma_start3A_44 = tpu.memref_squeeze %dma_start3A_43 : memref<1x128xi32, #tpu.memory_space<vmem>> -> memref<128xi32, #tpu.memory_space<vmem>>
        %dma_start3A_45 = arith.constant 0 : i32
        %dma_start3A_46 = tpu.memref_slice %arg8[%dma_start3A_45] : memref<100352xf32, #tpu.memory_space<vmem_shared>> -> memref<100352xf32, #tpu.memory_space<vmem_shared>>
        tpu.enqueue_indirect_dma source(%arg5 : memref<128xf32, #tpu.memory_space<vmem>>) target(%dma_start3A_46 : memref<100352xf32, #tpu.memory_space<vmem_shared>>) offsets(%dma_start3A_44 : memref<128xi32, #tpu.memory_space<vmem>>) semaphore(%run_scoped3A_42 : memref<!tpu.dma_semaphore, #tpu.memory_space<semaphore_mem>>) {add = true}
        %dma_wait3A = arith.constant 0 : i32
        %dma_wait3A_47 = tpu.memref_slice %arg4[%run_scoped3A_41, %dma_wait3A] : memref<6x128xi32, #tpu.memory_space<vmem>> -> memref<1x128xi32, #tpu.memory_space<vmem>>
        %dma_wait3A_48 = tpu.memref_squeeze %dma_wait3A_47 : memref<1x128xi32, #tpu.memory_space<vmem>> -> memref<128xi32, #tpu.memory_space<vmem>>
        %dma_wait3A_49 = arith.constant 0 : i32
        %dma_wait3A_50 = tpu.memref_slice %arg8[%dma_wait3A_49] : memref<100352xf32, #tpu.memory_space<vmem_shared>> -> memref<100352xf32, #tpu.memory_space<vmem_shared>>
        tpu.wait_indirect_dma semaphore(%run_scoped3A_42 : memref<!tpu.dma_semaphore, #tpu.memory_space<semaphore_mem>>) src(%arg5 : memref<128xf32, #tpu.memory_space<vmem>>) dst(%dma_wait3A_50 : memref<100352xf32, #tpu.memory_space<vmem_shared>>)
        tpu.yield
      }) : () -> ()
    }
    %scan3A_25 = arith.constant 131 : i32
    %barrier3A_26 = arith.constant 0 : index
    tpu.barrier barrier_id(%barrier3A_26)
    %scan3A_27 = arith.constant 0 : i32
    %scan3A_28 = arith.constant 0 : i32
    %scan3A_29 = arith.constant 49 : i32
    %scan3A_30 = arith.addi %scan3A_28, %scan3A_29 : i32
    %scan3A_31 = arith.constant 1 : i32
    scf.for %scan3A_33 = %scan3A_28 to %scan3A_30 step %scan3A_31  : i32 {
      %mul3A_34 = arith.constant 6272 : i32
      %mul3A_35 = arith.muli %arg1, %mul3A_34 : i32
      %mul3A_36 = arith.constant 128 : i32
      %mul3A_37 = arith.muli %scan3A_33, %mul3A_36 : i32
      %add3A_38 = arith.addi %mul3A_35, %mul3A_37 : i32
      "tpu.region"() ({
        %run_scoped3A = tpu.sem_alloc : memref<!tpu.dma_semaphore, #tpu.memory_space<semaphore_mem>>
        %dma_start3A = tpu.memref_slice %arg8[%add3A_38] : memref<100352xf32, #tpu.memory_space<vmem_shared>> -> memref<128xf32, #tpu.memory_space<vmem_shared>>
        %dma_start3A_45 = tpu.memref_slice %arg8[%add3A_38] : memref<100352xf32, #tpu.memory_space<vmem_shared>> -> memref<128xf32, #tpu.memory_space<vmem_shared>>
        tpu.enqueue_dma source(%dma_start3A_45 : memref<128xf32, #tpu.memory_space<vmem_shared>>) target(%arg6 : memref<128xf32, #tpu.memory_space<vmem>>) target_semaphore(%run_scoped3A : memref<!tpu.dma_semaphore, #tpu.memory_space<semaphore_mem>>)
        %dma_wait3A = tpu.memref_slice %arg8[%add3A_38] : memref<100352xf32, #tpu.memory_space<vmem_shared>> -> memref<128xf32, #tpu.memory_space<vmem_shared>>
        %dma_wait3A_46 = tpu.memref_slice %arg8[%add3A_38] : memref<100352xf32, #tpu.memory_space<vmem_shared>> -> memref<128xf32, #tpu.memory_space<vmem_shared>>
        tpu.wait_dma2 semaphore(%run_scoped3A : memref<!tpu.dma_semaphore, #tpu.memory_space<semaphore_mem>>) src(%dma_wait3A_46 : memref<128xf32, #tpu.memory_space<vmem_shared>>) dst(%arg6 : memref<128xf32, #tpu.memory_space<vmem>>)
        tpu.yield
      }) : () -> ()
      %scan3A_39 = arith.constant 0 : i32
      %scan3A_40 = arith.constant 0 : i32
      %scan3A_41 = arith.constant 8 : i32
      %scan3A_42 = arith.addi %scan3A_40, %scan3A_41 : i32
      %scan3A_43 = arith.constant 1 : i32
      scf.for %scan3A_45 = %scan3A_40 to %scan3A_42 step %scan3A_43  : i32 {
        %mul3A_46 = arith.constant 16 : i32
        %mul3A_47 = arith.muli %scan3A_45, %mul3A_46 : i32
        %get3A = arith.index_cast %mul3A_47 : i32 to index
        %get3A_48 = tpu.vector_load %arg6[%get3A] {strides = array<i32>} : memref<128xf32, #tpu.memory_space<vmem>>, vector<16xf32>,
        %get3A_49 = vector.shape_cast %get3A_48 : vector<16xf32> to vector<16xf32>
        %broadcast_in_dim3A = arith.constant 1.000000e+00 : f32
        %broadcast_in_dim3A_50 = vector.broadcast %broadcast_in_dim3A : f32 to vector<16xf32>
        %slice3A = vector.extract_strided_slice %get3A_49 {offsets = [0], sizes = [1], strides = [1]} : vector<16xf32> to vector<1xf32>
        %squeeze3A = vector.extract %slice3A[0] : f32 from vector<1xf32>
        %mul3A_51 = vector.broadcast %squeeze3A : f32 to vector<16xf32>
        %mul3A_52 = arith.mulf %broadcast_in_dim3A_50, %mul3A_51 : vector<16xf32>
        %mul3A_53 = arith.constant 16 : i32
        %mul3A_54 = arith.muli %scan3A_45, %mul3A_53 : i32
        %add3A_55 = arith.constant 0 : i32
        %add3A_56 = arith.addi %mul3A_54, %add3A_55 : i32
        %swap3A = arith.index_cast %add3A_56 : i32 to index
        %swap3A_57 = arith.constant 0 : index
        %swap3A_58 = tpu.vector_load %arg7[%swap3A, %swap3A_57] {strides = array<i32>} : memref<128x16xf32, #tpu.memory_space<vmem>>, vector<1x16xf32>,
        %swap3A_59 = vector.shape_cast %swap3A_58 : vector<1x16xf32> to vector<16xf32>
        %swap3A_60 = vector.shape_cast %mul3A_52 : vector<16xf32> to vector<1x16xf32>
        tpu.vector_store %arg7[%swap3A, %swap3A_57], %swap3A_60 {strides = array<i32>} : memref<128x16xf32, #tpu.memory_space<vmem>>, vector<1x16xf32>,
        %broadcast_in_dim3A_61 = arith.constant 1.000000e+00 : f32
        %broadcast_in_dim3A_62 = vector.broadcast %broadcast_in_dim3A_61 : f32 to vector<16xf32>
        %slice3A_63 = vector.extract_strided_slice %get3A_49 {offsets = [1], sizes = [1], strides = [1]} : vector<16xf32> to vector<1xf32>
        %squeeze3A_64 = vector.extract %slice3A_63[0] : f32 from vector<1xf32>
        %mul3A_65 = vector.broadcast %squeeze3A_64 : f32 to vector<16xf32>
        %mul3A_66 = arith.mulf %broadcast_in_dim3A_62, %mul3A_65 : vector<16xf32>
        %mul3A_67 = arith.constant 16 : i32
        %mul3A_68 = arith.muli %scan3A_45, %mul3A_67 : i32
        %add3A_69 = arith.constant 1 : i32
        %add3A_70 = arith.addi %mul3A_68, %add3A_69 : i32
        %swap3A_71 = arith.index_cast %add3A_70 : i32 to index
        %swap3A_72 = arith.constant 0 : index
        %swap3A_73 = tpu.vector_load %arg7[%swap3A_71, %swap3A_72] {strides = array<i32>} : memref<128x16xf32, #tpu.memory_space<vmem>>, vector<1x16xf32>,
        %swap3A_74 = vector.shape_cast %swap3A_73 : vector<1x16xf32> to vector<16xf32>
        %swap3A_75 = vector.shape_cast %mul3A_66 : vector<16xf32> to vector<1x16xf32>
        tpu.vector_store %arg7[%swap3A_71, %swap3A_72], %swap3A_75 {strides = array<i32>} : memref<128x16xf32, #tpu.memory_space<vmem>>, vector<1x16xf32>,
        %broadcast_in_dim3A_76 = arith.constant 1.000000e+00 : f32
        %broadcast_in_dim3A_77 = vector.broadcast %broadcast_in_dim3A_76 : f32 to vector<16xf32>
        %slice3A_78 = vector.extract_strided_slice %get3A_49 {offsets = [2], sizes = [1], strides = [1]} : vector<16xf32> to vector<1xf32>
        %squeeze3A_79 = vector.extract %slice3A_78[0] : f32 from vector<1xf32>
        %mul3A_80 = vector.broadcast %squeeze3A_79 : f32 to vector<16xf32>
        %mul3A_81 = arith.mulf %broadcast_in_dim3A_77, %mul3A_80 : vector<16xf32>
        %mul3A_82 = arith.constant 16 : i32
        %mul3A_83 = arith.muli %scan3A_45, %mul3A_82 : i32
        %add3A_84 = arith.constant 2 : i32
        %add3A_85 = arith.addi %mul3A_83, %add3A_84 : i32
        %swap3A_86 = arith.index_cast %add3A_85 : i32 to index
        %swap3A_87 = arith.constant 0 : index
        %swap3A_88 = tpu.vector_load %arg7[%swap3A_86, %swap3A_87] {strides = array<i32>} : memref<128x16xf32, #tpu.memory_space<vmem>>, vector<1x16xf32>,
        %swap3A_89 = vector.shape_cast %swap3A_88 : vector<1x16xf32> to vector<16xf32>
        %swap3A_90 = vector.shape_cast %mul3A_81 : vector<16xf32> to vector<1x16xf32>
        tpu.vector_store %arg7[%swap3A_86, %swap3A_87], %swap3A_90 {strides = array<i32>} : memref<128x16xf32, #tpu.memory_space<vmem>>, vector<1x16xf32>,
        %broadcast_in_dim3A_91 = arith.constant 1.000000e+00 : f32
        %broadcast_in_dim3A_92 = vector.broadcast %broadcast_in_dim3A_91 : f32 to vector<16xf32>
        %slice3A_93 = vector.extract_strided_slice %get3A_49 {offsets = [3], sizes = [1], strides = [1]} : vector<16xf32> to vector<1xf32>
        %squeeze3A_94 = vector.extract %slice3A_93[0] : f32 from vector<1xf32>
        %mul3A_95 = vector.broadcast %squeeze3A_94 : f32 to vector<16xf32>
        %mul3A_96 = arith.mulf %broadcast_in_dim3A_92, %mul3A_95 : vector<16xf32>
        %mul3A_97 = arith.constant 16 : i32
        %mul3A_98 = arith.muli %scan3A_45, %mul3A_97 : i32
        %add3A_99 = arith.constant 3 : i32
        %add3A_100 = arith.addi %mul3A_98, %add3A_99 : i32
        %swap3A_101 = arith.index_cast %add3A_100 : i32 to index
        %swap3A_102 = arith.constant 0 : index
        %swap3A_103 = tpu.vector_load %arg7[%swap3A_101, %swap3A_102] {strides = array<i32>} : memref<128x16xf32, #tpu.memory_space<vmem>>, vector<1x16xf32>,
        %swap3A_104 = vector.shape_cast %swap3A_103 : vector<1x16xf32> to vector<16xf32>
        %swap3A_105 = vector.shape_cast %mul3A_96 : vector<16xf32> to vector<1x16xf32>
        tpu.vector_store %arg7[%swap3A_101, %swap3A_102], %swap3A_105 {strides = array<i32>} : memref<128x16xf32, #tpu.memory_space<vmem>>, vector<1x16xf32>,
        %broadcast_in_dim3A_106 = arith.constant 1.000000e+00 : f32
        %broadcast_in_dim3A_107 = vector.broadcast %broadcast_in_dim3A_106 : f32 to vector<16xf32>
        %slice3A_108 = vector.extract_strided_slice %get3A_49 {offsets = [4], sizes = [1], strides = [1]} : vector<16xf32> to vector<1xf32>
        %squeeze3A_109 = vector.extract %slice3A_108[0] : f32 from vector<1xf32>
        %mul3A_110 = vector.broadcast %squeeze3A_109 : f32 to vector<16xf32>
        %mul3A_111 = arith.mulf %broadcast_in_dim3A_107, %mul3A_110 : vector<16xf32>
        %mul3A_112 = arith.constant 16 : i32
        %mul3A_113 = arith.muli %scan3A_45, %mul3A_112 : i32
        %add3A_114 = arith.constant 4 : i32
        %add3A_115 = arith.addi %mul3A_113, %add3A_114 : i32
        %swap3A_116 = arith.index_cast %add3A_115 : i32 to index
        %swap3A_117 = arith.constant 0 : index
        %swap3A_118 = tpu.vector_load %arg7[%swap3A_116, %swap3A_117] {strides = array<i32>} : memref<128x16xf32, #tpu.memory_space<vmem>>, vector<1x16xf32>,
        %swap3A_119 = vector.shape_cast %swap3A_118 : vector<1x16xf32> to vector<16xf32>
        %swap3A_120 = vector.shape_cast %mul3A_111 : vector<16xf32> to vector<1x16xf32>
        tpu.vector_store %arg7[%swap3A_116, %swap3A_117], %swap3A_120 {strides = array<i32>} : memref<128x16xf32, #tpu.memory_space<vmem>>, vector<1x16xf32>,
        %broadcast_in_dim3A_121 = arith.constant 1.000000e+00 : f32
        %broadcast_in_dim3A_122 = vector.broadcast %broadcast_in_dim3A_121 : f32 to vector<16xf32>
        %slice3A_123 = vector.extract_strided_slice %get3A_49 {offsets = [5], sizes = [1], strides = [1]} : vector<16xf32> to vector<1xf32>
        %squeeze3A_124 = vector.extract %slice3A_123[0] : f32 from vector<1xf32>
        %mul3A_125 = vector.broadcast %squeeze3A_124 : f32 to vector<16xf32>
        %mul3A_126 = arith.mulf %broadcast_in_dim3A_122, %mul3A_125 : vector<16xf32>
        %mul3A_127 = arith.constant 16 : i32
        %mul3A_128 = arith.muli %scan3A_45, %mul3A_127 : i32
        %add3A_129 = arith.constant 5 : i32
        %add3A_130 = arith.addi %mul3A_128, %add3A_129 : i32
        %swap3A_131 = arith.index_cast %add3A_130 : i32 to index
        %swap3A_132 = arith.constant 0 : index
        %swap3A_133 = tpu.vector_load %arg7[%swap3A_131, %swap3A_132] {strides = array<i32>} : memref<128x16xf32, #tpu.memory_space<vmem>>, vector<1x16xf32>,
        %swap3A_134 = vector.shape_cast %swap3A_133 : vector<1x16xf32> to vector<16xf32>
        %swap3A_135 = vector.shape_cast %mul3A_126 : vector<16xf32> to vector<1x16xf32>
        tpu.vector_store %arg7[%swap3A_131, %swap3A_132], %swap3A_135 {strides = array<i32>} : memref<128x16xf32, #tpu.memory_space<vmem>>, vector<1x16xf32>,
        %broadcast_in_dim3A_136 = arith.constant 1.000000e+00 : f32
        %broadcast_in_dim3A_137 = vector.broadcast %broadcast_in_dim3A_136 : f32 to vector<16xf32>
        %slice3A_138 = vector.extract_strided_slice %get3A_49 {offsets = [6], sizes = [1], strides = [1]} : vector<16xf32> to vector<1xf32>
        %squeeze3A_139 = vector.extract %slice3A_138[0] : f32 from vector<1xf32>
        %mul3A_140 = vector.broadcast %squeeze3A_139 : f32 to vector<16xf32>
        %mul3A_141 = arith.mulf %broadcast_in_dim3A_137, %mul3A_140 : vector<16xf32>
        %mul3A_142 = arith.constant 16 : i32
        %mul3A_143 = arith.muli %scan3A_45, %mul3A_142 : i32
        %add3A_144 = arith.constant 6 : i32
        %add3A_145 = arith.addi %mul3A_143, %add3A_144 : i32
        %swap3A_146 = arith.index_cast %add3A_145 : i32 to index
        %swap3A_147 = arith.constant 0 : index
        %swap3A_148 = tpu.vector_load %arg7[%swap3A_146, %swap3A_147] {strides = array<i32>} : memref<128x16xf32, #tpu.memory_space<vmem>>, vector<1x16xf32>,
        %swap3A_149 = vector.shape_cast %swap3A_148 : vector<1x16xf32> to vector<16xf32>
        %swap3A_150 = vector.shape_cast %mul3A_141 : vector<16xf32> to vector<1x16xf32>
        tpu.vector_store %arg7[%swap3A_146, %swap3A_147], %swap3A_150 {strides = array<i32>} : memref<128x16xf32, #tpu.memory_space<vmem>>, vector<1x16xf32>,
        %broadcast_in_dim3A_151 = arith.constant 1.000000e+00 : f32
        %broadcast_in_dim3A_152 = vector.broadcast %broadcast_in_dim3A_151 : f32 to vector<16xf32>
        %slice3A_153 = vector.extract_strided_slice %get3A_49 {offsets = [7], sizes = [1], strides = [1]} : vector<16xf32> to vector<1xf32>
        %squeeze3A_154 = vector.extract %slice3A_153[0] : f32 from vector<1xf32>
        %mul3A_155 = vector.broadcast %squeeze3A_154 : f32 to vector<16xf32>
        %mul3A_156 = arith.mulf %broadcast_in_dim3A_152, %mul3A_155 : vector<16xf32>
        %mul3A_157 = arith.constant 16 : i32
        %mul3A_158 = arith.muli %scan3A_45, %mul3A_157 : i32
        %add3A_159 = arith.constant 7 : i32
        %add3A_160 = arith.addi %mul3A_158, %add3A_159 : i32
        %swap3A_161 = arith.index_cast %add3A_160 : i32 to index
        %swap3A_162 = arith.constant 0 : index
        %swap3A_163 = tpu.vector_load %arg7[%swap3A_161, %swap3A_162] {strides = array<i32>} : memref<128x16xf32, #tpu.memory_space<vmem>>, vector<1x16xf32>,
        %swap3A_164 = vector.shape_cast %swap3A_163 : vector<1x16xf32> to vector<16xf32>
        %swap3A_165 = vector.shape_cast %mul3A_156 : vector<16xf32> to vector<1x16xf32>
        tpu.vector_store %arg7[%swap3A_161, %swap3A_162], %swap3A_165 {strides = array<i32>} : memref<128x16xf32, #tpu.memory_space<vmem>>, vector<1x16xf32>,
        %broadcast_in_dim3A_166 = arith.constant 1.000000e+00 : f32
        %broadcast_in_dim3A_167 = vector.broadcast %broadcast_in_dim3A_166 : f32 to vector<16xf32>
        %slice3A_168 = vector.extract_strided_slice %get3A_49 {offsets = [8], sizes = [1], strides = [1]} : vector<16xf32> to vector<1xf32>
        %squeeze3A_169 = vector.extract %slice3A_168[0] : f32 from vector<1xf32>
        %mul3A_170 = vector.broadcast %squeeze3A_169 : f32 to vector<16xf32>
        %mul3A_171 = arith.mulf %broadcast_in_dim3A_167, %mul3A_170 : vector<16xf32>
        %mul3A_172 = arith.constant 16 : i32
        %mul3A_173 = arith.muli %scan3A_45, %mul3A_172 : i32
        %add3A_174 = arith.constant 8 : i32
        %add3A_175 = arith.addi %mul3A_173, %add3A_174 : i32
        %swap3A_176 = arith.index_cast %add3A_175 : i32 to index
        %swap3A_177 = arith.constant 0 : index
        %swap3A_178 = tpu.vector_load %arg7[%swap3A_176, %swap3A_177] {strides = array<i32>} : memref<128x16xf32, #tpu.memory_space<vmem>>, vector<1x16xf32>,
        %swap3A_179 = vector.shape_cast %swap3A_178 : vector<1x16xf32> to vector<16xf32>
        %swap3A_180 = vector.shape_cast %mul3A_171 : vector<16xf32> to vector<1x16xf32>
        tpu.vector_store %arg7[%swap3A_176, %swap3A_177], %swap3A_180 {strides = array<i32>} : memref<128x16xf32, #tpu.memory_space<vmem>>, vector<1x16xf32>,
        %broadcast_in_dim3A_181 = arith.constant 1.000000e+00 : f32
        %broadcast_in_dim3A_182 = vector.broadcast %broadcast_in_dim3A_181 : f32 to vector<16xf32>
        %slice3A_183 = vector.extract_strided_slice %get3A_49 {offsets = [9], sizes = [1], strides = [1]} : vector<16xf32> to vector<1xf32>
        %squeeze3A_184 = vector.extract %slice3A_183[0] : f32 from vector<1xf32>
        %mul3A_185 = vector.broadcast %squeeze3A_184 : f32 to vector<16xf32>
        %mul3A_186 = arith.mulf %broadcast_in_dim3A_182, %mul3A_185 : vector<16xf32>
        %mul3A_187 = arith.constant 16 : i32
        %mul3A_188 = arith.muli %scan3A_45, %mul3A_187 : i32
        %add3A_189 = arith.constant 9 : i32
        %add3A_190 = arith.addi %mul3A_188, %add3A_189 : i32
        %swap3A_191 = arith.index_cast %add3A_190 : i32 to index
        %swap3A_192 = arith.constant 0 : index
        %swap3A_193 = tpu.vector_load %arg7[%swap3A_191, %swap3A_192] {strides = array<i32>} : memref<128x16xf32, #tpu.memory_space<vmem>>, vector<1x16xf32>,
        %swap3A_194 = vector.shape_cast %swap3A_193 : vector<1x16xf32> to vector<16xf32>
        %swap3A_195 = vector.shape_cast %mul3A_186 : vector<16xf32> to vector<1x16xf32>
        tpu.vector_store %arg7[%swap3A_191, %swap3A_192], %swap3A_195 {strides = array<i32>} : memref<128x16xf32, #tpu.memory_space<vmem>>, vector<1x16xf32>,
        %broadcast_in_dim3A_196 = arith.constant 1.000000e+00 : f32
        %broadcast_in_dim3A_197 = vector.broadcast %broadcast_in_dim3A_196 : f32 to vector<16xf32>
        %slice3A_198 = vector.extract_strided_slice %get3A_49 {offsets = [10], sizes = [1], strides = [1]} : vector<16xf32> to vector<1xf32>
        %squeeze3A_199 = vector.extract %slice3A_198[0] : f32 from vector<1xf32>
        %mul3A_200 = vector.broadcast %squeeze3A_199 : f32 to vector<16xf32>
        %mul3A_201 = arith.mulf %broadcast_in_dim3A_197, %mul3A_200 : vector<16xf32>
        %mul3A_202 = arith.constant 16 : i32
        %mul3A_203 = arith.muli %scan3A_45, %mul3A_202 : i32
        %add3A_204 = arith.constant 10 : i32
        %add3A_205 = arith.addi %mul3A_203, %add3A_204 : i32
        %swap3A_206 = arith.index_cast %add3A_205 : i32 to index
        %swap3A_207 = arith.constant 0 : index
        %swap3A_208 = tpu.vector_load %arg7[%swap3A_206, %swap3A_207] {strides = array<i32>} : memref<128x16xf32, #tpu.memory_space<vmem>>, vector<1x16xf32>,
        %swap3A_209 = vector.shape_cast %swap3A_208 : vector<1x16xf32> to vector<16xf32>
        %swap3A_210 = vector.shape_cast %mul3A_201 : vector<16xf32> to vector<1x16xf32>
        tpu.vector_store %arg7[%swap3A_206, %swap3A_207], %swap3A_210 {strides = array<i32>} : memref<128x16xf32, #tpu.memory_space<vmem>>, vector<1x16xf32>,
        %broadcast_in_dim3A_211 = arith.constant 1.000000e+00 : f32
        %broadcast_in_dim3A_212 = vector.broadcast %broadcast_in_dim3A_211 : f32 to vector<16xf32>
        %slice3A_213 = vector.extract_strided_slice %get3A_49 {offsets = [11], sizes = [1], strides = [1]} : vector<16xf32> to vector<1xf32>
        %squeeze3A_214 = vector.extract %slice3A_213[0] : f32 from vector<1xf32>
        %mul3A_215 = vector.broadcast %squeeze3A_214 : f32 to vector<16xf32>
        %mul3A_216 = arith.mulf %broadcast_in_dim3A_212, %mul3A_215 : vector<16xf32>
        %mul3A_217 = arith.constant 16 : i32
        %mul3A_218 = arith.muli %scan3A_45, %mul3A_217 : i32
        %add3A_219 = arith.constant 11 : i32
        %add3A_220 = arith.addi %mul3A_218, %add3A_219 : i32
        %swap3A_221 = arith.index_cast %add3A_220 : i32 to index
        %swap3A_222 = arith.constant 0 : index
        %swap3A_223 = tpu.vector_load %arg7[%swap3A_221, %swap3A_222] {strides = array<i32>} : memref<128x16xf32, #tpu.memory_space<vmem>>, vector<1x16xf32>,
        %swap3A_224 = vector.shape_cast %swap3A_223 : vector<1x16xf32> to vector<16xf32>
        %swap3A_225 = vector.shape_cast %mul3A_216 : vector<16xf32> to vector<1x16xf32>
        tpu.vector_store %arg7[%swap3A_221, %swap3A_222], %swap3A_225 {strides = array<i32>} : memref<128x16xf32, #tpu.memory_space<vmem>>, vector<1x16xf32>,
        %broadcast_in_dim3A_226 = arith.constant 1.000000e+00 : f32
        %broadcast_in_dim3A_227 = vector.broadcast %broadcast_in_dim3A_226 : f32 to vector<16xf32>
        %slice3A_228 = vector.extract_strided_slice %get3A_49 {offsets = [12], sizes = [1], strides = [1]} : vector<16xf32> to vector<1xf32>
        %squeeze3A_229 = vector.extract %slice3A_228[0] : f32 from vector<1xf32>
        %mul3A_230 = vector.broadcast %squeeze3A_229 : f32 to vector<16xf32>
        %mul3A_231 = arith.mulf %broadcast_in_dim3A_227, %mul3A_230 : vector<16xf32>
        %mul3A_232 = arith.constant 16 : i32
        %mul3A_233 = arith.muli %scan3A_45, %mul3A_232 : i32
        %add3A_234 = arith.constant 12 : i32
        %add3A_235 = arith.addi %mul3A_233, %add3A_234 : i32
        %swap3A_236 = arith.index_cast %add3A_235 : i32 to index
        %swap3A_237 = arith.constant 0 : index
        %swap3A_238 = tpu.vector_load %arg7[%swap3A_236, %swap3A_237] {strides = array<i32>} : memref<128x16xf32, #tpu.memory_space<vmem>>, vector<1x16xf32>,
        %swap3A_239 = vector.shape_cast %swap3A_238 : vector<1x16xf32> to vector<16xf32>
        %swap3A_240 = vector.shape_cast %mul3A_231 : vector<16xf32> to vector<1x16xf32>
        tpu.vector_store %arg7[%swap3A_236, %swap3A_237], %swap3A_240 {strides = array<i32>} : memref<128x16xf32, #tpu.memory_space<vmem>>, vector<1x16xf32>,
        %broadcast_in_dim3A_241 = arith.constant 1.000000e+00 : f32
        %broadcast_in_dim3A_242 = vector.broadcast %broadcast_in_dim3A_241 : f32 to vector<16xf32>
        %slice3A_243 = vector.extract_strided_slice %get3A_49 {offsets = [13], sizes = [1], strides = [1]} : vector<16xf32> to vector<1xf32>
        %squeeze3A_244 = vector.extract %slice3A_243[0] : f32 from vector<1xf32>
        %mul3A_245 = vector.broadcast %squeeze3A_244 : f32 to vector<16xf32>
        %mul3A_246 = arith.mulf %broadcast_in_dim3A_242, %mul3A_245 : vector<16xf32>
        %mul3A_247 = arith.constant 16 : i32
        %mul3A_248 = arith.muli %scan3A_45, %mul3A_247 : i32
        %add3A_249 = arith.constant 13 : i32
        %add3A_250 = arith.addi %mul3A_248, %add3A_249 : i32
        %swap3A_251 = arith.index_cast %add3A_250 : i32 to index
        %swap3A_252 = arith.constant 0 : index
        %swap3A_253 = tpu.vector_load %arg7[%swap3A_251, %swap3A_252] {strides = array<i32>} : memref<128x16xf32, #tpu.memory_space<vmem>>, vector<1x16xf32>,
        %swap3A_254 = vector.shape_cast %swap3A_253 : vector<1x16xf32> to vector<16xf32>
        %swap3A_255 = vector.shape_cast %mul3A_246 : vector<16xf32> to vector<1x16xf32>
        tpu.vector_store %arg7[%swap3A_251, %swap3A_252], %swap3A_255 {strides = array<i32>} : memref<128x16xf32, #tpu.memory_space<vmem>>, vector<1x16xf32>,
        %broadcast_in_dim3A_256 = arith.constant 1.000000e+00 : f32
        %broadcast_in_dim3A_257 = vector.broadcast %broadcast_in_dim3A_256 : f32 to vector<16xf32>
        %slice3A_258 = vector.extract_strided_slice %get3A_49 {offsets = [14], sizes = [1], strides = [1]} : vector<16xf32> to vector<1xf32>
        %squeeze3A_259 = vector.extract %slice3A_258[0] : f32 from vector<1xf32>
        %mul3A_260 = vector.broadcast %squeeze3A_259 : f32 to vector<16xf32>
        %mul3A_261 = arith.mulf %broadcast_in_dim3A_257, %mul3A_260 : vector<16xf32>
        %mul3A_262 = arith.constant 16 : i32
        %mul3A_263 = arith.muli %scan3A_45, %mul3A_262 : i32
        %add3A_264 = arith.constant 14 : i32
        %add3A_265 = arith.addi %mul3A_263, %add3A_264 : i32
        %swap3A_266 = arith.index_cast %add3A_265 : i32 to index
        %swap3A_267 = arith.constant 0 : index
        %swap3A_268 = tpu.vector_load %arg7[%swap3A_266, %swap3A_267] {strides = array<i32>} : memref<128x16xf32, #tpu.memory_space<vmem>>, vector<1x16xf32>,
        %swap3A_269 = vector.shape_cast %swap3A_268 : vector<1x16xf32> to vector<16xf32>
        %swap3A_270 = vector.shape_cast %mul3A_261 : vector<16xf32> to vector<1x16xf32>
        tpu.vector_store %arg7[%swap3A_266, %swap3A_267], %swap3A_270 {strides = array<i32>} : memref<128x16xf32, #tpu.memory_space<vmem>>, vector<1x16xf32>,
        %broadcast_in_dim3A_271 = arith.constant 1.000000e+00 : f32
        %broadcast_in_dim3A_272 = vector.broadcast %broadcast_in_dim3A_271 : f32 to vector<16xf32>
        %slice3A_273 = vector.extract_strided_slice %get3A_49 {offsets = [15], sizes = [1], strides = [1]} : vector<16xf32> to vector<1xf32>
        %squeeze3A_274 = vector.extract %slice3A_273[0] : f32 from vector<1xf32>
        %mul3A_275 = vector.broadcast %squeeze3A_274 : f32 to vector<16xf32>
        %mul3A_276 = arith.mulf %broadcast_in_dim3A_272, %mul3A_275 : vector<16xf32>
        %mul3A_277 = arith.constant 16 : i32
        %mul3A_278 = arith.muli %scan3A_45, %mul3A_277 : i32
        %add3A_279 = arith.constant 15 : i32
        %add3A_280 = arith.addi %mul3A_278, %add3A_279 : i32
        %swap3A_281 = arith.index_cast %add3A_280 : i32 to index
        %swap3A_282 = arith.constant 0 : index
        %swap3A_283 = tpu.vector_load %arg7[%swap3A_281, %swap3A_282] {strides = array<i32>} : memref<128x16xf32, #tpu.memory_space<vmem>>, vector<1x16xf32>,
        %swap3A_284 = vector.shape_cast %swap3A_283 : vector<1x16xf32> to vector<16xf32>
        %swap3A_285 = vector.shape_cast %mul3A_276 : vector<16xf32> to vector<1x16xf32>
        tpu.vector_store %arg7[%swap3A_281, %swap3A_282], %swap3A_285 {strides = array<i32>} : memref<128x16xf32, #tpu.memory_space<vmem>>, vector<1x16xf32>,
      }
      %scan3A_44 = arith.constant 8 : i32
      "tpu.region"() ({
        %run_scoped3A = tpu.sem_alloc : memref<!tpu.dma_semaphore, #tpu.memory_space<semaphore_mem>>
        %dma_start3A = arith.constant 0 : i32
        %dma_start3A_45 = tpu.memref_slice %arg3[%arg0, %add3A_38, %dma_start3A] : memref<2x100352x16xf32, #tpu.memory_space<hbm>> -> memref<1x128x16xf32, #tpu.memory_space<hbm>>
        %dma_start3A_46 = tpu.memref_squeeze %dma_start3A_45 : memref<1x128x16xf32, #tpu.memory_space<hbm>> -> memref<128x16xf32, #tpu.memory_space<hbm>>
        %dma_start3A_47 = arith.constant 0 : i32
        %dma_start3A_48 = tpu.memref_slice %arg3[%arg0, %add3A_38, %dma_start3A_47] : memref<2x100352x16xf32, #tpu.memory_space<hbm>> -> memref<1x128x16xf32, #tpu.memory_space<hbm>>
        %dma_start3A_49 = tpu.memref_squeeze %dma_start3A_48 : memref<1x128x16xf32, #tpu.memory_space<hbm>> -> memref<128x16xf32, #tpu.memory_space<hbm>>
        tpu.enqueue_dma source(%arg7 : memref<128x16xf32, #tpu.memory_space<vmem>>) target(%dma_start3A_49 : memref<128x16xf32, #tpu.memory_space<hbm>>) target_semaphore(%run_scoped3A : memref<!tpu.dma_semaphore, #tpu.memory_space<semaphore_mem>>)
        %dma_wait3A = arith.constant 0 : i32
        %dma_wait3A_50 = tpu.memref_slice %arg3[%arg0, %add3A_38, %dma_wait3A] : memref<2x100352x16xf32, #tpu.memory_space<hbm>> -> memref<1x128x16xf32, #tpu.memory_space<hbm>>
        %dma_wait3A_51 = tpu.memref_squeeze %dma_wait3A_50 : memref<1x128x16xf32, #tpu.memory_space<hbm>> -> memref<128x16xf32, #tpu.memory_space<hbm>>
        %dma_wait3A_52 = arith.constant 0 : i32
        %dma_wait3A_53 = tpu.memref_slice %arg3[%arg0, %add3A_38, %dma_wait3A_52] : memref<2x100352x16xf32, #tpu.memory_space<hbm>> -> memref<1x128x16xf32, #tpu.memory_space<hbm>>
        %dma_wait3A_54 = tpu.memref_squeeze %dma_wait3A_53 : memref<1x128x16xf32, #tpu.memory_space<hbm>> -> memref<128x16xf32, #tpu.memory_space<hbm>>
        tpu.wait_dma2 semaphore(%run_scoped3A : memref<!tpu.dma_semaphore, #tpu.memory_space<semaphore_mem>>) src(%arg7 : memref<128x16xf32, #tpu.memory_space<vmem>>) dst(%dma_wait3A_54 : memref<128x16xf32, #tpu.memory_space<hbm>>)
        tpu.yield
      }) : () -> ()
    }
    %scan3A_32 = arith.constant 49 : i32
    return
  }
}

#map = affine_map<(d0, d1) -> (0, 0)>
#map1 = affine_map<(d0, d1) -> (0, 0, 0)>
module attributes {stable_mosaic.version = 14 : i64} {
  func.func @body(%arg0: i32, %arg1: i32, %arg2: memref<25152x128xi32, #tpu.memory_space<hbm>>, %arg3: memref<25152x128xi32, #tpu.memory_space<hbm>>, %arg4: memref<100352x16xf32, #tpu.memory_space<hbm>>, %arg5: memref<2x100352x16xf32, #tpu.memory_space<hbm>>, %arg6: memref<6x128xi32, #tpu.memory_space<vmem>>, %arg7: memref<6x128xi32, #tpu.memory_space<vmem>>, %arg8: memref<768x16xf32, #tpu.memory_space<vmem>>, %arg9: memref<!tpu.dma_semaphore, #tpu.memory_space<semaphore_mem>>, %arg10: memref<!tpu.dma_semaphore, #tpu.memory_space<semaphore_mem>>, %arg11: memref<6x128xi32, #tpu.memory_space<vmem>>, %arg12: memref<6x128xi32, #tpu.memory_space<vmem>>, %arg13: memref<768x16xf32, #tpu.memory_space<vmem>>, %arg14: memref<!tpu.dma_semaphore, #tpu.memory_space<semaphore_mem>>, %arg15: memref<!tpu.dma_semaphore, #tpu.memory_space<semaphore_mem>>, %arg16: memref<100352x16xf32, #tpu.memory_space<vmem_shared>>) attributes {dimension_semantics = [#tpu.dimension_semantics<core_parallel>, #tpu.dimension_semantics<subcore_parallel>], iteration_bounds = array<i64: 2, 16>, scalar_prefetch = 0 : i64, scratch_operands = 11 : i64, tpu.core_type = #tpu.core_type<sc_vector_subcore>, window_params = [{transform_indices = #map}, {transform_indices = #map}, {transform_indices = #map}, {transform_indices = #map1}]} {
    %mul3A = arith.constant 16 : i32
    %mul3A_0 = arith.muli %arg0, %mul3A : i32
    %add3A = arith.addi %mul3A_0, %arg1 : i32
    %mul3A_1 = arith.constant 786 : i32
    %mul3A_2 = arith.muli %add3A, %mul3A_1 : i32
    %scan3A = arith.constant 0 : i32
    %scan3A_3 = arith.constant 0 : i32
    %scan3A_4 = arith.constant 768 : i32
    %scan3A_5 = arith.addi %scan3A_3, %scan3A_4 : i32
    %scan3A_6 = arith.constant 1 : i32
    scf.for %scan3A_208 = %scan3A_3 to %scan3A_5 step %scan3A_6  : i32 {
      %broadcast_in_dim3A = arith.constant 0.000000e+00 : f32
      %broadcast_in_dim3A_209 = vector.broadcast %broadcast_in_dim3A : f32 to vector<16xf32>
      %swap3A = arith.index_cast %scan3A_208 : i32 to index
      %swap3A_210 = arith.constant 0 : index
      %swap3A_211 = tpu.vector_load %arg8[%swap3A, %swap3A_210] {strides = array<i32>} : memref<768x16xf32, #tpu.memory_space<vmem>>, vector<1x16xf32>,
      %swap3A_212 = vector.shape_cast %swap3A_211 : vector<1x16xf32> to vector<16xf32>
      %swap3A_213 = vector.shape_cast %broadcast_in_dim3A_209 : vector<16xf32> to vector<1x16xf32>
      tpu.vector_store %arg8[%swap3A, %swap3A_210], %swap3A_213 {strides = array<i32>} : memref<768x16xf32, #tpu.memory_space<vmem>>, vector<1x16xf32>,
    }
    %scan3A_7 = arith.constant 768 : i32
    %mul3A_8 = arith.constant 6272 : i32
    %mul3A_9 = arith.muli %arg1, %mul3A_8 : i32
    %add3A_10 = arith.constant 0 : i32
    %add3A_11 = arith.addi %mul3A_9, %add3A_10 : i32
    "tpu.region"() ({
      %run_scoped3A_208 = tpu.sem_alloc : memref<!tpu.dma_semaphore, #tpu.memory_space<semaphore_mem>>
      %dma_start3A_209 = arith.constant 0 : i32
      %dma_start3A_210 = tpu.memref_slice %arg16[%add3A_11, %dma_start3A_209] : memref<100352x16xf32, #tpu.memory_space<vmem_shared>> -> memref<768x16xf32, #tpu.memory_space<vmem_shared>>
      %dma_start3A_211 = arith.constant 0 : i32
      %dma_start3A_212 = tpu.memref_slice %arg16[%add3A_11, %dma_start3A_211] : memref<100352x16xf32, #tpu.memory_space<vmem_shared>> -> memref<768x16xf32, #tpu.memory_space<vmem_shared>>
      tpu.enqueue_dma source(%arg8 : memref<768x16xf32, #tpu.memory_space<vmem>>) target(%dma_start3A_212 : memref<768x16xf32, #tpu.memory_space<vmem_shared>>) target_semaphore(%run_scoped3A_208 : memref<!tpu.dma_semaphore, #tpu.memory_space<semaphore_mem>>)
      %dma_wait3A_213 = arith.constant 0 : i32
      %dma_wait3A_214 = tpu.memref_slice %arg16[%add3A_11, %dma_wait3A_213] : memref<100352x16xf32, #tpu.memory_space<vmem_shared>> -> memref<768x16xf32, #tpu.memory_space<vmem_shared>>
      %dma_wait3A_215 = arith.constant 0 : i32
      %dma_wait3A_216 = tpu.memref_slice %arg16[%add3A_11, %dma_wait3A_215] : memref<100352x16xf32, #tpu.memory_space<vmem_shared>> -> memref<768x16xf32, #tpu.memory_space<vmem_shared>>
      tpu.wait_dma2 semaphore(%run_scoped3A_208 : memref<!tpu.dma_semaphore, #tpu.memory_space<semaphore_mem>>) src(%arg8 : memref<768x16xf32, #tpu.memory_space<vmem>>) dst(%dma_wait3A_216 : memref<768x16xf32, #tpu.memory_space<vmem_shared>>)
      tpu.yield
    }) : () -> ()
    %mul3A_12 = arith.constant 6272 : i32
    %mul3A_13 = arith.muli %arg1, %mul3A_12 : i32
    %add3A_14 = arith.constant 768 : i32
    %add3A_15 = arith.addi %mul3A_13, %add3A_14 : i32
    "tpu.region"() ({
      %run_scoped3A_208 = tpu.sem_alloc : memref<!tpu.dma_semaphore, #tpu.memory_space<semaphore_mem>>
      %dma_start3A_209 = arith.constant 0 : i32
      %dma_start3A_210 = tpu.memref_slice %arg16[%add3A_15, %dma_start3A_209] : memref<100352x16xf32, #tpu.memory_space<vmem_shared>> -> memref<768x16xf32, #tpu.memory_space<vmem_shared>>
      %dma_start3A_211 = arith.constant 0 : i32
      %dma_start3A_212 = tpu.memref_slice %arg16[%add3A_15, %dma_start3A_211] : memref<100352x16xf32, #tpu.memory_space<vmem_shared>> -> memref<768x16xf32, #tpu.memory_space<vmem_shared>>
      tpu.enqueue_dma source(%arg8 : memref<768x16xf32, #tpu.memory_space<vmem>>) target(%dma_start3A_212 : memref<768x16xf32, #tpu.memory_space<vmem_shared>>) target_semaphore(%run_scoped3A_208 : memref<!tpu.dma_semaphore, #tpu.memory_space<semaphore_mem>>)
      %dma_wait3A_213 = arith.constant 0 : i32
      %dma_wait3A_214 = tpu.memref_slice %arg16[%add3A_15, %dma_wait3A_213] : memref<100352x16xf32, #tpu.memory_space<vmem_shared>> -> memref<768x16xf32, #tpu.memory_space<vmem_shared>>
      %dma_wait3A_215 = arith.constant 0 : i32
      %dma_wait3A_216 = tpu.memref_slice %arg16[%add3A_15, %dma_wait3A_215] : memref<100352x16xf32, #tpu.memory_space<vmem_shared>> -> memref<768x16xf32, #tpu.memory_space<vmem_shared>>
      tpu.wait_dma2 semaphore(%run_scoped3A_208 : memref<!tpu.dma_semaphore, #tpu.memory_space<semaphore_mem>>) src(%arg8 : memref<768x16xf32, #tpu.memory_space<vmem>>) dst(%dma_wait3A_216 : memref<768x16xf32, #tpu.memory_space<vmem_shared>>)
      tpu.yield
    }) : () -> ()
    %mul3A_16 = arith.constant 6272 : i32
    %mul3A_17 = arith.muli %arg1, %mul3A_16 : i32
    %add3A_18 = arith.constant 1536 : i32
    %add3A_19 = arith.addi %mul3A_17, %add3A_18 : i32
    "tpu.region"() ({
      %run_scoped3A_208 = tpu.sem_alloc : memref<!tpu.dma_semaphore, #tpu.memory_space<semaphore_mem>>
      %dma_start3A_209 = arith.constant 0 : i32
      %dma_start3A_210 = tpu.memref_slice %arg16[%add3A_19, %dma_start3A_209] : memref<100352x16xf32, #tpu.memory_space<vmem_shared>> -> memref<768x16xf32, #tpu.memory_space<vmem_shared>>
      %dma_start3A_211 = arith.constant 0 : i32
      %dma_start3A_212 = tpu.memref_slice %arg16[%add3A_19, %dma_start3A_211] : memref<100352x16xf32, #tpu.memory_space<vmem_shared>> -> memref<768x16xf32, #tpu.memory_space<vmem_shared>>
      tpu.enqueue_dma source(%arg8 : memref<768x16xf32, #tpu.memory_space<vmem>>) target(%dma_start3A_212 : memref<768x16xf32, #tpu.memory_space<vmem_shared>>) target_semaphore(%run_scoped3A_208 : memref<!tpu.dma_semaphore, #tpu.memory_space<semaphore_mem>>)
      %dma_wait3A_213 = arith.constant 0 : i32
      %dma_wait3A_214 = tpu.memref_slice %arg16[%add3A_19, %dma_wait3A_213] : memref<100352x16xf32, #tpu.memory_space<vmem_shared>> -> memref<768x16xf32, #tpu.memory_space<vmem_shared>>
      %dma_wait3A_215 = arith.constant 0 : i32
      %dma_wait3A_216 = tpu.memref_slice %arg16[%add3A_19, %dma_wait3A_215] : memref<100352x16xf32, #tpu.memory_space<vmem_shared>> -> memref<768x16xf32, #tpu.memory_space<vmem_shared>>
      tpu.wait_dma2 semaphore(%run_scoped3A_208 : memref<!tpu.dma_semaphore, #tpu.memory_space<semaphore_mem>>) src(%arg8 : memref<768x16xf32, #tpu.memory_space<vmem>>) dst(%dma_wait3A_216 : memref<768x16xf32, #tpu.memory_space<vmem_shared>>)
      tpu.yield
    }) : () -> ()
    %mul3A_20 = arith.constant 6272 : i32
    %mul3A_21 = arith.muli %arg1, %mul3A_20 : i32
    %add3A_22 = arith.constant 2304 : i32
    %add3A_23 = arith.addi %mul3A_21, %add3A_22 : i32
    "tpu.region"() ({
      %run_scoped3A_208 = tpu.sem_alloc : memref<!tpu.dma_semaphore, #tpu.memory_space<semaphore_mem>>
      %dma_start3A_209 = arith.constant 0 : i32
      %dma_start3A_210 = tpu.memref_slice %arg16[%add3A_23, %dma_start3A_209] : memref<100352x16xf32, #tpu.memory_space<vmem_shared>> -> memref<768x16xf32, #tpu.memory_space<vmem_shared>>
      %dma_start3A_211 = arith.constant 0 : i32
      %dma_start3A_212 = tpu.memref_slice %arg16[%add3A_23, %dma_start3A_211] : memref<100352x16xf32, #tpu.memory_space<vmem_shared>> -> memref<768x16xf32, #tpu.memory_space<vmem_shared>>
      tpu.enqueue_dma source(%arg8 : memref<768x16xf32, #tpu.memory_space<vmem>>) target(%dma_start3A_212 : memref<768x16xf32, #tpu.memory_space<vmem_shared>>) target_semaphore(%run_scoped3A_208 : memref<!tpu.dma_semaphore, #tpu.memory_space<semaphore_mem>>)
      %dma_wait3A_213 = arith.constant 0 : i32
      %dma_wait3A_214 = tpu.memref_slice %arg16[%add3A_23, %dma_wait3A_213] : memref<100352x16xf32, #tpu.memory_space<vmem_shared>> -> memref<768x16xf32, #tpu.memory_space<vmem_shared>>
      %dma_wait3A_215 = arith.constant 0 : i32
      %dma_wait3A_216 = tpu.memref_slice %arg16[%add3A_23, %dma_wait3A_215] : memref<100352x16xf32, #tpu.memory_space<vmem_shared>> -> memref<768x16xf32, #tpu.memory_space<vmem_shared>>
      tpu.wait_dma2 semaphore(%run_scoped3A_208 : memref<!tpu.dma_semaphore, #tpu.memory_space<semaphore_mem>>) src(%arg8 : memref<768x16xf32, #tpu.memory_space<vmem>>) dst(%dma_wait3A_216 : memref<768x16xf32, #tpu.memory_space<vmem_shared>>)
      tpu.yield
    }) : () -> ()
    %mul3A_24 = arith.constant 6272 : i32
    %mul3A_25 = arith.muli %arg1, %mul3A_24 : i32
    %add3A_26 = arith.constant 3072 : i32
    %add3A_27 = arith.addi %mul3A_25, %add3A_26 : i32
    "tpu.region"() ({
      %run_scoped3A_208 = tpu.sem_alloc : memref<!tpu.dma_semaphore, #tpu.memory_space<semaphore_mem>>
      %dma_start3A_209 = arith.constant 0 : i32
      %dma_start3A_210 = tpu.memref_slice %arg16[%add3A_27, %dma_start3A_209] : memref<100352x16xf32, #tpu.memory_space<vmem_shared>> -> memref<768x16xf32, #tpu.memory_space<vmem_shared>>
      %dma_start3A_211 = arith.constant 0 : i32
      %dma_start3A_212 = tpu.memref_slice %arg16[%add3A_27, %dma_start3A_211] : memref<100352x16xf32, #tpu.memory_space<vmem_shared>> -> memref<768x16xf32, #tpu.memory_space<vmem_shared>>
      tpu.enqueue_dma source(%arg8 : memref<768x16xf32, #tpu.memory_space<vmem>>) target(%dma_start3A_212 : memref<768x16xf32, #tpu.memory_space<vmem_shared>>) target_semaphore(%run_scoped3A_208 : memref<!tpu.dma_semaphore, #tpu.memory_space<semaphore_mem>>)
      %dma_wait3A_213 = arith.constant 0 : i32
      %dma_wait3A_214 = tpu.memref_slice %arg16[%add3A_27, %dma_wait3A_213] : memref<100352x16xf32, #tpu.memory_space<vmem_shared>> -> memref<768x16xf32, #tpu.memory_space<vmem_shared>>
      %dma_wait3A_215 = arith.constant 0 : i32
      %dma_wait3A_216 = tpu.memref_slice %arg16[%add3A_27, %dma_wait3A_215] : memref<100352x16xf32, #tpu.memory_space<vmem_shared>> -> memref<768x16xf32, #tpu.memory_space<vmem_shared>>
      tpu.wait_dma2 semaphore(%run_scoped3A_208 : memref<!tpu.dma_semaphore, #tpu.memory_space<semaphore_mem>>) src(%arg8 : memref<768x16xf32, #tpu.memory_space<vmem>>) dst(%dma_wait3A_216 : memref<768x16xf32, #tpu.memory_space<vmem_shared>>)
      tpu.yield
    }) : () -> ()
    %mul3A_28 = arith.constant 6272 : i32
    %mul3A_29 = arith.muli %arg1, %mul3A_28 : i32
    %add3A_30 = arith.constant 3840 : i32
    %add3A_31 = arith.addi %mul3A_29, %add3A_30 : i32
    "tpu.region"() ({
      %run_scoped3A_208 = tpu.sem_alloc : memref<!tpu.dma_semaphore, #tpu.memory_space<semaphore_mem>>
      %dma_start3A_209 = arith.constant 0 : i32
      %dma_start3A_210 = tpu.memref_slice %arg16[%add3A_31, %dma_start3A_209] : memref<100352x16xf32, #tpu.memory_space<vmem_shared>> -> memref<768x16xf32, #tpu.memory_space<vmem_shared>>
      %dma_start3A_211 = arith.constant 0 : i32
      %dma_start3A_212 = tpu.memref_slice %arg16[%add3A_31, %dma_start3A_211] : memref<100352x16xf32, #tpu.memory_space<vmem_shared>> -> memref<768x16xf32, #tpu.memory_space<vmem_shared>>
      tpu.enqueue_dma source(%arg8 : memref<768x16xf32, #tpu.memory_space<vmem>>) target(%dma_start3A_212 : memref<768x16xf32, #tpu.memory_space<vmem_shared>>) target_semaphore(%run_scoped3A_208 : memref<!tpu.dma_semaphore, #tpu.memory_space<semaphore_mem>>)
      %dma_wait3A_213 = arith.constant 0 : i32
      %dma_wait3A_214 = tpu.memref_slice %arg16[%add3A_31, %dma_wait3A_213] : memref<100352x16xf32, #tpu.memory_space<vmem_shared>> -> memref<768x16xf32, #tpu.memory_space<vmem_shared>>
      %dma_wait3A_215 = arith.constant 0 : i32
      %dma_wait3A_216 = tpu.memref_slice %arg16[%add3A_31, %dma_wait3A_215] : memref<100352x16xf32, #tpu.memory_space<vmem_shared>> -> memref<768x16xf32, #tpu.memory_space<vmem_shared>>
      tpu.wait_dma2 semaphore(%run_scoped3A_208 : memref<!tpu.dma_semaphore, #tpu.memory_space<semaphore_mem>>) src(%arg8 : memref<768x16xf32, #tpu.memory_space<vmem>>) dst(%dma_wait3A_216 : memref<768x16xf32, #tpu.memory_space<vmem_shared>>)
      tpu.yield
    }) : () -> ()
    %mul3A_32 = arith.constant 6272 : i32
    %mul3A_33 = arith.muli %arg1, %mul3A_32 : i32
    %add3A_34 = arith.constant 4608 : i32
    %add3A_35 = arith.addi %mul3A_33, %add3A_34 : i32
    "tpu.region"() ({
      %run_scoped3A_208 = tpu.sem_alloc : memref<!tpu.dma_semaphore, #tpu.memory_space<semaphore_mem>>
      %dma_start3A_209 = arith.constant 0 : i32
      %dma_start3A_210 = tpu.memref_slice %arg16[%add3A_35, %dma_start3A_209] : memref<100352x16xf32, #tpu.memory_space<vmem_shared>> -> memref<768x16xf32, #tpu.memory_space<vmem_shared>>
      %dma_start3A_211 = arith.constant 0 : i32
      %dma_start3A_212 = tpu.memref_slice %arg16[%add3A_35, %dma_start3A_211] : memref<100352x16xf32, #tpu.memory_space<vmem_shared>> -> memref<768x16xf32, #tpu.memory_space<vmem_shared>>
      tpu.enqueue_dma source(%arg8 : memref<768x16xf32, #tpu.memory_space<vmem>>) target(%dma_start3A_212 : memref<768x16xf32, #tpu.memory_space<vmem_shared>>) target_semaphore(%run_scoped3A_208 : memref<!tpu.dma_semaphore, #tpu.memory_space<semaphore_mem>>)
      %dma_wait3A_213 = arith.constant 0 : i32
      %dma_wait3A_214 = tpu.memref_slice %arg16[%add3A_35, %dma_wait3A_213] : memref<100352x16xf32, #tpu.memory_space<vmem_shared>> -> memref<768x16xf32, #tpu.memory_space<vmem_shared>>
      %dma_wait3A_215 = arith.constant 0 : i32
      %dma_wait3A_216 = tpu.memref_slice %arg16[%add3A_35, %dma_wait3A_215] : memref<100352x16xf32, #tpu.memory_space<vmem_shared>> -> memref<768x16xf32, #tpu.memory_space<vmem_shared>>
      tpu.wait_dma2 semaphore(%run_scoped3A_208 : memref<!tpu.dma_semaphore, #tpu.memory_space<semaphore_mem>>) src(%arg8 : memref<768x16xf32, #tpu.memory_space<vmem>>) dst(%dma_wait3A_216 : memref<768x16xf32, #tpu.memory_space<vmem_shared>>)
      tpu.yield
    }) : () -> ()
    %mul3A_36 = arith.constant 6272 : i32
    %mul3A_37 = arith.muli %arg1, %mul3A_36 : i32
    %add3A_38 = arith.constant 5376 : i32
    %add3A_39 = arith.addi %mul3A_37, %add3A_38 : i32
    "tpu.region"() ({
      %run_scoped3A_208 = tpu.sem_alloc : memref<!tpu.dma_semaphore, #tpu.memory_space<semaphore_mem>>
      %dma_start3A_209 = arith.constant 0 : i32
      %dma_start3A_210 = tpu.memref_slice %arg16[%add3A_39, %dma_start3A_209] : memref<100352x16xf32, #tpu.memory_space<vmem_shared>> -> memref<768x16xf32, #tpu.memory_space<vmem_shared>>
      %dma_start3A_211 = arith.constant 0 : i32
      %dma_start3A_212 = tpu.memref_slice %arg16[%add3A_39, %dma_start3A_211] : memref<100352x16xf32, #tpu.memory_space<vmem_shared>> -> memref<768x16xf32, #tpu.memory_space<vmem_shared>>
      tpu.enqueue_dma source(%arg8 : memref<768x16xf32, #tpu.memory_space<vmem>>) target(%dma_start3A_212 : memref<768x16xf32, #tpu.memory_space<vmem_shared>>) target_semaphore(%run_scoped3A_208 : memref<!tpu.dma_semaphore, #tpu.memory_space<semaphore_mem>>)
      %dma_wait3A_213 = arith.constant 0 : i32
      %dma_wait3A_214 = tpu.memref_slice %arg16[%add3A_39, %dma_wait3A_213] : memref<100352x16xf32, #tpu.memory_space<vmem_shared>> -> memref<768x16xf32, #tpu.memory_space<vmem_shared>>
      %dma_wait3A_215 = arith.constant 0 : i32
      %dma_wait3A_216 = tpu.memref_slice %arg16[%add3A_39, %dma_wait3A_215] : memref<100352x16xf32, #tpu.memory_space<vmem_shared>> -> memref<768x16xf32, #tpu.memory_space<vmem_shared>>
      tpu.wait_dma2 semaphore(%run_scoped3A_208 : memref<!tpu.dma_semaphore, #tpu.memory_space<semaphore_mem>>) src(%arg8 : memref<768x16xf32, #tpu.memory_space<vmem>>) dst(%dma_wait3A_216 : memref<768x16xf32, #tpu.memory_space<vmem_shared>>)
      tpu.yield
    }) : () -> ()
    %mul3A_40 = arith.constant 6272 : i32
    %mul3A_41 = arith.muli %arg1, %mul3A_40 : i32
    %add3A_42 = arith.constant 6144 : i32
    %add3A_43 = arith.addi %mul3A_41, %add3A_42 : i32
    "tpu.region"() ({
      %run_scoped3A_208 = tpu.sem_alloc : memref<!tpu.dma_semaphore, #tpu.memory_space<semaphore_mem>>
      %dma_start3A_209 = arith.constant 0 : i32
      %dma_start3A_210 = arith.constant 0 : i32
      %dma_start3A_211 = tpu.memref_slice %arg8[%dma_start3A_209, %dma_start3A_210] : memref<768x16xf32, #tpu.memory_space<vmem>> -> memref<128x16xf32, #tpu.memory_space<vmem>>
      %dma_start3A_212 = arith.constant 0 : i32
      %dma_start3A_213 = tpu.memref_slice %arg16[%add3A_43, %dma_start3A_212] : memref<100352x16xf32, #tpu.memory_space<vmem_shared>> -> memref<128x16xf32, #tpu.memory_space<vmem_shared>>
      %dma_start3A_214 = arith.constant 0 : i32
      %dma_start3A_215 = tpu.memref_slice %arg16[%add3A_43, %dma_start3A_214] : memref<100352x16xf32, #tpu.memory_space<vmem_shared>> -> memref<128x16xf32, #tpu.memory_space<vmem_shared>>
      %dma_start3A_216 = arith.constant 0 : i32
      %dma_start3A_217 = arith.constant 0 : i32
      %dma_start3A_218 = tpu.memref_slice %arg8[%dma_start3A_216, %dma_start3A_217] : memref<768x16xf32, #tpu.memory_space<vmem>> -> memref<128x16xf32, #tpu.memory_space<vmem>>
      tpu.enqueue_dma source(%dma_start3A_218 : memref<128x16xf32, #tpu.memory_space<vmem>>) target(%dma_start3A_215 : memref<128x16xf32, #tpu.memory_space<vmem_shared>>) target_semaphore(%run_scoped3A_208 : memref<!tpu.dma_semaphore, #tpu.memory_space<semaphore_mem>>)
      %dma_wait3A_219 = arith.constant 0 : i32
      %dma_wait3A_220 = arith.constant 0 : i32
      %dma_wait3A_221 = tpu.memref_slice %arg8[%dma_wait3A_219, %dma_wait3A_220] : memref<768x16xf32, #tpu.memory_space<vmem>> -> memref<128x16xf32, #tpu.memory_space<vmem>>
      %dma_wait3A_222 = arith.constant 0 : i32
      %dma_wait3A_223 = tpu.memref_slice %arg16[%add3A_43, %dma_wait3A_222] : memref<100352x16xf32, #tpu.memory_space<vmem_shared>> -> memref<128x16xf32, #tpu.memory_space<vmem_shared>>
      %dma_wait3A_224 = arith.constant 0 : i32
      %dma_wait3A_225 = tpu.memref_slice %arg16[%add3A_43, %dma_wait3A_224] : memref<100352x16xf32, #tpu.memory_space<vmem_shared>> -> memref<128x16xf32, #tpu.memory_space<vmem_shared>>
      %dma_wait3A_226 = arith.constant 0 : i32
      %dma_wait3A_227 = arith.constant 0 : i32
      %dma_wait3A_228 = tpu.memref_slice %arg8[%dma_wait3A_226, %dma_wait3A_227] : memref<768x16xf32, #tpu.memory_space<vmem>> -> memref<128x16xf32, #tpu.memory_space<vmem>>
      tpu.wait_dma2 semaphore(%run_scoped3A_208 : memref<!tpu.dma_semaphore, #tpu.memory_space<semaphore_mem>>) src(%dma_wait3A_228 : memref<128x16xf32, #tpu.memory_space<vmem>>) dst(%dma_wait3A_225 : memref<128x16xf32, #tpu.memory_space<vmem_shared>>)
      tpu.yield
    }) : () -> ()
    %barrier3A = arith.constant 0 : index
    tpu.barrier barrier_id(%barrier3A)
    %add3A_44 = arith.constant 0 : i32
    %add3A_45 = arith.addi %mul3A_2, %add3A_44 : i32
    %dma_start3A = arith.constant 0 : i32
    %dma_start3A_46 = tpu.memref_slice %arg2[%add3A_45, %dma_start3A] : memref<25152x128xi32, #tpu.memory_space<hbm>> -> memref<6x128xi32, #tpu.memory_space<hbm>>
    %dma_start3A_47 = arith.constant 0 : i32
    %dma_start3A_48 = tpu.memref_slice %arg2[%add3A_45, %dma_start3A_47] : memref<25152x128xi32, #tpu.memory_space<hbm>> -> memref<6x128xi32, #tpu.memory_space<hbm>>
    tpu.enqueue_dma source(%dma_start3A_48 : memref<6x128xi32, #tpu.memory_space<hbm>>) target(%arg6 : memref<6x128xi32, #tpu.memory_space<vmem>>) target_semaphore(%arg9 : memref<!tpu.dma_semaphore, #tpu.memory_space<semaphore_mem>>)
    %dma_start3A_49 = arith.constant 0 : i32
    %dma_start3A_50 = tpu.memref_slice %arg3[%add3A_45, %dma_start3A_49] : memref<25152x128xi32, #tpu.memory_space<hbm>> -> memref<6x128xi32, #tpu.memory_space<hbm>>
    %dma_start3A_51 = arith.constant 0 : i32
    %dma_start3A_52 = tpu.memref_slice %arg3[%add3A_45, %dma_start3A_51] : memref<25152x128xi32, #tpu.memory_space<hbm>> -> memref<6x128xi32, #tpu.memory_space<hbm>>
    tpu.enqueue_dma source(%dma_start3A_52 : memref<6x128xi32, #tpu.memory_space<hbm>>) target(%arg7 : memref<6x128xi32, #tpu.memory_space<vmem>>) target_semaphore(%arg9 : memref<!tpu.dma_semaphore, #tpu.memory_space<semaphore_mem>>)
    %add3A_53 = arith.constant 0 : i32
    %add3A_54 = arith.addi %mul3A_2, %add3A_53 : i32
    %dma_wait3A = arith.constant 0 : i32
    %dma_wait3A_55 = tpu.memref_slice %arg2[%add3A_54, %dma_wait3A] : memref<25152x128xi32, #tpu.memory_space<hbm>> -> memref<6x128xi32, #tpu.memory_space<hbm>>
    %dma_wait3A_56 = arith.constant 0 : i32
    %dma_wait3A_57 = tpu.memref_slice %arg2[%add3A_54, %dma_wait3A_56] : memref<25152x128xi32, #tpu.memory_space<hbm>> -> memref<6x128xi32, #tpu.memory_space<hbm>>
    tpu.wait_dma2 semaphore(%arg9 : memref<!tpu.dma_semaphore, #tpu.memory_space<semaphore_mem>>) src(%dma_wait3A_57 : memref<6x128xi32, #tpu.memory_space<hbm>>) dst(%arg6 : memref<6x128xi32, #tpu.memory_space<vmem>>)
    %dma_wait3A_58 = arith.constant 0 : i32
    %dma_wait3A_59 = tpu.memref_slice %arg3[%add3A_54, %dma_wait3A_58] : memref<25152x128xi32, #tpu.memory_space<hbm>> -> memref<6x128xi32, #tpu.memory_space<hbm>>
    %dma_wait3A_60 = arith.constant 0 : i32
    %dma_wait3A_61 = tpu.memref_slice %arg3[%add3A_54, %dma_wait3A_60] : memref<25152x128xi32, #tpu.memory_space<hbm>> -> memref<6x128xi32, #tpu.memory_space<hbm>>
    tpu.wait_dma2 semaphore(%arg9 : memref<!tpu.dma_semaphore, #tpu.memory_space<semaphore_mem>>) src(%dma_wait3A_61 : memref<6x128xi32, #tpu.memory_space<hbm>>) dst(%arg7 : memref<6x128xi32, #tpu.memory_space<vmem>>)
    %dma_start3A_62 = arith.constant 0 : i32
    %dma_start3A_63 = arith.constant 0 : i32
    %dma_start3A_64 = arith.constant 0 : i32
    %dma_start3A_65 = tpu.memref_slice %arg8[%dma_start3A_63, %dma_start3A_64] : memref<768x16xf32, #tpu.memory_space<vmem>> -> memref<128x16xf32, #tpu.memory_space<vmem>>
    %dma_start3A_66 = arith.constant 0 : i32
    %dma_start3A_67 = tpu.memref_slice %arg6[%dma_start3A_62, %dma_start3A_66] : memref<6x128xi32, #tpu.memory_space<vmem>> -> memref<1x128xi32, #tpu.memory_space<vmem>>
    %dma_start3A_68 = tpu.memref_squeeze %dma_start3A_67 : memref<1x128xi32, #tpu.memory_space<vmem>> -> memref<128xi32, #tpu.memory_space<vmem>>
    %dma_start3A_69 = arith.constant 0 : i32
    %dma_start3A_70 = arith.constant 0 : i32
    %dma_start3A_71 = tpu.memref_slice %arg4[%dma_start3A_69, %dma_start3A_70] : memref<100352x16xf32, #tpu.memory_space<hbm>> -> memref<100352x16xf32, #tpu.memory_space<hbm>>
    tpu.enqueue_indirect_dma source(%dma_start3A_71 : memref<100352x16xf32, #tpu.memory_space<hbm>>) target(%dma_start3A_65 : memref<128x16xf32, #tpu.memory_space<vmem>>) offsets(%dma_start3A_68 : memref<128xi32, #tpu.memory_space<vmem>>) semaphore(%arg10 : memref<!tpu.dma_semaphore, #tpu.memory_space<semaphore_mem>>)
    %dma_start3A_72 = arith.constant 1 : i32
    %dma_start3A_73 = arith.constant 128 : i32
    %dma_start3A_74 = arith.constant 0 : i32
    %dma_start3A_75 = tpu.memref_slice %arg8[%dma_start3A_73, %dma_start3A_74] : memref<768x16xf32, #tpu.memory_space<vmem>> -> memref<128x16xf32, #tpu.memory_space<vmem>>
    %dma_start3A_76 = arith.constant 0 : i32
    %dma_start3A_77 = tpu.memref_slice %arg6[%dma_start3A_72, %dma_start3A_76] : memref<6x128xi32, #tpu.memory_space<vmem>> -> memref<1x128xi32, #tpu.memory_space<vmem>>
    %dma_start3A_78 = tpu.memref_squeeze %dma_start3A_77 : memref<1x128xi32, #tpu.memory_space<vmem>> -> memref<128xi32, #tpu.memory_space<vmem>>
    %dma_start3A_79 = arith.constant 0 : i32
    %dma_start3A_80 = arith.constant 0 : i32
    %dma_start3A_81 = tpu.memref_slice %arg4[%dma_start3A_79, %dma_start3A_80] : memref<100352x16xf32, #tpu.memory_space<hbm>> -> memref<100352x16xf32, #tpu.memory_space<hbm>>
    tpu.enqueue_indirect_dma source(%dma_start3A_81 : memref<100352x16xf32, #tpu.memory_space<hbm>>) target(%dma_start3A_75 : memref<128x16xf32, #tpu.memory_space<vmem>>) offsets(%dma_start3A_78 : memref<128xi32, #tpu.memory_space<vmem>>) semaphore(%arg10 : memref<!tpu.dma_semaphore, #tpu.memory_space<semaphore_mem>>)
    %dma_start3A_82 = arith.constant 2 : i32
    %dma_start3A_83 = arith.constant 256 : i32
    %dma_start3A_84 = arith.constant 0 : i32
    %dma_start3A_85 = tpu.memref_slice %arg8[%dma_start3A_83, %dma_start3A_84] : memref<768x16xf32, #tpu.memory_space<vmem>> -> memref<128x16xf32, #tpu.memory_space<vmem>>
    %dma_start3A_86 = arith.constant 0 : i32
    %dma_start3A_87 = tpu.memref_slice %arg6[%dma_start3A_82, %dma_start3A_86] : memref<6x128xi32, #tpu.memory_space<vmem>> -> memref<1x128xi32, #tpu.memory_space<vmem>>
    %dma_start3A_88 = tpu.memref_squeeze %dma_start3A_87 : memref<1x128xi32, #tpu.memory_space<vmem>> -> memref<128xi32, #tpu.memory_space<vmem>>
    %dma_start3A_89 = arith.constant 0 : i32
    %dma_start3A_90 = arith.constant 0 : i32
    %dma_start3A_91 = tpu.memref_slice %arg4[%dma_start3A_89, %dma_start3A_90] : memref<100352x16xf32, #tpu.memory_space<hbm>> -> memref<100352x16xf32, #tpu.memory_space<hbm>>
    tpu.enqueue_indirect_dma source(%dma_start3A_91 : memref<100352x16xf32, #tpu.memory_space<hbm>>) target(%dma_start3A_85 : memref<128x16xf32, #tpu.memory_space<vmem>>) offsets(%dma_start3A_88 : memref<128xi32, #tpu.memory_space<vmem>>) semaphore(%arg10 : memref<!tpu.dma_semaphore, #tpu.memory_space<semaphore_mem>>)
    %dma_start3A_92 = arith.constant 3 : i32
    %dma_start3A_93 = arith.constant 384 : i32
    %dma_start3A_94 = arith.constant 0 : i32
    %dma_start3A_95 = tpu.memref_slice %arg8[%dma_start3A_93, %dma_start3A_94] : memref<768x16xf32, #tpu.memory_space<vmem>> -> memref<128x16xf32, #tpu.memory_space<vmem>>
    %dma_start3A_96 = arith.constant 0 : i32
    %dma_start3A_97 = tpu.memref_slice %arg6[%dma_start3A_92, %dma_start3A_96] : memref<6x128xi32, #tpu.memory_space<vmem>> -> memref<1x128xi32, #tpu.memory_space<vmem>>
    %dma_start3A_98 = tpu.memref_squeeze %dma_start3A_97 : memref<1x128xi32, #tpu.memory_space<vmem>> -> memref<128xi32, #tpu.memory_space<vmem>>
    %dma_start3A_99 = arith.constant 0 : i32
    %dma_start3A_100 = arith.constant 0 : i32
    %dma_start3A_101 = tpu.memref_slice %arg4[%dma_start3A_99, %dma_start3A_100] : memref<100352x16xf32, #tpu.memory_space<hbm>> -> memref<100352x16xf32, #tpu.memory_space<hbm>>
    tpu.enqueue_indirect_dma source(%dma_start3A_101 : memref<100352x16xf32, #tpu.memory_space<hbm>>) target(%dma_start3A_95 : memref<128x16xf32, #tpu.memory_space<vmem>>) offsets(%dma_start3A_98 : memref<128xi32, #tpu.memory_space<vmem>>) semaphore(%arg10 : memref<!tpu.dma_semaphore, #tpu.memory_space<semaphore_mem>>)
    %dma_start3A_102 = arith.constant 4 : i32
    %dma_start3A_103 = arith.constant 512 : i32
    %dma_start3A_104 = arith.constant 0 : i32
    %dma_start3A_105 = tpu.memref_slice %arg8[%dma_start3A_103, %dma_start3A_104] : memref<768x16xf32, #tpu.memory_space<vmem>> -> memref<128x16xf32, #tpu.memory_space<vmem>>
    %dma_start3A_106 = arith.constant 0 : i32
    %dma_start3A_107 = tpu.memref_slice %arg6[%dma_start3A_102, %dma_start3A_106] : memref<6x128xi32, #tpu.memory_space<vmem>> -> memref<1x128xi32, #tpu.memory_space<vmem>>
    %dma_start3A_108 = tpu.memref_squeeze %dma_start3A_107 : memref<1x128xi32, #tpu.memory_space<vmem>> -> memref<128xi32, #tpu.memory_space<vmem>>
    %dma_start3A_109 = arith.constant 0 : i32
    %dma_start3A_110 = arith.constant 0 : i32
    %dma_start3A_111 = tpu.memref_slice %arg4[%dma_start3A_109, %dma_start3A_110] : memref<100352x16xf32, #tpu.memory_space<hbm>> -> memref<100352x16xf32, #tpu.memory_space<hbm>>
    tpu.enqueue_indirect_dma source(%dma_start3A_111 : memref<100352x16xf32, #tpu.memory_space<hbm>>) target(%dma_start3A_105 : memref<128x16xf32, #tpu.memory_space<vmem>>) offsets(%dma_start3A_108 : memref<128xi32, #tpu.memory_space<vmem>>) semaphore(%arg10 : memref<!tpu.dma_semaphore, #tpu.memory_space<semaphore_mem>>)
    %dma_start3A_112 = arith.constant 5 : i32
    %dma_start3A_113 = arith.constant 640 : i32
    %dma_start3A_114 = arith.constant 0 : i32
    %dma_start3A_115 = tpu.memref_slice %arg8[%dma_start3A_113, %dma_start3A_114] : memref<768x16xf32, #tpu.memory_space<vmem>> -> memref<128x16xf32, #tpu.memory_space<vmem>>
    %dma_start3A_116 = arith.constant 0 : i32
    %dma_start3A_117 = tpu.memref_slice %arg6[%dma_start3A_112, %dma_start3A_116] : memref<6x128xi32, #tpu.memory_space<vmem>> -> memref<1x128xi32, #tpu.memory_space<vmem>>
    %dma_start3A_118 = tpu.memref_squeeze %dma_start3A_117 : memref<1x128xi32, #tpu.memory_space<vmem>> -> memref<128xi32, #tpu.memory_space<vmem>>
    %dma_start3A_119 = arith.constant 0 : i32
    %dma_start3A_120 = arith.constant 0 : i32
    %dma_start3A_121 = tpu.memref_slice %arg4[%dma_start3A_119, %dma_start3A_120] : memref<100352x16xf32, #tpu.memory_space<hbm>> -> memref<100352x16xf32, #tpu.memory_space<hbm>>
    tpu.enqueue_indirect_dma source(%dma_start3A_121 : memref<100352x16xf32, #tpu.memory_space<hbm>>) target(%dma_start3A_115 : memref<128x16xf32, #tpu.memory_space<vmem>>) offsets(%dma_start3A_118 : memref<128xi32, #tpu.memory_space<vmem>>) semaphore(%arg10 : memref<!tpu.dma_semaphore, #tpu.memory_space<semaphore_mem>>)
    %add3A_122 = arith.constant 6 : i32
    %add3A_123 = arith.addi %mul3A_2, %add3A_122 : i32
    %dma_start3A_124 = arith.constant 0 : i32
    %dma_start3A_125 = tpu.memref_slice %arg2[%add3A_123, %dma_start3A_124] : memref<25152x128xi32, #tpu.memory_space<hbm>> -> memref<6x128xi32, #tpu.memory_space<hbm>>
    %dma_start3A_126 = arith.constant 0 : i32
    %dma_start3A_127 = tpu.memref_slice %arg2[%add3A_123, %dma_start3A_126] : memref<25152x128xi32, #tpu.memory_space<hbm>> -> memref<6x128xi32, #tpu.memory_space<hbm>>
    tpu.enqueue_dma source(%dma_start3A_127 : memref<6x128xi32, #tpu.memory_space<hbm>>) target(%arg11 : memref<6x128xi32, #tpu.memory_space<vmem>>) target_semaphore(%arg14 : memref<!tpu.dma_semaphore, #tpu.memory_space<semaphore_mem>>)
    %dma_start3A_128 = arith.constant 0 : i32
    %dma_start3A_129 = tpu.memref_slice %arg3[%add3A_123, %dma_start3A_128] : memref<25152x128xi32, #tpu.memory_space<hbm>> -> memref<6x128xi32, #tpu.memory_space<hbm>>
    %dma_start3A_130 = arith.constant 0 : i32
    %dma_start3A_131 = tpu.memref_slice %arg3[%add3A_123, %dma_start3A_130] : memref<25152x128xi32, #tpu.memory_space<hbm>> -> memref<6x128xi32, #tpu.memory_space<hbm>>
    tpu.enqueue_dma source(%dma_start3A_131 : memref<6x128xi32, #tpu.memory_space<hbm>>) target(%arg12 : memref<6x128xi32, #tpu.memory_space<vmem>>) target_semaphore(%arg14 : memref<!tpu.dma_semaphore, #tpu.memory_space<semaphore_mem>>)
    %scan3A_132 = arith.constant 0 : i32
    %scan3A_133 = arith.constant 1 : i32
    %scan3A_134 = arith.constant 130 : i32
    %scan3A_135 = arith.addi %scan3A_133, %scan3A_134 : i32
    %scan3A_136 = arith.constant 1 : i32
    scf.for %scan3A_208 = %scan3A_133 to %scan3A_135 step %scan3A_136  : i32 {
      %jit3A = arith.constant 2 : i32
      %eq3A = arith.constant 0 : i32
      %eq3A_209 = arith.cmpi eq, %jit3A, %eq3A : i32
      %jit3A_210 = arith.constant 1 : i32
      %select_n3A = arith.select %eq3A_209, %jit3A_210, %jit3A : i32
      %rem3A = arith.remsi %scan3A_208, %select_n3A : i32
      %ne3A = arith.constant 0 : i32
      %ne3A_211 = arith.cmpi ne, %rem3A, %ne3A : i32
      %lt3A = arith.constant 0 : i32
      %lt3A_212 = arith.cmpi slt, %rem3A, %lt3A : i32
      %lt3A_213 = arith.constant 0 : i32
      %lt3A_214 = arith.cmpi slt, %select_n3A, %lt3A_213 : i32
      %ne3A_215 = arith.xori %lt3A_212, %lt3A_214 : i1
      %and3A = arith.andi %ne3A_215, %ne3A_211 : i1
      %add3A_216 = arith.addi %rem3A, %select_n3A : i32
      %select_n3A_217 = arith.select %and3A, %add3A_216, %rem3A : i32
      %eq3A_218 = arith.constant 1 : i32
      %eq3A_219 = arith.cmpi eq, %select_n3A_217, %eq3A_218 : i32
      %convert_element_type3A = arith.extui %eq3A_219 : i1 to i32
      %cond3A = arith.constant 0 : i32
      %cond3A_220 = arith.cmpi ne, %convert_element_type3A, %cond3A : i32
      scf.if %cond3A_220 {
        %mul3A_242 = arith.constant 6 : i32
        %mul3A_243 = arith.muli %scan3A_208, %mul3A_242 : i32
        %add3A_244 = arith.addi %mul3A_2, %mul3A_243 : i32
        %dma_wait3A_245 = arith.constant 0 : i32
        %dma_wait3A_246 = tpu.memref_slice %arg2[%add3A_244, %dma_wait3A_245] : memref<25152x128xi32, #tpu.memory_space<hbm>> -> memref<6x128xi32, #tpu.memory_space<hbm>>
        %dma_wait3A_247 = arith.constant 0 : i32
        %dma_wait3A_248 = tpu.memref_slice %arg2[%add3A_244, %dma_wait3A_247] : memref<25152x128xi32, #tpu.memory_space<hbm>> -> memref<6x128xi32, #tpu.memory_space<hbm>>
        tpu.wait_dma2 semaphore(%arg14 : memref<!tpu.dma_semaphore, #tpu.memory_space<semaphore_mem>>) src(%dma_wait3A_248 : memref<6x128xi32, #tpu.memory_space<hbm>>) dst(%arg11 : memref<6x128xi32, #tpu.memory_space<vmem>>)
        %dma_wait3A_249 = arith.constant 0 : i32
        %dma_wait3A_250 = tpu.memref_slice %arg3[%add3A_244, %dma_wait3A_249] : memref<25152x128xi32, #tpu.memory_space<hbm>> -> memref<6x128xi32, #tpu.memory_space<hbm>>
        %dma_wait3A_251 = arith.constant 0 : i32
        %dma_wait3A_252 = tpu.memref_slice %arg3[%add3A_244, %dma_wait3A_251] : memref<25152x128xi32, #tpu.memory_space<hbm>> -> memref<6x128xi32, #tpu.memory_space<hbm>>
        tpu.wait_dma2 semaphore(%arg14 : memref<!tpu.dma_semaphore, #tpu.memory_space<semaphore_mem>>) src(%dma_wait3A_252 : memref<6x128xi32, #tpu.memory_space<hbm>>) dst(%arg12 : memref<6x128xi32, #tpu.memory_space<vmem>>)
        %dma_start3A_253 = arith.constant 0 : i32
        %dma_start3A_254 = arith.constant 0 : i32
        %dma_start3A_255 = arith.constant 0 : i32
        %dma_start3A_256 = tpu.memref_slice %arg13[%dma_start3A_254, %dma_start3A_255] : memref<768x16xf32, #tpu.memory_space<vmem>> -> memref<128x16xf32, #tpu.memory_space<vmem>>
        %dma_start3A_257 = arith.constant 0 : i32
        %dma_start3A_258 = tpu.memref_slice %arg11[%dma_start3A_253, %dma_start3A_257] : memref<6x128xi32, #tpu.memory_space<vmem>> -> memref<1x128xi32, #tpu.memory_space<vmem>>
        %dma_start3A_259 = tpu.memref_squeeze %dma_start3A_258 : memref<1x128xi32, #tpu.memory_space<vmem>> -> memref<128xi32, #tpu.memory_space<vmem>>
        %dma_start3A_260 = arith.constant 0 : i32
        %dma_start3A_261 = arith.constant 0 : i32
        %dma_start3A_262 = tpu.memref_slice %arg4[%dma_start3A_260, %dma_start3A_261] : memref<100352x16xf32, #tpu.memory_space<hbm>> -> memref<100352x16xf32, #tpu.memory_space<hbm>>
        tpu.enqueue_indirect_dma source(%dma_start3A_262 : memref<100352x16xf32, #tpu.memory_space<hbm>>) target(%dma_start3A_256 : memref<128x16xf32, #tpu.memory_space<vmem>>) offsets(%dma_start3A_259 : memref<128xi32, #tpu.memory_space<vmem>>) semaphore(%arg15 : memref<!tpu.dma_semaphore, #tpu.memory_space<semaphore_mem>>)
        %dma_start3A_263 = arith.constant 1 : i32
        %dma_start3A_264 = arith.constant 128 : i32
        %dma_start3A_265 = arith.constant 0 : i32
        %dma_start3A_266 = tpu.memref_slice %arg13[%dma_start3A_264, %dma_start3A_265] : memref<768x16xf32, #tpu.memory_space<vmem>> -> memref<128x16xf32, #tpu.memory_space<vmem>>
        %dma_start3A_267 = arith.constant 0 : i32
        %dma_start3A_268 = tpu.memref_slice %arg11[%dma_start3A_263, %dma_start3A_267] : memref<6x128xi32, #tpu.memory_space<vmem>> -> memref<1x128xi32, #tpu.memory_space<vmem>>
        %dma_start3A_269 = tpu.memref_squeeze %dma_start3A_268 : memref<1x128xi32, #tpu.memory_space<vmem>> -> memref<128xi32, #tpu.memory_space<vmem>>
        %dma_start3A_270 = arith.constant 0 : i32
        %dma_start3A_271 = arith.constant 0 : i32
        %dma_start3A_272 = tpu.memref_slice %arg4[%dma_start3A_270, %dma_start3A_271] : memref<100352x16xf32, #tpu.memory_space<hbm>> -> memref<100352x16xf32, #tpu.memory_space<hbm>>
        tpu.enqueue_indirect_dma source(%dma_start3A_272 : memref<100352x16xf32, #tpu.memory_space<hbm>>) target(%dma_start3A_266 : memref<128x16xf32, #tpu.memory_space<vmem>>) offsets(%dma_start3A_269 : memref<128xi32, #tpu.memory_space<vmem>>) semaphore(%arg15 : memref<!tpu.dma_semaphore, #tpu.memory_space<semaphore_mem>>)
        %dma_start3A_273 = arith.constant 2 : i32
        %dma_start3A_274 = arith.constant 256 : i32
        %dma_start3A_275 = arith.constant 0 : i32
        %dma_start3A_276 = tpu.memref_slice %arg13[%dma_start3A_274, %dma_start3A_275] : memref<768x16xf32, #tpu.memory_space<vmem>> -> memref<128x16xf32, #tpu.memory_space<vmem>>
        %dma_start3A_277 = arith.constant 0 : i32
        %dma_start3A_278 = tpu.memref_slice %arg11[%dma_start3A_273, %dma_start3A_277] : memref<6x128xi32, #tpu.memory_space<vmem>> -> memref<1x128xi32, #tpu.memory_space<vmem>>
        %dma_start3A_279 = tpu.memref_squeeze %dma_start3A_278 : memref<1x128xi32, #tpu.memory_space<vmem>> -> memref<128xi32, #tpu.memory_space<vmem>>
        %dma_start3A_280 = arith.constant 0 : i32
        %dma_start3A_281 = arith.constant 0 : i32
        %dma_start3A_282 = tpu.memref_slice %arg4[%dma_start3A_280, %dma_start3A_281] : memref<100352x16xf32, #tpu.memory_space<hbm>> -> memref<100352x16xf32, #tpu.memory_space<hbm>>
        tpu.enqueue_indirect_dma source(%dma_start3A_282 : memref<100352x16xf32, #tpu.memory_space<hbm>>) target(%dma_start3A_276 : memref<128x16xf32, #tpu.memory_space<vmem>>) offsets(%dma_start3A_279 : memref<128xi32, #tpu.memory_space<vmem>>) semaphore(%arg15 : memref<!tpu.dma_semaphore, #tpu.memory_space<semaphore_mem>>)
        %dma_start3A_283 = arith.constant 3 : i32
        %dma_start3A_284 = arith.constant 384 : i32
        %dma_start3A_285 = arith.constant 0 : i32
        %dma_start3A_286 = tpu.memref_slice %arg13[%dma_start3A_284, %dma_start3A_285] : memref<768x16xf32, #tpu.memory_space<vmem>> -> memref<128x16xf32, #tpu.memory_space<vmem>>
        %dma_start3A_287 = arith.constant 0 : i32
        %dma_start3A_288 = tpu.memref_slice %arg11[%dma_start3A_283, %dma_start3A_287] : memref<6x128xi32, #tpu.memory_space<vmem>> -> memref<1x128xi32, #tpu.memory_space<vmem>>
        %dma_start3A_289 = tpu.memref_squeeze %dma_start3A_288 : memref<1x128xi32, #tpu.memory_space<vmem>> -> memref<128xi32, #tpu.memory_space<vmem>>
        %dma_start3A_290 = arith.constant 0 : i32
        %dma_start3A_291 = arith.constant 0 : i32
        %dma_start3A_292 = tpu.memref_slice %arg4[%dma_start3A_290, %dma_start3A_291] : memref<100352x16xf32, #tpu.memory_space<hbm>> -> memref<100352x16xf32, #tpu.memory_space<hbm>>
        tpu.enqueue_indirect_dma source(%dma_start3A_292 : memref<100352x16xf32, #tpu.memory_space<hbm>>) target(%dma_start3A_286 : memref<128x16xf32, #tpu.memory_space<vmem>>) offsets(%dma_start3A_289 : memref<128xi32, #tpu.memory_space<vmem>>) semaphore(%arg15 : memref<!tpu.dma_semaphore, #tpu.memory_space<semaphore_mem>>)
        %dma_start3A_293 = arith.constant 4 : i32
        %dma_start3A_294 = arith.constant 512 : i32
        %dma_start3A_295 = arith.constant 0 : i32
        %dma_start3A_296 = tpu.memref_slice %arg13[%dma_start3A_294, %dma_start3A_295] : memref<768x16xf32, #tpu.memory_space<vmem>> -> memref<128x16xf32, #tpu.memory_space<vmem>>
        %dma_start3A_297 = arith.constant 0 : i32
        %dma_start3A_298 = tpu.memref_slice %arg11[%dma_start3A_293, %dma_start3A_297] : memref<6x128xi32, #tpu.memory_space<vmem>> -> memref<1x128xi32, #tpu.memory_space<vmem>>
        %dma_start3A_299 = tpu.memref_squeeze %dma_start3A_298 : memref<1x128xi32, #tpu.memory_space<vmem>> -> memref<128xi32, #tpu.memory_space<vmem>>
        %dma_start3A_300 = arith.constant 0 : i32
        %dma_start3A_301 = arith.constant 0 : i32
        %dma_start3A_302 = tpu.memref_slice %arg4[%dma_start3A_300, %dma_start3A_301] : memref<100352x16xf32, #tpu.memory_space<hbm>> -> memref<100352x16xf32, #tpu.memory_space<hbm>>
        tpu.enqueue_indirect_dma source(%dma_start3A_302 : memref<100352x16xf32, #tpu.memory_space<hbm>>) target(%dma_start3A_296 : memref<128x16xf32, #tpu.memory_space<vmem>>) offsets(%dma_start3A_299 : memref<128xi32, #tpu.memory_space<vmem>>) semaphore(%arg15 : memref<!tpu.dma_semaphore, #tpu.memory_space<semaphore_mem>>)
        %dma_start3A_303 = arith.constant 5 : i32
        %dma_start3A_304 = arith.constant 640 : i32
        %dma_start3A_305 = arith.constant 0 : i32
        %dma_start3A_306 = tpu.memref_slice %arg13[%dma_start3A_304, %dma_start3A_305] : memref<768x16xf32, #tpu.memory_space<vmem>> -> memref<128x16xf32, #tpu.memory_space<vmem>>
        %dma_start3A_307 = arith.constant 0 : i32
        %dma_start3A_308 = tpu.memref_slice %arg11[%dma_start3A_303, %dma_start3A_307] : memref<6x128xi32, #tpu.memory_space<vmem>> -> memref<1x128xi32, #tpu.memory_space<vmem>>
        %dma_start3A_309 = tpu.memref_squeeze %dma_start3A_308 : memref<1x128xi32, #tpu.memory_space<vmem>> -> memref<128xi32, #tpu.memory_space<vmem>>
        %dma_start3A_310 = arith.constant 0 : i32
        %dma_start3A_311 = arith.constant 0 : i32
        %dma_start3A_312 = tpu.memref_slice %arg4[%dma_start3A_310, %dma_start3A_311] : memref<100352x16xf32, #tpu.memory_space<hbm>> -> memref<100352x16xf32, #tpu.memory_space<hbm>>
        tpu.enqueue_indirect_dma source(%dma_start3A_312 : memref<100352x16xf32, #tpu.memory_space<hbm>>) target(%dma_start3A_306 : memref<128x16xf32, #tpu.memory_space<vmem>>) offsets(%dma_start3A_309 : memref<128xi32, #tpu.memory_space<vmem>>) semaphore(%arg15 : memref<!tpu.dma_semaphore, #tpu.memory_space<semaphore_mem>>)
        %dma_wait3A_313 = arith.constant 0 : i32
        %dma_wait3A_314 = arith.constant 0 : i32
        %dma_wait3A_315 = arith.constant 0 : i32
        %dma_wait3A_316 = tpu.memref_slice %arg8[%dma_wait3A_314, %dma_wait3A_315] : memref<768x16xf32, #tpu.memory_space<vmem>> -> memref<128x16xf32, #tpu.memory_space<vmem>>
        %dma_wait3A_317 = arith.constant 0 : i32
        %dma_wait3A_318 = tpu.memref_slice %arg6[%dma_wait3A_313, %dma_wait3A_317] : memref<6x128xi32, #tpu.memory_space<vmem>> -> memref<1x128xi32, #tpu.memory_space<vmem>>
        %dma_wait3A_319 = tpu.memref_squeeze %dma_wait3A_318 : memref<1x128xi32, #tpu.memory_space<vmem>> -> memref<128xi32, #tpu.memory_space<vmem>>
        %dma_wait3A_320 = arith.constant 0 : i32
        %dma_wait3A_321 = arith.constant 0 : i32
        %dma_wait3A_322 = tpu.memref_slice %arg4[%dma_wait3A_320, %dma_wait3A_321] : memref<100352x16xf32, #tpu.memory_space<hbm>> -> memref<100352x16xf32, #tpu.memory_space<hbm>>
        tpu.wait_indirect_dma semaphore(%arg10 : memref<!tpu.dma_semaphore, #tpu.memory_space<semaphore_mem>>) src(%dma_wait3A_322 : memref<100352x16xf32, #tpu.memory_space<hbm>>) dst(%dma_wait3A_316 : memref<128x16xf32, #tpu.memory_space<vmem>>)
        %dma_wait3A_323 = arith.constant 1 : i32
        %dma_wait3A_324 = arith.constant 128 : i32
        %dma_wait3A_325 = arith.constant 0 : i32
        %dma_wait3A_326 = tpu.memref_slice %arg8[%dma_wait3A_324, %dma_wait3A_325] : memref<768x16xf32, #tpu.memory_space<vmem>> -> memref<128x16xf32, #tpu.memory_space<vmem>>
        %dma_wait3A_327 = arith.constant 0 : i32
        %dma_wait3A_328 = tpu.memref_slice %arg6[%dma_wait3A_323, %dma_wait3A_327] : memref<6x128xi32, #tpu.memory_space<vmem>> -> memref<1x128xi32, #tpu.memory_space<vmem>>
        %dma_wait3A_329 = tpu.memref_squeeze %dma_wait3A_328 : memref<1x128xi32, #tpu.memory_space<vmem>> -> memref<128xi32, #tpu.memory_space<vmem>>
        %dma_wait3A_330 = arith.constant 0 : i32
        %dma_wait3A_331 = arith.constant 0 : i32
        %dma_wait3A_332 = tpu.memref_slice %arg4[%dma_wait3A_330, %dma_wait3A_331] : memref<100352x16xf32, #tpu.memory_space<hbm>> -> memref<100352x16xf32, #tpu.memory_space<hbm>>
        tpu.wait_indirect_dma semaphore(%arg10 : memref<!tpu.dma_semaphore, #tpu.memory_space<semaphore_mem>>) src(%dma_wait3A_332 : memref<100352x16xf32, #tpu.memory_space<hbm>>) dst(%dma_wait3A_326 : memref<128x16xf32, #tpu.memory_space<vmem>>)
        %dma_wait3A_333 = arith.constant 2 : i32
        %dma_wait3A_334 = arith.constant 256 : i32
        %dma_wait3A_335 = arith.constant 0 : i32
        %dma_wait3A_336 = tpu.memref_slice %arg8[%dma_wait3A_334, %dma_wait3A_335] : memref<768x16xf32, #tpu.memory_space<vmem>> -> memref<128x16xf32, #tpu.memory_space<vmem>>
        %dma_wait3A_337 = arith.constant 0 : i32
        %dma_wait3A_338 = tpu.memref_slice %arg6[%dma_wait3A_333, %dma_wait3A_337] : memref<6x128xi32, #tpu.memory_space<vmem>> -> memref<1x128xi32, #tpu.memory_space<vmem>>
        %dma_wait3A_339 = tpu.memref_squeeze %dma_wait3A_338 : memref<1x128xi32, #tpu.memory_space<vmem>> -> memref<128xi32, #tpu.memory_space<vmem>>
        %dma_wait3A_340 = arith.constant 0 : i32
        %dma_wait3A_341 = arith.constant 0 : i32
        %dma_wait3A_342 = tpu.memref_slice %arg4[%dma_wait3A_340, %dma_wait3A_341] : memref<100352x16xf32, #tpu.memory_space<hbm>> -> memref<100352x16xf32, #tpu.memory_space<hbm>>
        tpu.wait_indirect_dma semaphore(%arg10 : memref<!tpu.dma_semaphore, #tpu.memory_space<semaphore_mem>>) src(%dma_wait3A_342 : memref<100352x16xf32, #tpu.memory_space<hbm>>) dst(%dma_wait3A_336 : memref<128x16xf32, #tpu.memory_space<vmem>>)
        %dma_wait3A_343 = arith.constant 3 : i32
        %dma_wait3A_344 = arith.constant 384 : i32
        %dma_wait3A_345 = arith.constant 0 : i32
        %dma_wait3A_346 = tpu.memref_slice %arg8[%dma_wait3A_344, %dma_wait3A_345] : memref<768x16xf32, #tpu.memory_space<vmem>> -> memref<128x16xf32, #tpu.memory_space<vmem>>
        %dma_wait3A_347 = arith.constant 0 : i32
        %dma_wait3A_348 = tpu.memref_slice %arg6[%dma_wait3A_343, %dma_wait3A_347] : memref<6x128xi32, #tpu.memory_space<vmem>> -> memref<1x128xi32, #tpu.memory_space<vmem>>
        %dma_wait3A_349 = tpu.memref_squeeze %dma_wait3A_348 : memref<1x128xi32, #tpu.memory_space<vmem>> -> memref<128xi32, #tpu.memory_space<vmem>>
        %dma_wait3A_350 = arith.constant 0 : i32
        %dma_wait3A_351 = arith.constant 0 : i32
        %dma_wait3A_352 = tpu.memref_slice %arg4[%dma_wait3A_350, %dma_wait3A_351] : memref<100352x16xf32, #tpu.memory_space<hbm>> -> memref<100352x16xf32, #tpu.memory_space<hbm>>
        tpu.wait_indirect_dma semaphore(%arg10 : memref<!tpu.dma_semaphore, #tpu.memory_space<semaphore_mem>>) src(%dma_wait3A_352 : memref<100352x16xf32, #tpu.memory_space<hbm>>) dst(%dma_wait3A_346 : memref<128x16xf32, #tpu.memory_space<vmem>>)
        %dma_wait3A_353 = arith.constant 4 : i32
        %dma_wait3A_354 = arith.constant 512 : i32
        %dma_wait3A_355 = arith.constant 0 : i32
        %dma_wait3A_356 = tpu.memref_slice %arg8[%dma_wait3A_354, %dma_wait3A_355] : memref<768x16xf32, #tpu.memory_space<vmem>> -> memref<128x16xf32, #tpu.memory_space<vmem>>
        %dma_wait3A_357 = arith.constant 0 : i32
        %dma_wait3A_358 = tpu.memref_slice %arg6[%dma_wait3A_353, %dma_wait3A_357] : memref<6x128xi32, #tpu.memory_space<vmem>> -> memref<1x128xi32, #tpu.memory_space<vmem>>
        %dma_wait3A_359 = tpu.memref_squeeze %dma_wait3A_358 : memref<1x128xi32, #tpu.memory_space<vmem>> -> memref<128xi32, #tpu.memory_space<vmem>>
        %dma_wait3A_360 = arith.constant 0 : i32
        %dma_wait3A_361 = arith.constant 0 : i32
        %dma_wait3A_362 = tpu.memref_slice %arg4[%dma_wait3A_360, %dma_wait3A_361] : memref<100352x16xf32, #tpu.memory_space<hbm>> -> memref<100352x16xf32, #tpu.memory_space<hbm>>
        tpu.wait_indirect_dma semaphore(%arg10 : memref<!tpu.dma_semaphore, #tpu.memory_space<semaphore_mem>>) src(%dma_wait3A_362 : memref<100352x16xf32, #tpu.memory_space<hbm>>) dst(%dma_wait3A_356 : memref<128x16xf32, #tpu.memory_space<vmem>>)
        %dma_wait3A_363 = arith.constant 5 : i32
        %dma_wait3A_364 = arith.constant 640 : i32
        %dma_wait3A_365 = arith.constant 0 : i32
        %dma_wait3A_366 = tpu.memref_slice %arg8[%dma_wait3A_364, %dma_wait3A_365] : memref<768x16xf32, #tpu.memory_space<vmem>> -> memref<128x16xf32, #tpu.memory_space<vmem>>
        %dma_wait3A_367 = arith.constant 0 : i32
        %dma_wait3A_368 = tpu.memref_slice %arg6[%dma_wait3A_363, %dma_wait3A_367] : memref<6x128xi32, #tpu.memory_space<vmem>> -> memref<1x128xi32, #tpu.memory_space<vmem>>
        %dma_wait3A_369 = tpu.memref_squeeze %dma_wait3A_368 : memref<1x128xi32, #tpu.memory_space<vmem>> -> memref<128xi32, #tpu.memory_space<vmem>>
        %dma_wait3A_370 = arith.constant 0 : i32
        %dma_wait3A_371 = arith.constant 0 : i32
        %dma_wait3A_372 = tpu.memref_slice %arg4[%dma_wait3A_370, %dma_wait3A_371] : memref<100352x16xf32, #tpu.memory_space<hbm>> -> memref<100352x16xf32, #tpu.memory_space<hbm>>
        tpu.wait_indirect_dma semaphore(%arg10 : memref<!tpu.dma_semaphore, #tpu.memory_space<semaphore_mem>>) src(%dma_wait3A_372 : memref<100352x16xf32, #tpu.memory_space<hbm>>) dst(%dma_wait3A_366 : memref<128x16xf32, #tpu.memory_space<vmem>>)
        %run_scoped3A_373 = arith.constant 0 : i32
        "tpu.region"() ({
          %run_scoped3A_386 = tpu.sem_alloc : memref<!tpu.dma_semaphore, #tpu.memory_space<semaphore_mem>>
          %dma_start3A_387 = arith.constant 0 : i32
          %dma_start3A_388 = arith.constant 0 : i32
          %dma_start3A_389 = tpu.memref_slice %arg8[%dma_start3A_387, %dma_start3A_388] : memref<768x16xf32, #tpu.memory_space<vmem>> -> memref<128x16xf32, #tpu.memory_space<vmem>>
          %dma_start3A_390 = arith.constant 0 : i32
          %dma_start3A_391 = tpu.memref_slice %arg7[%run_scoped3A_373, %dma_start3A_390] : memref<6x128xi32, #tpu.memory_space<vmem>> -> memref<1x128xi32, #tpu.memory_space<vmem>>
          %dma_start3A_392 = tpu.memref_squeeze %dma_start3A_391 : memref<1x128xi32, #tpu.memory_space<vmem>> -> memref<128xi32, #tpu.memory_space<vmem>>
          %dma_start3A_393 = arith.constant 0 : i32
          %dma_start3A_394 = arith.constant 0 : i32
          %dma_start3A_395 = tpu.memref_slice %arg16[%dma_start3A_393, %dma_start3A_394] : memref<100352x16xf32, #tpu.memory_space<vmem_shared>> -> memref<100352x16xf32, #tpu.memory_space<vmem_shared>>
          tpu.enqueue_indirect_dma source(%dma_start3A_389 : memref<128x16xf32, #tpu.memory_space<vmem>>) target(%dma_start3A_395 : memref<100352x16xf32, #tpu.memory_space<vmem_shared>>) offsets(%dma_start3A_392 : memref<128xi32, #tpu.memory_space<vmem>>) semaphore(%run_scoped3A_386 : memref<!tpu.dma_semaphore, #tpu.memory_space<semaphore_mem>>) {add = true}
          %dma_wait3A_396 = arith.constant 0 : i32
          %dma_wait3A_397 = arith.constant 0 : i32
          %dma_wait3A_398 = tpu.memref_slice %arg8[%dma_wait3A_396, %dma_wait3A_397] : memref<768x16xf32, #tpu.memory_space<vmem>> -> memref<128x16xf32, #tpu.memory_space<vmem>>
          %dma_wait3A_399 = arith.constant 0 : i32
          %dma_wait3A_400 = tpu.memref_slice %arg7[%run_scoped3A_373, %dma_wait3A_399] : memref<6x128xi32, #tpu.memory_space<vmem>> -> memref<1x128xi32, #tpu.memory_space<vmem>>
          %dma_wait3A_401 = tpu.memref_squeeze %dma_wait3A_400 : memref<1x128xi32, #tpu.memory_space<vmem>> -> memref<128xi32, #tpu.memory_space<vmem>>
          %dma_wait3A_402 = arith.constant 0 : i32
          %dma_wait3A_403 = arith.constant 0 : i32
          %dma_wait3A_404 = tpu.memref_slice %arg16[%dma_wait3A_402, %dma_wait3A_403] : memref<100352x16xf32, #tpu.memory_space<vmem_shared>> -> memref<100352x16xf32, #tpu.memory_space<vmem_shared>>
          tpu.wait_indirect_dma semaphore(%run_scoped3A_386 : memref<!tpu.dma_semaphore, #tpu.memory_space<semaphore_mem>>) src(%dma_wait3A_398 : memref<128x16xf32, #tpu.memory_space<vmem>>) dst(%dma_wait3A_404 : memref<100352x16xf32, #tpu.memory_space<vmem_shared>>)
          tpu.yield
        }) : () -> ()
        %run_scoped3A_374 = arith.constant 1 : i32
        "tpu.region"() ({
          %run_scoped3A_386 = tpu.sem_alloc : memref<!tpu.dma_semaphore, #tpu.memory_space<semaphore_mem>>
          %dma_start3A_387 = arith.constant 128 : i32
          %dma_start3A_388 = arith.constant 0 : i32
          %dma_start3A_389 = tpu.memref_slice %arg8[%dma_start3A_387, %dma_start3A_388] : memref<768x16xf32, #tpu.memory_space<vmem>> -> memref<128x16xf32, #tpu.memory_space<vmem>>
          %dma_start3A_390 = arith.constant 0 : i32
          %dma_start3A_391 = tpu.memref_slice %arg7[%run_scoped3A_374, %dma_start3A_390] : memref<6x128xi32, #tpu.memory_space<vmem>> -> memref<1x128xi32, #tpu.memory_space<vmem>>
          %dma_start3A_392 = tpu.memref_squeeze %dma_start3A_391 : memref<1x128xi32, #tpu.memory_space<vmem>> -> memref<128xi32, #tpu.memory_space<vmem>>
          %dma_start3A_393 = arith.constant 0 : i32
          %dma_start3A_394 = arith.constant 0 : i32
          %dma_start3A_395 = tpu.memref_slice %arg16[%dma_start3A_393, %dma_start3A_394] : memref<100352x16xf32, #tpu.memory_space<vmem_shared>> -> memref<100352x16xf32, #tpu.memory_space<vmem_shared>>
          tpu.enqueue_indirect_dma source(%dma_start3A_389 : memref<128x16xf32, #tpu.memory_space<vmem>>) target(%dma_start3A_395 : memref<100352x16xf32, #tpu.memory_space<vmem_shared>>) offsets(%dma_start3A_392 : memref<128xi32, #tpu.memory_space<vmem>>) semaphore(%run_scoped3A_386 : memref<!tpu.dma_semaphore, #tpu.memory_space<semaphore_mem>>) {add = true}
          %dma_wait3A_396 = arith.constant 128 : i32
          %dma_wait3A_397 = arith.constant 0 : i32
          %dma_wait3A_398 = tpu.memref_slice %arg8[%dma_wait3A_396, %dma_wait3A_397] : memref<768x16xf32, #tpu.memory_space<vmem>> -> memref<128x16xf32, #tpu.memory_space<vmem>>
          %dma_wait3A_399 = arith.constant 0 : i32
          %dma_wait3A_400 = tpu.memref_slice %arg7[%run_scoped3A_374, %dma_wait3A_399] : memref<6x128xi32, #tpu.memory_space<vmem>> -> memref<1x128xi32, #tpu.memory_space<vmem>>
          %dma_wait3A_401 = tpu.memref_squeeze %dma_wait3A_400 : memref<1x128xi32, #tpu.memory_space<vmem>> -> memref<128xi32, #tpu.memory_space<vmem>>
          %dma_wait3A_402 = arith.constant 0 : i32
          %dma_wait3A_403 = arith.constant 0 : i32
          %dma_wait3A_404 = tpu.memref_slice %arg16[%dma_wait3A_402, %dma_wait3A_403] : memref<100352x16xf32, #tpu.memory_space<vmem_shared>> -> memref<100352x16xf32, #tpu.memory_space<vmem_shared>>
          tpu.wait_indirect_dma semaphore(%run_scoped3A_386 : memref<!tpu.dma_semaphore, #tpu.memory_space<semaphore_mem>>) src(%dma_wait3A_398 : memref<128x16xf32, #tpu.memory_space<vmem>>) dst(%dma_wait3A_404 : memref<100352x16xf32, #tpu.memory_space<vmem_shared>>)
          tpu.yield
        }) : () -> ()
        %run_scoped3A_375 = arith.constant 2 : i32
        "tpu.region"() ({
          %run_scoped3A_386 = tpu.sem_alloc : memref<!tpu.dma_semaphore, #tpu.memory_space<semaphore_mem>>
          %dma_start3A_387 = arith.constant 256 : i32
          %dma_start3A_388 = arith.constant 0 : i32
          %dma_start3A_389 = tpu.memref_slice %arg8[%dma_start3A_387, %dma_start3A_388] : memref<768x16xf32, #tpu.memory_space<vmem>> -> memref<128x16xf32, #tpu.memory_space<vmem>>
          %dma_start3A_390 = arith.constant 0 : i32
          %dma_start3A_391 = tpu.memref_slice %arg7[%run_scoped3A_375, %dma_start3A_390] : memref<6x128xi32, #tpu.memory_space<vmem>> -> memref<1x128xi32, #tpu.memory_space<vmem>>
          %dma_start3A_392 = tpu.memref_squeeze %dma_start3A_391 : memref<1x128xi32, #tpu.memory_space<vmem>> -> memref<128xi32, #tpu.memory_space<vmem>>
          %dma_start3A_393 = arith.constant 0 : i32
          %dma_start3A_394 = arith.constant 0 : i32
          %dma_start3A_395 = tpu.memref_slice %arg16[%dma_start3A_393, %dma_start3A_394] : memref<100352x16xf32, #tpu.memory_space<vmem_shared>> -> memref<100352x16xf32, #tpu.memory_space<vmem_shared>>
          tpu.enqueue_indirect_dma source(%dma_start3A_389 : memref<128x16xf32, #tpu.memory_space<vmem>>) target(%dma_start3A_395 : memref<100352x16xf32, #tpu.memory_space<vmem_shared>>) offsets(%dma_start3A_392 : memref<128xi32, #tpu.memory_space<vmem>>) semaphore(%run_scoped3A_386 : memref<!tpu.dma_semaphore, #tpu.memory_space<semaphore_mem>>) {add = true}
          %dma_wait3A_396 = arith.constant 256 : i32
          %dma_wait3A_397 = arith.constant 0 : i32
          %dma_wait3A_398 = tpu.memref_slice %arg8[%dma_wait3A_396, %dma_wait3A_397] : memref<768x16xf32, #tpu.memory_space<vmem>> -> memref<128x16xf32, #tpu.memory_space<vmem>>
          %dma_wait3A_399 = arith.constant 0 : i32
          %dma_wait3A_400 = tpu.memref_slice %arg7[%run_scoped3A_375, %dma_wait3A_399] : memref<6x128xi32, #tpu.memory_space<vmem>> -> memref<1x128xi32, #tpu.memory_space<vmem>>
          %dma_wait3A_401 = tpu.memref_squeeze %dma_wait3A_400 : memref<1x128xi32, #tpu.memory_space<vmem>> -> memref<128xi32, #tpu.memory_space<vmem>>
          %dma_wait3A_402 = arith.constant 0 : i32
          %dma_wait3A_403 = arith.constant 0 : i32
          %dma_wait3A_404 = tpu.memref_slice %arg16[%dma_wait3A_402, %dma_wait3A_403] : memref<100352x16xf32, #tpu.memory_space<vmem_shared>> -> memref<100352x16xf32, #tpu.memory_space<vmem_shared>>
          tpu.wait_indirect_dma semaphore(%run_scoped3A_386 : memref<!tpu.dma_semaphore, #tpu.memory_space<semaphore_mem>>) src(%dma_wait3A_398 : memref<128x16xf32, #tpu.memory_space<vmem>>) dst(%dma_wait3A_404 : memref<100352x16xf32, #tpu.memory_space<vmem_shared>>)
          tpu.yield
        }) : () -> ()
        %run_scoped3A_376 = arith.constant 3 : i32
        "tpu.region"() ({
          %run_scoped3A_386 = tpu.sem_alloc : memref<!tpu.dma_semaphore, #tpu.memory_space<semaphore_mem>>
          %dma_start3A_387 = arith.constant 384 : i32
          %dma_start3A_388 = arith.constant 0 : i32
          %dma_start3A_389 = tpu.memref_slice %arg8[%dma_start3A_387, %dma_start3A_388] : memref<768x16xf32, #tpu.memory_space<vmem>> -> memref<128x16xf32, #tpu.memory_space<vmem>>
          %dma_start3A_390 = arith.constant 0 : i32
          %dma_start3A_391 = tpu.memref_slice %arg7[%run_scoped3A_376, %dma_start3A_390] : memref<6x128xi32, #tpu.memory_space<vmem>> -> memref<1x128xi32, #tpu.memory_space<vmem>>
          %dma_start3A_392 = tpu.memref_squeeze %dma_start3A_391 : memref<1x128xi32, #tpu.memory_space<vmem>> -> memref<128xi32, #tpu.memory_space<vmem>>
          %dma_start3A_393 = arith.constant 0 : i32
          %dma_start3A_394 = arith.constant 0 : i32
          %dma_start3A_395 = tpu.memref_slice %arg16[%dma_start3A_393, %dma_start3A_394] : memref<100352x16xf32, #tpu.memory_space<vmem_shared>> -> memref<100352x16xf32, #tpu.memory_space<vmem_shared>>
          tpu.enqueue_indirect_dma source(%dma_start3A_389 : memref<128x16xf32, #tpu.memory_space<vmem>>) target(%dma_start3A_395 : memref<100352x16xf32, #tpu.memory_space<vmem_shared>>) offsets(%dma_start3A_392 : memref<128xi32, #tpu.memory_space<vmem>>) semaphore(%run_scoped3A_386 : memref<!tpu.dma_semaphore, #tpu.memory_space<semaphore_mem>>) {add = true}
          %dma_wait3A_396 = arith.constant 384 : i32
          %dma_wait3A_397 = arith.constant 0 : i32
          %dma_wait3A_398 = tpu.memref_slice %arg8[%dma_wait3A_396, %dma_wait3A_397] : memref<768x16xf32, #tpu.memory_space<vmem>> -> memref<128x16xf32, #tpu.memory_space<vmem>>
          %dma_wait3A_399 = arith.constant 0 : i32
          %dma_wait3A_400 = tpu.memref_slice %arg7[%run_scoped3A_376, %dma_wait3A_399] : memref<6x128xi32, #tpu.memory_space<vmem>> -> memref<1x128xi32, #tpu.memory_space<vmem>>
          %dma_wait3A_401 = tpu.memref_squeeze %dma_wait3A_400 : memref<1x128xi32, #tpu.memory_space<vmem>> -> memref<128xi32, #tpu.memory_space<vmem>>
          %dma_wait3A_402 = arith.constant 0 : i32
          %dma_wait3A_403 = arith.constant 0 : i32
          %dma_wait3A_404 = tpu.memref_slice %arg16[%dma_wait3A_402, %dma_wait3A_403] : memref<100352x16xf32, #tpu.memory_space<vmem_shared>> -> memref<100352x16xf32, #tpu.memory_space<vmem_shared>>
          tpu.wait_indirect_dma semaphore(%run_scoped3A_386 : memref<!tpu.dma_semaphore, #tpu.memory_space<semaphore_mem>>) src(%dma_wait3A_398 : memref<128x16xf32, #tpu.memory_space<vmem>>) dst(%dma_wait3A_404 : memref<100352x16xf32, #tpu.memory_space<vmem_shared>>)
          tpu.yield
        }) : () -> ()
        %run_scoped3A_377 = arith.constant 4 : i32
        "tpu.region"() ({
          %run_scoped3A_386 = tpu.sem_alloc : memref<!tpu.dma_semaphore, #tpu.memory_space<semaphore_mem>>
          %dma_start3A_387 = arith.constant 512 : i32
          %dma_start3A_388 = arith.constant 0 : i32
          %dma_start3A_389 = tpu.memref_slice %arg8[%dma_start3A_387, %dma_start3A_388] : memref<768x16xf32, #tpu.memory_space<vmem>> -> memref<128x16xf32, #tpu.memory_space<vmem>>
          %dma_start3A_390 = arith.constant 0 : i32
          %dma_start3A_391 = tpu.memref_slice %arg7[%run_scoped3A_377, %dma_start3A_390] : memref<6x128xi32, #tpu.memory_space<vmem>> -> memref<1x128xi32, #tpu.memory_space<vmem>>
          %dma_start3A_392 = tpu.memref_squeeze %dma_start3A_391 : memref<1x128xi32, #tpu.memory_space<vmem>> -> memref<128xi32, #tpu.memory_space<vmem>>
          %dma_start3A_393 = arith.constant 0 : i32
          %dma_start3A_394 = arith.constant 0 : i32
          %dma_start3A_395 = tpu.memref_slice %arg16[%dma_start3A_393, %dma_start3A_394] : memref<100352x16xf32, #tpu.memory_space<vmem_shared>> -> memref<100352x16xf32, #tpu.memory_space<vmem_shared>>
          tpu.enqueue_indirect_dma source(%dma_start3A_389 : memref<128x16xf32, #tpu.memory_space<vmem>>) target(%dma_start3A_395 : memref<100352x16xf32, #tpu.memory_space<vmem_shared>>) offsets(%dma_start3A_392 : memref<128xi32, #tpu.memory_space<vmem>>) semaphore(%run_scoped3A_386 : memref<!tpu.dma_semaphore, #tpu.memory_space<semaphore_mem>>) {add = true}
          %dma_wait3A_396 = arith.constant 512 : i32
          %dma_wait3A_397 = arith.constant 0 : i32
          %dma_wait3A_398 = tpu.memref_slice %arg8[%dma_wait3A_396, %dma_wait3A_397] : memref<768x16xf32, #tpu.memory_space<vmem>> -> memref<128x16xf32, #tpu.memory_space<vmem>>
          %dma_wait3A_399 = arith.constant 0 : i32
          %dma_wait3A_400 = tpu.memref_slice %arg7[%run_scoped3A_377, %dma_wait3A_399] : memref<6x128xi32, #tpu.memory_space<vmem>> -> memref<1x128xi32, #tpu.memory_space<vmem>>
          %dma_wait3A_401 = tpu.memref_squeeze %dma_wait3A_400 : memref<1x128xi32, #tpu.memory_space<vmem>> -> memref<128xi32, #tpu.memory_space<vmem>>
          %dma_wait3A_402 = arith.constant 0 : i32
          %dma_wait3A_403 = arith.constant 0 : i32
          %dma_wait3A_404 = tpu.memref_slice %arg16[%dma_wait3A_402, %dma_wait3A_403] : memref<100352x16xf32, #tpu.memory_space<vmem_shared>> -> memref<100352x16xf32, #tpu.memory_space<vmem_shared>>
          tpu.wait_indirect_dma semaphore(%run_scoped3A_386 : memref<!tpu.dma_semaphore, #tpu.memory_space<semaphore_mem>>) src(%dma_wait3A_398 : memref<128x16xf32, #tpu.memory_space<vmem>>) dst(%dma_wait3A_404 : memref<100352x16xf32, #tpu.memory_space<vmem_shared>>)
          tpu.yield
        }) : () -> ()
        %run_scoped3A_378 = arith.constant 5 : i32
        "tpu.region"() ({
          %run_scoped3A_386 = tpu.sem_alloc : memref<!tpu.dma_semaphore, #tpu.memory_space<semaphore_mem>>
          %dma_start3A_387 = arith.constant 640 : i32
          %dma_start3A_388 = arith.constant 0 : i32
          %dma_start3A_389 = tpu.memref_slice %arg8[%dma_start3A_387, %dma_start3A_388] : memref<768x16xf32, #tpu.memory_space<vmem>> -> memref<128x16xf32, #tpu.memory_space<vmem>>
          %dma_start3A_390 = arith.constant 0 : i32
          %dma_start3A_391 = tpu.memref_slice %arg7[%run_scoped3A_378, %dma_start3A_390] : memref<6x128xi32, #tpu.memory_space<vmem>> -> memref<1x128xi32, #tpu.memory_space<vmem>>
          %dma_start3A_392 = tpu.memref_squeeze %dma_start3A_391 : memref<1x128xi32, #tpu.memory_space<vmem>> -> memref<128xi32, #tpu.memory_space<vmem>>
          %dma_start3A_393 = arith.constant 0 : i32
          %dma_start3A_394 = arith.constant 0 : i32
          %dma_start3A_395 = tpu.memref_slice %arg16[%dma_start3A_393, %dma_start3A_394] : memref<100352x16xf32, #tpu.memory_space<vmem_shared>> -> memref<100352x16xf32, #tpu.memory_space<vmem_shared>>
          tpu.enqueue_indirect_dma source(%dma_start3A_389 : memref<128x16xf32, #tpu.memory_space<vmem>>) target(%dma_start3A_395 : memref<100352x16xf32, #tpu.memory_space<vmem_shared>>) offsets(%dma_start3A_392 : memref<128xi32, #tpu.memory_space<vmem>>) semaphore(%run_scoped3A_386 : memref<!tpu.dma_semaphore, #tpu.memory_space<semaphore_mem>>) {add = true}
          %dma_wait3A_396 = arith.constant 640 : i32
          %dma_wait3A_397 = arith.constant 0 : i32
          %dma_wait3A_398 = tpu.memref_slice %arg8[%dma_wait3A_396, %dma_wait3A_397] : memref<768x16xf32, #tpu.memory_space<vmem>> -> memref<128x16xf32, #tpu.memory_space<vmem>>
          %dma_wait3A_399 = arith.constant 0 : i32
          %dma_wait3A_400 = tpu.memref_slice %arg7[%run_scoped3A_378, %dma_wait3A_399] : memref<6x128xi32, #tpu.memory_space<vmem>> -> memref<1x128xi32, #tpu.memory_space<vmem>>
          %dma_wait3A_401 = tpu.memref_squeeze %dma_wait3A_400 : memref<1x128xi32, #tpu.memory_space<vmem>> -> memref<128xi32, #tpu.memory_space<vmem>>
          %dma_wait3A_402 = arith.constant 0 : i32
          %dma_wait3A_403 = arith.constant 0 : i32
          %dma_wait3A_404 = tpu.memref_slice %arg16[%dma_wait3A_402, %dma_wait3A_403] : memref<100352x16xf32, #tpu.memory_space<vmem_shared>> -> memref<100352x16xf32, #tpu.memory_space<vmem_shared>>
          tpu.wait_indirect_dma semaphore(%run_scoped3A_386 : memref<!tpu.dma_semaphore, #tpu.memory_space<semaphore_mem>>) src(%dma_wait3A_398 : memref<128x16xf32, #tpu.memory_space<vmem>>) dst(%dma_wait3A_404 : memref<100352x16xf32, #tpu.memory_space<vmem_shared>>)
          tpu.yield
        }) : () -> ()
        %add3A_379 = arith.constant 1 : i32
        %add3A_380 = arith.addi %scan3A_208, %add3A_379 : i32
        %lt3A_381 = arith.constant 131 : i32
        %lt3A_382 = arith.cmpi slt, %add3A_380, %lt3A_381 : i32
        %convert_element_type3A_383 = arith.extui %lt3A_382 : i1 to i32
        %cond3A_384 = arith.constant 0 : i32
        %cond3A_385 = arith.cmpi ne, %convert_element_type3A_383, %cond3A_384 : i32
        scf.if %cond3A_385 {
          %add3A_386 = arith.constant 1 : i32
          %add3A_387 = arith.addi %scan3A_208, %add3A_386 : i32
          %mul3A_388 = arith.constant 6 : i32
          %mul3A_389 = arith.muli %add3A_387, %mul3A_388 : i32
          %add3A_390 = arith.addi %mul3A_2, %mul3A_389 : i32
          %dma_start3A_391 = arith.constant 0 : i32
          %dma_start3A_392 = tpu.memref_slice %arg2[%add3A_390, %dma_start3A_391] : memref<25152x128xi32, #tpu.memory_space<hbm>> -> memref<6x128xi32, #tpu.memory_space<hbm>>
          %dma_start3A_393 = arith.constant 0 : i32
          %dma_start3A_394 = tpu.memref_slice %arg2[%add3A_390, %dma_start3A_393] : memref<25152x128xi32, #tpu.memory_space<hbm>> -> memref<6x128xi32, #tpu.memory_space<hbm>>
          tpu.enqueue_dma source(%dma_start3A_394 : memref<6x128xi32, #tpu.memory_space<hbm>>) target(%arg6 : memref<6x128xi32, #tpu.memory_space<vmem>>) target_semaphore(%arg9 : memref<!tpu.dma_semaphore, #tpu.memory_space<semaphore_mem>>)
          %dma_start3A_395 = arith.constant 0 : i32
          %dma_start3A_396 = tpu.memref_slice %arg3[%add3A_390, %dma_start3A_395] : memref<25152x128xi32, #tpu.memory_space<hbm>> -> memref<6x128xi32, #tpu.memory_space<hbm>>
          %dma_start3A_397 = arith.constant 0 : i32
          %dma_start3A_398 = tpu.memref_slice %arg3[%add3A_390, %dma_start3A_397] : memref<25152x128xi32, #tpu.memory_space<hbm>> -> memref<6x128xi32, #tpu.memory_space<hbm>>
          tpu.enqueue_dma source(%dma_start3A_398 : memref<6x128xi32, #tpu.memory_space<hbm>>) target(%arg7 : memref<6x128xi32, #tpu.memory_space<vmem>>) target_semaphore(%arg9 : memref<!tpu.dma_semaphore, #tpu.memory_space<semaphore_mem>>)
        } else {
        }
      } else {
      }
      %jit3A_221 = arith.constant 2 : i32
      %eq3A_222 = arith.constant 0 : i32
      %eq3A_223 = arith.cmpi eq, %jit3A_221, %eq3A_222 : i32
      %jit3A_224 = arith.constant 1 : i32
      %select_n3A_225 = arith.select %eq3A_223, %jit3A_224, %jit3A_221 : i32
      %rem3A_226 = arith.remsi %scan3A_208, %select_n3A_225 : i32
      %ne3A_227 = arith.constant 0 : i32
      %ne3A_228 = arith.cmpi ne, %rem3A_226, %ne3A_227 : i32
      %lt3A_229 = arith.constant 0 : i32
      %lt3A_230 = arith.cmpi slt, %rem3A_226, %lt3A_229 : i32
      %lt3A_231 = arith.constant 0 : i32
      %lt3A_232 = arith.cmpi slt, %select_n3A_225, %lt3A_231 : i32
      %ne3A_233 = arith.xori %lt3A_230, %lt3A_232 : i1
      %and3A_234 = arith.andi %ne3A_233, %ne3A_228 : i1
      %add3A_235 = arith.addi %rem3A_226, %select_n3A_225 : i32
      %select_n3A_236 = arith.select %and3A_234, %add3A_235, %rem3A_226 : i32
      %eq3A_237 = arith.constant 0 : i32
      %eq3A_238 = arith.cmpi eq, %select_n3A_236, %eq3A_237 : i32
      %convert_element_type3A_239 = arith.extui %eq3A_238 : i1 to i32
      %cond3A_240 = arith.constant 0 : i32
      %cond3A_241 = arith.cmpi ne, %convert_element_type3A_239, %cond3A_240 : i32
      scf.if %cond3A_241 {
        %mul3A_242 = arith.constant 6 : i32
        %mul3A_243 = arith.muli %scan3A_208, %mul3A_242 : i32
        %add3A_244 = arith.addi %mul3A_2, %mul3A_243 : i32
        %dma_wait3A_245 = arith.constant 0 : i32
        %dma_wait3A_246 = tpu.memref_slice %arg2[%add3A_244, %dma_wait3A_245] : memref<25152x128xi32, #tpu.memory_space<hbm>> -> memref<6x128xi32, #tpu.memory_space<hbm>>
        %dma_wait3A_247 = arith.constant 0 : i32
        %dma_wait3A_248 = tpu.memref_slice %arg2[%add3A_244, %dma_wait3A_247] : memref<25152x128xi32, #tpu.memory_space<hbm>> -> memref<6x128xi32, #tpu.memory_space<hbm>>
        tpu.wait_dma2 semaphore(%arg9 : memref<!tpu.dma_semaphore, #tpu.memory_space<semaphore_mem>>) src(%dma_wait3A_248 : memref<6x128xi32, #tpu.memory_space<hbm>>) dst(%arg6 : memref<6x128xi32, #tpu.memory_space<vmem>>)
        %dma_wait3A_249 = arith.constant 0 : i32
        %dma_wait3A_250 = tpu.memref_slice %arg3[%add3A_244, %dma_wait3A_249] : memref<25152x128xi32, #tpu.memory_space<hbm>> -> memref<6x128xi32, #tpu.memory_space<hbm>>
        %dma_wait3A_251 = arith.constant 0 : i32
        %dma_wait3A_252 = tpu.memref_slice %arg3[%add3A_244, %dma_wait3A_251] : memref<25152x128xi32, #tpu.memory_space<hbm>> -> memref<6x128xi32, #tpu.memory_space<hbm>>
        tpu.wait_dma2 semaphore(%arg9 : memref<!tpu.dma_semaphore, #tpu.memory_space<semaphore_mem>>) src(%dma_wait3A_252 : memref<6x128xi32, #tpu.memory_space<hbm>>) dst(%arg7 : memref<6x128xi32, #tpu.memory_space<vmem>>)
        %dma_start3A_253 = arith.constant 0 : i32
        %dma_start3A_254 = arith.constant 0 : i32
        %dma_start3A_255 = arith.constant 0 : i32
        %dma_start3A_256 = tpu.memref_slice %arg8[%dma_start3A_254, %dma_start3A_255] : memref<768x16xf32, #tpu.memory_space<vmem>> -> memref<128x16xf32, #tpu.memory_space<vmem>>
        %dma_start3A_257 = arith.constant 0 : i32
        %dma_start3A_258 = tpu.memref_slice %arg6[%dma_start3A_253, %dma_start3A_257] : memref<6x128xi32, #tpu.memory_space<vmem>> -> memref<1x128xi32, #tpu.memory_space<vmem>>
        %dma_start3A_259 = tpu.memref_squeeze %dma_start3A_258 : memref<1x128xi32, #tpu.memory_space<vmem>> -> memref<128xi32, #tpu.memory_space<vmem>>
        %dma_start3A_260 = arith.constant 0 : i32
        %dma_start3A_261 = arith.constant 0 : i32
        %dma_start3A_262 = tpu.memref_slice %arg4[%dma_start3A_260, %dma_start3A_261] : memref<100352x16xf32, #tpu.memory_space<hbm>> -> memref<100352x16xf32, #tpu.memory_space<hbm>>
        tpu.enqueue_indirect_dma source(%dma_start3A_262 : memref<100352x16xf32, #tpu.memory_space<hbm>>) target(%dma_start3A_256 : memref<128x16xf32, #tpu.memory_space<vmem>>) offsets(%dma_start3A_259 : memref<128xi32, #tpu.memory_space<vmem>>) semaphore(%arg10 : memref<!tpu.dma_semaphore, #tpu.memory_space<semaphore_mem>>)
        %dma_start3A_263 = arith.constant 1 : i32
        %dma_start3A_264 = arith.constant 128 : i32
        %dma_start3A_265 = arith.constant 0 : i32
        %dma_start3A_266 = tpu.memref_slice %arg8[%dma_start3A_264, %dma_start3A_265] : memref<768x16xf32, #tpu.memory_space<vmem>> -> memref<128x16xf32, #tpu.memory_space<vmem>>
        %dma_start3A_267 = arith.constant 0 : i32
        %dma_start3A_268 = tpu.memref_slice %arg6[%dma_start3A_263, %dma_start3A_267] : memref<6x128xi32, #tpu.memory_space<vmem>> -> memref<1x128xi32, #tpu.memory_space<vmem>>
        %dma_start3A_269 = tpu.memref_squeeze %dma_start3A_268 : memref<1x128xi32, #tpu.memory_space<vmem>> -> memref<128xi32, #tpu.memory_space<vmem>>
        %dma_start3A_270 = arith.constant 0 : i32
        %dma_start3A_271 = arith.constant 0 : i32
        %dma_start3A_272 = tpu.memref_slice %arg4[%dma_start3A_270, %dma_start3A_271] : memref<100352x16xf32, #tpu.memory_space<hbm>> -> memref<100352x16xf32, #tpu.memory_space<hbm>>
        tpu.enqueue_indirect_dma source(%dma_start3A_272 : memref<100352x16xf32, #tpu.memory_space<hbm>>) target(%dma_start3A_266 : memref<128x16xf32, #tpu.memory_space<vmem>>) offsets(%dma_start3A_269 : memref<128xi32, #tpu.memory_space<vmem>>) semaphore(%arg10 : memref<!tpu.dma_semaphore, #tpu.memory_space<semaphore_mem>>)
        %dma_start3A_273 = arith.constant 2 : i32
        %dma_start3A_274 = arith.constant 256 : i32
        %dma_start3A_275 = arith.constant 0 : i32
        %dma_start3A_276 = tpu.memref_slice %arg8[%dma_start3A_274, %dma_start3A_275] : memref<768x16xf32, #tpu.memory_space<vmem>> -> memref<128x16xf32, #tpu.memory_space<vmem>>
        %dma_start3A_277 = arith.constant 0 : i32
        %dma_start3A_278 = tpu.memref_slice %arg6[%dma_start3A_273, %dma_start3A_277] : memref<6x128xi32, #tpu.memory_space<vmem>> -> memref<1x128xi32, #tpu.memory_space<vmem>>
        %dma_start3A_279 = tpu.memref_squeeze %dma_start3A_278 : memref<1x128xi32, #tpu.memory_space<vmem>> -> memref<128xi32, #tpu.memory_space<vmem>>
        %dma_start3A_280 = arith.constant 0 : i32
        %dma_start3A_281 = arith.constant 0 : i32
        %dma_start3A_282 = tpu.memref_slice %arg4[%dma_start3A_280, %dma_start3A_281] : memref<100352x16xf32, #tpu.memory_space<hbm>> -> memref<100352x16xf32, #tpu.memory_space<hbm>>
        tpu.enqueue_indirect_dma source(%dma_start3A_282 : memref<100352x16xf32, #tpu.memory_space<hbm>>) target(%dma_start3A_276 : memref<128x16xf32, #tpu.memory_space<vmem>>) offsets(%dma_start3A_279 : memref<128xi32, #tpu.memory_space<vmem>>) semaphore(%arg10 : memref<!tpu.dma_semaphore, #tpu.memory_space<semaphore_mem>>)
        %dma_start3A_283 = arith.constant 3 : i32
        %dma_start3A_284 = arith.constant 384 : i32
        %dma_start3A_285 = arith.constant 0 : i32
        %dma_start3A_286 = tpu.memref_slice %arg8[%dma_start3A_284, %dma_start3A_285] : memref<768x16xf32, #tpu.memory_space<vmem>> -> memref<128x16xf32, #tpu.memory_space<vmem>>
        %dma_start3A_287 = arith.constant 0 : i32
        %dma_start3A_288 = tpu.memref_slice %arg6[%dma_start3A_283, %dma_start3A_287] : memref<6x128xi32, #tpu.memory_space<vmem>> -> memref<1x128xi32, #tpu.memory_space<vmem>>
        %dma_start3A_289 = tpu.memref_squeeze %dma_start3A_288 : memref<1x128xi32, #tpu.memory_space<vmem>> -> memref<128xi32, #tpu.memory_space<vmem>>
        %dma_start3A_290 = arith.constant 0 : i32
        %dma_start3A_291 = arith.constant 0 : i32
        %dma_start3A_292 = tpu.memref_slice %arg4[%dma_start3A_290, %dma_start3A_291] : memref<100352x16xf32, #tpu.memory_space<hbm>> -> memref<100352x16xf32, #tpu.memory_space<hbm>>
        tpu.enqueue_indirect_dma source(%dma_start3A_292 : memref<100352x16xf32, #tpu.memory_space<hbm>>) target(%dma_start3A_286 : memref<128x16xf32, #tpu.memory_space<vmem>>) offsets(%dma_start3A_289 : memref<128xi32, #tpu.memory_space<vmem>>) semaphore(%arg10 : memref<!tpu.dma_semaphore, #tpu.memory_space<semaphore_mem>>)
        %dma_start3A_293 = arith.constant 4 : i32
        %dma_start3A_294 = arith.constant 512 : i32
        %dma_start3A_295 = arith.constant 0 : i32
        %dma_start3A_296 = tpu.memref_slice %arg8[%dma_start3A_294, %dma_start3A_295] : memref<768x16xf32, #tpu.memory_space<vmem>> -> memref<128x16xf32, #tpu.memory_space<vmem>>
        %dma_start3A_297 = arith.constant 0 : i32
        %dma_start3A_298 = tpu.memref_slice %arg6[%dma_start3A_293, %dma_start3A_297] : memref<6x128xi32, #tpu.memory_space<vmem>> -> memref<1x128xi32, #tpu.memory_space<vmem>>
        %dma_start3A_299 = tpu.memref_squeeze %dma_start3A_298 : memref<1x128xi32, #tpu.memory_space<vmem>> -> memref<128xi32, #tpu.memory_space<vmem>>
        %dma_start3A_300 = arith.constant 0 : i32
        %dma_start3A_301 = arith.constant 0 : i32
        %dma_start3A_302 = tpu.memref_slice %arg4[%dma_start3A_300, %dma_start3A_301] : memref<100352x16xf32, #tpu.memory_space<hbm>> -> memref<100352x16xf32, #tpu.memory_space<hbm>>
        tpu.enqueue_indirect_dma source(%dma_start3A_302 : memref<100352x16xf32, #tpu.memory_space<hbm>>) target(%dma_start3A_296 : memref<128x16xf32, #tpu.memory_space<vmem>>) offsets(%dma_start3A_299 : memref<128xi32, #tpu.memory_space<vmem>>) semaphore(%arg10 : memref<!tpu.dma_semaphore, #tpu.memory_space<semaphore_mem>>)
        %dma_start3A_303 = arith.constant 5 : i32
        %dma_start3A_304 = arith.constant 640 : i32
        %dma_start3A_305 = arith.constant 0 : i32
        %dma_start3A_306 = tpu.memref_slice %arg8[%dma_start3A_304, %dma_start3A_305] : memref<768x16xf32, #tpu.memory_space<vmem>> -> memref<128x16xf32, #tpu.memory_space<vmem>>
        %dma_start3A_307 = arith.constant 0 : i32
        %dma_start3A_308 = tpu.memref_slice %arg6[%dma_start3A_303, %dma_start3A_307] : memref<6x128xi32, #tpu.memory_space<vmem>> -> memref<1x128xi32, #tpu.memory_space<vmem>>
        %dma_start3A_309 = tpu.memref_squeeze %dma_start3A_308 : memref<1x128xi32, #tpu.memory_space<vmem>> -> memref<128xi32, #tpu.memory_space<vmem>>
        %dma_start3A_310 = arith.constant 0 : i32
        %dma_start3A_311 = arith.constant 0 : i32
        %dma_start3A_312 = tpu.memref_slice %arg4[%dma_start3A_310, %dma_start3A_311] : memref<100352x16xf32, #tpu.memory_space<hbm>> -> memref<100352x16xf32, #tpu.memory_space<hbm>>
        tpu.enqueue_indirect_dma source(%dma_start3A_312 : memref<100352x16xf32, #tpu.memory_space<hbm>>) target(%dma_start3A_306 : memref<128x16xf32, #tpu.memory_space<vmem>>) offsets(%dma_start3A_309 : memref<128xi32, #tpu.memory_space<vmem>>) semaphore(%arg10 : memref<!tpu.dma_semaphore, #tpu.memory_space<semaphore_mem>>)
        %dma_wait3A_313 = arith.constant 0 : i32
        %dma_wait3A_314 = arith.constant 0 : i32
        %dma_wait3A_315 = arith.constant 0 : i32
        %dma_wait3A_316 = tpu.memref_slice %arg13[%dma_wait3A_314, %dma_wait3A_315] : memref<768x16xf32, #tpu.memory_space<vmem>> -> memref<128x16xf32, #tpu.memory_space<vmem>>
        %dma_wait3A_317 = arith.constant 0 : i32
        %dma_wait3A_318 = tpu.memref_slice %arg11[%dma_wait3A_313, %dma_wait3A_317] : memref<6x128xi32, #tpu.memory_space<vmem>> -> memref<1x128xi32, #tpu.memory_space<vmem>>
        %dma_wait3A_319 = tpu.memref_squeeze %dma_wait3A_318 : memref<1x128xi32, #tpu.memory_space<vmem>> -> memref<128xi32, #tpu.memory_space<vmem>>
        %dma_wait3A_320 = arith.constant 0 : i32
        %dma_wait3A_321 = arith.constant 0 : i32
        %dma_wait3A_322 = tpu.memref_slice %arg4[%dma_wait3A_320, %dma_wait3A_321] : memref<100352x16xf32, #tpu.memory_space<hbm>> -> memref<100352x16xf32, #tpu.memory_space<hbm>>
        tpu.wait_indirect_dma semaphore(%arg15 : memref<!tpu.dma_semaphore, #tpu.memory_space<semaphore_mem>>) src(%dma_wait3A_322 : memref<100352x16xf32, #tpu.memory_space<hbm>>) dst(%dma_wait3A_316 : memref<128x16xf32, #tpu.memory_space<vmem>>)
        %dma_wait3A_323 = arith.constant 1 : i32
        %dma_wait3A_324 = arith.constant 128 : i32
        %dma_wait3A_325 = arith.constant 0 : i32
        %dma_wait3A_326 = tpu.memref_slice %arg13[%dma_wait3A_324, %dma_wait3A_325] : memref<768x16xf32, #tpu.memory_space<vmem>> -> memref<128x16xf32, #tpu.memory_space<vmem>>
        %dma_wait3A_327 = arith.constant 0 : i32
        %dma_wait3A_328 = tpu.memref_slice %arg11[%dma_wait3A_323, %dma_wait3A_327] : memref<6x128xi32, #tpu.memory_space<vmem>> -> memref<1x128xi32, #tpu.memory_space<vmem>>
        %dma_wait3A_329 = tpu.memref_squeeze %dma_wait3A_328 : memref<1x128xi32, #tpu.memory_space<vmem>> -> memref<128xi32, #tpu.memory_space<vmem>>
        %dma_wait3A_330 = arith.constant 0 : i32
        %dma_wait3A_331 = arith.constant 0 : i32
        %dma_wait3A_332 = tpu.memref_slice %arg4[%dma_wait3A_330, %dma_wait3A_331] : memref<100352x16xf32, #tpu.memory_space<hbm>> -> memref<100352x16xf32, #tpu.memory_space<hbm>>
        tpu.wait_indirect_dma semaphore(%arg15 : memref<!tpu.dma_semaphore, #tpu.memory_space<semaphore_mem>>) src(%dma_wait3A_332 : memref<100352x16xf32, #tpu.memory_space<hbm>>) dst(%dma_wait3A_326 : memref<128x16xf32, #tpu.memory_space<vmem>>)
        %dma_wait3A_333 = arith.constant 2 : i32
        %dma_wait3A_334 = arith.constant 256 : i32
        %dma_wait3A_335 = arith.constant 0 : i32
        %dma_wait3A_336 = tpu.memref_slice %arg13[%dma_wait3A_334, %dma_wait3A_335] : memref<768x16xf32, #tpu.memory_space<vmem>> -> memref<128x16xf32, #tpu.memory_space<vmem>>
        %dma_wait3A_337 = arith.constant 0 : i32
        %dma_wait3A_338 = tpu.memref_slice %arg11[%dma_wait3A_333, %dma_wait3A_337] : memref<6x128xi32, #tpu.memory_space<vmem>> -> memref<1x128xi32, #tpu.memory_space<vmem>>
        %dma_wait3A_339 = tpu.memref_squeeze %dma_wait3A_338 : memref<1x128xi32, #tpu.memory_space<vmem>> -> memref<128xi32, #tpu.memory_space<vmem>>
        %dma_wait3A_340 = arith.constant 0 : i32
        %dma_wait3A_341 = arith.constant 0 : i32
        %dma_wait3A_342 = tpu.memref_slice %arg4[%dma_wait3A_340, %dma_wait3A_341] : memref<100352x16xf32, #tpu.memory_space<hbm>> -> memref<100352x16xf32, #tpu.memory_space<hbm>>
        tpu.wait_indirect_dma semaphore(%arg15 : memref<!tpu.dma_semaphore, #tpu.memory_space<semaphore_mem>>) src(%dma_wait3A_342 : memref<100352x16xf32, #tpu.memory_space<hbm>>) dst(%dma_wait3A_336 : memref<128x16xf32, #tpu.memory_space<vmem>>)
        %dma_wait3A_343 = arith.constant 3 : i32
        %dma_wait3A_344 = arith.constant 384 : i32
        %dma_wait3A_345 = arith.constant 0 : i32
        %dma_wait3A_346 = tpu.memref_slice %arg13[%dma_wait3A_344, %dma_wait3A_345] : memref<768x16xf32, #tpu.memory_space<vmem>> -> memref<128x16xf32, #tpu.memory_space<vmem>>
        %dma_wait3A_347 = arith.constant 0 : i32
        %dma_wait3A_348 = tpu.memref_slice %arg11[%dma_wait3A_343, %dma_wait3A_347] : memref<6x128xi32, #tpu.memory_space<vmem>> -> memref<1x128xi32, #tpu.memory_space<vmem>>
        %dma_wait3A_349 = tpu.memref_squeeze %dma_wait3A_348 : memref<1x128xi32, #tpu.memory_space<vmem>> -> memref<128xi32, #tpu.memory_space<vmem>>
        %dma_wait3A_350 = arith.constant 0 : i32
        %dma_wait3A_351 = arith.constant 0 : i32
        %dma_wait3A_352 = tpu.memref_slice %arg4[%dma_wait3A_350, %dma_wait3A_351] : memref<100352x16xf32, #tpu.memory_space<hbm>> -> memref<100352x16xf32, #tpu.memory_space<hbm>>
        tpu.wait_indirect_dma semaphore(%arg15 : memref<!tpu.dma_semaphore, #tpu.memory_space<semaphore_mem>>) src(%dma_wait3A_352 : memref<100352x16xf32, #tpu.memory_space<hbm>>) dst(%dma_wait3A_346 : memref<128x16xf32, #tpu.memory_space<vmem>>)
        %dma_wait3A_353 = arith.constant 4 : i32
        %dma_wait3A_354 = arith.constant 512 : i32
        %dma_wait3A_355 = arith.constant 0 : i32
        %dma_wait3A_356 = tpu.memref_slice %arg13[%dma_wait3A_354, %dma_wait3A_355] : memref<768x16xf32, #tpu.memory_space<vmem>> -> memref<128x16xf32, #tpu.memory_space<vmem>>
        %dma_wait3A_357 = arith.constant 0 : i32
        %dma_wait3A_358 = tpu.memref_slice %arg11[%dma_wait3A_353, %dma_wait3A_357] : memref<6x128xi32, #tpu.memory_space<vmem>> -> memref<1x128xi32, #tpu.memory_space<vmem>>
        %dma_wait3A_359 = tpu.memref_squeeze %dma_wait3A_358 : memref<1x128xi32, #tpu.memory_space<vmem>> -> memref<128xi32, #tpu.memory_space<vmem>>
        %dma_wait3A_360 = arith.constant 0 : i32
        %dma_wait3A_361 = arith.constant 0 : i32
        %dma_wait3A_362 = tpu.memref_slice %arg4[%dma_wait3A_360, %dma_wait3A_361] : memref<100352x16xf32, #tpu.memory_space<hbm>> -> memref<100352x16xf32, #tpu.memory_space<hbm>>
        tpu.wait_indirect_dma semaphore(%arg15 : memref<!tpu.dma_semaphore, #tpu.memory_space<semaphore_mem>>) src(%dma_wait3A_362 : memref<100352x16xf32, #tpu.memory_space<hbm>>) dst(%dma_wait3A_356 : memref<128x16xf32, #tpu.memory_space<vmem>>)
        %dma_wait3A_363 = arith.constant 5 : i32
        %dma_wait3A_364 = arith.constant 640 : i32
        %dma_wait3A_365 = arith.constant 0 : i32
        %dma_wait3A_366 = tpu.memref_slice %arg13[%dma_wait3A_364, %dma_wait3A_365] : memref<768x16xf32, #tpu.memory_space<vmem>> -> memref<128x16xf32, #tpu.memory_space<vmem>>
        %dma_wait3A_367 = arith.constant 0 : i32
        %dma_wait3A_368 = tpu.memref_slice %arg11[%dma_wait3A_363, %dma_wait3A_367] : memref<6x128xi32, #tpu.memory_space<vmem>> -> memref<1x128xi32, #tpu.memory_space<vmem>>
        %dma_wait3A_369 = tpu.memref_squeeze %dma_wait3A_368 : memref<1x128xi32, #tpu.memory_space<vmem>> -> memref<128xi32, #tpu.memory_space<vmem>>
        %dma_wait3A_370 = arith.constant 0 : i32
        %dma_wait3A_371 = arith.constant 0 : i32
        %dma_wait3A_372 = tpu.memref_slice %arg4[%dma_wait3A_370, %dma_wait3A_371] : memref<100352x16xf32, #tpu.memory_space<hbm>> -> memref<100352x16xf32, #tpu.memory_space<hbm>>
        tpu.wait_indirect_dma semaphore(%arg15 : memref<!tpu.dma_semaphore, #tpu.memory_space<semaphore_mem>>) src(%dma_wait3A_372 : memref<100352x16xf32, #tpu.memory_space<hbm>>) dst(%dma_wait3A_366 : memref<128x16xf32, #tpu.memory_space<vmem>>)
        %run_scoped3A_373 = arith.constant 0 : i32
        "tpu.region"() ({
          %run_scoped3A_386 = tpu.sem_alloc : memref<!tpu.dma_semaphore, #tpu.memory_space<semaphore_mem>>
          %dma_start3A_387 = arith.constant 0 : i32
          %dma_start3A_388 = arith.constant 0 : i32
          %dma_start3A_389 = tpu.memref_slice %arg13[%dma_start3A_387, %dma_start3A_388] : memref<768x16xf32, #tpu.memory_space<vmem>> -> memref<128x16xf32, #tpu.memory_space<vmem>>
          %dma_start3A_390 = arith.constant 0 : i32
          %dma_start3A_391 = tpu.memref_slice %arg12[%run_scoped3A_373, %dma_start3A_390] : memref<6x128xi32, #tpu.memory_space<vmem>> -> memref<1x128xi32, #tpu.memory_space<vmem>>
          %dma_start3A_392 = tpu.memref_squeeze %dma_start3A_391 : memref<1x128xi32, #tpu.memory_space<vmem>> -> memref<128xi32, #tpu.memory_space<vmem>>
          %dma_start3A_393 = arith.constant 0 : i32
          %dma_start3A_394 = arith.constant 0 : i32
          %dma_start3A_395 = tpu.memref_slice %arg16[%dma_start3A_393, %dma_start3A_394] : memref<100352x16xf32, #tpu.memory_space<vmem_shared>> -> memref<100352x16xf32, #tpu.memory_space<vmem_shared>>
          tpu.enqueue_indirect_dma source(%dma_start3A_389 : memref<128x16xf32, #tpu.memory_space<vmem>>) target(%dma_start3A_395 : memref<100352x16xf32, #tpu.memory_space<vmem_shared>>) offsets(%dma_start3A_392 : memref<128xi32, #tpu.memory_space<vmem>>) semaphore(%run_scoped3A_386 : memref<!tpu.dma_semaphore, #tpu.memory_space<semaphore_mem>>) {add = true}
          %dma_wait3A_396 = arith.constant 0 : i32
          %dma_wait3A_397 = arith.constant 0 : i32
          %dma_wait3A_398 = tpu.memref_slice %arg13[%dma_wait3A_396, %dma_wait3A_397] : memref<768x16xf32, #tpu.memory_space<vmem>> -> memref<128x16xf32, #tpu.memory_space<vmem>>
          %dma_wait3A_399 = arith.constant 0 : i32
          %dma_wait3A_400 = tpu.memref_slice %arg12[%run_scoped3A_373, %dma_wait3A_399] : memref<6x128xi32, #tpu.memory_space<vmem>> -> memref<1x128xi32, #tpu.memory_space<vmem>>
          %dma_wait3A_401 = tpu.memref_squeeze %dma_wait3A_400 : memref<1x128xi32, #tpu.memory_space<vmem>> -> memref<128xi32, #tpu.memory_space<vmem>>
          %dma_wait3A_402 = arith.constant 0 : i32
          %dma_wait3A_403 = arith.constant 0 : i32
          %dma_wait3A_404 = tpu.memref_slice %arg16[%dma_wait3A_402, %dma_wait3A_403] : memref<100352x16xf32, #tpu.memory_space<vmem_shared>> -> memref<100352x16xf32, #tpu.memory_space<vmem_shared>>
          tpu.wait_indirect_dma semaphore(%run_scoped3A_386 : memref<!tpu.dma_semaphore, #tpu.memory_space<semaphore_mem>>) src(%dma_wait3A_398 : memref<128x16xf32, #tpu.memory_space<vmem>>) dst(%dma_wait3A_404 : memref<100352x16xf32, #tpu.memory_space<vmem_shared>>)
          tpu.yield
        }) : () -> ()
        %run_scoped3A_374 = arith.constant 1 : i32
        "tpu.region"() ({
          %run_scoped3A_386 = tpu.sem_alloc : memref<!tpu.dma_semaphore, #tpu.memory_space<semaphore_mem>>
          %dma_start3A_387 = arith.constant 128 : i32
          %dma_start3A_388 = arith.constant 0 : i32
          %dma_start3A_389 = tpu.memref_slice %arg13[%dma_start3A_387, %dma_start3A_388] : memref<768x16xf32, #tpu.memory_space<vmem>> -> memref<128x16xf32, #tpu.memory_space<vmem>>
          %dma_start3A_390 = arith.constant 0 : i32
          %dma_start3A_391 = tpu.memref_slice %arg12[%run_scoped3A_374, %dma_start3A_390] : memref<6x128xi32, #tpu.memory_space<vmem>> -> memref<1x128xi32, #tpu.memory_space<vmem>>
          %dma_start3A_392 = tpu.memref_squeeze %dma_start3A_391 : memref<1x128xi32, #tpu.memory_space<vmem>> -> memref<128xi32, #tpu.memory_space<vmem>>
          %dma_start3A_393 = arith.constant 0 : i32
          %dma_start3A_394 = arith.constant 0 : i32
          %dma_start3A_395 = tpu.memref_slice %arg16[%dma_start3A_393, %dma_start3A_394] : memref<100352x16xf32, #tpu.memory_space<vmem_shared>> -> memref<100352x16xf32, #tpu.memory_space<vmem_shared>>
          tpu.enqueue_indirect_dma source(%dma_start3A_389 : memref<128x16xf32, #tpu.memory_space<vmem>>) target(%dma_start3A_395 : memref<100352x16xf32, #tpu.memory_space<vmem_shared>>) offsets(%dma_start3A_392 : memref<128xi32, #tpu.memory_space<vmem>>) semaphore(%run_scoped3A_386 : memref<!tpu.dma_semaphore, #tpu.memory_space<semaphore_mem>>) {add = true}
          %dma_wait3A_396 = arith.constant 128 : i32
          %dma_wait3A_397 = arith.constant 0 : i32
          %dma_wait3A_398 = tpu.memref_slice %arg13[%dma_wait3A_396, %dma_wait3A_397] : memref<768x16xf32, #tpu.memory_space<vmem>> -> memref<128x16xf32, #tpu.memory_space<vmem>>
          %dma_wait3A_399 = arith.constant 0 : i32
          %dma_wait3A_400 = tpu.memref_slice %arg12[%run_scoped3A_374, %dma_wait3A_399] : memref<6x128xi32, #tpu.memory_space<vmem>> -> memref<1x128xi32, #tpu.memory_space<vmem>>
          %dma_wait3A_401 = tpu.memref_squeeze %dma_wait3A_400 : memref<1x128xi32, #tpu.memory_space<vmem>> -> memref<128xi32, #tpu.memory_space<vmem>>
          %dma_wait3A_402 = arith.constant 0 : i32
          %dma_wait3A_403 = arith.constant 0 : i32
          %dma_wait3A_404 = tpu.memref_slice %arg16[%dma_wait3A_402, %dma_wait3A_403] : memref<100352x16xf32, #tpu.memory_space<vmem_shared>> -> memref<100352x16xf32, #tpu.memory_space<vmem_shared>>
          tpu.wait_indirect_dma semaphore(%run_scoped3A_386 : memref<!tpu.dma_semaphore, #tpu.memory_space<semaphore_mem>>) src(%dma_wait3A_398 : memref<128x16xf32, #tpu.memory_space<vmem>>) dst(%dma_wait3A_404 : memref<100352x16xf32, #tpu.memory_space<vmem_shared>>)
          tpu.yield
        }) : () -> ()
        %run_scoped3A_375 = arith.constant 2 : i32
        "tpu.region"() ({
          %run_scoped3A_386 = tpu.sem_alloc : memref<!tpu.dma_semaphore, #tpu.memory_space<semaphore_mem>>
          %dma_start3A_387 = arith.constant 256 : i32
          %dma_start3A_388 = arith.constant 0 : i32
          %dma_start3A_389 = tpu.memref_slice %arg13[%dma_start3A_387, %dma_start3A_388] : memref<768x16xf32, #tpu.memory_space<vmem>> -> memref<128x16xf32, #tpu.memory_space<vmem>>
          %dma_start3A_390 = arith.constant 0 : i32
          %dma_start3A_391 = tpu.memref_slice %arg12[%run_scoped3A_375, %dma_start3A_390] : memref<6x128xi32, #tpu.memory_space<vmem>> -> memref<1x128xi32, #tpu.memory_space<vmem>>
          %dma_start3A_392 = tpu.memref_squeeze %dma_start3A_391 : memref<1x128xi32, #tpu.memory_space<vmem>> -> memref<128xi32, #tpu.memory_space<vmem>>
          %dma_start3A_393 = arith.constant 0 : i32
          %dma_start3A_394 = arith.constant 0 : i32
          %dma_start3A_395 = tpu.memref_slice %arg16[%dma_start3A_393, %dma_start3A_394] : memref<100352x16xf32, #tpu.memory_space<vmem_shared>> -> memref<100352x16xf32, #tpu.memory_space<vmem_shared>>
          tpu.enqueue_indirect_dma source(%dma_start3A_389 : memref<128x16xf32, #tpu.memory_space<vmem>>) target(%dma_start3A_395 : memref<100352x16xf32, #tpu.memory_space<vmem_shared>>) offsets(%dma_start3A_392 : memref<128xi32, #tpu.memory_space<vmem>>) semaphore(%run_scoped3A_386 : memref<!tpu.dma_semaphore, #tpu.memory_space<semaphore_mem>>) {add = true}
          %dma_wait3A_396 = arith.constant 256 : i32
          %dma_wait3A_397 = arith.constant 0 : i32
          %dma_wait3A_398 = tpu.memref_slice %arg13[%dma_wait3A_396, %dma_wait3A_397] : memref<768x16xf32, #tpu.memory_space<vmem>> -> memref<128x16xf32, #tpu.memory_space<vmem>>
          %dma_wait3A_399 = arith.constant 0 : i32
          %dma_wait3A_400 = tpu.memref_slice %arg12[%run_scoped3A_375, %dma_wait3A_399] : memref<6x128xi32, #tpu.memory_space<vmem>> -> memref<1x128xi32, #tpu.memory_space<vmem>>
          %dma_wait3A_401 = tpu.memref_squeeze %dma_wait3A_400 : memref<1x128xi32, #tpu.memory_space<vmem>> -> memref<128xi32, #tpu.memory_space<vmem>>
          %dma_wait3A_402 = arith.constant 0 : i32
          %dma_wait3A_403 = arith.constant 0 : i32
          %dma_wait3A_404 = tpu.memref_slice %arg16[%dma_wait3A_402, %dma_wait3A_403] : memref<100352x16xf32, #tpu.memory_space<vmem_shared>> -> memref<100352x16xf32, #tpu.memory_space<vmem_shared>>
          tpu.wait_indirect_dma semaphore(%run_scoped3A_386 : memref<!tpu.dma_semaphore, #tpu.memory_space<semaphore_mem>>) src(%dma_wait3A_398 : memref<128x16xf32, #tpu.memory_space<vmem>>) dst(%dma_wait3A_404 : memref<100352x16xf32, #tpu.memory_space<vmem_shared>>)
          tpu.yield
        }) : () -> ()
        %run_scoped3A_376 = arith.constant 3 : i32
        "tpu.region"() ({
          %run_scoped3A_386 = tpu.sem_alloc : memref<!tpu.dma_semaphore, #tpu.memory_space<semaphore_mem>>
          %dma_start3A_387 = arith.constant 384 : i32
          %dma_start3A_388 = arith.constant 0 : i32
          %dma_start3A_389 = tpu.memref_slice %arg13[%dma_start3A_387, %dma_start3A_388] : memref<768x16xf32, #tpu.memory_space<vmem>> -> memref<128x16xf32, #tpu.memory_space<vmem>>
          %dma_start3A_390 = arith.constant 0 : i32
          %dma_start3A_391 = tpu.memref_slice %arg12[%run_scoped3A_376, %dma_start3A_390] : memref<6x128xi32, #tpu.memory_space<vmem>> -> memref<1x128xi32, #tpu.memory_space<vmem>>
          %dma_start3A_392 = tpu.memref_squeeze %dma_start3A_391 : memref<1x128xi32, #tpu.memory_space<vmem>> -> memref<128xi32, #tpu.memory_space<vmem>>
          %dma_start3A_393 = arith.constant 0 : i32
          %dma_start3A_394 = arith.constant 0 : i32
          %dma_start3A_395 = tpu.memref_slice %arg16[%dma_start3A_393, %dma_start3A_394] : memref<100352x16xf32, #tpu.memory_space<vmem_shared>> -> memref<100352x16xf32, #tpu.memory_space<vmem_shared>>
          tpu.enqueue_indirect_dma source(%dma_start3A_389 : memref<128x16xf32, #tpu.memory_space<vmem>>) target(%dma_start3A_395 : memref<100352x16xf32, #tpu.memory_space<vmem_shared>>) offsets(%dma_start3A_392 : memref<128xi32, #tpu.memory_space<vmem>>) semaphore(%run_scoped3A_386 : memref<!tpu.dma_semaphore, #tpu.memory_space<semaphore_mem>>) {add = true}
          %dma_wait3A_396 = arith.constant 384 : i32
          %dma_wait3A_397 = arith.constant 0 : i32
          %dma_wait3A_398 = tpu.memref_slice %arg13[%dma_wait3A_396, %dma_wait3A_397] : memref<768x16xf32, #tpu.memory_space<vmem>> -> memref<128x16xf32, #tpu.memory_space<vmem>>
          %dma_wait3A_399 = arith.constant 0 : i32
          %dma_wait3A_400 = tpu.memref_slice %arg12[%run_scoped3A_376, %dma_wait3A_399] : memref<6x128xi32, #tpu.memory_space<vmem>> -> memref<1x128xi32, #tpu.memory_space<vmem>>
          %dma_wait3A_401 = tpu.memref_squeeze %dma_wait3A_400 : memref<1x128xi32, #tpu.memory_space<vmem>> -> memref<128xi32, #tpu.memory_space<vmem>>
          %dma_wait3A_402 = arith.constant 0 : i32
          %dma_wait3A_403 = arith.constant 0 : i32
          %dma_wait3A_404 = tpu.memref_slice %arg16[%dma_wait3A_402, %dma_wait3A_403] : memref<100352x16xf32, #tpu.memory_space<vmem_shared>> -> memref<100352x16xf32, #tpu.memory_space<vmem_shared>>
          tpu.wait_indirect_dma semaphore(%run_scoped3A_386 : memref<!tpu.dma_semaphore, #tpu.memory_space<semaphore_mem>>) src(%dma_wait3A_398 : memref<128x16xf32, #tpu.memory_space<vmem>>) dst(%dma_wait3A_404 : memref<100352x16xf32, #tpu.memory_space<vmem_shared>>)
          tpu.yield
        }) : () -> ()
        %run_scoped3A_377 = arith.constant 4 : i32
        "tpu.region"() ({
          %run_scoped3A_386 = tpu.sem_alloc : memref<!tpu.dma_semaphore, #tpu.memory_space<semaphore_mem>>
          %dma_start3A_387 = arith.constant 512 : i32
          %dma_start3A_388 = arith.constant 0 : i32
          %dma_start3A_389 = tpu.memref_slice %arg13[%dma_start3A_387, %dma_start3A_388] : memref<768x16xf32, #tpu.memory_space<vmem>> -> memref<128x16xf32, #tpu.memory_space<vmem>>
          %dma_start3A_390 = arith.constant 0 : i32
          %dma_start3A_391 = tpu.memref_slice %arg12[%run_scoped3A_377, %dma_start3A_390] : memref<6x128xi32, #tpu.memory_space<vmem>> -> memref<1x128xi32, #tpu.memory_space<vmem>>
          %dma_start3A_392 = tpu.memref_squeeze %dma_start3A_391 : memref<1x128xi32, #tpu.memory_space<vmem>> -> memref<128xi32, #tpu.memory_space<vmem>>
          %dma_start3A_393 = arith.constant 0 : i32
          %dma_start3A_394 = arith.constant 0 : i32
          %dma_start3A_395 = tpu.memref_slice %arg16[%dma_start3A_393, %dma_start3A_394] : memref<100352x16xf32, #tpu.memory_space<vmem_shared>> -> memref<100352x16xf32, #tpu.memory_space<vmem_shared>>
          tpu.enqueue_indirect_dma source(%dma_start3A_389 : memref<128x16xf32, #tpu.memory_space<vmem>>) target(%dma_start3A_395 : memref<100352x16xf32, #tpu.memory_space<vmem_shared>>) offsets(%dma_start3A_392 : memref<128xi32, #tpu.memory_space<vmem>>) semaphore(%run_scoped3A_386 : memref<!tpu.dma_semaphore, #tpu.memory_space<semaphore_mem>>) {add = true}
          %dma_wait3A_396 = arith.constant 512 : i32
          %dma_wait3A_397 = arith.constant 0 : i32
          %dma_wait3A_398 = tpu.memref_slice %arg13[%dma_wait3A_396, %dma_wait3A_397] : memref<768x16xf32, #tpu.memory_space<vmem>> -> memref<128x16xf32, #tpu.memory_space<vmem>>
          %dma_wait3A_399 = arith.constant 0 : i32
          %dma_wait3A_400 = tpu.memref_slice %arg12[%run_scoped3A_377, %dma_wait3A_399] : memref<6x128xi32, #tpu.memory_space<vmem>> -> memref<1x128xi32, #tpu.memory_space<vmem>>
          %dma_wait3A_401 = tpu.memref_squeeze %dma_wait3A_400 : memref<1x128xi32, #tpu.memory_space<vmem>> -> memref<128xi32, #tpu.memory_space<vmem>>
          %dma_wait3A_402 = arith.constant 0 : i32
          %dma_wait3A_403 = arith.constant 0 : i32
          %dma_wait3A_404 = tpu.memref_slice %arg16[%dma_wait3A_402, %dma_wait3A_403] : memref<100352x16xf32, #tpu.memory_space<vmem_shared>> -> memref<100352x16xf32, #tpu.memory_space<vmem_shared>>
          tpu.wait_indirect_dma semaphore(%run_scoped3A_386 : memref<!tpu.dma_semaphore, #tpu.memory_space<semaphore_mem>>) src(%dma_wait3A_398 : memref<128x16xf32, #tpu.memory_space<vmem>>) dst(%dma_wait3A_404 : memref<100352x16xf32, #tpu.memory_space<vmem_shared>>)
          tpu.yield
        }) : () -> ()
        %run_scoped3A_378 = arith.constant 5 : i32
        "tpu.region"() ({
          %run_scoped3A_386 = tpu.sem_alloc : memref<!tpu.dma_semaphore, #tpu.memory_space<semaphore_mem>>
          %dma_start3A_387 = arith.constant 640 : i32
          %dma_start3A_388 = arith.constant 0 : i32
          %dma_start3A_389 = tpu.memref_slice %arg13[%dma_start3A_387, %dma_start3A_388] : memref<768x16xf32, #tpu.memory_space<vmem>> -> memref<128x16xf32, #tpu.memory_space<vmem>>
          %dma_start3A_390 = arith.constant 0 : i32
          %dma_start3A_391 = tpu.memref_slice %arg12[%run_scoped3A_378, %dma_start3A_390] : memref<6x128xi32, #tpu.memory_space<vmem>> -> memref<1x128xi32, #tpu.memory_space<vmem>>
          %dma_start3A_392 = tpu.memref_squeeze %dma_start3A_391 : memref<1x128xi32, #tpu.memory_space<vmem>> -> memref<128xi32, #tpu.memory_space<vmem>>
          %dma_start3A_393 = arith.constant 0 : i32
          %dma_start3A_394 = arith.constant 0 : i32
          %dma_start3A_395 = tpu.memref_slice %arg16[%dma_start3A_393, %dma_start3A_394] : memref<100352x16xf32, #tpu.memory_space<vmem_shared>> -> memref<100352x16xf32, #tpu.memory_space<vmem_shared>>
          tpu.enqueue_indirect_dma source(%dma_start3A_389 : memref<128x16xf32, #tpu.memory_space<vmem>>) target(%dma_start3A_395 : memref<100352x16xf32, #tpu.memory_space<vmem_shared>>) offsets(%dma_start3A_392 : memref<128xi32, #tpu.memory_space<vmem>>) semaphore(%run_scoped3A_386 : memref<!tpu.dma_semaphore, #tpu.memory_space<semaphore_mem>>) {add = true}
          %dma_wait3A_396 = arith.constant 640 : i32
          %dma_wait3A_397 = arith.constant 0 : i32
          %dma_wait3A_398 = tpu.memref_slice %arg13[%dma_wait3A_396, %dma_wait3A_397] : memref<768x16xf32, #tpu.memory_space<vmem>> -> memref<128x16xf32, #tpu.memory_space<vmem>>
          %dma_wait3A_399 = arith.constant 0 : i32
          %dma_wait3A_400 = tpu.memref_slice %arg12[%run_scoped3A_378, %dma_wait3A_399] : memref<6x128xi32, #tpu.memory_space<vmem>> -> memref<1x128xi32, #tpu.memory_space<vmem>>
          %dma_wait3A_401 = tpu.memref_squeeze %dma_wait3A_400 : memref<1x128xi32, #tpu.memory_space<vmem>> -> memref<128xi32, #tpu.memory_space<vmem>>
          %dma_wait3A_402 = arith.constant 0 : i32
          %dma_wait3A_403 = arith.constant 0 : i32
          %dma_wait3A_404 = tpu.memref_slice %arg16[%dma_wait3A_402, %dma_wait3A_403] : memref<100352x16xf32, #tpu.memory_space<vmem_shared>> -> memref<100352x16xf32, #tpu.memory_space<vmem_shared>>
          tpu.wait_indirect_dma semaphore(%run_scoped3A_386 : memref<!tpu.dma_semaphore, #tpu.memory_space<semaphore_mem>>) src(%dma_wait3A_398 : memref<128x16xf32, #tpu.memory_space<vmem>>) dst(%dma_wait3A_404 : memref<100352x16xf32, #tpu.memory_space<vmem_shared>>)
          tpu.yield
        }) : () -> ()
        %add3A_379 = arith.constant 1 : i32
        %add3A_380 = arith.addi %scan3A_208, %add3A_379 : i32
        %lt3A_381 = arith.constant 131 : i32
        %lt3A_382 = arith.cmpi slt, %add3A_380, %lt3A_381 : i32
        %convert_element_type3A_383 = arith.extui %lt3A_382 : i1 to i32
        %cond3A_384 = arith.constant 0 : i32
        %cond3A_385 = arith.cmpi ne, %convert_element_type3A_383, %cond3A_384 : i32
        scf.if %cond3A_385 {
          %add3A_386 = arith.constant 1 : i32
          %add3A_387 = arith.addi %scan3A_208, %add3A_386 : i32
          %mul3A_388 = arith.constant 6 : i32
          %mul3A_389 = arith.muli %add3A_387, %mul3A_388 : i32
          %add3A_390 = arith.addi %mul3A_2, %mul3A_389 : i32
          %dma_start3A_391 = arith.constant 0 : i32
          %dma_start3A_392 = tpu.memref_slice %arg2[%add3A_390, %dma_start3A_391] : memref<25152x128xi32, #tpu.memory_space<hbm>> -> memref<6x128xi32, #tpu.memory_space<hbm>>
          %dma_start3A_393 = arith.constant 0 : i32
          %dma_start3A_394 = tpu.memref_slice %arg2[%add3A_390, %dma_start3A_393] : memref<25152x128xi32, #tpu.memory_space<hbm>> -> memref<6x128xi32, #tpu.memory_space<hbm>>
          tpu.enqueue_dma source(%dma_start3A_394 : memref<6x128xi32, #tpu.memory_space<hbm>>) target(%arg11 : memref<6x128xi32, #tpu.memory_space<vmem>>) target_semaphore(%arg14 : memref<!tpu.dma_semaphore, #tpu.memory_space<semaphore_mem>>)
          %dma_start3A_395 = arith.constant 0 : i32
          %dma_start3A_396 = tpu.memref_slice %arg3[%add3A_390, %dma_start3A_395] : memref<25152x128xi32, #tpu.memory_space<hbm>> -> memref<6x128xi32, #tpu.memory_space<hbm>>
          %dma_start3A_397 = arith.constant 0 : i32
          %dma_start3A_398 = tpu.memref_slice %arg3[%add3A_390, %dma_start3A_397] : memref<25152x128xi32, #tpu.memory_space<hbm>> -> memref<6x128xi32, #tpu.memory_space<hbm>>
          tpu.enqueue_dma source(%dma_start3A_398 : memref<6x128xi32, #tpu.memory_space<hbm>>) target(%arg12 : memref<6x128xi32, #tpu.memory_space<vmem>>) target_semaphore(%arg14 : memref<!tpu.dma_semaphore, #tpu.memory_space<semaphore_mem>>)
        } else {
        }
      } else {
      }
    }
    %scan3A_137 = arith.constant 130 : i32
    %dma_wait3A_138 = arith.constant 0 : i32
    %dma_wait3A_139 = arith.constant 0 : i32
    %dma_wait3A_140 = arith.constant 0 : i32
    %dma_wait3A_141 = tpu.memref_slice %arg8[%dma_wait3A_139, %dma_wait3A_140] : memref<768x16xf32, #tpu.memory_space<vmem>> -> memref<128x16xf32, #tpu.memory_space<vmem>>
    %dma_wait3A_142 = arith.constant 0 : i32
    %dma_wait3A_143 = tpu.memref_slice %arg6[%dma_wait3A_138, %dma_wait3A_142] : memref<6x128xi32, #tpu.memory_space<vmem>> -> memref<1x128xi32, #tpu.memory_space<vmem>>
    %dma_wait3A_144 = tpu.memref_squeeze %dma_wait3A_143 : memref<1x128xi32, #tpu.memory_space<vmem>> -> memref<128xi32, #tpu.memory_space<vmem>>
    %dma_wait3A_145 = arith.constant 0 : i32
    %dma_wait3A_146 = arith.constant 0 : i32
    %dma_wait3A_147 = tpu.memref_slice %arg4[%dma_wait3A_145, %dma_wait3A_146] : memref<100352x16xf32, #tpu.memory_space<hbm>> -> memref<100352x16xf32, #tpu.memory_space<hbm>>
    tpu.wait_indirect_dma semaphore(%arg10 : memref<!tpu.dma_semaphore, #tpu.memory_space<semaphore_mem>>) src(%dma_wait3A_147 : memref<100352x16xf32, #tpu.memory_space<hbm>>) dst(%dma_wait3A_141 : memref<128x16xf32, #tpu.memory_space<vmem>>)
    %dma_wait3A_148 = arith.constant 1 : i32
    %dma_wait3A_149 = arith.constant 128 : i32
    %dma_wait3A_150 = arith.constant 0 : i32
    %dma_wait3A_151 = tpu.memref_slice %arg8[%dma_wait3A_149, %dma_wait3A_150] : memref<768x16xf32, #tpu.memory_space<vmem>> -> memref<128x16xf32, #tpu.memory_space<vmem>>
    %dma_wait3A_152 = arith.constant 0 : i32
    %dma_wait3A_153 = tpu.memref_slice %arg6[%dma_wait3A_148, %dma_wait3A_152] : memref<6x128xi32, #tpu.memory_space<vmem>> -> memref<1x128xi32, #tpu.memory_space<vmem>>
    %dma_wait3A_154 = tpu.memref_squeeze %dma_wait3A_153 : memref<1x128xi32, #tpu.memory_space<vmem>> -> memref<128xi32, #tpu.memory_space<vmem>>
    %dma_wait3A_155 = arith.constant 0 : i32
    %dma_wait3A_156 = arith.constant 0 : i32
    %dma_wait3A_157 = tpu.memref_slice %arg4[%dma_wait3A_155, %dma_wait3A_156] : memref<100352x16xf32, #tpu.memory_space<hbm>> -> memref<100352x16xf32, #tpu.memory_space<hbm>>
    tpu.wait_indirect_dma semaphore(%arg10 : memref<!tpu.dma_semaphore, #tpu.memory_space<semaphore_mem>>) src(%dma_wait3A_157 : memref<100352x16xf32, #tpu.memory_space<hbm>>) dst(%dma_wait3A_151 : memref<128x16xf32, #tpu.memory_space<vmem>>)
    %dma_wait3A_158 = arith.constant 2 : i32
    %dma_wait3A_159 = arith.constant 256 : i32
    %dma_wait3A_160 = arith.constant 0 : i32
    %dma_wait3A_161 = tpu.memref_slice %arg8[%dma_wait3A_159, %dma_wait3A_160] : memref<768x16xf32, #tpu.memory_space<vmem>> -> memref<128x16xf32, #tpu.memory_space<vmem>>
    %dma_wait3A_162 = arith.constant 0 : i32
    %dma_wait3A_163 = tpu.memref_slice %arg6[%dma_wait3A_158, %dma_wait3A_162] : memref<6x128xi32, #tpu.memory_space<vmem>> -> memref<1x128xi32, #tpu.memory_space<vmem>>
    %dma_wait3A_164 = tpu.memref_squeeze %dma_wait3A_163 : memref<1x128xi32, #tpu.memory_space<vmem>> -> memref<128xi32, #tpu.memory_space<vmem>>
    %dma_wait3A_165 = arith.constant 0 : i32
    %dma_wait3A_166 = arith.constant 0 : i32
    %dma_wait3A_167 = tpu.memref_slice %arg4[%dma_wait3A_165, %dma_wait3A_166] : memref<100352x16xf32, #tpu.memory_space<hbm>> -> memref<100352x16xf32, #tpu.memory_space<hbm>>
    tpu.wait_indirect_dma semaphore(%arg10 : memref<!tpu.dma_semaphore, #tpu.memory_space<semaphore_mem>>) src(%dma_wait3A_167 : memref<100352x16xf32, #tpu.memory_space<hbm>>) dst(%dma_wait3A_161 : memref<128x16xf32, #tpu.memory_space<vmem>>)
    %dma_wait3A_168 = arith.constant 3 : i32
    %dma_wait3A_169 = arith.constant 384 : i32
    %dma_wait3A_170 = arith.constant 0 : i32
    %dma_wait3A_171 = tpu.memref_slice %arg8[%dma_wait3A_169, %dma_wait3A_170] : memref<768x16xf32, #tpu.memory_space<vmem>> -> memref<128x16xf32, #tpu.memory_space<vmem>>
    %dma_wait3A_172 = arith.constant 0 : i32
    %dma_wait3A_173 = tpu.memref_slice %arg6[%dma_wait3A_168, %dma_wait3A_172] : memref<6x128xi32, #tpu.memory_space<vmem>> -> memref<1x128xi32, #tpu.memory_space<vmem>>
    %dma_wait3A_174 = tpu.memref_squeeze %dma_wait3A_173 : memref<1x128xi32, #tpu.memory_space<vmem>> -> memref<128xi32, #tpu.memory_space<vmem>>
    %dma_wait3A_175 = arith.constant 0 : i32
    %dma_wait3A_176 = arith.constant 0 : i32
    %dma_wait3A_177 = tpu.memref_slice %arg4[%dma_wait3A_175, %dma_wait3A_176] : memref<100352x16xf32, #tpu.memory_space<hbm>> -> memref<100352x16xf32, #tpu.memory_space<hbm>>
    tpu.wait_indirect_dma semaphore(%arg10 : memref<!tpu.dma_semaphore, #tpu.memory_space<semaphore_mem>>) src(%dma_wait3A_177 : memref<100352x16xf32, #tpu.memory_space<hbm>>) dst(%dma_wait3A_171 : memref<128x16xf32, #tpu.memory_space<vmem>>)
    %dma_wait3A_178 = arith.constant 4 : i32
    %dma_wait3A_179 = arith.constant 512 : i32
    %dma_wait3A_180 = arith.constant 0 : i32
    %dma_wait3A_181 = tpu.memref_slice %arg8[%dma_wait3A_179, %dma_wait3A_180] : memref<768x16xf32, #tpu.memory_space<vmem>> -> memref<128x16xf32, #tpu.memory_space<vmem>>
    %dma_wait3A_182 = arith.constant 0 : i32
    %dma_wait3A_183 = tpu.memref_slice %arg6[%dma_wait3A_178, %dma_wait3A_182] : memref<6x128xi32, #tpu.memory_space<vmem>> -> memref<1x128xi32, #tpu.memory_space<vmem>>
    %dma_wait3A_184 = tpu.memref_squeeze %dma_wait3A_183 : memref<1x128xi32, #tpu.memory_space<vmem>> -> memref<128xi32, #tpu.memory_space<vmem>>
    %dma_wait3A_185 = arith.constant 0 : i32
    %dma_wait3A_186 = arith.constant 0 : i32
    %dma_wait3A_187 = tpu.memref_slice %arg4[%dma_wait3A_185, %dma_wait3A_186] : memref<100352x16xf32, #tpu.memory_space<hbm>> -> memref<100352x16xf32, #tpu.memory_space<hbm>>
    tpu.wait_indirect_dma semaphore(%arg10 : memref<!tpu.dma_semaphore, #tpu.memory_space<semaphore_mem>>) src(%dma_wait3A_187 : memref<100352x16xf32, #tpu.memory_space<hbm>>) dst(%dma_wait3A_181 : memref<128x16xf32, #tpu.memory_space<vmem>>)
    %dma_wait3A_188 = arith.constant 5 : i32
    %dma_wait3A_189 = arith.constant 640 : i32
    %dma_wait3A_190 = arith.constant 0 : i32
    %dma_wait3A_191 = tpu.memref_slice %arg8[%dma_wait3A_189, %dma_wait3A_190] : memref<768x16xf32, #tpu.memory_space<vmem>> -> memref<128x16xf32, #tpu.memory_space<vmem>>
    %dma_wait3A_192 = arith.constant 0 : i32
    %dma_wait3A_193 = tpu.memref_slice %arg6[%dma_wait3A_188, %dma_wait3A_192] : memref<6x128xi32, #tpu.memory_space<vmem>> -> memref<1x128xi32, #tpu.memory_space<vmem>>
    %dma_wait3A_194 = tpu.memref_squeeze %dma_wait3A_193 : memref<1x128xi32, #tpu.memory_space<vmem>> -> memref<128xi32, #tpu.memory_space<vmem>>
    %dma_wait3A_195 = arith.constant 0 : i32
    %dma_wait3A_196 = arith.constant 0 : i32
    %dma_wait3A_197 = tpu.memref_slice %arg4[%dma_wait3A_195, %dma_wait3A_196] : memref<100352x16xf32, #tpu.memory_space<hbm>> -> memref<100352x16xf32, #tpu.memory_space<hbm>>
    tpu.wait_indirect_dma semaphore(%arg10 : memref<!tpu.dma_semaphore, #tpu.memory_space<semaphore_mem>>) src(%dma_wait3A_197 : memref<100352x16xf32, #tpu.memory_space<hbm>>) dst(%dma_wait3A_191 : memref<128x16xf32, #tpu.memory_space<vmem>>)
    %run_scoped3A = arith.constant 0 : i32
    "tpu.region"() ({
      %run_scoped3A_208 = tpu.sem_alloc : memref<!tpu.dma_semaphore, #tpu.memory_space<semaphore_mem>>
      %dma_start3A_209 = arith.constant 0 : i32
      %dma_start3A_210 = arith.constant 0 : i32
      %dma_start3A_211 = tpu.memref_slice %arg8[%dma_start3A_209, %dma_start3A_210] : memref<768x16xf32, #tpu.memory_space<vmem>> -> memref<128x16xf32, #tpu.memory_space<vmem>>
      %dma_start3A_212 = arith.constant 0 : i32
      %dma_start3A_213 = tpu.memref_slice %arg7[%run_scoped3A, %dma_start3A_212] : memref<6x128xi32, #tpu.memory_space<vmem>> -> memref<1x128xi32, #tpu.memory_space<vmem>>
      %dma_start3A_214 = tpu.memref_squeeze %dma_start3A_213 : memref<1x128xi32, #tpu.memory_space<vmem>> -> memref<128xi32, #tpu.memory_space<vmem>>
      %dma_start3A_215 = arith.constant 0 : i32
      %dma_start3A_216 = arith.constant 0 : i32
      %dma_start3A_217 = tpu.memref_slice %arg16[%dma_start3A_215, %dma_start3A_216] : memref<100352x16xf32, #tpu.memory_space<vmem_shared>> -> memref<100352x16xf32, #tpu.memory_space<vmem_shared>>
      tpu.enqueue_indirect_dma source(%dma_start3A_211 : memref<128x16xf32, #tpu.memory_space<vmem>>) target(%dma_start3A_217 : memref<100352x16xf32, #tpu.memory_space<vmem_shared>>) offsets(%dma_start3A_214 : memref<128xi32, #tpu.memory_space<vmem>>) semaphore(%run_scoped3A_208 : memref<!tpu.dma_semaphore, #tpu.memory_space<semaphore_mem>>) {add = true}
      %dma_wait3A_218 = arith.constant 0 : i32
      %dma_wait3A_219 = arith.constant 0 : i32
      %dma_wait3A_220 = tpu.memref_slice %arg8[%dma_wait3A_218, %dma_wait3A_219] : memref<768x16xf32, #tpu.memory_space<vmem>> -> memref<128x16xf32, #tpu.memory_space<vmem>>
      %dma_wait3A_221 = arith.constant 0 : i32
      %dma_wait3A_222 = tpu.memref_slice %arg7[%run_scoped3A, %dma_wait3A_221] : memref<6x128xi32, #tpu.memory_space<vmem>> -> memref<1x128xi32, #tpu.memory_space<vmem>>
      %dma_wait3A_223 = tpu.memref_squeeze %dma_wait3A_222 : memref<1x128xi32, #tpu.memory_space<vmem>> -> memref<128xi32, #tpu.memory_space<vmem>>
      %dma_wait3A_224 = arith.constant 0 : i32
      %dma_wait3A_225 = arith.constant 0 : i32
      %dma_wait3A_226 = tpu.memref_slice %arg16[%dma_wait3A_224, %dma_wait3A_225] : memref<100352x16xf32, #tpu.memory_space<vmem_shared>> -> memref<100352x16xf32, #tpu.memory_space<vmem_shared>>
      tpu.wait_indirect_dma semaphore(%run_scoped3A_208 : memref<!tpu.dma_semaphore, #tpu.memory_space<semaphore_mem>>) src(%dma_wait3A_220 : memref<128x16xf32, #tpu.memory_space<vmem>>) dst(%dma_wait3A_226 : memref<100352x16xf32, #tpu.memory_space<vmem_shared>>)
      tpu.yield
    }) : () -> ()
    %run_scoped3A_198 = arith.constant 1 : i32
    "tpu.region"() ({
      %run_scoped3A_208 = tpu.sem_alloc : memref<!tpu.dma_semaphore, #tpu.memory_space<semaphore_mem>>
      %dma_start3A_209 = arith.constant 128 : i32
      %dma_start3A_210 = arith.constant 0 : i32
      %dma_start3A_211 = tpu.memref_slice %arg8[%dma_start3A_209, %dma_start3A_210] : memref<768x16xf32, #tpu.memory_space<vmem>> -> memref<128x16xf32, #tpu.memory_space<vmem>>
      %dma_start3A_212 = arith.constant 0 : i32
      %dma_start3A_213 = tpu.memref_slice %arg7[%run_scoped3A_198, %dma_start3A_212] : memref<6x128xi32, #tpu.memory_space<vmem>> -> memref<1x128xi32, #tpu.memory_space<vmem>>
      %dma_start3A_214 = tpu.memref_squeeze %dma_start3A_213 : memref<1x128xi32, #tpu.memory_space<vmem>> -> memref<128xi32, #tpu.memory_space<vmem>>
      %dma_start3A_215 = arith.constant 0 : i32
      %dma_start3A_216 = arith.constant 0 : i32
      %dma_start3A_217 = tpu.memref_slice %arg16[%dma_start3A_215, %dma_start3A_216] : memref<100352x16xf32, #tpu.memory_space<vmem_shared>> -> memref<100352x16xf32, #tpu.memory_space<vmem_shared>>
      tpu.enqueue_indirect_dma source(%dma_start3A_211 : memref<128x16xf32, #tpu.memory_space<vmem>>) target(%dma_start3A_217 : memref<100352x16xf32, #tpu.memory_space<vmem_shared>>) offsets(%dma_start3A_214 : memref<128xi32, #tpu.memory_space<vmem>>) semaphore(%run_scoped3A_208 : memref<!tpu.dma_semaphore, #tpu.memory_space<semaphore_mem>>) {add = true}
      %dma_wait3A_218 = arith.constant 128 : i32
      %dma_wait3A_219 = arith.constant 0 : i32
      %dma_wait3A_220 = tpu.memref_slice %arg8[%dma_wait3A_218, %dma_wait3A_219] : memref<768x16xf32, #tpu.memory_space<vmem>> -> memref<128x16xf32, #tpu.memory_space<vmem>>
      %dma_wait3A_221 = arith.constant 0 : i32
      %dma_wait3A_222 = tpu.memref_slice %arg7[%run_scoped3A_198, %dma_wait3A_221] : memref<6x128xi32, #tpu.memory_space<vmem>> -> memref<1x128xi32, #tpu.memory_space<vmem>>
      %dma_wait3A_223 = tpu.memref_squeeze %dma_wait3A_222 : memref<1x128xi32, #tpu.memory_space<vmem>> -> memref<128xi32, #tpu.memory_space<vmem>>
      %dma_wait3A_224 = arith.constant 0 : i32
      %dma_wait3A_225 = arith.constant 0 : i32
      %dma_wait3A_226 = tpu.memref_slice %arg16[%dma_wait3A_224, %dma_wait3A_225] : memref<100352x16xf32, #tpu.memory_space<vmem_shared>> -> memref<100352x16xf32, #tpu.memory_space<vmem_shared>>
      tpu.wait_indirect_dma semaphore(%run_scoped3A_208 : memref<!tpu.dma_semaphore, #tpu.memory_space<semaphore_mem>>) src(%dma_wait3A_220 : memref<128x16xf32, #tpu.memory_space<vmem>>) dst(%dma_wait3A_226 : memref<100352x16xf32, #tpu.memory_space<vmem_shared>>)
      tpu.yield
    }) : () -> ()
    %run_scoped3A_199 = arith.constant 2 : i32
    "tpu.region"() ({
      %run_scoped3A_208 = tpu.sem_alloc : memref<!tpu.dma_semaphore, #tpu.memory_space<semaphore_mem>>
      %dma_start3A_209 = arith.constant 256 : i32
      %dma_start3A_210 = arith.constant 0 : i32
      %dma_start3A_211 = tpu.memref_slice %arg8[%dma_start3A_209, %dma_start3A_210] : memref<768x16xf32, #tpu.memory_space<vmem>> -> memref<128x16xf32, #tpu.memory_space<vmem>>
      %dma_start3A_212 = arith.constant 0 : i32
      %dma_start3A_213 = tpu.memref_slice %arg7[%run_scoped3A_199, %dma_start3A_212] : memref<6x128xi32, #tpu.memory_space<vmem>> -> memref<1x128xi32, #tpu.memory_space<vmem>>
      %dma_start3A_214 = tpu.memref_squeeze %dma_start3A_213 : memref<1x128xi32, #tpu.memory_space<vmem>> -> memref<128xi32, #tpu.memory_space<vmem>>
      %dma_start3A_215 = arith.constant 0 : i32
      %dma_start3A_216 = arith.constant 0 : i32
      %dma_start3A_217 = tpu.memref_slice %arg16[%dma_start3A_215, %dma_start3A_216] : memref<100352x16xf32, #tpu.memory_space<vmem_shared>> -> memref<100352x16xf32, #tpu.memory_space<vmem_shared>>
      tpu.enqueue_indirect_dma source(%dma_start3A_211 : memref<128x16xf32, #tpu.memory_space<vmem>>) target(%dma_start3A_217 : memref<100352x16xf32, #tpu.memory_space<vmem_shared>>) offsets(%dma_start3A_214 : memref<128xi32, #tpu.memory_space<vmem>>) semaphore(%run_scoped3A_208 : memref<!tpu.dma_semaphore, #tpu.memory_space<semaphore_mem>>) {add = true}
      %dma_wait3A_218 = arith.constant 256 : i32
      %dma_wait3A_219 = arith.constant 0 : i32
      %dma_wait3A_220 = tpu.memref_slice %arg8[%dma_wait3A_218, %dma_wait3A_219] : memref<768x16xf32, #tpu.memory_space<vmem>> -> memref<128x16xf32, #tpu.memory_space<vmem>>
      %dma_wait3A_221 = arith.constant 0 : i32
      %dma_wait3A_222 = tpu.memref_slice %arg7[%run_scoped3A_199, %dma_wait3A_221] : memref<6x128xi32, #tpu.memory_space<vmem>> -> memref<1x128xi32, #tpu.memory_space<vmem>>
      %dma_wait3A_223 = tpu.memref_squeeze %dma_wait3A_222 : memref<1x128xi32, #tpu.memory_space<vmem>> -> memref<128xi32, #tpu.memory_space<vmem>>
      %dma_wait3A_224 = arith.constant 0 : i32
      %dma_wait3A_225 = arith.constant 0 : i32
      %dma_wait3A_226 = tpu.memref_slice %arg16[%dma_wait3A_224, %dma_wait3A_225] : memref<100352x16xf32, #tpu.memory_space<vmem_shared>> -> memref<100352x16xf32, #tpu.memory_space<vmem_shared>>
      tpu.wait_indirect_dma semaphore(%run_scoped3A_208 : memref<!tpu.dma_semaphore, #tpu.memory_space<semaphore_mem>>) src(%dma_wait3A_220 : memref<128x16xf32, #tpu.memory_space<vmem>>) dst(%dma_wait3A_226 : memref<100352x16xf32, #tpu.memory_space<vmem_shared>>)
      tpu.yield
    }) : () -> ()
    %run_scoped3A_200 = arith.constant 3 : i32
    "tpu.region"() ({
      %run_scoped3A_208 = tpu.sem_alloc : memref<!tpu.dma_semaphore, #tpu.memory_space<semaphore_mem>>
      %dma_start3A_209 = arith.constant 384 : i32
      %dma_start3A_210 = arith.constant 0 : i32
      %dma_start3A_211 = tpu.memref_slice %arg8[%dma_start3A_209, %dma_start3A_210] : memref<768x16xf32, #tpu.memory_space<vmem>> -> memref<128x16xf32, #tpu.memory_space<vmem>>
      %dma_start3A_212 = arith.constant 0 : i32
      %dma_start3A_213 = tpu.memref_slice %arg7[%run_scoped3A_200, %dma_start3A_212] : memref<6x128xi32, #tpu.memory_space<vmem>> -> memref<1x128xi32, #tpu.memory_space<vmem>>
      %dma_start3A_214 = tpu.memref_squeeze %dma_start3A_213 : memref<1x128xi32, #tpu.memory_space<vmem>> -> memref<128xi32, #tpu.memory_space<vmem>>
      %dma_start3A_215 = arith.constant 0 : i32
      %dma_start3A_216 = arith.constant 0 : i32
      %dma_start3A_217 = tpu.memref_slice %arg16[%dma_start3A_215, %dma_start3A_216] : memref<100352x16xf32, #tpu.memory_space<vmem_shared>> -> memref<100352x16xf32, #tpu.memory_space<vmem_shared>>
      tpu.enqueue_indirect_dma source(%dma_start3A_211 : memref<128x16xf32, #tpu.memory_space<vmem>>) target(%dma_start3A_217 : memref<100352x16xf32, #tpu.memory_space<vmem_shared>>) offsets(%dma_start3A_214 : memref<128xi32, #tpu.memory_space<vmem>>) semaphore(%run_scoped3A_208 : memref<!tpu.dma_semaphore, #tpu.memory_space<semaphore_mem>>) {add = true}
      %dma_wait3A_218 = arith.constant 384 : i32
      %dma_wait3A_219 = arith.constant 0 : i32
      %dma_wait3A_220 = tpu.memref_slice %arg8[%dma_wait3A_218, %dma_wait3A_219] : memref<768x16xf32, #tpu.memory_space<vmem>> -> memref<128x16xf32, #tpu.memory_space<vmem>>
      %dma_wait3A_221 = arith.constant 0 : i32
      %dma_wait3A_222 = tpu.memref_slice %arg7[%run_scoped3A_200, %dma_wait3A_221] : memref<6x128xi32, #tpu.memory_space<vmem>> -> memref<1x128xi32, #tpu.memory_space<vmem>>
      %dma_wait3A_223 = tpu.memref_squeeze %dma_wait3A_222 : memref<1x128xi32, #tpu.memory_space<vmem>> -> memref<128xi32, #tpu.memory_space<vmem>>
      %dma_wait3A_224 = arith.constant 0 : i32
      %dma_wait3A_225 = arith.constant 0 : i32
      %dma_wait3A_226 = tpu.memref_slice %arg16[%dma_wait3A_224, %dma_wait3A_225] : memref<100352x16xf32, #tpu.memory_space<vmem_shared>> -> memref<100352x16xf32, #tpu.memory_space<vmem_shared>>
      tpu.wait_indirect_dma semaphore(%run_scoped3A_208 : memref<!tpu.dma_semaphore, #tpu.memory_space<semaphore_mem>>) src(%dma_wait3A_220 : memref<128x16xf32, #tpu.memory_space<vmem>>) dst(%dma_wait3A_226 : memref<100352x16xf32, #tpu.memory_space<vmem_shared>>)
      tpu.yield
    }) : () -> ()
    %run_scoped3A_201 = arith.constant 4 : i32
    "tpu.region"() ({
      %run_scoped3A_208 = tpu.sem_alloc : memref<!tpu.dma_semaphore, #tpu.memory_space<semaphore_mem>>
      %dma_start3A_209 = arith.constant 512 : i32
      %dma_start3A_210 = arith.constant 0 : i32
      %dma_start3A_211 = tpu.memref_slice %arg8[%dma_start3A_209, %dma_start3A_210] : memref<768x16xf32, #tpu.memory_space<vmem>> -> memref<128x16xf32, #tpu.memory_space<vmem>>
      %dma_start3A_212 = arith.constant 0 : i32
      %dma_start3A_213 = tpu.memref_slice %arg7[%run_scoped3A_201, %dma_start3A_212] : memref<6x128xi32, #tpu.memory_space<vmem>> -> memref<1x128xi32, #tpu.memory_space<vmem>>
      %dma_start3A_214 = tpu.memref_squeeze %dma_start3A_213 : memref<1x128xi32, #tpu.memory_space<vmem>> -> memref<128xi32, #tpu.memory_space<vmem>>
      %dma_start3A_215 = arith.constant 0 : i32
      %dma_start3A_216 = arith.constant 0 : i32
      %dma_start3A_217 = tpu.memref_slice %arg16[%dma_start3A_215, %dma_start3A_216] : memref<100352x16xf32, #tpu.memory_space<vmem_shared>> -> memref<100352x16xf32, #tpu.memory_space<vmem_shared>>
      tpu.enqueue_indirect_dma source(%dma_start3A_211 : memref<128x16xf32, #tpu.memory_space<vmem>>) target(%dma_start3A_217 : memref<100352x16xf32, #tpu.memory_space<vmem_shared>>) offsets(%dma_start3A_214 : memref<128xi32, #tpu.memory_space<vmem>>) semaphore(%run_scoped3A_208 : memref<!tpu.dma_semaphore, #tpu.memory_space<semaphore_mem>>) {add = true}
      %dma_wait3A_218 = arith.constant 512 : i32
      %dma_wait3A_219 = arith.constant 0 : i32
      %dma_wait3A_220 = tpu.memref_slice %arg8[%dma_wait3A_218, %dma_wait3A_219] : memref<768x16xf32, #tpu.memory_space<vmem>> -> memref<128x16xf32, #tpu.memory_space<vmem>>
      %dma_wait3A_221 = arith.constant 0 : i32
      %dma_wait3A_222 = tpu.memref_slice %arg7[%run_scoped3A_201, %dma_wait3A_221] : memref<6x128xi32, #tpu.memory_space<vmem>> -> memref<1x128xi32, #tpu.memory_space<vmem>>
      %dma_wait3A_223 = tpu.memref_squeeze %dma_wait3A_222 : memref<1x128xi32, #tpu.memory_space<vmem>> -> memref<128xi32, #tpu.memory_space<vmem>>
      %dma_wait3A_224 = arith.constant 0 : i32
      %dma_wait3A_225 = arith.constant 0 : i32
      %dma_wait3A_226 = tpu.memref_slice %arg16[%dma_wait3A_224, %dma_wait3A_225] : memref<100352x16xf32, #tpu.memory_space<vmem_shared>> -> memref<100352x16xf32, #tpu.memory_space<vmem_shared>>
      tpu.wait_indirect_dma semaphore(%run_scoped3A_208 : memref<!tpu.dma_semaphore, #tpu.memory_space<semaphore_mem>>) src(%dma_wait3A_220 : memref<128x16xf32, #tpu.memory_space<vmem>>) dst(%dma_wait3A_226 : memref<100352x16xf32, #tpu.memory_space<vmem_shared>>)
      tpu.yield
    }) : () -> ()
    %run_scoped3A_202 = arith.constant 5 : i32
    "tpu.region"() ({
      %run_scoped3A_208 = tpu.sem_alloc : memref<!tpu.dma_semaphore, #tpu.memory_space<semaphore_mem>>
      %dma_start3A_209 = arith.constant 640 : i32
      %dma_start3A_210 = arith.constant 0 : i32
      %dma_start3A_211 = tpu.memref_slice %arg8[%dma_start3A_209, %dma_start3A_210] : memref<768x16xf32, #tpu.memory_space<vmem>> -> memref<128x16xf32, #tpu.memory_space<vmem>>
      %dma_start3A_212 = arith.constant 0 : i32
      %dma_start3A_213 = tpu.memref_slice %arg7[%run_scoped3A_202, %dma_start3A_212] : memref<6x128xi32, #tpu.memory_space<vmem>> -> memref<1x128xi32, #tpu.memory_space<vmem>>
      %dma_start3A_214 = tpu.memref_squeeze %dma_start3A_213 : memref<1x128xi32, #tpu.memory_space<vmem>> -> memref<128xi32, #tpu.memory_space<vmem>>
      %dma_start3A_215 = arith.constant 0 : i32
      %dma_start3A_216 = arith.constant 0 : i32
      %dma_start3A_217 = tpu.memref_slice %arg16[%dma_start3A_215, %dma_start3A_216] : memref<100352x16xf32, #tpu.memory_space<vmem_shared>> -> memref<100352x16xf32, #tpu.memory_space<vmem_shared>>
      tpu.enqueue_indirect_dma source(%dma_start3A_211 : memref<128x16xf32, #tpu.memory_space<vmem>>) target(%dma_start3A_217 : memref<100352x16xf32, #tpu.memory_space<vmem_shared>>) offsets(%dma_start3A_214 : memref<128xi32, #tpu.memory_space<vmem>>) semaphore(%run_scoped3A_208 : memref<!tpu.dma_semaphore, #tpu.memory_space<semaphore_mem>>) {add = true}
      %dma_wait3A_218 = arith.constant 640 : i32
      %dma_wait3A_219 = arith.constant 0 : i32
      %dma_wait3A_220 = tpu.memref_slice %arg8[%dma_wait3A_218, %dma_wait3A_219] : memref<768x16xf32, #tpu.memory_space<vmem>> -> memref<128x16xf32, #tpu.memory_space<vmem>>
      %dma_wait3A_221 = arith.constant 0 : i32
      %dma_wait3A_222 = tpu.memref_slice %arg7[%run_scoped3A_202, %dma_wait3A_221] : memref<6x128xi32, #tpu.memory_space<vmem>> -> memref<1x128xi32, #tpu.memory_space<vmem>>
      %dma_wait3A_223 = tpu.memref_squeeze %dma_wait3A_222 : memref<1x128xi32, #tpu.memory_space<vmem>> -> memref<128xi32, #tpu.memory_space<vmem>>
      %dma_wait3A_224 = arith.constant 0 : i32
      %dma_wait3A_225 = arith.constant 0 : i32
      %dma_wait3A_226 = tpu.memref_slice %arg16[%dma_wait3A_224, %dma_wait3A_225] : memref<100352x16xf32, #tpu.memory_space<vmem_shared>> -> memref<100352x16xf32, #tpu.memory_space<vmem_shared>>
      tpu.wait_indirect_dma semaphore(%run_scoped3A_208 : memref<!tpu.dma_semaphore, #tpu.memory_space<semaphore_mem>>) src(%dma_wait3A_220 : memref<128x16xf32, #tpu.memory_space<vmem>>) dst(%dma_wait3A_226 : memref<100352x16xf32, #tpu.memory_space<vmem_shared>>)
      tpu.yield
    }) : () -> ()
    %barrier3A_203 = arith.constant 0 : index
    tpu.barrier barrier_id(%barrier3A_203)
    %mul3A_204 = arith.constant 6272 : i32
    %mul3A_205 = arith.muli %arg1, %mul3A_204 : i32
    %mul3A_206 = arith.constant 6272 : i32
    %mul3A_207 = arith.muli %arg1, %mul3A_206 : i32
    "tpu.region"() ({
      %run_scoped3A_208 = tpu.sem_alloc : memref<!tpu.dma_semaphore, #tpu.memory_space<semaphore_mem>>
      %dma_start3A_209 = arith.constant 0 : i32
      %dma_start3A_210 = tpu.memref_slice %arg5[%arg0, %mul3A_207, %dma_start3A_209] : memref<2x100352x16xf32, #tpu.memory_space<hbm>> -> memref<1x6272x16xf32, #tpu.memory_space<hbm>>
      %dma_start3A_211 = tpu.memref_squeeze %dma_start3A_210 : memref<1x6272x16xf32, #tpu.memory_space<hbm>> -> memref<6272x16xf32, #tpu.memory_space<hbm>>
      %dma_start3A_212 = arith.constant 0 : i32
      %dma_start3A_213 = tpu.memref_slice %arg16[%mul3A_205, %dma_start3A_212] : memref<100352x16xf32, #tpu.memory_space<vmem_shared>> -> memref<6272x16xf32, #tpu.memory_space<vmem_shared>>
      tpu.enqueue_dma source(%dma_start3A_213 : memref<6272x16xf32, #tpu.memory_space<vmem_shared>>) target(%dma_start3A_211 : memref<6272x16xf32, #tpu.memory_space<hbm>>) target_semaphore(%run_scoped3A_208 : memref<!tpu.dma_semaphore, #tpu.memory_space<semaphore_mem>>)
      %dma_wait3A_214 = arith.constant 0 : i32
      %dma_wait3A_215 = tpu.memref_slice %arg5[%arg0, %mul3A_207, %dma_wait3A_214] : memref<2x100352x16xf32, #tpu.memory_space<hbm>> -> memref<1x6272x16xf32, #tpu.memory_space<hbm>>
      %dma_wait3A_216 = tpu.memref_squeeze %dma_wait3A_215 : memref<1x6272x16xf32, #tpu.memory_space<hbm>> -> memref<6272x16xf32, #tpu.memory_space<hbm>>
      %dma_wait3A_217 = arith.constant 0 : i32
      %dma_wait3A_218 = tpu.memref_slice %arg16[%mul3A_205, %dma_wait3A_217] : memref<100352x16xf32, #tpu.memory_space<vmem_shared>> -> memref<6272x16xf32, #tpu.memory_space<vmem_shared>>
      tpu.wait_dma2 semaphore(%run_scoped3A_208 : memref<!tpu.dma_semaphore, #tpu.memory_space<semaphore_mem>>) src(%dma_wait3A_218 : memref<6272x16xf32, #tpu.memory_space<vmem_shared>>) dst(%dma_wait3A_216 : memref<6272x16xf32, #tpu.memory_space<hbm>>)
      tpu.yield
    }) : () -> ()
    return
  }
}

#map = affine_map<(d0, d1) -> (0, 0)>
#map1 = affine_map<(d0, d1) -> (0, 0, 0)>
module attributes {stable_mosaic.version = 14 : i64} {
  func.func @body(%arg0: i32, %arg1: i32, %arg2: memref<25152x128xi32, #tpu.memory_space<hbm>>, %arg3: memref<25152x128xi32, #tpu.memory_space<hbm>>, %arg4: memref<100352x16xf32, #tpu.memory_space<hbm>>, %arg5: memref<2x100352x16xf32, #tpu.memory_space<hbm>>, %arg6: memref<6x128xi32, #tpu.memory_space<vmem>>, %arg7: memref<6x128xi32, #tpu.memory_space<vmem>>, %arg8: memref<768x16xf32, #tpu.memory_space<vmem>>, %arg9: memref<!tpu.dma_semaphore, #tpu.memory_space<semaphore_mem>>, %arg10: memref<!tpu.dma_semaphore, #tpu.memory_space<semaphore_mem>>, %arg11: memref<6x128xi32, #tpu.memory_space<vmem>>, %arg12: memref<6x128xi32, #tpu.memory_space<vmem>>, %arg13: memref<768x16xf32, #tpu.memory_space<vmem>>, %arg14: memref<!tpu.dma_semaphore, #tpu.memory_space<semaphore_mem>>, %arg15: memref<!tpu.dma_semaphore, #tpu.memory_space<semaphore_mem>>, %arg16: memref<100352x16xf32, #tpu.memory_space<vmem_shared>>) attributes {dimension_semantics = [#tpu.dimension_semantics<core_parallel>, #tpu.dimension_semantics<subcore_parallel>], iteration_bounds = array<i64: 2, 16>, scalar_prefetch = 0 : i64, scratch_operands = 11 : i64, tpu.core_type = #tpu.core_type<sc_vector_subcore>, window_params = [{transform_indices = #map}, {transform_indices = #map}, {transform_indices = #map}, {transform_indices = #map1}]} {
    %mul3A = arith.constant 16 : i32
    %mul3A_0 = arith.muli %arg0, %mul3A : i32
    %add3A = arith.addi %mul3A_0, %arg1 : i32
    %mul3A_1 = arith.constant 786 : i32
    %mul3A_2 = arith.muli %add3A, %mul3A_1 : i32
    %scan3A = arith.constant 0 : i32
    %scan3A_3 = arith.constant 0 : i32
    %scan3A_4 = arith.constant 768 : i32
    %scan3A_5 = arith.addi %scan3A_3, %scan3A_4 : i32
    %scan3A_6 = arith.constant 1 : i32
    scf.for %scan3A_208 = %scan3A_3 to %scan3A_5 step %scan3A_6  : i32 {
      %broadcast_in_dim3A = arith.constant 0.000000e+00 : f32
      %broadcast_in_dim3A_209 = vector.broadcast %broadcast_in_dim3A : f32 to vector<16xf32>
      %swap3A = arith.index_cast %scan3A_208 : i32 to index
      %swap3A_210 = arith.constant 0 : index
      %swap3A_211 = tpu.vector_load %arg8[%swap3A, %swap3A_210] {strides = array<i32>} : memref<768x16xf32, #tpu.memory_space<vmem>>, vector<1x16xf32>,
      %swap3A_212 = vector.shape_cast %swap3A_211 : vector<1x16xf32> to vector<16xf32>
      %swap3A_213 = vector.shape_cast %broadcast_in_dim3A_209 : vector<16xf32> to vector<1x16xf32>
      tpu.vector_store %arg8[%swap3A, %swap3A_210], %swap3A_213 {strides = array<i32>} : memref<768x16xf32, #tpu.memory_space<vmem>>, vector<1x16xf32>,
    }
    %scan3A_7 = arith.constant 768 : i32
    %mul3A_8 = arith.constant 6272 : i32
    %mul3A_9 = arith.muli %arg1, %mul3A_8 : i32
    %add3A_10 = arith.constant 0 : i32
    %add3A_11 = arith.addi %mul3A_9, %add3A_10 : i32
    "tpu.region"() ({
      %run_scoped3A_208 = tpu.sem_alloc : memref<!tpu.dma_semaphore, #tpu.memory_space<semaphore_mem>>
      %dma_start3A_209 = arith.constant 0 : i32
      %dma_start3A_210 = tpu.memref_slice %arg16[%add3A_11, %dma_start3A_209] : memref<100352x16xf32, #tpu.memory_space<vmem_shared>> -> memref<768x16xf32, #tpu.memory_space<vmem_shared>>
      %dma_start3A_211 = arith.constant 0 : i32
      %dma_start3A_212 = tpu.memref_slice %arg16[%add3A_11, %dma_start3A_211] : memref<100352x16xf32, #tpu.memory_space<vmem_shared>> -> memref<768x16xf32, #tpu.memory_space<vmem_shared>>
      tpu.enqueue_dma source(%arg8 : memref<768x16xf32, #tpu.memory_space<vmem>>) target(%dma_start3A_212 : memref<768x16xf32, #tpu.memory_space<vmem_shared>>) target_semaphore(%run_scoped3A_208 : memref<!tpu.dma_semaphore, #tpu.memory_space<semaphore_mem>>)
      %dma_wait3A_213 = arith.constant 0 : i32
      %dma_wait3A_214 = tpu.memref_slice %arg16[%add3A_11, %dma_wait3A_213] : memref<100352x16xf32, #tpu.memory_space<vmem_shared>> -> memref<768x16xf32, #tpu.memory_space<vmem_shared>>
      %dma_wait3A_215 = arith.constant 0 : i32
      %dma_wait3A_216 = tpu.memref_slice %arg16[%add3A_11, %dma_wait3A_215] : memref<100352x16xf32, #tpu.memory_space<vmem_shared>> -> memref<768x16xf32, #tpu.memory_space<vmem_shared>>
      tpu.wait_dma2 semaphore(%run_scoped3A_208 : memref<!tpu.dma_semaphore, #tpu.memory_space<semaphore_mem>>) src(%arg8 : memref<768x16xf32, #tpu.memory_space<vmem>>) dst(%dma_wait3A_216 : memref<768x16xf32, #tpu.memory_space<vmem_shared>>)
      tpu.yield
    }) : () -> ()
    %mul3A_12 = arith.constant 6272 : i32
    %mul3A_13 = arith.muli %arg1, %mul3A_12 : i32
    %add3A_14 = arith.constant 768 : i32
    %add3A_15 = arith.addi %mul3A_13, %add3A_14 : i32
    "tpu.region"() ({
      %run_scoped3A_208 = tpu.sem_alloc : memref<!tpu.dma_semaphore, #tpu.memory_space<semaphore_mem>>
      %dma_start3A_209 = arith.constant 0 : i32
      %dma_start3A_210 = tpu.memref_slice %arg16[%add3A_15, %dma_start3A_209] : memref<100352x16xf32, #tpu.memory_space<vmem_shared>> -> memref<768x16xf32, #tpu.memory_space<vmem_shared>>
      %dma_start3A_211 = arith.constant 0 : i32
      %dma_start3A_212 = tpu.memref_slice %arg16[%add3A_15, %dma_start3A_211] : memref<100352x16xf32, #tpu.memory_space<vmem_shared>> -> memref<768x16xf32, #tpu.memory_space<vmem_shared>>
      tpu.enqueue_dma source(%arg8 : memref<768x16xf32, #tpu.memory_space<vmem>>) target(%dma_start3A_212 : memref<768x16xf32, #tpu.memory_space<vmem_shared>>) target_semaphore(%run_scoped3A_208 : memref<!tpu.dma_semaphore, #tpu.memory_space<semaphore_mem>>)
      %dma_wait3A_213 = arith.constant 0 : i32
      %dma_wait3A_214 = tpu.memref_slice %arg16[%add3A_15, %dma_wait3A_213] : memref<100352x16xf32, #tpu.memory_space<vmem_shared>> -> memref<768x16xf32, #tpu.memory_space<vmem_shared>>
      %dma_wait3A_215 = arith.constant 0 : i32
      %dma_wait3A_216 = tpu.memref_slice %arg16[%add3A_15, %dma_wait3A_215] : memref<100352x16xf32, #tpu.memory_space<vmem_shared>> -> memref<768x16xf32, #tpu.memory_space<vmem_shared>>
      tpu.wait_dma2 semaphore(%run_scoped3A_208 : memref<!tpu.dma_semaphore, #tpu.memory_space<semaphore_mem>>) src(%arg8 : memref<768x16xf32, #tpu.memory_space<vmem>>) dst(%dma_wait3A_216 : memref<768x16xf32, #tpu.memory_space<vmem_shared>>)
      tpu.yield
    }) : () -> ()
    %mul3A_16 = arith.constant 6272 : i32
    %mul3A_17 = arith.muli %arg1, %mul3A_16 : i32
    %add3A_18 = arith.constant 1536 : i32
    %add3A_19 = arith.addi %mul3A_17, %add3A_18 : i32
    "tpu.region"() ({
      %run_scoped3A_208 = tpu.sem_alloc : memref<!tpu.dma_semaphore, #tpu.memory_space<semaphore_mem>>
      %dma_start3A_209 = arith.constant 0 : i32
      %dma_start3A_210 = tpu.memref_slice %arg16[%add3A_19, %dma_start3A_209] : memref<100352x16xf32, #tpu.memory_space<vmem_shared>> -> memref<768x16xf32, #tpu.memory_space<vmem_shared>>
      %dma_start3A_211 = arith.constant 0 : i32
      %dma_start3A_212 = tpu.memref_slice %arg16[%add3A_19, %dma_start3A_211] : memref<100352x16xf32, #tpu.memory_space<vmem_shared>> -> memref<768x16xf32, #tpu.memory_space<vmem_shared>>
      tpu.enqueue_dma source(%arg8 : memref<768x16xf32, #tpu.memory_space<vmem>>) target(%dma_start3A_212 : memref<768x16xf32, #tpu.memory_space<vmem_shared>>) target_semaphore(%run_scoped3A_208 : memref<!tpu.dma_semaphore, #tpu.memory_space<semaphore_mem>>)
      %dma_wait3A_213 = arith.constant 0 : i32
      %dma_wait3A_214 = tpu.memref_slice %arg16[%add3A_19, %dma_wait3A_213] : memref<100352x16xf32, #tpu.memory_space<vmem_shared>> -> memref<768x16xf32, #tpu.memory_space<vmem_shared>>
      %dma_wait3A_215 = arith.constant 0 : i32
      %dma_wait3A_216 = tpu.memref_slice %arg16[%add3A_19, %dma_wait3A_215] : memref<100352x16xf32, #tpu.memory_space<vmem_shared>> -> memref<768x16xf32, #tpu.memory_space<vmem_shared>>
      tpu.wait_dma2 semaphore(%run_scoped3A_208 : memref<!tpu.dma_semaphore, #tpu.memory_space<semaphore_mem>>) src(%arg8 : memref<768x16xf32, #tpu.memory_space<vmem>>) dst(%dma_wait3A_216 : memref<768x16xf32, #tpu.memory_space<vmem_shared>>)
      tpu.yield
    }) : () -> ()
    %mul3A_20 = arith.constant 6272 : i32
    %mul3A_21 = arith.muli %arg1, %mul3A_20 : i32
    %add3A_22 = arith.constant 2304 : i32
    %add3A_23 = arith.addi %mul3A_21, %add3A_22 : i32
    "tpu.region"() ({
      %run_scoped3A_208 = tpu.sem_alloc : memref<!tpu.dma_semaphore, #tpu.memory_space<semaphore_mem>>
      %dma_start3A_209 = arith.constant 0 : i32
      %dma_start3A_210 = tpu.memref_slice %arg16[%add3A_23, %dma_start3A_209] : memref<100352x16xf32, #tpu.memory_space<vmem_shared>> -> memref<768x16xf32, #tpu.memory_space<vmem_shared>>
      %dma_start3A_211 = arith.constant 0 : i32
      %dma_start3A_212 = tpu.memref_slice %arg16[%add3A_23, %dma_start3A_211] : memref<100352x16xf32, #tpu.memory_space<vmem_shared>> -> memref<768x16xf32, #tpu.memory_space<vmem_shared>>
      tpu.enqueue_dma source(%arg8 : memref<768x16xf32, #tpu.memory_space<vmem>>) target(%dma_start3A_212 : memref<768x16xf32, #tpu.memory_space<vmem_shared>>) target_semaphore(%run_scoped3A_208 : memref<!tpu.dma_semaphore, #tpu.memory_space<semaphore_mem>>)
      %dma_wait3A_213 = arith.constant 0 : i32
      %dma_wait3A_214 = tpu.memref_slice %arg16[%add3A_23, %dma_wait3A_213] : memref<100352x16xf32, #tpu.memory_space<vmem_shared>> -> memref<768x16xf32, #tpu.memory_space<vmem_shared>>
      %dma_wait3A_215 = arith.constant 0 : i32
      %dma_wait3A_216 = tpu.memref_slice %arg16[%add3A_23, %dma_wait3A_215] : memref<100352x16xf32, #tpu.memory_space<vmem_shared>> -> memref<768x16xf32, #tpu.memory_space<vmem_shared>>
      tpu.wait_dma2 semaphore(%run_scoped3A_208 : memref<!tpu.dma_semaphore, #tpu.memory_space<semaphore_mem>>) src(%arg8 : memref<768x16xf32, #tpu.memory_space<vmem>>) dst(%dma_wait3A_216 : memref<768x16xf32, #tpu.memory_space<vmem_shared>>)
      tpu.yield
    }) : () -> ()
    %mul3A_24 = arith.constant 6272 : i32
    %mul3A_25 = arith.muli %arg1, %mul3A_24 : i32
    %add3A_26 = arith.constant 3072 : i32
    %add3A_27 = arith.addi %mul3A_25, %add3A_26 : i32
    "tpu.region"() ({
      %run_scoped3A_208 = tpu.sem_alloc : memref<!tpu.dma_semaphore, #tpu.memory_space<semaphore_mem>>
      %dma_start3A_209 = arith.constant 0 : i32
      %dma_start3A_210 = tpu.memref_slice %arg16[%add3A_27, %dma_start3A_209] : memref<100352x16xf32, #tpu.memory_space<vmem_shared>> -> memref<768x16xf32, #tpu.memory_space<vmem_shared>>
      %dma_start3A_211 = arith.constant 0 : i32
      %dma_start3A_212 = tpu.memref_slice %arg16[%add3A_27, %dma_start3A_211] : memref<100352x16xf32, #tpu.memory_space<vmem_shared>> -> memref<768x16xf32, #tpu.memory_space<vmem_shared>>
      tpu.enqueue_dma source(%arg8 : memref<768x16xf32, #tpu.memory_space<vmem>>) target(%dma_start3A_212 : memref<768x16xf32, #tpu.memory_space<vmem_shared>>) target_semaphore(%run_scoped3A_208 : memref<!tpu.dma_semaphore, #tpu.memory_space<semaphore_mem>>)
      %dma_wait3A_213 = arith.constant 0 : i32
      %dma_wait3A_214 = tpu.memref_slice %arg16[%add3A_27, %dma_wait3A_213] : memref<100352x16xf32, #tpu.memory_space<vmem_shared>> -> memref<768x16xf32, #tpu.memory_space<vmem_shared>>
      %dma_wait3A_215 = arith.constant 0 : i32
      %dma_wait3A_216 = tpu.memref_slice %arg16[%add3A_27, %dma_wait3A_215] : memref<100352x16xf32, #tpu.memory_space<vmem_shared>> -> memref<768x16xf32, #tpu.memory_space<vmem_shared>>
      tpu.wait_dma2 semaphore(%run_scoped3A_208 : memref<!tpu.dma_semaphore, #tpu.memory_space<semaphore_mem>>) src(%arg8 : memref<768x16xf32, #tpu.memory_space<vmem>>) dst(%dma_wait3A_216 : memref<768x16xf32, #tpu.memory_space<vmem_shared>>)
      tpu.yield
    }) : () -> ()
    %mul3A_28 = arith.constant 6272 : i32
    %mul3A_29 = arith.muli %arg1, %mul3A_28 : i32
    %add3A_30 = arith.constant 3840 : i32
    %add3A_31 = arith.addi %mul3A_29, %add3A_30 : i32
    "tpu.region"() ({
      %run_scoped3A_208 = tpu.sem_alloc : memref<!tpu.dma_semaphore, #tpu.memory_space<semaphore_mem>>
      %dma_start3A_209 = arith.constant 0 : i32
      %dma_start3A_210 = tpu.memref_slice %arg16[%add3A_31, %dma_start3A_209] : memref<100352x16xf32, #tpu.memory_space<vmem_shared>> -> memref<768x16xf32, #tpu.memory_space<vmem_shared>>
      %dma_start3A_211 = arith.constant 0 : i32
      %dma_start3A_212 = tpu.memref_slice %arg16[%add3A_31, %dma_start3A_211] : memref<100352x16xf32, #tpu.memory_space<vmem_shared>> -> memref<768x16xf32, #tpu.memory_space<vmem_shared>>
      tpu.enqueue_dma source(%arg8 : memref<768x16xf32, #tpu.memory_space<vmem>>) target(%dma_start3A_212 : memref<768x16xf32, #tpu.memory_space<vmem_shared>>) target_semaphore(%run_scoped3A_208 : memref<!tpu.dma_semaphore, #tpu.memory_space<semaphore_mem>>)
      %dma_wait3A_213 = arith.constant 0 : i32
      %dma_wait3A_214 = tpu.memref_slice %arg16[%add3A_31, %dma_wait3A_213] : memref<100352x16xf32, #tpu.memory_space<vmem_shared>> -> memref<768x16xf32, #tpu.memory_space<vmem_shared>>
      %dma_wait3A_215 = arith.constant 0 : i32
      %dma_wait3A_216 = tpu.memref_slice %arg16[%add3A_31, %dma_wait3A_215] : memref<100352x16xf32, #tpu.memory_space<vmem_shared>> -> memref<768x16xf32, #tpu.memory_space<vmem_shared>>
      tpu.wait_dma2 semaphore(%run_scoped3A_208 : memref<!tpu.dma_semaphore, #tpu.memory_space<semaphore_mem>>) src(%arg8 : memref<768x16xf32, #tpu.memory_space<vmem>>) dst(%dma_wait3A_216 : memref<768x16xf32, #tpu.memory_space<vmem_shared>>)
      tpu.yield
    }) : () -> ()
    %mul3A_32 = arith.constant 6272 : i32
    %mul3A_33 = arith.muli %arg1, %mul3A_32 : i32
    %add3A_34 = arith.constant 4608 : i32
    %add3A_35 = arith.addi %mul3A_33, %add3A_34 : i32
    "tpu.region"() ({
      %run_scoped3A_208 = tpu.sem_alloc : memref<!tpu.dma_semaphore, #tpu.memory_space<semaphore_mem>>
      %dma_start3A_209 = arith.constant 0 : i32
      %dma_start3A_210 = tpu.memref_slice %arg16[%add3A_35, %dma_start3A_209] : memref<100352x16xf32, #tpu.memory_space<vmem_shared>> -> memref<768x16xf32, #tpu.memory_space<vmem_shared>>
      %dma_start3A_211 = arith.constant 0 : i32
      %dma_start3A_212 = tpu.memref_slice %arg16[%add3A_35, %dma_start3A_211] : memref<100352x16xf32, #tpu.memory_space<vmem_shared>> -> memref<768x16xf32, #tpu.memory_space<vmem_shared>>
      tpu.enqueue_dma source(%arg8 : memref<768x16xf32, #tpu.memory_space<vmem>>) target(%dma_start3A_212 : memref<768x16xf32, #tpu.memory_space<vmem_shared>>) target_semaphore(%run_scoped3A_208 : memref<!tpu.dma_semaphore, #tpu.memory_space<semaphore_mem>>)
      %dma_wait3A_213 = arith.constant 0 : i32
      %dma_wait3A_214 = tpu.memref_slice %arg16[%add3A_35, %dma_wait3A_213] : memref<100352x16xf32, #tpu.memory_space<vmem_shared>> -> memref<768x16xf32, #tpu.memory_space<vmem_shared>>
      %dma_wait3A_215 = arith.constant 0 : i32
      %dma_wait3A_216 = tpu.memref_slice %arg16[%add3A_35, %dma_wait3A_215] : memref<100352x16xf32, #tpu.memory_space<vmem_shared>> -> memref<768x16xf32, #tpu.memory_space<vmem_shared>>
      tpu.wait_dma2 semaphore(%run_scoped3A_208 : memref<!tpu.dma_semaphore, #tpu.memory_space<semaphore_mem>>) src(%arg8 : memref<768x16xf32, #tpu.memory_space<vmem>>) dst(%dma_wait3A_216 : memref<768x16xf32, #tpu.memory_space<vmem_shared>>)
      tpu.yield
    }) : () -> ()
    %mul3A_36 = arith.constant 6272 : i32
    %mul3A_37 = arith.muli %arg1, %mul3A_36 : i32
    %add3A_38 = arith.constant 5376 : i32
    %add3A_39 = arith.addi %mul3A_37, %add3A_38 : i32
    "tpu.region"() ({
      %run_scoped3A_208 = tpu.sem_alloc : memref<!tpu.dma_semaphore, #tpu.memory_space<semaphore_mem>>
      %dma_start3A_209 = arith.constant 0 : i32
      %dma_start3A_210 = tpu.memref_slice %arg16[%add3A_39, %dma_start3A_209] : memref<100352x16xf32, #tpu.memory_space<vmem_shared>> -> memref<768x16xf32, #tpu.memory_space<vmem_shared>>
      %dma_start3A_211 = arith.constant 0 : i32
      %dma_start3A_212 = tpu.memref_slice %arg16[%add3A_39, %dma_start3A_211] : memref<100352x16xf32, #tpu.memory_space<vmem_shared>> -> memref<768x16xf32, #tpu.memory_space<vmem_shared>>
      tpu.enqueue_dma source(%arg8 : memref<768x16xf32, #tpu.memory_space<vmem>>) target(%dma_start3A_212 : memref<768x16xf32, #tpu.memory_space<vmem_shared>>) target_semaphore(%run_scoped3A_208 : memref<!tpu.dma_semaphore, #tpu.memory_space<semaphore_mem>>)
      %dma_wait3A_213 = arith.constant 0 : i32
      %dma_wait3A_214 = tpu.memref_slice %arg16[%add3A_39, %dma_wait3A_213] : memref<100352x16xf32, #tpu.memory_space<vmem_shared>> -> memref<768x16xf32, #tpu.memory_space<vmem_shared>>
      %dma_wait3A_215 = arith.constant 0 : i32
      %dma_wait3A_216 = tpu.memref_slice %arg16[%add3A_39, %dma_wait3A_215] : memref<100352x16xf32, #tpu.memory_space<vmem_shared>> -> memref<768x16xf32, #tpu.memory_space<vmem_shared>>
      tpu.wait_dma2 semaphore(%run_scoped3A_208 : memref<!tpu.dma_semaphore, #tpu.memory_space<semaphore_mem>>) src(%arg8 : memref<768x16xf32, #tpu.memory_space<vmem>>) dst(%dma_wait3A_216 : memref<768x16xf32, #tpu.memory_space<vmem_shared>>)
      tpu.yield
    }) : () -> ()
    %mul3A_40 = arith.constant 6272 : i32
    %mul3A_41 = arith.muli %arg1, %mul3A_40 : i32
    %add3A_42 = arith.constant 6144 : i32
    %add3A_43 = arith.addi %mul3A_41, %add3A_42 : i32
    "tpu.region"() ({
      %run_scoped3A_208 = tpu.sem_alloc : memref<!tpu.dma_semaphore, #tpu.memory_space<semaphore_mem>>
      %dma_start3A_209 = arith.constant 0 : i32
      %dma_start3A_210 = arith.constant 0 : i32
      %dma_start3A_211 = tpu.memref_slice %arg8[%dma_start3A_209, %dma_start3A_210] : memref<768x16xf32, #tpu.memory_space<vmem>> -> memref<128x16xf32, #tpu.memory_space<vmem>>
      %dma_start3A_212 = arith.constant 0 : i32
      %dma_start3A_213 = tpu.memref_slice %arg16[%add3A_43, %dma_start3A_212] : memref<100352x16xf32, #tpu.memory_space<vmem_shared>> -> memref<128x16xf32, #tpu.memory_space<vmem_shared>>
      %dma_start3A_214 = arith.constant 0 : i32
      %dma_start3A_215 = tpu.memref_slice %arg16[%add3A_43, %dma_start3A_214] : memref<100352x16xf32, #tpu.memory_space<vmem_shared>> -> memref<128x16xf32, #tpu.memory_space<vmem_shared>>
      %dma_start3A_216 = arith.constant 0 : i32
      %dma_start3A_217 = arith.constant 0 : i32
      %dma_start3A_218 = tpu.memref_slice %arg8[%dma_start3A_216, %dma_start3A_217] : memref<768x16xf32, #tpu.memory_space<vmem>> -> memref<128x16xf32, #tpu.memory_space<vmem>>
      tpu.enqueue_dma source(%dma_start3A_218 : memref<128x16xf32, #tpu.memory_space<vmem>>) target(%dma_start3A_215 : memref<128x16xf32, #tpu.memory_space<vmem_shared>>) target_semaphore(%run_scoped3A_208 : memref<!tpu.dma_semaphore, #tpu.memory_space<semaphore_mem>>)
      %dma_wait3A_219 = arith.constant 0 : i32
      %dma_wait3A_220 = arith.constant 0 : i32
      %dma_wait3A_221 = tpu.memref_slice %arg8[%dma_wait3A_219, %dma_wait3A_220] : memref<768x16xf32, #tpu.memory_space<vmem>> -> memref<128x16xf32, #tpu.memory_space<vmem>>
      %dma_wait3A_222 = arith.constant 0 : i32
      %dma_wait3A_223 = tpu.memref_slice %arg16[%add3A_43, %dma_wait3A_222] : memref<100352x16xf32, #tpu.memory_space<vmem_shared>> -> memref<128x16xf32, #tpu.memory_space<vmem_shared>>
      %dma_wait3A_224 = arith.constant 0 : i32
      %dma_wait3A_225 = tpu.memref_slice %arg16[%add3A_43, %dma_wait3A_224] : memref<100352x16xf32, #tpu.memory_space<vmem_shared>> -> memref<128x16xf32, #tpu.memory_space<vmem_shared>>
      %dma_wait3A_226 = arith.constant 0 : i32
      %dma_wait3A_227 = arith.constant 0 : i32
      %dma_wait3A_228 = tpu.memref_slice %arg8[%dma_wait3A_226, %dma_wait3A_227] : memref<768x16xf32, #tpu.memory_space<vmem>> -> memref<128x16xf32, #tpu.memory_space<vmem>>
      tpu.wait_dma2 semaphore(%run_scoped3A_208 : memref<!tpu.dma_semaphore, #tpu.memory_space<semaphore_mem>>) src(%dma_wait3A_228 : memref<128x16xf32, #tpu.memory_space<vmem>>) dst(%dma_wait3A_225 : memref<128x16xf32, #tpu.memory_space<vmem_shared>>)
      tpu.yield
    }) : () -> ()
    %barrier3A = arith.constant 0 : index
    tpu.barrier barrier_id(%barrier3A)
    %add3A_44 = arith.constant 0 : i32
    %add3A_45 = arith.addi %mul3A_2, %add3A_44 : i32
    %dma_start3A = arith.constant 0 : i32
    %dma_start3A_46 = tpu.memref_slice %arg2[%add3A_45, %dma_start3A] : memref<25152x128xi32, #tpu.memory_space<hbm>> -> memref<6x128xi32, #tpu.memory_space<hbm>>
    %dma_start3A_47 = arith.constant 0 : i32
    %dma_start3A_48 = tpu.memref_slice %arg2[%add3A_45, %dma_start3A_47] : memref<25152x128xi32, #tpu.memory_space<hbm>> -> memref<6x128xi32, #tpu.memory_space<hbm>>
    tpu.enqueue_dma source(%dma_start3A_48 : memref<6x128xi32, #tpu.memory_space<hbm>>) target(%arg6 : memref<6x128xi32, #tpu.memory_space<vmem>>) target_semaphore(%arg9 : memref<!tpu.dma_semaphore, #tpu.memory_space<semaphore_mem>>)
    %dma_start3A_49 = arith.constant 0 : i32
    %dma_start3A_50 = tpu.memref_slice %arg3[%add3A_45, %dma_start3A_49] : memref<25152x128xi32, #tpu.memory_space<hbm>> -> memref<6x128xi32, #tpu.memory_space<hbm>>
    %dma_start3A_51 = arith.constant 0 : i32
    %dma_start3A_52 = tpu.memref_slice %arg3[%add3A_45, %dma_start3A_51] : memref<25152x128xi32, #tpu.memory_space<hbm>> -> memref<6x128xi32, #tpu.memory_space<hbm>>
    tpu.enqueue_dma source(%dma_start3A_52 : memref<6x128xi32, #tpu.memory_space<hbm>>) target(%arg7 : memref<6x128xi32, #tpu.memory_space<vmem>>) target_semaphore(%arg9 : memref<!tpu.dma_semaphore, #tpu.memory_space<semaphore_mem>>)
    %add3A_53 = arith.constant 0 : i32
    %add3A_54 = arith.addi %mul3A_2, %add3A_53 : i32
    %dma_wait3A = arith.constant 0 : i32
    %dma_wait3A_55 = tpu.memref_slice %arg2[%add3A_54, %dma_wait3A] : memref<25152x128xi32, #tpu.memory_space<hbm>> -> memref<6x128xi32, #tpu.memory_space<hbm>>
    %dma_wait3A_56 = arith.constant 0 : i32
    %dma_wait3A_57 = tpu.memref_slice %arg2[%add3A_54, %dma_wait3A_56] : memref<25152x128xi32, #tpu.memory_space<hbm>> -> memref<6x128xi32, #tpu.memory_space<hbm>>
    tpu.wait_dma2 semaphore(%arg9 : memref<!tpu.dma_semaphore, #tpu.memory_space<semaphore_mem>>) src(%dma_wait3A_57 : memref<6x128xi32, #tpu.memory_space<hbm>>) dst(%arg6 : memref<6x128xi32, #tpu.memory_space<vmem>>)
    %dma_wait3A_58 = arith.constant 0 : i32
    %dma_wait3A_59 = tpu.memref_slice %arg3[%add3A_54, %dma_wait3A_58] : memref<25152x128xi32, #tpu.memory_space<hbm>> -> memref<6x128xi32, #tpu.memory_space<hbm>>
    %dma_wait3A_60 = arith.constant 0 : i32
    %dma_wait3A_61 = tpu.memref_slice %arg3[%add3A_54, %dma_wait3A_60] : memref<25152x128xi32, #tpu.memory_space<hbm>> -> memref<6x128xi32, #tpu.memory_space<hbm>>
    tpu.wait_dma2 semaphore(%arg9 : memref<!tpu.dma_semaphore, #tpu.memory_space<semaphore_mem>>) src(%dma_wait3A_61 : memref<6x128xi32, #tpu.memory_space<hbm>>) dst(%arg7 : memref<6x128xi32, #tpu.memory_space<vmem>>)
    %dma_start3A_62 = arith.constant 0 : i32
    %dma_start3A_63 = arith.constant 0 : i32
    %dma_start3A_64 = arith.constant 0 : i32
    %dma_start3A_65 = tpu.memref_slice %arg8[%dma_start3A_63, %dma_start3A_64] : memref<768x16xf32, #tpu.memory_space<vmem>> -> memref<128x16xf32, #tpu.memory_space<vmem>>
    %dma_start3A_66 = arith.constant 0 : i32
    %dma_start3A_67 = tpu.memref_slice %arg6[%dma_start3A_62, %dma_start3A_66] : memref<6x128xi32, #tpu.memory_space<vmem>> -> memref<1x128xi32, #tpu.memory_space<vmem>>
    %dma_start3A_68 = tpu.memref_squeeze %dma_start3A_67 : memref<1x128xi32, #tpu.memory_space<vmem>> -> memref<128xi32, #tpu.memory_space<vmem>>
    %dma_start3A_69 = arith.constant 0 : i32
    %dma_start3A_70 = arith.constant 0 : i32
    %dma_start3A_71 = tpu.memref_slice %arg4[%dma_start3A_69, %dma_start3A_70] : memref<100352x16xf32, #tpu.memory_space<hbm>> -> memref<100352x16xf32, #tpu.memory_space<hbm>>
    tpu.enqueue_indirect_dma source(%dma_start3A_71 : memref<100352x16xf32, #tpu.memory_space<hbm>>) target(%dma_start3A_65 : memref<128x16xf32, #tpu.memory_space<vmem>>) offsets(%dma_start3A_68 : memref<128xi32, #tpu.memory_space<vmem>>) semaphore(%arg10 : memref<!tpu.dma_semaphore, #tpu.memory_space<semaphore_mem>>)
    %dma_start3A_72 = arith.constant 1 : i32
    %dma_start3A_73 = arith.constant 128 : i32
    %dma_start3A_74 = arith.constant 0 : i32
    %dma_start3A_75 = tpu.memref_slice %arg8[%dma_start3A_73, %dma_start3A_74] : memref<768x16xf32, #tpu.memory_space<vmem>> -> memref<128x16xf32, #tpu.memory_space<vmem>>
    %dma_start3A_76 = arith.constant 0 : i32
    %dma_start3A_77 = tpu.memref_slice %arg6[%dma_start3A_72, %dma_start3A_76] : memref<6x128xi32, #tpu.memory_space<vmem>> -> memref<1x128xi32, #tpu.memory_space<vmem>>
    %dma_start3A_78 = tpu.memref_squeeze %dma_start3A_77 : memref<1x128xi32, #tpu.memory_space<vmem>> -> memref<128xi32, #tpu.memory_space<vmem>>
    %dma_start3A_79 = arith.constant 0 : i32
    %dma_start3A_80 = arith.constant 0 : i32
    %dma_start3A_81 = tpu.memref_slice %arg4[%dma_start3A_79, %dma_start3A_80] : memref<100352x16xf32, #tpu.memory_space<hbm>> -> memref<100352x16xf32, #tpu.memory_space<hbm>>
    tpu.enqueue_indirect_dma source(%dma_start3A_81 : memref<100352x16xf32, #tpu.memory_space<hbm>>) target(%dma_start3A_75 : memref<128x16xf32, #tpu.memory_space<vmem>>) offsets(%dma_start3A_78 : memref<128xi32, #tpu.memory_space<vmem>>) semaphore(%arg10 : memref<!tpu.dma_semaphore, #tpu.memory_space<semaphore_mem>>)
    %dma_start3A_82 = arith.constant 2 : i32
    %dma_start3A_83 = arith.constant 256 : i32
    %dma_start3A_84 = arith.constant 0 : i32
    %dma_start3A_85 = tpu.memref_slice %arg8[%dma_start3A_83, %dma_start3A_84] : memref<768x16xf32, #tpu.memory_space<vmem>> -> memref<128x16xf32, #tpu.memory_space<vmem>>
    %dma_start3A_86 = arith.constant 0 : i32
    %dma_start3A_87 = tpu.memref_slice %arg6[%dma_start3A_82, %dma_start3A_86] : memref<6x128xi32, #tpu.memory_space<vmem>> -> memref<1x128xi32, #tpu.memory_space<vmem>>
    %dma_start3A_88 = tpu.memref_squeeze %dma_start3A_87 : memref<1x128xi32, #tpu.memory_space<vmem>> -> memref<128xi32, #tpu.memory_space<vmem>>
    %dma_start3A_89 = arith.constant 0 : i32
    %dma_start3A_90 = arith.constant 0 : i32
    %dma_start3A_91 = tpu.memref_slice %arg4[%dma_start3A_89, %dma_start3A_90] : memref<100352x16xf32, #tpu.memory_space<hbm>> -> memref<100352x16xf32, #tpu.memory_space<hbm>>
    tpu.enqueue_indirect_dma source(%dma_start3A_91 : memref<100352x16xf32, #tpu.memory_space<hbm>>) target(%dma_start3A_85 : memref<128x16xf32, #tpu.memory_space<vmem>>) offsets(%dma_start3A_88 : memref<128xi32, #tpu.memory_space<vmem>>) semaphore(%arg10 : memref<!tpu.dma_semaphore, #tpu.memory_space<semaphore_mem>>)
    %dma_start3A_92 = arith.constant 3 : i32
    %dma_start3A_93 = arith.constant 384 : i32
    %dma_start3A_94 = arith.constant 0 : i32
    %dma_start3A_95 = tpu.memref_slice %arg8[%dma_start3A_93, %dma_start3A_94] : memref<768x16xf32, #tpu.memory_space<vmem>> -> memref<128x16xf32, #tpu.memory_space<vmem>>
    %dma_start3A_96 = arith.constant 0 : i32
    %dma_start3A_97 = tpu.memref_slice %arg6[%dma_start3A_92, %dma_start3A_96] : memref<6x128xi32, #tpu.memory_space<vmem>> -> memref<1x128xi32, #tpu.memory_space<vmem>>
    %dma_start3A_98 = tpu.memref_squeeze %dma_start3A_97 : memref<1x128xi32, #tpu.memory_space<vmem>> -> memref<128xi32, #tpu.memory_space<vmem>>
    %dma_start3A_99 = arith.constant 0 : i32
    %dma_start3A_100 = arith.constant 0 : i32
    %dma_start3A_101 = tpu.memref_slice %arg4[%dma_start3A_99, %dma_start3A_100] : memref<100352x16xf32, #tpu.memory_space<hbm>> -> memref<100352x16xf32, #tpu.memory_space<hbm>>
    tpu.enqueue_indirect_dma source(%dma_start3A_101 : memref<100352x16xf32, #tpu.memory_space<hbm>>) target(%dma_start3A_95 : memref<128x16xf32, #tpu.memory_space<vmem>>) offsets(%dma_start3A_98 : memref<128xi32, #tpu.memory_space<vmem>>) semaphore(%arg10 : memref<!tpu.dma_semaphore, #tpu.memory_space<semaphore_mem>>)
    %dma_start3A_102 = arith.constant 4 : i32
    %dma_start3A_103 = arith.constant 512 : i32
    %dma_start3A_104 = arith.constant 0 : i32
    %dma_start3A_105 = tpu.memref_slice %arg8[%dma_start3A_103, %dma_start3A_104] : memref<768x16xf32, #tpu.memory_space<vmem>> -> memref<128x16xf32, #tpu.memory_space<vmem>>
    %dma_start3A_106 = arith.constant 0 : i32
    %dma_start3A_107 = tpu.memref_slice %arg6[%dma_start3A_102, %dma_start3A_106] : memref<6x128xi32, #tpu.memory_space<vmem>> -> memref<1x128xi32, #tpu.memory_space<vmem>>
    %dma_start3A_108 = tpu.memref_squeeze %dma_start3A_107 : memref<1x128xi32, #tpu.memory_space<vmem>> -> memref<128xi32, #tpu.memory_space<vmem>>
    %dma_start3A_109 = arith.constant 0 : i32
    %dma_start3A_110 = arith.constant 0 : i32
    %dma_start3A_111 = tpu.memref_slice %arg4[%dma_start3A_109, %dma_start3A_110] : memref<100352x16xf32, #tpu.memory_space<hbm>> -> memref<100352x16xf32, #tpu.memory_space<hbm>>
    tpu.enqueue_indirect_dma source(%dma_start3A_111 : memref<100352x16xf32, #tpu.memory_space<hbm>>) target(%dma_start3A_105 : memref<128x16xf32, #tpu.memory_space<vmem>>) offsets(%dma_start3A_108 : memref<128xi32, #tpu.memory_space<vmem>>) semaphore(%arg10 : memref<!tpu.dma_semaphore, #tpu.memory_space<semaphore_mem>>)
    %dma_start3A_112 = arith.constant 5 : i32
    %dma_start3A_113 = arith.constant 640 : i32
    %dma_start3A_114 = arith.constant 0 : i32
    %dma_start3A_115 = tpu.memref_slice %arg8[%dma_start3A_113, %dma_start3A_114] : memref<768x16xf32, #tpu.memory_space<vmem>> -> memref<128x16xf32, #tpu.memory_space<vmem>>
    %dma_start3A_116 = arith.constant 0 : i32
    %dma_start3A_117 = tpu.memref_slice %arg6[%dma_start3A_112, %dma_start3A_116] : memref<6x128xi32, #tpu.memory_space<vmem>> -> memref<1x128xi32, #tpu.memory_space<vmem>>
    %dma_start3A_118 = tpu.memref_squeeze %dma_start3A_117 : memref<1x128xi32, #tpu.memory_space<vmem>> -> memref<128xi32, #tpu.memory_space<vmem>>
    %dma_start3A_119 = arith.constant 0 : i32
    %dma_start3A_120 = arith.constant 0 : i32
    %dma_start3A_121 = tpu.memref_slice %arg4[%dma_start3A_119, %dma_start3A_120] : memref<100352x16xf32, #tpu.memory_space<hbm>> -> memref<100352x16xf32, #tpu.memory_space<hbm>>
    tpu.enqueue_indirect_dma source(%dma_start3A_121 : memref<100352x16xf32, #tpu.memory_space<hbm>>) target(%dma_start3A_115 : memref<128x16xf32, #tpu.memory_space<vmem>>) offsets(%dma_start3A_118 : memref<128xi32, #tpu.memory_space<vmem>>) semaphore(%arg10 : memref<!tpu.dma_semaphore, #tpu.memory_space<semaphore_mem>>)
    %add3A_122 = arith.constant 6 : i32
    %add3A_123 = arith.addi %mul3A_2, %add3A_122 : i32
    %dma_start3A_124 = arith.constant 0 : i32
    %dma_start3A_125 = tpu.memref_slice %arg2[%add3A_123, %dma_start3A_124] : memref<25152x128xi32, #tpu.memory_space<hbm>> -> memref<6x128xi32, #tpu.memory_space<hbm>>
    %dma_start3A_126 = arith.constant 0 : i32
    %dma_start3A_127 = tpu.memref_slice %arg2[%add3A_123, %dma_start3A_126] : memref<25152x128xi32, #tpu.memory_space<hbm>> -> memref<6x128xi32, #tpu.memory_space<hbm>>
    tpu.enqueue_dma source(%dma_start3A_127 : memref<6x128xi32, #tpu.memory_space<hbm>>) target(%arg11 : memref<6x128xi32, #tpu.memory_space<vmem>>) target_semaphore(%arg14 : memref<!tpu.dma_semaphore, #tpu.memory_space<semaphore_mem>>)
    %dma_start3A_128 = arith.constant 0 : i32
    %dma_start3A_129 = tpu.memref_slice %arg3[%add3A_123, %dma_start3A_128] : memref<25152x128xi32, #tpu.memory_space<hbm>> -> memref<6x128xi32, #tpu.memory_space<hbm>>
    %dma_start3A_130 = arith.constant 0 : i32
    %dma_start3A_131 = tpu.memref_slice %arg3[%add3A_123, %dma_start3A_130] : memref<25152x128xi32, #tpu.memory_space<hbm>> -> memref<6x128xi32, #tpu.memory_space<hbm>>
    tpu.enqueue_dma source(%dma_start3A_131 : memref<6x128xi32, #tpu.memory_space<hbm>>) target(%arg12 : memref<6x128xi32, #tpu.memory_space<vmem>>) target_semaphore(%arg14 : memref<!tpu.dma_semaphore, #tpu.memory_space<semaphore_mem>>)
    %scan3A_132 = arith.constant 0 : i32
    %scan3A_133 = arith.constant 1 : i32
    %scan3A_134 = arith.constant 130 : i32
    %scan3A_135 = arith.addi %scan3A_133, %scan3A_134 : i32
    %scan3A_136 = arith.constant 1 : i32
    scf.for %scan3A_208 = %scan3A_133 to %scan3A_135 step %scan3A_136  : i32 {
      %jit3A = arith.constant 2 : i32
      %eq3A = arith.constant 0 : i32
      %eq3A_209 = arith.cmpi eq, %jit3A, %eq3A : i32
      %jit3A_210 = arith.constant 1 : i32
      %select_n3A = arith.select %eq3A_209, %jit3A_210, %jit3A : i32
      %rem3A = arith.remsi %scan3A_208, %select_n3A : i32
      %ne3A = arith.constant 0 : i32
      %ne3A_211 = arith.cmpi ne, %rem3A, %ne3A : i32
      %lt3A = arith.constant 0 : i32
      %lt3A_212 = arith.cmpi slt, %rem3A, %lt3A : i32
      %lt3A_213 = arith.constant 0 : i32
      %lt3A_214 = arith.cmpi slt, %select_n3A, %lt3A_213 : i32
      %ne3A_215 = arith.xori %lt3A_212, %lt3A_214 : i1
      %and3A = arith.andi %ne3A_215, %ne3A_211 : i1
      %add3A_216 = arith.addi %rem3A, %select_n3A : i32
      %select_n3A_217 = arith.select %and3A, %add3A_216, %rem3A : i32
      %eq3A_218 = arith.constant 1 : i32
      %eq3A_219 = arith.cmpi eq, %select_n3A_217, %eq3A_218 : i32
      %convert_element_type3A = arith.extui %eq3A_219 : i1 to i32
      %cond3A = arith.constant 0 : i32
      %cond3A_220 = arith.cmpi ne, %convert_element_type3A, %cond3A : i32
      scf.if %cond3A_220 {
        %mul3A_242 = arith.constant 6 : i32
        %mul3A_243 = arith.muli %scan3A_208, %mul3A_242 : i32
        %add3A_244 = arith.addi %mul3A_2, %mul3A_243 : i32
        %dma_wait3A_245 = arith.constant 0 : i32
        %dma_wait3A_246 = tpu.memref_slice %arg2[%add3A_244, %dma_wait3A_245] : memref<25152x128xi32, #tpu.memory_space<hbm>> -> memref<6x128xi32, #tpu.memory_space<hbm>>
        %dma_wait3A_247 = arith.constant 0 : i32
        %dma_wait3A_248 = tpu.memref_slice %arg2[%add3A_244, %dma_wait3A_247] : memref<25152x128xi32, #tpu.memory_space<hbm>> -> memref<6x128xi32, #tpu.memory_space<hbm>>
        tpu.wait_dma2 semaphore(%arg14 : memref<!tpu.dma_semaphore, #tpu.memory_space<semaphore_mem>>) src(%dma_wait3A_248 : memref<6x128xi32, #tpu.memory_space<hbm>>) dst(%arg11 : memref<6x128xi32, #tpu.memory_space<vmem>>)
        %dma_wait3A_249 = arith.constant 0 : i32
        %dma_wait3A_250 = tpu.memref_slice %arg3[%add3A_244, %dma_wait3A_249] : memref<25152x128xi32, #tpu.memory_space<hbm>> -> memref<6x128xi32, #tpu.memory_space<hbm>>
        %dma_wait3A_251 = arith.constant 0 : i32
        %dma_wait3A_252 = tpu.memref_slice %arg3[%add3A_244, %dma_wait3A_251] : memref<25152x128xi32, #tpu.memory_space<hbm>> -> memref<6x128xi32, #tpu.memory_space<hbm>>
        tpu.wait_dma2 semaphore(%arg14 : memref<!tpu.dma_semaphore, #tpu.memory_space<semaphore_mem>>) src(%dma_wait3A_252 : memref<6x128xi32, #tpu.memory_space<hbm>>) dst(%arg12 : memref<6x128xi32, #tpu.memory_space<vmem>>)
        %dma_start3A_253 = arith.constant 0 : i32
        %dma_start3A_254 = arith.constant 0 : i32
        %dma_start3A_255 = arith.constant 0 : i32
        %dma_start3A_256 = tpu.memref_slice %arg13[%dma_start3A_254, %dma_start3A_255] : memref<768x16xf32, #tpu.memory_space<vmem>> -> memref<128x16xf32, #tpu.memory_space<vmem>>
        %dma_start3A_257 = arith.constant 0 : i32
        %dma_start3A_258 = tpu.memref_slice %arg11[%dma_start3A_253, %dma_start3A_257] : memref<6x128xi32, #tpu.memory_space<vmem>> -> memref<1x128xi32, #tpu.memory_space<vmem>>
        %dma_start3A_259 = tpu.memref_squeeze %dma_start3A_258 : memref<1x128xi32, #tpu.memory_space<vmem>> -> memref<128xi32, #tpu.memory_space<vmem>>
        %dma_start3A_260 = arith.constant 0 : i32
        %dma_start3A_261 = arith.constant 0 : i32
        %dma_start3A_262 = tpu.memref_slice %arg4[%dma_start3A_260, %dma_start3A_261] : memref<100352x16xf32, #tpu.memory_space<hbm>> -> memref<100352x16xf32, #tpu.memory_space<hbm>>
        tpu.enqueue_indirect_dma source(%dma_start3A_262 : memref<100352x16xf32, #tpu.memory_space<hbm>>) target(%dma_start3A_256 : memref<128x16xf32, #tpu.memory_space<vmem>>) offsets(%dma_start3A_259 : memref<128xi32, #tpu.memory_space<vmem>>) semaphore(%arg15 : memref<!tpu.dma_semaphore, #tpu.memory_space<semaphore_mem>>)
        %dma_start3A_263 = arith.constant 1 : i32
        %dma_start3A_264 = arith.constant 128 : i32
        %dma_start3A_265 = arith.constant 0 : i32
        %dma_start3A_266 = tpu.memref_slice %arg13[%dma_start3A_264, %dma_start3A_265] : memref<768x16xf32, #tpu.memory_space<vmem>> -> memref<128x16xf32, #tpu.memory_space<vmem>>
        %dma_start3A_267 = arith.constant 0 : i32
        %dma_start3A_268 = tpu.memref_slice %arg11[%dma_start3A_263, %dma_start3A_267] : memref<6x128xi32, #tpu.memory_space<vmem>> -> memref<1x128xi32, #tpu.memory_space<vmem>>
        %dma_start3A_269 = tpu.memref_squeeze %dma_start3A_268 : memref<1x128xi32, #tpu.memory_space<vmem>> -> memref<128xi32, #tpu.memory_space<vmem>>
        %dma_start3A_270 = arith.constant 0 : i32
        %dma_start3A_271 = arith.constant 0 : i32
        %dma_start3A_272 = tpu.memref_slice %arg4[%dma_start3A_270, %dma_start3A_271] : memref<100352x16xf32, #tpu.memory_space<hbm>> -> memref<100352x16xf32, #tpu.memory_space<hbm>>
        tpu.enqueue_indirect_dma source(%dma_start3A_272 : memref<100352x16xf32, #tpu.memory_space<hbm>>) target(%dma_start3A_266 : memref<128x16xf32, #tpu.memory_space<vmem>>) offsets(%dma_start3A_269 : memref<128xi32, #tpu.memory_space<vmem>>) semaphore(%arg15 : memref<!tpu.dma_semaphore, #tpu.memory_space<semaphore_mem>>)
        %dma_start3A_273 = arith.constant 2 : i32
        %dma_start3A_274 = arith.constant 256 : i32
        %dma_start3A_275 = arith.constant 0 : i32
        %dma_start3A_276 = tpu.memref_slice %arg13[%dma_start3A_274, %dma_start3A_275] : memref<768x16xf32, #tpu.memory_space<vmem>> -> memref<128x16xf32, #tpu.memory_space<vmem>>
        %dma_start3A_277 = arith.constant 0 : i32
        %dma_start3A_278 = tpu.memref_slice %arg11[%dma_start3A_273, %dma_start3A_277] : memref<6x128xi32, #tpu.memory_space<vmem>> -> memref<1x128xi32, #tpu.memory_space<vmem>>
        %dma_start3A_279 = tpu.memref_squeeze %dma_start3A_278 : memref<1x128xi32, #tpu.memory_space<vmem>> -> memref<128xi32, #tpu.memory_space<vmem>>
        %dma_start3A_280 = arith.constant 0 : i32
        %dma_start3A_281 = arith.constant 0 : i32
        %dma_start3A_282 = tpu.memref_slice %arg4[%dma_start3A_280, %dma_start3A_281] : memref<100352x16xf32, #tpu.memory_space<hbm>> -> memref<100352x16xf32, #tpu.memory_space<hbm>>
        tpu.enqueue_indirect_dma source(%dma_start3A_282 : memref<100352x16xf32, #tpu.memory_space<hbm>>) target(%dma_start3A_276 : memref<128x16xf32, #tpu.memory_space<vmem>>) offsets(%dma_start3A_279 : memref<128xi32, #tpu.memory_space<vmem>>) semaphore(%arg15 : memref<!tpu.dma_semaphore, #tpu.memory_space<semaphore_mem>>)
        %dma_start3A_283 = arith.constant 3 : i32
        %dma_start3A_284 = arith.constant 384 : i32
        %dma_start3A_285 = arith.constant 0 : i32
        %dma_start3A_286 = tpu.memref_slice %arg13[%dma_start3A_284, %dma_start3A_285] : memref<768x16xf32, #tpu.memory_space<vmem>> -> memref<128x16xf32, #tpu.memory_space<vmem>>
        %dma_start3A_287 = arith.constant 0 : i32
        %dma_start3A_288 = tpu.memref_slice %arg11[%dma_start3A_283, %dma_start3A_287] : memref<6x128xi32, #tpu.memory_space<vmem>> -> memref<1x128xi32, #tpu.memory_space<vmem>>
        %dma_start3A_289 = tpu.memref_squeeze %dma_start3A_288 : memref<1x128xi32, #tpu.memory_space<vmem>> -> memref<128xi32, #tpu.memory_space<vmem>>
        %dma_start3A_290 = arith.constant 0 : i32
        %dma_start3A_291 = arith.constant 0 : i32
        %dma_start3A_292 = tpu.memref_slice %arg4[%dma_start3A_290, %dma_start3A_291] : memref<100352x16xf32, #tpu.memory_space<hbm>> -> memref<100352x16xf32, #tpu.memory_space<hbm>>
        tpu.enqueue_indirect_dma source(%dma_start3A_292 : memref<100352x16xf32, #tpu.memory_space<hbm>>) target(%dma_start3A_286 : memref<128x16xf32, #tpu.memory_space<vmem>>) offsets(%dma_start3A_289 : memref<128xi32, #tpu.memory_space<vmem>>) semaphore(%arg15 : memref<!tpu.dma_semaphore, #tpu.memory_space<semaphore_mem>>)
        %dma_start3A_293 = arith.constant 4 : i32
        %dma_start3A_294 = arith.constant 512 : i32
        %dma_start3A_295 = arith.constant 0 : i32
        %dma_start3A_296 = tpu.memref_slice %arg13[%dma_start3A_294, %dma_start3A_295] : memref<768x16xf32, #tpu.memory_space<vmem>> -> memref<128x16xf32, #tpu.memory_space<vmem>>
        %dma_start3A_297 = arith.constant 0 : i32
        %dma_start3A_298 = tpu.memref_slice %arg11[%dma_start3A_293, %dma_start3A_297] : memref<6x128xi32, #tpu.memory_space<vmem>> -> memref<1x128xi32, #tpu.memory_space<vmem>>
        %dma_start3A_299 = tpu.memref_squeeze %dma_start3A_298 : memref<1x128xi32, #tpu.memory_space<vmem>> -> memref<128xi32, #tpu.memory_space<vmem>>
        %dma_start3A_300 = arith.constant 0 : i32
        %dma_start3A_301 = arith.constant 0 : i32
        %dma_start3A_302 = tpu.memref_slice %arg4[%dma_start3A_300, %dma_start3A_301] : memref<100352x16xf32, #tpu.memory_space<hbm>> -> memref<100352x16xf32, #tpu.memory_space<hbm>>
        tpu.enqueue_indirect_dma source(%dma_start3A_302 : memref<100352x16xf32, #tpu.memory_space<hbm>>) target(%dma_start3A_296 : memref<128x16xf32, #tpu.memory_space<vmem>>) offsets(%dma_start3A_299 : memref<128xi32, #tpu.memory_space<vmem>>) semaphore(%arg15 : memref<!tpu.dma_semaphore, #tpu.memory_space<semaphore_mem>>)
        %dma_start3A_303 = arith.constant 5 : i32
        %dma_start3A_304 = arith.constant 640 : i32
        %dma_start3A_305 = arith.constant 0 : i32
        %dma_start3A_306 = tpu.memref_slice %arg13[%dma_start3A_304, %dma_start3A_305] : memref<768x16xf32, #tpu.memory_space<vmem>> -> memref<128x16xf32, #tpu.memory_space<vmem>>
        %dma_start3A_307 = arith.constant 0 : i32
        %dma_start3A_308 = tpu.memref_slice %arg11[%dma_start3A_303, %dma_start3A_307] : memref<6x128xi32, #tpu.memory_space<vmem>> -> memref<1x128xi32, #tpu.memory_space<vmem>>
        %dma_start3A_309 = tpu.memref_squeeze %dma_start3A_308 : memref<1x128xi32, #tpu.memory_space<vmem>> -> memref<128xi32, #tpu.memory_space<vmem>>
        %dma_start3A_310 = arith.constant 0 : i32
        %dma_start3A_311 = arith.constant 0 : i32
        %dma_start3A_312 = tpu.memref_slice %arg4[%dma_start3A_310, %dma_start3A_311] : memref<100352x16xf32, #tpu.memory_space<hbm>> -> memref<100352x16xf32, #tpu.memory_space<hbm>>
        tpu.enqueue_indirect_dma source(%dma_start3A_312 : memref<100352x16xf32, #tpu.memory_space<hbm>>) target(%dma_start3A_306 : memref<128x16xf32, #tpu.memory_space<vmem>>) offsets(%dma_start3A_309 : memref<128xi32, #tpu.memory_space<vmem>>) semaphore(%arg15 : memref<!tpu.dma_semaphore, #tpu.memory_space<semaphore_mem>>)
        %dma_wait3A_313 = arith.constant 0 : i32
        %dma_wait3A_314 = arith.constant 0 : i32
        %dma_wait3A_315 = arith.constant 0 : i32
        %dma_wait3A_316 = tpu.memref_slice %arg8[%dma_wait3A_314, %dma_wait3A_315] : memref<768x16xf32, #tpu.memory_space<vmem>> -> memref<128x16xf32, #tpu.memory_space<vmem>>
        %dma_wait3A_317 = arith.constant 0 : i32
        %dma_wait3A_318 = tpu.memref_slice %arg6[%dma_wait3A_313, %dma_wait3A_317] : memref<6x128xi32, #tpu.memory_space<vmem>> -> memref<1x128xi32, #tpu.memory_space<vmem>>
        %dma_wait3A_319 = tpu.memref_squeeze %dma_wait3A_318 : memref<1x128xi32, #tpu.memory_space<vmem>> -> memref<128xi32, #tpu.memory_space<vmem>>
        %dma_wait3A_320 = arith.constant 0 : i32
        %dma_wait3A_321 = arith.constant 0 : i32
        %dma_wait3A_322 = tpu.memref_slice %arg4[%dma_wait3A_320, %dma_wait3A_321] : memref<100352x16xf32, #tpu.memory_space<hbm>> -> memref<100352x16xf32, #tpu.memory_space<hbm>>
        tpu.wait_indirect_dma semaphore(%arg10 : memref<!tpu.dma_semaphore, #tpu.memory_space<semaphore_mem>>) src(%dma_wait3A_322 : memref<100352x16xf32, #tpu.memory_space<hbm>>) dst(%dma_wait3A_316 : memref<128x16xf32, #tpu.memory_space<vmem>>)
        %dma_wait3A_323 = arith.constant 1 : i32
        %dma_wait3A_324 = arith.constant 128 : i32
        %dma_wait3A_325 = arith.constant 0 : i32
        %dma_wait3A_326 = tpu.memref_slice %arg8[%dma_wait3A_324, %dma_wait3A_325] : memref<768x16xf32, #tpu.memory_space<vmem>> -> memref<128x16xf32, #tpu.memory_space<vmem>>
        %dma_wait3A_327 = arith.constant 0 : i32
        %dma_wait3A_328 = tpu.memref_slice %arg6[%dma_wait3A_323, %dma_wait3A_327] : memref<6x128xi32, #tpu.memory_space<vmem>> -> memref<1x128xi32, #tpu.memory_space<vmem>>
        %dma_wait3A_329 = tpu.memref_squeeze %dma_wait3A_328 : memref<1x128xi32, #tpu.memory_space<vmem>> -> memref<128xi32, #tpu.memory_space<vmem>>
        %dma_wait3A_330 = arith.constant 0 : i32
        %dma_wait3A_331 = arith.constant 0 : i32
        %dma_wait3A_332 = tpu.memref_slice %arg4[%dma_wait3A_330, %dma_wait3A_331] : memref<100352x16xf32, #tpu.memory_space<hbm>> -> memref<100352x16xf32, #tpu.memory_space<hbm>>
        tpu.wait_indirect_dma semaphore(%arg10 : memref<!tpu.dma_semaphore, #tpu.memory_space<semaphore_mem>>) src(%dma_wait3A_332 : memref<100352x16xf32, #tpu.memory_space<hbm>>) dst(%dma_wait3A_326 : memref<128x16xf32, #tpu.memory_space<vmem>>)
        %dma_wait3A_333 = arith.constant 2 : i32
        %dma_wait3A_334 = arith.constant 256 : i32
        %dma_wait3A_335 = arith.constant 0 : i32
        %dma_wait3A_336 = tpu.memref_slice %arg8[%dma_wait3A_334, %dma_wait3A_335] : memref<768x16xf32, #tpu.memory_space<vmem>> -> memref<128x16xf32, #tpu.memory_space<vmem>>
        %dma_wait3A_337 = arith.constant 0 : i32
        %dma_wait3A_338 = tpu.memref_slice %arg6[%dma_wait3A_333, %dma_wait3A_337] : memref<6x128xi32, #tpu.memory_space<vmem>> -> memref<1x128xi32, #tpu.memory_space<vmem>>
        %dma_wait3A_339 = tpu.memref_squeeze %dma_wait3A_338 : memref<1x128xi32, #tpu.memory_space<vmem>> -> memref<128xi32, #tpu.memory_space<vmem>>
        %dma_wait3A_340 = arith.constant 0 : i32
        %dma_wait3A_341 = arith.constant 0 : i32
        %dma_wait3A_342 = tpu.memref_slice %arg4[%dma_wait3A_340, %dma_wait3A_341] : memref<100352x16xf32, #tpu.memory_space<hbm>> -> memref<100352x16xf32, #tpu.memory_space<hbm>>
        tpu.wait_indirect_dma semaphore(%arg10 : memref<!tpu.dma_semaphore, #tpu.memory_space<semaphore_mem>>) src(%dma_wait3A_342 : memref<100352x16xf32, #tpu.memory_space<hbm>>) dst(%dma_wait3A_336 : memref<128x16xf32, #tpu.memory_space<vmem>>)
        %dma_wait3A_343 = arith.constant 3 : i32
        %dma_wait3A_344 = arith.constant 384 : i32
        %dma_wait3A_345 = arith.constant 0 : i32
        %dma_wait3A_346 = tpu.memref_slice %arg8[%dma_wait3A_344, %dma_wait3A_345] : memref<768x16xf32, #tpu.memory_space<vmem>> -> memref<128x16xf32, #tpu.memory_space<vmem>>
        %dma_wait3A_347 = arith.constant 0 : i32
        %dma_wait3A_348 = tpu.memref_slice %arg6[%dma_wait3A_343, %dma_wait3A_347] : memref<6x128xi32, #tpu.memory_space<vmem>> -> memref<1x128xi32, #tpu.memory_space<vmem>>
        %dma_wait3A_349 = tpu.memref_squeeze %dma_wait3A_348 : memref<1x128xi32, #tpu.memory_space<vmem>> -> memref<128xi32, #tpu.memory_space<vmem>>
        %dma_wait3A_350 = arith.constant 0 : i32
        %dma_wait3A_351 = arith.constant 0 : i32
        %dma_wait3A_352 = tpu.memref_slice %arg4[%dma_wait3A_350, %dma_wait3A_351] : memref<100352x16xf32, #tpu.memory_space<hbm>> -> memref<100352x16xf32, #tpu.memory_space<hbm>>
        tpu.wait_indirect_dma semaphore(%arg10 : memref<!tpu.dma_semaphore, #tpu.memory_space<semaphore_mem>>) src(%dma_wait3A_352 : memref<100352x16xf32, #tpu.memory_space<hbm>>) dst(%dma_wait3A_346 : memref<128x16xf32, #tpu.memory_space<vmem>>)
        %dma_wait3A_353 = arith.constant 4 : i32
        %dma_wait3A_354 = arith.constant 512 : i32
        %dma_wait3A_355 = arith.constant 0 : i32
        %dma_wait3A_356 = tpu.memref_slice %arg8[%dma_wait3A_354, %dma_wait3A_355] : memref<768x16xf32, #tpu.memory_space<vmem>> -> memref<128x16xf32, #tpu.memory_space<vmem>>
        %dma_wait3A_357 = arith.constant 0 : i32
        %dma_wait3A_358 = tpu.memref_slice %arg6[%dma_wait3A_353, %dma_wait3A_357] : memref<6x128xi32, #tpu.memory_space<vmem>> -> memref<1x128xi32, #tpu.memory_space<vmem>>
        %dma_wait3A_359 = tpu.memref_squeeze %dma_wait3A_358 : memref<1x128xi32, #tpu.memory_space<vmem>> -> memref<128xi32, #tpu.memory_space<vmem>>
        %dma_wait3A_360 = arith.constant 0 : i32
        %dma_wait3A_361 = arith.constant 0 : i32
        %dma_wait3A_362 = tpu.memref_slice %arg4[%dma_wait3A_360, %dma_wait3A_361] : memref<100352x16xf32, #tpu.memory_space<hbm>> -> memref<100352x16xf32, #tpu.memory_space<hbm>>
        tpu.wait_indirect_dma semaphore(%arg10 : memref<!tpu.dma_semaphore, #tpu.memory_space<semaphore_mem>>) src(%dma_wait3A_362 : memref<100352x16xf32, #tpu.memory_space<hbm>>) dst(%dma_wait3A_356 : memref<128x16xf32, #tpu.memory_space<vmem>>)
        %dma_wait3A_363 = arith.constant 5 : i32
        %dma_wait3A_364 = arith.constant 640 : i32
        %dma_wait3A_365 = arith.constant 0 : i32
        %dma_wait3A_366 = tpu.memref_slice %arg8[%dma_wait3A_364, %dma_wait3A_365] : memref<768x16xf32, #tpu.memory_space<vmem>> -> memref<128x16xf32, #tpu.memory_space<vmem>>
        %dma_wait3A_367 = arith.constant 0 : i32
        %dma_wait3A_368 = tpu.memref_slice %arg6[%dma_wait3A_363, %dma_wait3A_367] : memref<6x128xi32, #tpu.memory_space<vmem>> -> memref<1x128xi32, #tpu.memory_space<vmem>>
        %dma_wait3A_369 = tpu.memref_squeeze %dma_wait3A_368 : memref<1x128xi32, #tpu.memory_space<vmem>> -> memref<128xi32, #tpu.memory_space<vmem>>
        %dma_wait3A_370 = arith.constant 0 : i32
        %dma_wait3A_371 = arith.constant 0 : i32
        %dma_wait3A_372 = tpu.memref_slice %arg4[%dma_wait3A_370, %dma_wait3A_371] : memref<100352x16xf32, #tpu.memory_space<hbm>> -> memref<100352x16xf32, #tpu.memory_space<hbm>>
        tpu.wait_indirect_dma semaphore(%arg10 : memref<!tpu.dma_semaphore, #tpu.memory_space<semaphore_mem>>) src(%dma_wait3A_372 : memref<100352x16xf32, #tpu.memory_space<hbm>>) dst(%dma_wait3A_366 : memref<128x16xf32, #tpu.memory_space<vmem>>)
        %run_scoped3A_373 = arith.constant 0 : i32
        "tpu.region"() ({
          %run_scoped3A_386 = tpu.sem_alloc : memref<!tpu.dma_semaphore, #tpu.memory_space<semaphore_mem>>
          %dma_start3A_387 = arith.constant 0 : i32
          %dma_start3A_388 = arith.constant 0 : i32
          %dma_start3A_389 = tpu.memref_slice %arg8[%dma_start3A_387, %dma_start3A_388] : memref<768x16xf32, #tpu.memory_space<vmem>> -> memref<128x16xf32, #tpu.memory_space<vmem>>
          %dma_start3A_390 = arith.constant 0 : i32
          %dma_start3A_391 = tpu.memref_slice %arg7[%run_scoped3A_373, %dma_start3A_390] : memref<6x128xi32, #tpu.memory_space<vmem>> -> memref<1x128xi32, #tpu.memory_space<vmem>>
          %dma_start3A_392 = tpu.memref_squeeze %dma_start3A_391 : memref<1x128xi32, #tpu.memory_space<vmem>> -> memref<128xi32, #tpu.memory_space<vmem>>
          %dma_start3A_393 = arith.constant 0 : i32
          %dma_start3A_394 = arith.constant 0 : i32
          %dma_start3A_395 = tpu.memref_slice %arg16[%dma_start3A_393, %dma_start3A_394] : memref<100352x16xf32, #tpu.memory_space<vmem_shared>> -> memref<100352x16xf32, #tpu.memory_space<vmem_shared>>
          tpu.enqueue_indirect_dma source(%dma_start3A_389 : memref<128x16xf32, #tpu.memory_space<vmem>>) target(%dma_start3A_395 : memref<100352x16xf32, #tpu.memory_space<vmem_shared>>) offsets(%dma_start3A_392 : memref<128xi32, #tpu.memory_space<vmem>>) semaphore(%run_scoped3A_386 : memref<!tpu.dma_semaphore, #tpu.memory_space<semaphore_mem>>) {add = true}
          %dma_wait3A_396 = arith.constant 0 : i32
          %dma_wait3A_397 = arith.constant 0 : i32
          %dma_wait3A_398 = tpu.memref_slice %arg8[%dma_wait3A_396, %dma_wait3A_397] : memref<768x16xf32, #tpu.memory_space<vmem>> -> memref<128x16xf32, #tpu.memory_space<vmem>>
          %dma_wait3A_399 = arith.constant 0 : i32
          %dma_wait3A_400 = tpu.memref_slice %arg7[%run_scoped3A_373, %dma_wait3A_399] : memref<6x128xi32, #tpu.memory_space<vmem>> -> memref<1x128xi32, #tpu.memory_space<vmem>>
          %dma_wait3A_401 = tpu.memref_squeeze %dma_wait3A_400 : memref<1x128xi32, #tpu.memory_space<vmem>> -> memref<128xi32, #tpu.memory_space<vmem>>
          %dma_wait3A_402 = arith.constant 0 : i32
          %dma_wait3A_403 = arith.constant 0 : i32
          %dma_wait3A_404 = tpu.memref_slice %arg16[%dma_wait3A_402, %dma_wait3A_403] : memref<100352x16xf32, #tpu.memory_space<vmem_shared>> -> memref<100352x16xf32, #tpu.memory_space<vmem_shared>>
          tpu.wait_indirect_dma semaphore(%run_scoped3A_386 : memref<!tpu.dma_semaphore, #tpu.memory_space<semaphore_mem>>) src(%dma_wait3A_398 : memref<128x16xf32, #tpu.memory_space<vmem>>) dst(%dma_wait3A_404 : memref<100352x16xf32, #tpu.memory_space<vmem_shared>>)
          tpu.yield
        }) : () -> ()
        %run_scoped3A_374 = arith.constant 1 : i32
        "tpu.region"() ({
          %run_scoped3A_386 = tpu.sem_alloc : memref<!tpu.dma_semaphore, #tpu.memory_space<semaphore_mem>>
          %dma_start3A_387 = arith.constant 128 : i32
          %dma_start3A_388 = arith.constant 0 : i32
          %dma_start3A_389 = tpu.memref_slice %arg8[%dma_start3A_387, %dma_start3A_388] : memref<768x16xf32, #tpu.memory_space<vmem>> -> memref<128x16xf32, #tpu.memory_space<vmem>>
          %dma_start3A_390 = arith.constant 0 : i32
          %dma_start3A_391 = tpu.memref_slice %arg7[%run_scoped3A_374, %dma_start3A_390] : memref<6x128xi32, #tpu.memory_space<vmem>> -> memref<1x128xi32, #tpu.memory_space<vmem>>
          %dma_start3A_392 = tpu.memref_squeeze %dma_start3A_391 : memref<1x128xi32, #tpu.memory_space<vmem>> -> memref<128xi32, #tpu.memory_space<vmem>>
          %dma_start3A_393 = arith.constant 0 : i32
          %dma_start3A_394 = arith.constant 0 : i32
          %dma_start3A_395 = tpu.memref_slice %arg16[%dma_start3A_393, %dma_start3A_394] : memref<100352x16xf32, #tpu.memory_space<vmem_shared>> -> memref<100352x16xf32, #tpu.memory_space<vmem_shared>>
          tpu.enqueue_indirect_dma source(%dma_start3A_389 : memref<128x16xf32, #tpu.memory_space<vmem>>) target(%dma_start3A_395 : memref<100352x16xf32, #tpu.memory_space<vmem_shared>>) offsets(%dma_start3A_392 : memref<128xi32, #tpu.memory_space<vmem>>) semaphore(%run_scoped3A_386 : memref<!tpu.dma_semaphore, #tpu.memory_space<semaphore_mem>>) {add = true}
          %dma_wait3A_396 = arith.constant 128 : i32
          %dma_wait3A_397 = arith.constant 0 : i32
          %dma_wait3A_398 = tpu.memref_slice %arg8[%dma_wait3A_396, %dma_wait3A_397] : memref<768x16xf32, #tpu.memory_space<vmem>> -> memref<128x16xf32, #tpu.memory_space<vmem>>
          %dma_wait3A_399 = arith.constant 0 : i32
          %dma_wait3A_400 = tpu.memref_slice %arg7[%run_scoped3A_374, %dma_wait3A_399] : memref<6x128xi32, #tpu.memory_space<vmem>> -> memref<1x128xi32, #tpu.memory_space<vmem>>
          %dma_wait3A_401 = tpu.memref_squeeze %dma_wait3A_400 : memref<1x128xi32, #tpu.memory_space<vmem>> -> memref<128xi32, #tpu.memory_space<vmem>>
          %dma_wait3A_402 = arith.constant 0 : i32
          %dma_wait3A_403 = arith.constant 0 : i32
          %dma_wait3A_404 = tpu.memref_slice %arg16[%dma_wait3A_402, %dma_wait3A_403] : memref<100352x16xf32, #tpu.memory_space<vmem_shared>> -> memref<100352x16xf32, #tpu.memory_space<vmem_shared>>
          tpu.wait_indirect_dma semaphore(%run_scoped3A_386 : memref<!tpu.dma_semaphore, #tpu.memory_space<semaphore_mem>>) src(%dma_wait3A_398 : memref<128x16xf32, #tpu.memory_space<vmem>>) dst(%dma_wait3A_404 : memref<100352x16xf32, #tpu.memory_space<vmem_shared>>)
          tpu.yield
        }) : () -> ()
        %run_scoped3A_375 = arith.constant 2 : i32
        "tpu.region"() ({
          %run_scoped3A_386 = tpu.sem_alloc : memref<!tpu.dma_semaphore, #tpu.memory_space<semaphore_mem>>
          %dma_start3A_387 = arith.constant 256 : i32
          %dma_start3A_388 = arith.constant 0 : i32
          %dma_start3A_389 = tpu.memref_slice %arg8[%dma_start3A_387, %dma_start3A_388] : memref<768x16xf32, #tpu.memory_space<vmem>> -> memref<128x16xf32, #tpu.memory_space<vmem>>
          %dma_start3A_390 = arith.constant 0 : i32
          %dma_start3A_391 = tpu.memref_slice %arg7[%run_scoped3A_375, %dma_start3A_390] : memref<6x128xi32, #tpu.memory_space<vmem>> -> memref<1x128xi32, #tpu.memory_space<vmem>>
          %dma_start3A_392 = tpu.memref_squeeze %dma_start3A_391 : memref<1x128xi32, #tpu.memory_space<vmem>> -> memref<128xi32, #tpu.memory_space<vmem>>
          %dma_start3A_393 = arith.constant 0 : i32
          %dma_start3A_394 = arith.constant 0 : i32
          %dma_start3A_395 = tpu.memref_slice %arg16[%dma_start3A_393, %dma_start3A_394] : memref<100352x16xf32, #tpu.memory_space<vmem_shared>> -> memref<100352x16xf32, #tpu.memory_space<vmem_shared>>
          tpu.enqueue_indirect_dma source(%dma_start3A_389 : memref<128x16xf32, #tpu.memory_space<vmem>>) target(%dma_start3A_395 : memref<100352x16xf32, #tpu.memory_space<vmem_shared>>) offsets(%dma_start3A_392 : memref<128xi32, #tpu.memory_space<vmem>>) semaphore(%run_scoped3A_386 : memref<!tpu.dma_semaphore, #tpu.memory_space<semaphore_mem>>) {add = true}
          %dma_wait3A_396 = arith.constant 256 : i32
          %dma_wait3A_397 = arith.constant 0 : i32
          %dma_wait3A_398 = tpu.memref_slice %arg8[%dma_wait3A_396, %dma_wait3A_397] : memref<768x16xf32, #tpu.memory_space<vmem>> -> memref<128x16xf32, #tpu.memory_space<vmem>>
          %dma_wait3A_399 = arith.constant 0 : i32
          %dma_wait3A_400 = tpu.memref_slice %arg7[%run_scoped3A_375, %dma_wait3A_399] : memref<6x128xi32, #tpu.memory_space<vmem>> -> memref<1x128xi32, #tpu.memory_space<vmem>>
          %dma_wait3A_401 = tpu.memref_squeeze %dma_wait3A_400 : memref<1x128xi32, #tpu.memory_space<vmem>> -> memref<128xi32, #tpu.memory_space<vmem>>
          %dma_wait3A_402 = arith.constant 0 : i32
          %dma_wait3A_403 = arith.constant 0 : i32
          %dma_wait3A_404 = tpu.memref_slice %arg16[%dma_wait3A_402, %dma_wait3A_403] : memref<100352x16xf32, #tpu.memory_space<vmem_shared>> -> memref<100352x16xf32, #tpu.memory_space<vmem_shared>>
          tpu.wait_indirect_dma semaphore(%run_scoped3A_386 : memref<!tpu.dma_semaphore, #tpu.memory_space<semaphore_mem>>) src(%dma_wait3A_398 : memref<128x16xf32, #tpu.memory_space<vmem>>) dst(%dma_wait3A_404 : memref<100352x16xf32, #tpu.memory_space<vmem_shared>>)
          tpu.yield
        }) : () -> ()
        %run_scoped3A_376 = arith.constant 3 : i32
        "tpu.region"() ({
          %run_scoped3A_386 = tpu.sem_alloc : memref<!tpu.dma_semaphore, #tpu.memory_space<semaphore_mem>>
          %dma_start3A_387 = arith.constant 384 : i32
          %dma_start3A_388 = arith.constant 0 : i32
          %dma_start3A_389 = tpu.memref_slice %arg8[%dma_start3A_387, %dma_start3A_388] : memref<768x16xf32, #tpu.memory_space<vmem>> -> memref<128x16xf32, #tpu.memory_space<vmem>>
          %dma_start3A_390 = arith.constant 0 : i32
          %dma_start3A_391 = tpu.memref_slice %arg7[%run_scoped3A_376, %dma_start3A_390] : memref<6x128xi32, #tpu.memory_space<vmem>> -> memref<1x128xi32, #tpu.memory_space<vmem>>
          %dma_start3A_392 = tpu.memref_squeeze %dma_start3A_391 : memref<1x128xi32, #tpu.memory_space<vmem>> -> memref<128xi32, #tpu.memory_space<vmem>>
          %dma_start3A_393 = arith.constant 0 : i32
          %dma_start3A_394 = arith.constant 0 : i32
          %dma_start3A_395 = tpu.memref_slice %arg16[%dma_start3A_393, %dma_start3A_394] : memref<100352x16xf32, #tpu.memory_space<vmem_shared>> -> memref<100352x16xf32, #tpu.memory_space<vmem_shared>>
          tpu.enqueue_indirect_dma source(%dma_start3A_389 : memref<128x16xf32, #tpu.memory_space<vmem>>) target(%dma_start3A_395 : memref<100352x16xf32, #tpu.memory_space<vmem_shared>>) offsets(%dma_start3A_392 : memref<128xi32, #tpu.memory_space<vmem>>) semaphore(%run_scoped3A_386 : memref<!tpu.dma_semaphore, #tpu.memory_space<semaphore_mem>>) {add = true}
          %dma_wait3A_396 = arith.constant 384 : i32
          %dma_wait3A_397 = arith.constant 0 : i32
          %dma_wait3A_398 = tpu.memref_slice %arg8[%dma_wait3A_396, %dma_wait3A_397] : memref<768x16xf32, #tpu.memory_space<vmem>> -> memref<128x16xf32, #tpu.memory_space<vmem>>
          %dma_wait3A_399 = arith.constant 0 : i32
          %dma_wait3A_400 = tpu.memref_slice %arg7[%run_scoped3A_376, %dma_wait3A_399] : memref<6x128xi32, #tpu.memory_space<vmem>> -> memref<1x128xi32, #tpu.memory_space<vmem>>
          %dma_wait3A_401 = tpu.memref_squeeze %dma_wait3A_400 : memref<1x128xi32, #tpu.memory_space<vmem>> -> memref<128xi32, #tpu.memory_space<vmem>>
          %dma_wait3A_402 = arith.constant 0 : i32
          %dma_wait3A_403 = arith.constant 0 : i32
          %dma_wait3A_404 = tpu.memref_slice %arg16[%dma_wait3A_402, %dma_wait3A_403] : memref<100352x16xf32, #tpu.memory_space<vmem_shared>> -> memref<100352x16xf32, #tpu.memory_space<vmem_shared>>
          tpu.wait_indirect_dma semaphore(%run_scoped3A_386 : memref<!tpu.dma_semaphore, #tpu.memory_space<semaphore_mem>>) src(%dma_wait3A_398 : memref<128x16xf32, #tpu.memory_space<vmem>>) dst(%dma_wait3A_404 : memref<100352x16xf32, #tpu.memory_space<vmem_shared>>)
          tpu.yield
        }) : () -> ()
        %run_scoped3A_377 = arith.constant 4 : i32
        "tpu.region"() ({
          %run_scoped3A_386 = tpu.sem_alloc : memref<!tpu.dma_semaphore, #tpu.memory_space<semaphore_mem>>
          %dma_start3A_387 = arith.constant 512 : i32
          %dma_start3A_388 = arith.constant 0 : i32
          %dma_start3A_389 = tpu.memref_slice %arg8[%dma_start3A_387, %dma_start3A_388] : memref<768x16xf32, #tpu.memory_space<vmem>> -> memref<128x16xf32, #tpu.memory_space<vmem>>
          %dma_start3A_390 = arith.constant 0 : i32
          %dma_start3A_391 = tpu.memref_slice %arg7[%run_scoped3A_377, %dma_start3A_390] : memref<6x128xi32, #tpu.memory_space<vmem>> -> memref<1x128xi32, #tpu.memory_space<vmem>>
          %dma_start3A_392 = tpu.memref_squeeze %dma_start3A_391 : memref<1x128xi32, #tpu.memory_space<vmem>> -> memref<128xi32, #tpu.memory_space<vmem>>
          %dma_start3A_393 = arith.constant 0 : i32
          %dma_start3A_394 = arith.constant 0 : i32
          %dma_start3A_395 = tpu.memref_slice %arg16[%dma_start3A_393, %dma_start3A_394] : memref<100352x16xf32, #tpu.memory_space<vmem_shared>> -> memref<100352x16xf32, #tpu.memory_space<vmem_shared>>
          tpu.enqueue_indirect_dma source(%dma_start3A_389 : memref<128x16xf32, #tpu.memory_space<vmem>>) target(%dma_start3A_395 : memref<100352x16xf32, #tpu.memory_space<vmem_shared>>) offsets(%dma_start3A_392 : memref<128xi32, #tpu.memory_space<vmem>>) semaphore(%run_scoped3A_386 : memref<!tpu.dma_semaphore, #tpu.memory_space<semaphore_mem>>) {add = true}
          %dma_wait3A_396 = arith.constant 512 : i32
          %dma_wait3A_397 = arith.constant 0 : i32
          %dma_wait3A_398 = tpu.memref_slice %arg8[%dma_wait3A_396, %dma_wait3A_397] : memref<768x16xf32, #tpu.memory_space<vmem>> -> memref<128x16xf32, #tpu.memory_space<vmem>>
          %dma_wait3A_399 = arith.constant 0 : i32
          %dma_wait3A_400 = tpu.memref_slice %arg7[%run_scoped3A_377, %dma_wait3A_399] : memref<6x128xi32, #tpu.memory_space<vmem>> -> memref<1x128xi32, #tpu.memory_space<vmem>>
          %dma_wait3A_401 = tpu.memref_squeeze %dma_wait3A_400 : memref<1x128xi32, #tpu.memory_space<vmem>> -> memref<128xi32, #tpu.memory_space<vmem>>
          %dma_wait3A_402 = arith.constant 0 : i32
          %dma_wait3A_403 = arith.constant 0 : i32
          %dma_wait3A_404 = tpu.memref_slice %arg16[%dma_wait3A_402, %dma_wait3A_403] : memref<100352x16xf32, #tpu.memory_space<vmem_shared>> -> memref<100352x16xf32, #tpu.memory_space<vmem_shared>>
          tpu.wait_indirect_dma semaphore(%run_scoped3A_386 : memref<!tpu.dma_semaphore, #tpu.memory_space<semaphore_mem>>) src(%dma_wait3A_398 : memref<128x16xf32, #tpu.memory_space<vmem>>) dst(%dma_wait3A_404 : memref<100352x16xf32, #tpu.memory_space<vmem_shared>>)
          tpu.yield
        }) : () -> ()
        %run_scoped3A_378 = arith.constant 5 : i32
        "tpu.region"() ({
          %run_scoped3A_386 = tpu.sem_alloc : memref<!tpu.dma_semaphore, #tpu.memory_space<semaphore_mem>>
          %dma_start3A_387 = arith.constant 640 : i32
          %dma_start3A_388 = arith.constant 0 : i32
          %dma_start3A_389 = tpu.memref_slice %arg8[%dma_start3A_387, %dma_start3A_388] : memref<768x16xf32, #tpu.memory_space<vmem>> -> memref<128x16xf32, #tpu.memory_space<vmem>>
          %dma_start3A_390 = arith.constant 0 : i32
          %dma_start3A_391 = tpu.memref_slice %arg7[%run_scoped3A_378, %dma_start3A_390] : memref<6x128xi32, #tpu.memory_space<vmem>> -> memref<1x128xi32, #tpu.memory_space<vmem>>
          %dma_start3A_392 = tpu.memref_squeeze %dma_start3A_391 : memref<1x128xi32, #tpu.memory_space<vmem>> -> memref<128xi32, #tpu.memory_space<vmem>>
          %dma_start3A_393 = arith.constant 0 : i32
          %dma_start3A_394 = arith.constant 0 : i32
          %dma_start3A_395 = tpu.memref_slice %arg16[%dma_start3A_393, %dma_start3A_394] : memref<100352x16xf32, #tpu.memory_space<vmem_shared>> -> memref<100352x16xf32, #tpu.memory_space<vmem_shared>>
          tpu.enqueue_indirect_dma source(%dma_start3A_389 : memref<128x16xf32, #tpu.memory_space<vmem>>) target(%dma_start3A_395 : memref<100352x16xf32, #tpu.memory_space<vmem_shared>>) offsets(%dma_start3A_392 : memref<128xi32, #tpu.memory_space<vmem>>) semaphore(%run_scoped3A_386 : memref<!tpu.dma_semaphore, #tpu.memory_space<semaphore_mem>>) {add = true}
          %dma_wait3A_396 = arith.constant 640 : i32
          %dma_wait3A_397 = arith.constant 0 : i32
          %dma_wait3A_398 = tpu.memref_slice %arg8[%dma_wait3A_396, %dma_wait3A_397] : memref<768x16xf32, #tpu.memory_space<vmem>> -> memref<128x16xf32, #tpu.memory_space<vmem>>
          %dma_wait3A_399 = arith.constant 0 : i32
          %dma_wait3A_400 = tpu.memref_slice %arg7[%run_scoped3A_378, %dma_wait3A_399] : memref<6x128xi32, #tpu.memory_space<vmem>> -> memref<1x128xi32, #tpu.memory_space<vmem>>
          %dma_wait3A_401 = tpu.memref_squeeze %dma_wait3A_400 : memref<1x128xi32, #tpu.memory_space<vmem>> -> memref<128xi32, #tpu.memory_space<vmem>>
          %dma_wait3A_402 = arith.constant 0 : i32
          %dma_wait3A_403 = arith.constant 0 : i32
          %dma_wait3A_404 = tpu.memref_slice %arg16[%dma_wait3A_402, %dma_wait3A_403] : memref<100352x16xf32, #tpu.memory_space<vmem_shared>> -> memref<100352x16xf32, #tpu.memory_space<vmem_shared>>
          tpu.wait_indirect_dma semaphore(%run_scoped3A_386 : memref<!tpu.dma_semaphore, #tpu.memory_space<semaphore_mem>>) src(%dma_wait3A_398 : memref<128x16xf32, #tpu.memory_space<vmem>>) dst(%dma_wait3A_404 : memref<100352x16xf32, #tpu.memory_space<vmem_shared>>)
          tpu.yield
        }) : () -> ()
        %add3A_379 = arith.constant 1 : i32
        %add3A_380 = arith.addi %scan3A_208, %add3A_379 : i32
        %lt3A_381 = arith.constant 131 : i32
        %lt3A_382 = arith.cmpi slt, %add3A_380, %lt3A_381 : i32
        %convert_element_type3A_383 = arith.extui %lt3A_382 : i1 to i32
        %cond3A_384 = arith.constant 0 : i32
        %cond3A_385 = arith.cmpi ne, %convert_element_type3A_383, %cond3A_384 : i32
        scf.if %cond3A_385 {
          %add3A_386 = arith.constant 1 : i32
          %add3A_387 = arith.addi %scan3A_208, %add3A_386 : i32
          %mul3A_388 = arith.constant 6 : i32
          %mul3A_389 = arith.muli %add3A_387, %mul3A_388 : i32
          %add3A_390 = arith.addi %mul3A_2, %mul3A_389 : i32
          %dma_start3A_391 = arith.constant 0 : i32
          %dma_start3A_392 = tpu.memref_slice %arg2[%add3A_390, %dma_start3A_391] : memref<25152x128xi32, #tpu.memory_space<hbm>> -> memref<6x128xi32, #tpu.memory_space<hbm>>
          %dma_start3A_393 = arith.constant 0 : i32
          %dma_start3A_394 = tpu.memref_slice %arg2[%add3A_390, %dma_start3A_393] : memref<25152x128xi32, #tpu.memory_space<hbm>> -> memref<6x128xi32, #tpu.memory_space<hbm>>
          tpu.enqueue_dma source(%dma_start3A_394 : memref<6x128xi32, #tpu.memory_space<hbm>>) target(%arg6 : memref<6x128xi32, #tpu.memory_space<vmem>>) target_semaphore(%arg9 : memref<!tpu.dma_semaphore, #tpu.memory_space<semaphore_mem>>)
          %dma_start3A_395 = arith.constant 0 : i32
          %dma_start3A_396 = tpu.memref_slice %arg3[%add3A_390, %dma_start3A_395] : memref<25152x128xi32, #tpu.memory_space<hbm>> -> memref<6x128xi32, #tpu.memory_space<hbm>>
          %dma_start3A_397 = arith.constant 0 : i32
          %dma_start3A_398 = tpu.memref_slice %arg3[%add3A_390, %dma_start3A_397] : memref<25152x128xi32, #tpu.memory_space<hbm>> -> memref<6x128xi32, #tpu.memory_space<hbm>>
          tpu.enqueue_dma source(%dma_start3A_398 : memref<6x128xi32, #tpu.memory_space<hbm>>) target(%arg7 : memref<6x128xi32, #tpu.memory_space<vmem>>) target_semaphore(%arg9 : memref<!tpu.dma_semaphore, #tpu.memory_space<semaphore_mem>>)
        } else {
        }
      } else {
      }
      %jit3A_221 = arith.constant 2 : i32
      %eq3A_222 = arith.constant 0 : i32
      %eq3A_223 = arith.cmpi eq, %jit3A_221, %eq3A_222 : i32
      %jit3A_224 = arith.constant 1 : i32
      %select_n3A_225 = arith.select %eq3A_223, %jit3A_224, %jit3A_221 : i32
      %rem3A_226 = arith.remsi %scan3A_208, %select_n3A_225 : i32
      %ne3A_227 = arith.constant 0 : i32
      %ne3A_228 = arith.cmpi ne, %rem3A_226, %ne3A_227 : i32
      %lt3A_229 = arith.constant 0 : i32
      %lt3A_230 = arith.cmpi slt, %rem3A_226, %lt3A_229 : i32
      %lt3A_231 = arith.constant 0 : i32
      %lt3A_232 = arith.cmpi slt, %select_n3A_225, %lt3A_231 : i32
      %ne3A_233 = arith.xori %lt3A_230, %lt3A_232 : i1
      %and3A_234 = arith.andi %ne3A_233, %ne3A_228 : i1
      %add3A_235 = arith.addi %rem3A_226, %select_n3A_225 : i32
      %select_n3A_236 = arith.select %and3A_234, %add3A_235, %rem3A_226 : i32
      %eq3A_237 = arith.constant 0 : i32
      %eq3A_238 = arith.cmpi eq, %select_n3A_236, %eq3A_237 : i32
      %convert_element_type3A_239 = arith.extui %eq3A_238 : i1 to i32
      %cond3A_240 = arith.constant 0 : i32
      %cond3A_241 = arith.cmpi ne, %convert_element_type3A_239, %cond3A_240 : i32
      scf.if %cond3A_241 {
        %mul3A_242 = arith.constant 6 : i32
        %mul3A_243 = arith.muli %scan3A_208, %mul3A_242 : i32
        %add3A_244 = arith.addi %mul3A_2, %mul3A_243 : i32
        %dma_wait3A_245 = arith.constant 0 : i32
        %dma_wait3A_246 = tpu.memref_slice %arg2[%add3A_244, %dma_wait3A_245] : memref<25152x128xi32, #tpu.memory_space<hbm>> -> memref<6x128xi32, #tpu.memory_space<hbm>>
        %dma_wait3A_247 = arith.constant 0 : i32
        %dma_wait3A_248 = tpu.memref_slice %arg2[%add3A_244, %dma_wait3A_247] : memref<25152x128xi32, #tpu.memory_space<hbm>> -> memref<6x128xi32, #tpu.memory_space<hbm>>
        tpu.wait_dma2 semaphore(%arg9 : memref<!tpu.dma_semaphore, #tpu.memory_space<semaphore_mem>>) src(%dma_wait3A_248 : memref<6x128xi32, #tpu.memory_space<hbm>>) dst(%arg6 : memref<6x128xi32, #tpu.memory_space<vmem>>)
        %dma_wait3A_249 = arith.constant 0 : i32
        %dma_wait3A_250 = tpu.memref_slice %arg3[%add3A_244, %dma_wait3A_249] : memref<25152x128xi32, #tpu.memory_space<hbm>> -> memref<6x128xi32, #tpu.memory_space<hbm>>
        %dma_wait3A_251 = arith.constant 0 : i32
        %dma_wait3A_252 = tpu.memref_slice %arg3[%add3A_244, %dma_wait3A_251] : memref<25152x128xi32, #tpu.memory_space<hbm>> -> memref<6x128xi32, #tpu.memory_space<hbm>>
        tpu.wait_dma2 semaphore(%arg9 : memref<!tpu.dma_semaphore, #tpu.memory_space<semaphore_mem>>) src(%dma_wait3A_252 : memref<6x128xi32, #tpu.memory_space<hbm>>) dst(%arg7 : memref<6x128xi32, #tpu.memory_space<vmem>>)
        %dma_start3A_253 = arith.constant 0 : i32
        %dma_start3A_254 = arith.constant 0 : i32
        %dma_start3A_255 = arith.constant 0 : i32
        %dma_start3A_256 = tpu.memref_slice %arg8[%dma_start3A_254, %dma_start3A_255] : memref<768x16xf32, #tpu.memory_space<vmem>> -> memref<128x16xf32, #tpu.memory_space<vmem>>
        %dma_start3A_257 = arith.constant 0 : i32
        %dma_start3A_258 = tpu.memref_slice %arg6[%dma_start3A_253, %dma_start3A_257] : memref<6x128xi32, #tpu.memory_space<vmem>> -> memref<1x128xi32, #tpu.memory_space<vmem>>
        %dma_start3A_259 = tpu.memref_squeeze %dma_start3A_258 : memref<1x128xi32, #tpu.memory_space<vmem>> -> memref<128xi32, #tpu.memory_space<vmem>>
        %dma_start3A_260 = arith.constant 0 : i32
        %dma_start3A_261 = arith.constant 0 : i32
        %dma_start3A_262 = tpu.memref_slice %arg4[%dma_start3A_260, %dma_start3A_261] : memref<100352x16xf32, #tpu.memory_space<hbm>> -> memref<100352x16xf32, #tpu.memory_space<hbm>>
        tpu.enqueue_indirect_dma source(%dma_start3A_262 : memref<100352x16xf32, #tpu.memory_space<hbm>>) target(%dma_start3A_256 : memref<128x16xf32, #tpu.memory_space<vmem>>) offsets(%dma_start3A_259 : memref<128xi32, #tpu.memory_space<vmem>>) semaphore(%arg10 : memref<!tpu.dma_semaphore, #tpu.memory_space<semaphore_mem>>)
        %dma_start3A_263 = arith.constant 1 : i32
        %dma_start3A_264 = arith.constant 128 : i32
        %dma_start3A_265 = arith.constant 0 : i32
        %dma_start3A_266 = tpu.memref_slice %arg8[%dma_start3A_264, %dma_start3A_265] : memref<768x16xf32, #tpu.memory_space<vmem>> -> memref<128x16xf32, #tpu.memory_space<vmem>>
        %dma_start3A_267 = arith.constant 0 : i32
        %dma_start3A_268 = tpu.memref_slice %arg6[%dma_start3A_263, %dma_start3A_267] : memref<6x128xi32, #tpu.memory_space<vmem>> -> memref<1x128xi32, #tpu.memory_space<vmem>>
        %dma_start3A_269 = tpu.memref_squeeze %dma_start3A_268 : memref<1x128xi32, #tpu.memory_space<vmem>> -> memref<128xi32, #tpu.memory_space<vmem>>
        %dma_start3A_270 = arith.constant 0 : i32
        %dma_start3A_271 = arith.constant 0 : i32
        %dma_start3A_272 = tpu.memref_slice %arg4[%dma_start3A_270, %dma_start3A_271] : memref<100352x16xf32, #tpu.memory_space<hbm>> -> memref<100352x16xf32, #tpu.memory_space<hbm>>
        tpu.enqueue_indirect_dma source(%dma_start3A_272 : memref<100352x16xf32, #tpu.memory_space<hbm>>) target(%dma_start3A_266 : memref<128x16xf32, #tpu.memory_space<vmem>>) offsets(%dma_start3A_269 : memref<128xi32, #tpu.memory_space<vmem>>) semaphore(%arg10 : memref<!tpu.dma_semaphore, #tpu.memory_space<semaphore_mem>>)
        %dma_start3A_273 = arith.constant 2 : i32
        %dma_start3A_274 = arith.constant 256 : i32
        %dma_start3A_275 = arith.constant 0 : i32
        %dma_start3A_276 = tpu.memref_slice %arg8[%dma_start3A_274, %dma_start3A_275] : memref<768x16xf32, #tpu.memory_space<vmem>> -> memref<128x16xf32, #tpu.memory_space<vmem>>
        %dma_start3A_277 = arith.constant 0 : i32
        %dma_start3A_278 = tpu.memref_slice %arg6[%dma_start3A_273, %dma_start3A_277] : memref<6x128xi32, #tpu.memory_space<vmem>> -> memref<1x128xi32, #tpu.memory_space<vmem>>
        %dma_start3A_279 = tpu.memref_squeeze %dma_start3A_278 : memref<1x128xi32, #tpu.memory_space<vmem>> -> memref<128xi32, #tpu.memory_space<vmem>>
        %dma_start3A_280 = arith.constant 0 : i32
        %dma_start3A_281 = arith.constant 0 : i32
        %dma_start3A_282 = tpu.memref_slice %arg4[%dma_start3A_280, %dma_start3A_281] : memref<100352x16xf32, #tpu.memory_space<hbm>> -> memref<100352x16xf32, #tpu.memory_space<hbm>>
        tpu.enqueue_indirect_dma source(%dma_start3A_282 : memref<100352x16xf32, #tpu.memory_space<hbm>>) target(%dma_start3A_276 : memref<128x16xf32, #tpu.memory_space<vmem>>) offsets(%dma_start3A_279 : memref<128xi32, #tpu.memory_space<vmem>>) semaphore(%arg10 : memref<!tpu.dma_semaphore, #tpu.memory_space<semaphore_mem>>)
        %dma_start3A_283 = arith.constant 3 : i32
        %dma_start3A_284 = arith.constant 384 : i32
        %dma_start3A_285 = arith.constant 0 : i32
        %dma_start3A_286 = tpu.memref_slice %arg8[%dma_start3A_284, %dma_start3A_285] : memref<768x16xf32, #tpu.memory_space<vmem>> -> memref<128x16xf32, #tpu.memory_space<vmem>>
        %dma_start3A_287 = arith.constant 0 : i32
        %dma_start3A_288 = tpu.memref_slice %arg6[%dma_start3A_283, %dma_start3A_287] : memref<6x128xi32, #tpu.memory_space<vmem>> -> memref<1x128xi32, #tpu.memory_space<vmem>>
        %dma_start3A_289 = tpu.memref_squeeze %dma_start3A_288 : memref<1x128xi32, #tpu.memory_space<vmem>> -> memref<128xi32, #tpu.memory_space<vmem>>
        %dma_start3A_290 = arith.constant 0 : i32
        %dma_start3A_291 = arith.constant 0 : i32
        %dma_start3A_292 = tpu.memref_slice %arg4[%dma_start3A_290, %dma_start3A_291] : memref<100352x16xf32, #tpu.memory_space<hbm>> -> memref<100352x16xf32, #tpu.memory_space<hbm>>
        tpu.enqueue_indirect_dma source(%dma_start3A_292 : memref<100352x16xf32, #tpu.memory_space<hbm>>) target(%dma_start3A_286 : memref<128x16xf32, #tpu.memory_space<vmem>>) offsets(%dma_start3A_289 : memref<128xi32, #tpu.memory_space<vmem>>) semaphore(%arg10 : memref<!tpu.dma_semaphore, #tpu.memory_space<semaphore_mem>>)
        %dma_start3A_293 = arith.constant 4 : i32
        %dma_start3A_294 = arith.constant 512 : i32
        %dma_start3A_295 = arith.constant 0 : i32
        %dma_start3A_296 = tpu.memref_slice %arg8[%dma_start3A_294, %dma_start3A_295] : memref<768x16xf32, #tpu.memory_space<vmem>> -> memref<128x16xf32, #tpu.memory_space<vmem>>
        %dma_start3A_297 = arith.constant 0 : i32
        %dma_start3A_298 = tpu.memref_slice %arg6[%dma_start3A_293, %dma_start3A_297] : memref<6x128xi32, #tpu.memory_space<vmem>> -> memref<1x128xi32, #tpu.memory_space<vmem>>
        %dma_start3A_299 = tpu.memref_squeeze %dma_start3A_298 : memref<1x128xi32, #tpu.memory_space<vmem>> -> memref<128xi32, #tpu.memory_space<vmem>>
        %dma_start3A_300 = arith.constant 0 : i32
        %dma_start3A_301 = arith.constant 0 : i32
        %dma_start3A_302 = tpu.memref_slice %arg4[%dma_start3A_300, %dma_start3A_301] : memref<100352x16xf32, #tpu.memory_space<hbm>> -> memref<100352x16xf32, #tpu.memory_space<hbm>>
        tpu.enqueue_indirect_dma source(%dma_start3A_302 : memref<100352x16xf32, #tpu.memory_space<hbm>>) target(%dma_start3A_296 : memref<128x16xf32, #tpu.memory_space<vmem>>) offsets(%dma_start3A_299 : memref<128xi32, #tpu.memory_space<vmem>>) semaphore(%arg10 : memref<!tpu.dma_semaphore, #tpu.memory_space<semaphore_mem>>)
        %dma_start3A_303 = arith.constant 5 : i32
        %dma_start3A_304 = arith.constant 640 : i32
        %dma_start3A_305 = arith.constant 0 : i32
        %dma_start3A_306 = tpu.memref_slice %arg8[%dma_start3A_304, %dma_start3A_305] : memref<768x16xf32, #tpu.memory_space<vmem>> -> memref<128x16xf32, #tpu.memory_space<vmem>>
        %dma_start3A_307 = arith.constant 0 : i32
        %dma_start3A_308 = tpu.memref_slice %arg6[%dma_start3A_303, %dma_start3A_307] : memref<6x128xi32, #tpu.memory_space<vmem>> -> memref<1x128xi32, #tpu.memory_space<vmem>>
        %dma_start3A_309 = tpu.memref_squeeze %dma_start3A_308 : memref<1x128xi32, #tpu.memory_space<vmem>> -> memref<128xi32, #tpu.memory_space<vmem>>
        %dma_start3A_310 = arith.constant 0 : i32
        %dma_start3A_311 = arith.constant 0 : i32
        %dma_start3A_312 = tpu.memref_slice %arg4[%dma_start3A_310, %dma_start3A_311] : memref<100352x16xf32, #tpu.memory_space<hbm>> -> memref<100352x16xf32, #tpu.memory_space<hbm>>
        tpu.enqueue_indirect_dma source(%dma_start3A_312 : memref<100352x16xf32, #tpu.memory_space<hbm>>) target(%dma_start3A_306 : memref<128x16xf32, #tpu.memory_space<vmem>>) offsets(%dma_start3A_309 : memref<128xi32, #tpu.memory_space<vmem>>) semaphore(%arg10 : memref<!tpu.dma_semaphore, #tpu.memory_space<semaphore_mem>>)
        %dma_wait3A_313 = arith.constant 0 : i32
        %dma_wait3A_314 = arith.constant 0 : i32
        %dma_wait3A_315 = arith.constant 0 : i32
        %dma_wait3A_316 = tpu.memref_slice %arg13[%dma_wait3A_314, %dma_wait3A_315] : memref<768x16xf32, #tpu.memory_space<vmem>> -> memref<128x16xf32, #tpu.memory_space<vmem>>
        %dma_wait3A_317 = arith.constant 0 : i32
        %dma_wait3A_318 = tpu.memref_slice %arg11[%dma_wait3A_313, %dma_wait3A_317] : memref<6x128xi32, #tpu.memory_space<vmem>> -> memref<1x128xi32, #tpu.memory_space<vmem>>
        %dma_wait3A_319 = tpu.memref_squeeze %dma_wait3A_318 : memref<1x128xi32, #tpu.memory_space<vmem>> -> memref<128xi32, #tpu.memory_space<vmem>>
        %dma_wait3A_320 = arith.constant 0 : i32
        %dma_wait3A_321 = arith.constant 0 : i32
        %dma_wait3A_322 = tpu.memref_slice %arg4[%dma_wait3A_320, %dma_wait3A_321] : memref<100352x16xf32, #tpu.memory_space<hbm>> -> memref<100352x16xf32, #tpu.memory_space<hbm>>
        tpu.wait_indirect_dma semaphore(%arg15 : memref<!tpu.dma_semaphore, #tpu.memory_space<semaphore_mem>>) src(%dma_wait3A_322 : memref<100352x16xf32, #tpu.memory_space<hbm>>) dst(%dma_wait3A_316 : memref<128x16xf32, #tpu.memory_space<vmem>>)
        %dma_wait3A_323 = arith.constant 1 : i32
        %dma_wait3A_324 = arith.constant 128 : i32
        %dma_wait3A_325 = arith.constant 0 : i32
        %dma_wait3A_326 = tpu.memref_slice %arg13[%dma_wait3A_324, %dma_wait3A_325] : memref<768x16xf32, #tpu.memory_space<vmem>> -> memref<128x16xf32, #tpu.memory_space<vmem>>
        %dma_wait3A_327 = arith.constant 0 : i32
        %dma_wait3A_328 = tpu.memref_slice %arg11[%dma_wait3A_323, %dma_wait3A_327] : memref<6x128xi32, #tpu.memory_space<vmem>> -> memref<1x128xi32, #tpu.memory_space<vmem>>
        %dma_wait3A_329 = tpu.memref_squeeze %dma_wait3A_328 : memref<1x128xi32, #tpu.memory_space<vmem>> -> memref<128xi32, #tpu.memory_space<vmem>>
        %dma_wait3A_330 = arith.constant 0 : i32
        %dma_wait3A_331 = arith.constant 0 : i32
        %dma_wait3A_332 = tpu.memref_slice %arg4[%dma_wait3A_330, %dma_wait3A_331] : memref<100352x16xf32, #tpu.memory_space<hbm>> -> memref<100352x16xf32, #tpu.memory_space<hbm>>
        tpu.wait_indirect_dma semaphore(%arg15 : memref<!tpu.dma_semaphore, #tpu.memory_space<semaphore_mem>>) src(%dma_wait3A_332 : memref<100352x16xf32, #tpu.memory_space<hbm>>) dst(%dma_wait3A_326 : memref<128x16xf32, #tpu.memory_space<vmem>>)
        %dma_wait3A_333 = arith.constant 2 : i32
        %dma_wait3A_334 = arith.constant 256 : i32
        %dma_wait3A_335 = arith.constant 0 : i32
        %dma_wait3A_336 = tpu.memref_slice %arg13[%dma_wait3A_334, %dma_wait3A_335] : memref<768x16xf32, #tpu.memory_space<vmem>> -> memref<128x16xf32, #tpu.memory_space<vmem>>
        %dma_wait3A_337 = arith.constant 0 : i32
        %dma_wait3A_338 = tpu.memref_slice %arg11[%dma_wait3A_333, %dma_wait3A_337] : memref<6x128xi32, #tpu.memory_space<vmem>> -> memref<1x128xi32, #tpu.memory_space<vmem>>
        %dma_wait3A_339 = tpu.memref_squeeze %dma_wait3A_338 : memref<1x128xi32, #tpu.memory_space<vmem>> -> memref<128xi32, #tpu.memory_space<vmem>>
        %dma_wait3A_340 = arith.constant 0 : i32
        %dma_wait3A_341 = arith.constant 0 : i32
        %dma_wait3A_342 = tpu.memref_slice %arg4[%dma_wait3A_340, %dma_wait3A_341] : memref<100352x16xf32, #tpu.memory_space<hbm>> -> memref<100352x16xf32, #tpu.memory_space<hbm>>
        tpu.wait_indirect_dma semaphore(%arg15 : memref<!tpu.dma_semaphore, #tpu.memory_space<semaphore_mem>>) src(%dma_wait3A_342 : memref<100352x16xf32, #tpu.memory_space<hbm>>) dst(%dma_wait3A_336 : memref<128x16xf32, #tpu.memory_space<vmem>>)
        %dma_wait3A_343 = arith.constant 3 : i32
        %dma_wait3A_344 = arith.constant 384 : i32
        %dma_wait3A_345 = arith.constant 0 : i32
        %dma_wait3A_346 = tpu.memref_slice %arg13[%dma_wait3A_344, %dma_wait3A_345] : memref<768x16xf32, #tpu.memory_space<vmem>> -> memref<128x16xf32, #tpu.memory_space<vmem>>
        %dma_wait3A_347 = arith.constant 0 : i32
        %dma_wait3A_348 = tpu.memref_slice %arg11[%dma_wait3A_343, %dma_wait3A_347] : memref<6x128xi32, #tpu.memory_space<vmem>> -> memref<1x128xi32, #tpu.memory_space<vmem>>
        %dma_wait3A_349 = tpu.memref_squeeze %dma_wait3A_348 : memref<1x128xi32, #tpu.memory_space<vmem>> -> memref<128xi32, #tpu.memory_space<vmem>>
        %dma_wait3A_350 = arith.constant 0 : i32
        %dma_wait3A_351 = arith.constant 0 : i32
        %dma_wait3A_352 = tpu.memref_slice %arg4[%dma_wait3A_350, %dma_wait3A_351] : memref<100352x16xf32, #tpu.memory_space<hbm>> -> memref<100352x16xf32, #tpu.memory_space<hbm>>
        tpu.wait_indirect_dma semaphore(%arg15 : memref<!tpu.dma_semaphore, #tpu.memory_space<semaphore_mem>>) src(%dma_wait3A_352 : memref<100352x16xf32, #tpu.memory_space<hbm>>) dst(%dma_wait3A_346 : memref<128x16xf32, #tpu.memory_space<vmem>>)
        %dma_wait3A_353 = arith.constant 4 : i32
        %dma_wait3A_354 = arith.constant 512 : i32
        %dma_wait3A_355 = arith.constant 0 : i32
        %dma_wait3A_356 = tpu.memref_slice %arg13[%dma_wait3A_354, %dma_wait3A_355] : memref<768x16xf32, #tpu.memory_space<vmem>> -> memref<128x16xf32, #tpu.memory_space<vmem>>
        %dma_wait3A_357 = arith.constant 0 : i32
        %dma_wait3A_358 = tpu.memref_slice %arg11[%dma_wait3A_353, %dma_wait3A_357] : memref<6x128xi32, #tpu.memory_space<vmem>> -> memref<1x128xi32, #tpu.memory_space<vmem>>
        %dma_wait3A_359 = tpu.memref_squeeze %dma_wait3A_358 : memref<1x128xi32, #tpu.memory_space<vmem>> -> memref<128xi32, #tpu.memory_space<vmem>>
        %dma_wait3A_360 = arith.constant 0 : i32
        %dma_wait3A_361 = arith.constant 0 : i32
        %dma_wait3A_362 = tpu.memref_slice %arg4[%dma_wait3A_360, %dma_wait3A_361] : memref<100352x16xf32, #tpu.memory_space<hbm>> -> memref<100352x16xf32, #tpu.memory_space<hbm>>
        tpu.wait_indirect_dma semaphore(%arg15 : memref<!tpu.dma_semaphore, #tpu.memory_space<semaphore_mem>>) src(%dma_wait3A_362 : memref<100352x16xf32, #tpu.memory_space<hbm>>) dst(%dma_wait3A_356 : memref<128x16xf32, #tpu.memory_space<vmem>>)
        %dma_wait3A_363 = arith.constant 5 : i32
        %dma_wait3A_364 = arith.constant 640 : i32
        %dma_wait3A_365 = arith.constant 0 : i32
        %dma_wait3A_366 = tpu.memref_slice %arg13[%dma_wait3A_364, %dma_wait3A_365] : memref<768x16xf32, #tpu.memory_space<vmem>> -> memref<128x16xf32, #tpu.memory_space<vmem>>
        %dma_wait3A_367 = arith.constant 0 : i32
        %dma_wait3A_368 = tpu.memref_slice %arg11[%dma_wait3A_363, %dma_wait3A_367] : memref<6x128xi32, #tpu.memory_space<vmem>> -> memref<1x128xi32, #tpu.memory_space<vmem>>
        %dma_wait3A_369 = tpu.memref_squeeze %dma_wait3A_368 : memref<1x128xi32, #tpu.memory_space<vmem>> -> memref<128xi32, #tpu.memory_space<vmem>>
        %dma_wait3A_370 = arith.constant 0 : i32
        %dma_wait3A_371 = arith.constant 0 : i32
        %dma_wait3A_372 = tpu.memref_slice %arg4[%dma_wait3A_370, %dma_wait3A_371] : memref<100352x16xf32, #tpu.memory_space<hbm>> -> memref<100352x16xf32, #tpu.memory_space<hbm>>
        tpu.wait_indirect_dma semaphore(%arg15 : memref<!tpu.dma_semaphore, #tpu.memory_space<semaphore_mem>>) src(%dma_wait3A_372 : memref<100352x16xf32, #tpu.memory_space<hbm>>) dst(%dma_wait3A_366 : memref<128x16xf32, #tpu.memory_space<vmem>>)
        %run_scoped3A_373 = arith.constant 0 : i32
        "tpu.region"() ({
          %run_scoped3A_386 = tpu.sem_alloc : memref<!tpu.dma_semaphore, #tpu.memory_space<semaphore_mem>>
          %dma_start3A_387 = arith.constant 0 : i32
          %dma_start3A_388 = arith.constant 0 : i32
          %dma_start3A_389 = tpu.memref_slice %arg13[%dma_start3A_387, %dma_start3A_388] : memref<768x16xf32, #tpu.memory_space<vmem>> -> memref<128x16xf32, #tpu.memory_space<vmem>>
          %dma_start3A_390 = arith.constant 0 : i32
          %dma_start3A_391 = tpu.memref_slice %arg12[%run_scoped3A_373, %dma_start3A_390] : memref<6x128xi32, #tpu.memory_space<vmem>> -> memref<1x128xi32, #tpu.memory_space<vmem>>
          %dma_start3A_392 = tpu.memref_squeeze %dma_start3A_391 : memref<1x128xi32, #tpu.memory_space<vmem>> -> memref<128xi32, #tpu.memory_space<vmem>>
          %dma_start3A_393 = arith.constant 0 : i32
          %dma_start3A_394 = arith.constant 0 : i32
          %dma_start3A_395 = tpu.memref_slice %arg16[%dma_start3A_393, %dma_start3A_394] : memref<100352x16xf32, #tpu.memory_space<vmem_shared>> -> memref<100352x16xf32, #tpu.memory_space<vmem_shared>>
          tpu.enqueue_indirect_dma source(%dma_start3A_389 : memref<128x16xf32, #tpu.memory_space<vmem>>) target(%dma_start3A_395 : memref<100352x16xf32, #tpu.memory_space<vmem_shared>>) offsets(%dma_start3A_392 : memref<128xi32, #tpu.memory_space<vmem>>) semaphore(%run_scoped3A_386 : memref<!tpu.dma_semaphore, #tpu.memory_space<semaphore_mem>>) {add = true}
          %dma_wait3A_396 = arith.constant 0 : i32
          %dma_wait3A_397 = arith.constant 0 : i32
          %dma_wait3A_398 = tpu.memref_slice %arg13[%dma_wait3A_396, %dma_wait3A_397] : memref<768x16xf32, #tpu.memory_space<vmem>> -> memref<128x16xf32, #tpu.memory_space<vmem>>
          %dma_wait3A_399 = arith.constant 0 : i32
          %dma_wait3A_400 = tpu.memref_slice %arg12[%run_scoped3A_373, %dma_wait3A_399] : memref<6x128xi32, #tpu.memory_space<vmem>> -> memref<1x128xi32, #tpu.memory_space<vmem>>
          %dma_wait3A_401 = tpu.memref_squeeze %dma_wait3A_400 : memref<1x128xi32, #tpu.memory_space<vmem>> -> memref<128xi32, #tpu.memory_space<vmem>>
          %dma_wait3A_402 = arith.constant 0 : i32
          %dma_wait3A_403 = arith.constant 0 : i32
          %dma_wait3A_404 = tpu.memref_slice %arg16[%dma_wait3A_402, %dma_wait3A_403] : memref<100352x16xf32, #tpu.memory_space<vmem_shared>> -> memref<100352x16xf32, #tpu.memory_space<vmem_shared>>
          tpu.wait_indirect_dma semaphore(%run_scoped3A_386 : memref<!tpu.dma_semaphore, #tpu.memory_space<semaphore_mem>>) src(%dma_wait3A_398 : memref<128x16xf32, #tpu.memory_space<vmem>>) dst(%dma_wait3A_404 : memref<100352x16xf32, #tpu.memory_space<vmem_shared>>)
          tpu.yield
        }) : () -> ()
        %run_scoped3A_374 = arith.constant 1 : i32
        "tpu.region"() ({
          %run_scoped3A_386 = tpu.sem_alloc : memref<!tpu.dma_semaphore, #tpu.memory_space<semaphore_mem>>
          %dma_start3A_387 = arith.constant 128 : i32
          %dma_start3A_388 = arith.constant 0 : i32
          %dma_start3A_389 = tpu.memref_slice %arg13[%dma_start3A_387, %dma_start3A_388] : memref<768x16xf32, #tpu.memory_space<vmem>> -> memref<128x16xf32, #tpu.memory_space<vmem>>
          %dma_start3A_390 = arith.constant 0 : i32
          %dma_start3A_391 = tpu.memref_slice %arg12[%run_scoped3A_374, %dma_start3A_390] : memref<6x128xi32, #tpu.memory_space<vmem>> -> memref<1x128xi32, #tpu.memory_space<vmem>>
          %dma_start3A_392 = tpu.memref_squeeze %dma_start3A_391 : memref<1x128xi32, #tpu.memory_space<vmem>> -> memref<128xi32, #tpu.memory_space<vmem>>
          %dma_start3A_393 = arith.constant 0 : i32
          %dma_start3A_394 = arith.constant 0 : i32
          %dma_start3A_395 = tpu.memref_slice %arg16[%dma_start3A_393, %dma_start3A_394] : memref<100352x16xf32, #tpu.memory_space<vmem_shared>> -> memref<100352x16xf32, #tpu.memory_space<vmem_shared>>
          tpu.enqueue_indirect_dma source(%dma_start3A_389 : memref<128x16xf32, #tpu.memory_space<vmem>>) target(%dma_start3A_395 : memref<100352x16xf32, #tpu.memory_space<vmem_shared>>) offsets(%dma_start3A_392 : memref<128xi32, #tpu.memory_space<vmem>>) semaphore(%run_scoped3A_386 : memref<!tpu.dma_semaphore, #tpu.memory_space<semaphore_mem>>) {add = true}
          %dma_wait3A_396 = arith.constant 128 : i32
          %dma_wait3A_397 = arith.constant 0 : i32
          %dma_wait3A_398 = tpu.memref_slice %arg13[%dma_wait3A_396, %dma_wait3A_397] : memref<768x16xf32, #tpu.memory_space<vmem>> -> memref<128x16xf32, #tpu.memory_space<vmem>>
          %dma_wait3A_399 = arith.constant 0 : i32
          %dma_wait3A_400 = tpu.memref_slice %arg12[%run_scoped3A_374, %dma_wait3A_399] : memref<6x128xi32, #tpu.memory_space<vmem>> -> memref<1x128xi32, #tpu.memory_space<vmem>>
          %dma_wait3A_401 = tpu.memref_squeeze %dma_wait3A_400 : memref<1x128xi32, #tpu.memory_space<vmem>> -> memref<128xi32, #tpu.memory_space<vmem>>
          %dma_wait3A_402 = arith.constant 0 : i32
          %dma_wait3A_403 = arith.constant 0 : i32
          %dma_wait3A_404 = tpu.memref_slice %arg16[%dma_wait3A_402, %dma_wait3A_403] : memref<100352x16xf32, #tpu.memory_space<vmem_shared>> -> memref<100352x16xf32, #tpu.memory_space<vmem_shared>>
          tpu.wait_indirect_dma semaphore(%run_scoped3A_386 : memref<!tpu.dma_semaphore, #tpu.memory_space<semaphore_mem>>) src(%dma_wait3A_398 : memref<128x16xf32, #tpu.memory_space<vmem>>) dst(%dma_wait3A_404 : memref<100352x16xf32, #tpu.memory_space<vmem_shared>>)
          tpu.yield
        }) : () -> ()
        %run_scoped3A_375 = arith.constant 2 : i32
        "tpu.region"() ({
          %run_scoped3A_386 = tpu.sem_alloc : memref<!tpu.dma_semaphore, #tpu.memory_space<semaphore_mem>>
          %dma_start3A_387 = arith.constant 256 : i32
          %dma_start3A_388 = arith.constant 0 : i32
          %dma_start3A_389 = tpu.memref_slice %arg13[%dma_start3A_387, %dma_start3A_388] : memref<768x16xf32, #tpu.memory_space<vmem>> -> memref<128x16xf32, #tpu.memory_space<vmem>>
          %dma_start3A_390 = arith.constant 0 : i32
          %dma_start3A_391 = tpu.memref_slice %arg12[%run_scoped3A_375, %dma_start3A_390] : memref<6x128xi32, #tpu.memory_space<vmem>> -> memref<1x128xi32, #tpu.memory_space<vmem>>
          %dma_start3A_392 = tpu.memref_squeeze %dma_start3A_391 : memref<1x128xi32, #tpu.memory_space<vmem>> -> memref<128xi32, #tpu.memory_space<vmem>>
          %dma_start3A_393 = arith.constant 0 : i32
          %dma_start3A_394 = arith.constant 0 : i32
          %dma_start3A_395 = tpu.memref_slice %arg16[%dma_start3A_393, %dma_start3A_394] : memref<100352x16xf32, #tpu.memory_space<vmem_shared>> -> memref<100352x16xf32, #tpu.memory_space<vmem_shared>>
          tpu.enqueue_indirect_dma source(%dma_start3A_389 : memref<128x16xf32, #tpu.memory_space<vmem>>) target(%dma_start3A_395 : memref<100352x16xf32, #tpu.memory_space<vmem_shared>>) offsets(%dma_start3A_392 : memref<128xi32, #tpu.memory_space<vmem>>) semaphore(%run_scoped3A_386 : memref<!tpu.dma_semaphore, #tpu.memory_space<semaphore_mem>>) {add = true}
          %dma_wait3A_396 = arith.constant 256 : i32
          %dma_wait3A_397 = arith.constant 0 : i32
          %dma_wait3A_398 = tpu.memref_slice %arg13[%dma_wait3A_396, %dma_wait3A_397] : memref<768x16xf32, #tpu.memory_space<vmem>> -> memref<128x16xf32, #tpu.memory_space<vmem>>
          %dma_wait3A_399 = arith.constant 0 : i32
          %dma_wait3A_400 = tpu.memref_slice %arg12[%run_scoped3A_375, %dma_wait3A_399] : memref<6x128xi32, #tpu.memory_space<vmem>> -> memref<1x128xi32, #tpu.memory_space<vmem>>
          %dma_wait3A_401 = tpu.memref_squeeze %dma_wait3A_400 : memref<1x128xi32, #tpu.memory_space<vmem>> -> memref<128xi32, #tpu.memory_space<vmem>>
          %dma_wait3A_402 = arith.constant 0 : i32
          %dma_wait3A_403 = arith.constant 0 : i32
          %dma_wait3A_404 = tpu.memref_slice %arg16[%dma_wait3A_402, %dma_wait3A_403] : memref<100352x16xf32, #tpu.memory_space<vmem_shared>> -> memref<100352x16xf32, #tpu.memory_space<vmem_shared>>
          tpu.wait_indirect_dma semaphore(%run_scoped3A_386 : memref<!tpu.dma_semaphore, #tpu.memory_space<semaphore_mem>>) src(%dma_wait3A_398 : memref<128x16xf32, #tpu.memory_space<vmem>>) dst(%dma_wait3A_404 : memref<100352x16xf32, #tpu.memory_space<vmem_shared>>)
          tpu.yield
        }) : () -> ()
        %run_scoped3A_376 = arith.constant 3 : i32
        "tpu.region"() ({
          %run_scoped3A_386 = tpu.sem_alloc : memref<!tpu.dma_semaphore, #tpu.memory_space<semaphore_mem>>
          %dma_start3A_387 = arith.constant 384 : i32
          %dma_start3A_388 = arith.constant 0 : i32
          %dma_start3A_389 = tpu.memref_slice %arg13[%dma_start3A_387, %dma_start3A_388] : memref<768x16xf32, #tpu.memory_space<vmem>> -> memref<128x16xf32, #tpu.memory_space<vmem>>
          %dma_start3A_390 = arith.constant 0 : i32
          %dma_start3A_391 = tpu.memref_slice %arg12[%run_scoped3A_376, %dma_start3A_390] : memref<6x128xi32, #tpu.memory_space<vmem>> -> memref<1x128xi32, #tpu.memory_space<vmem>>
          %dma_start3A_392 = tpu.memref_squeeze %dma_start3A_391 : memref<1x128xi32, #tpu.memory_space<vmem>> -> memref<128xi32, #tpu.memory_space<vmem>>
          %dma_start3A_393 = arith.constant 0 : i32
          %dma_start3A_394 = arith.constant 0 : i32
          %dma_start3A_395 = tpu.memref_slice %arg16[%dma_start3A_393, %dma_start3A_394] : memref<100352x16xf32, #tpu.memory_space<vmem_shared>> -> memref<100352x16xf32, #tpu.memory_space<vmem_shared>>
          tpu.enqueue_indirect_dma source(%dma_start3A_389 : memref<128x16xf32, #tpu.memory_space<vmem>>) target(%dma_start3A_395 : memref<100352x16xf32, #tpu.memory_space<vmem_shared>>) offsets(%dma_start3A_392 : memref<128xi32, #tpu.memory_space<vmem>>) semaphore(%run_scoped3A_386 : memref<!tpu.dma_semaphore, #tpu.memory_space<semaphore_mem>>) {add = true}
          %dma_wait3A_396 = arith.constant 384 : i32
          %dma_wait3A_397 = arith.constant 0 : i32
          %dma_wait3A_398 = tpu.memref_slice %arg13[%dma_wait3A_396, %dma_wait3A_397] : memref<768x16xf32, #tpu.memory_space<vmem>> -> memref<128x16xf32, #tpu.memory_space<vmem>>
          %dma_wait3A_399 = arith.constant 0 : i32
          %dma_wait3A_400 = tpu.memref_slice %arg12[%run_scoped3A_376, %dma_wait3A_399] : memref<6x128xi32, #tpu.memory_space<vmem>> -> memref<1x128xi32, #tpu.memory_space<vmem>>
          %dma_wait3A_401 = tpu.memref_squeeze %dma_wait3A_400 : memref<1x128xi32, #tpu.memory_space<vmem>> -> memref<128xi32, #tpu.memory_space<vmem>>
          %dma_wait3A_402 = arith.constant 0 : i32
          %dma_wait3A_403 = arith.constant 0 : i32
          %dma_wait3A_404 = tpu.memref_slice %arg16[%dma_wait3A_402, %dma_wait3A_403] : memref<100352x16xf32, #tpu.memory_space<vmem_shared>> -> memref<100352x16xf32, #tpu.memory_space<vmem_shared>>
          tpu.wait_indirect_dma semaphore(%run_scoped3A_386 : memref<!tpu.dma_semaphore, #tpu.memory_space<semaphore_mem>>) src(%dma_wait3A_398 : memref<128x16xf32, #tpu.memory_space<vmem>>) dst(%dma_wait3A_404 : memref<100352x16xf32, #tpu.memory_space<vmem_shared>>)
          tpu.yield
        }) : () -> ()
        %run_scoped3A_377 = arith.constant 4 : i32
        "tpu.region"() ({
          %run_scoped3A_386 = tpu.sem_alloc : memref<!tpu.dma_semaphore, #tpu.memory_space<semaphore_mem>>
          %dma_start3A_387 = arith.constant 512 : i32
          %dma_start3A_388 = arith.constant 0 : i32
          %dma_start3A_389 = tpu.memref_slice %arg13[%dma_start3A_387, %dma_start3A_388] : memref<768x16xf32, #tpu.memory_space<vmem>> -> memref<128x16xf32, #tpu.memory_space<vmem>>
          %dma_start3A_390 = arith.constant 0 : i32
          %dma_start3A_391 = tpu.memref_slice %arg12[%run_scoped3A_377, %dma_start3A_390] : memref<6x128xi32, #tpu.memory_space<vmem>> -> memref<1x128xi32, #tpu.memory_space<vmem>>
          %dma_start3A_392 = tpu.memref_squeeze %dma_start3A_391 : memref<1x128xi32, #tpu.memory_space<vmem>> -> memref<128xi32, #tpu.memory_space<vmem>>
          %dma_start3A_393 = arith.constant 0 : i32
          %dma_start3A_394 = arith.constant 0 : i32
          %dma_start3A_395 = tpu.memref_slice %arg16[%dma_start3A_393, %dma_start3A_394] : memref<100352x16xf32, #tpu.memory_space<vmem_shared>> -> memref<100352x16xf32, #tpu.memory_space<vmem_shared>>
          tpu.enqueue_indirect_dma source(%dma_start3A_389 : memref<128x16xf32, #tpu.memory_space<vmem>>) target(%dma_start3A_395 : memref<100352x16xf32, #tpu.memory_space<vmem_shared>>) offsets(%dma_start3A_392 : memref<128xi32, #tpu.memory_space<vmem>>) semaphore(%run_scoped3A_386 : memref<!tpu.dma_semaphore, #tpu.memory_space<semaphore_mem>>) {add = true}
          %dma_wait3A_396 = arith.constant 512 : i32
          %dma_wait3A_397 = arith.constant 0 : i32
          %dma_wait3A_398 = tpu.memref_slice %arg13[%dma_wait3A_396, %dma_wait3A_397] : memref<768x16xf32, #tpu.memory_space<vmem>> -> memref<128x16xf32, #tpu.memory_space<vmem>>
          %dma_wait3A_399 = arith.constant 0 : i32
          %dma_wait3A_400 = tpu.memref_slice %arg12[%run_scoped3A_377, %dma_wait3A_399] : memref<6x128xi32, #tpu.memory_space<vmem>> -> memref<1x128xi32, #tpu.memory_space<vmem>>
          %dma_wait3A_401 = tpu.memref_squeeze %dma_wait3A_400 : memref<1x128xi32, #tpu.memory_space<vmem>> -> memref<128xi32, #tpu.memory_space<vmem>>
          %dma_wait3A_402 = arith.constant 0 : i32
          %dma_wait3A_403 = arith.constant 0 : i32
          %dma_wait3A_404 = tpu.memref_slice %arg16[%dma_wait3A_402, %dma_wait3A_403] : memref<100352x16xf32, #tpu.memory_space<vmem_shared>> -> memref<100352x16xf32, #tpu.memory_space<vmem_shared>>
          tpu.wait_indirect_dma semaphore(%run_scoped3A_386 : memref<!tpu.dma_semaphore, #tpu.memory_space<semaphore_mem>>) src(%dma_wait3A_398 : memref<128x16xf32, #tpu.memory_space<vmem>>) dst(%dma_wait3A_404 : memref<100352x16xf32, #tpu.memory_space<vmem_shared>>)
          tpu.yield
        }) : () -> ()
        %run_scoped3A_378 = arith.constant 5 : i32
        "tpu.region"() ({
          %run_scoped3A_386 = tpu.sem_alloc : memref<!tpu.dma_semaphore, #tpu.memory_space<semaphore_mem>>
          %dma_start3A_387 = arith.constant 640 : i32
          %dma_start3A_388 = arith.constant 0 : i32
          %dma_start3A_389 = tpu.memref_slice %arg13[%dma_start3A_387, %dma_start3A_388] : memref<768x16xf32, #tpu.memory_space<vmem>> -> memref<128x16xf32, #tpu.memory_space<vmem>>
          %dma_start3A_390 = arith.constant 0 : i32
          %dma_start3A_391 = tpu.memref_slice %arg12[%run_scoped3A_378, %dma_start3A_390] : memref<6x128xi32, #tpu.memory_space<vmem>> -> memref<1x128xi32, #tpu.memory_space<vmem>>
          %dma_start3A_392 = tpu.memref_squeeze %dma_start3A_391 : memref<1x128xi32, #tpu.memory_space<vmem>> -> memref<128xi32, #tpu.memory_space<vmem>>
          %dma_start3A_393 = arith.constant 0 : i32
          %dma_start3A_394 = arith.constant 0 : i32
          %dma_start3A_395 = tpu.memref_slice %arg16[%dma_start3A_393, %dma_start3A_394] : memref<100352x16xf32, #tpu.memory_space<vmem_shared>> -> memref<100352x16xf32, #tpu.memory_space<vmem_shared>>
          tpu.enqueue_indirect_dma source(%dma_start3A_389 : memref<128x16xf32, #tpu.memory_space<vmem>>) target(%dma_start3A_395 : memref<100352x16xf32, #tpu.memory_space<vmem_shared>>) offsets(%dma_start3A_392 : memref<128xi32, #tpu.memory_space<vmem>>) semaphore(%run_scoped3A_386 : memref<!tpu.dma_semaphore, #tpu.memory_space<semaphore_mem>>) {add = true}
          %dma_wait3A_396 = arith.constant 640 : i32
          %dma_wait3A_397 = arith.constant 0 : i32
          %dma_wait3A_398 = tpu.memref_slice %arg13[%dma_wait3A_396, %dma_wait3A_397] : memref<768x16xf32, #tpu.memory_space<vmem>> -> memref<128x16xf32, #tpu.memory_space<vmem>>
          %dma_wait3A_399 = arith.constant 0 : i32
          %dma_wait3A_400 = tpu.memref_slice %arg12[%run_scoped3A_378, %dma_wait3A_399] : memref<6x128xi32, #tpu.memory_space<vmem>> -> memref<1x128xi32, #tpu.memory_space<vmem>>
          %dma_wait3A_401 = tpu.memref_squeeze %dma_wait3A_400 : memref<1x128xi32, #tpu.memory_space<vmem>> -> memref<128xi32, #tpu.memory_space<vmem>>
          %dma_wait3A_402 = arith.constant 0 : i32
          %dma_wait3A_403 = arith.constant 0 : i32
          %dma_wait3A_404 = tpu.memref_slice %arg16[%dma_wait3A_402, %dma_wait3A_403] : memref<100352x16xf32, #tpu.memory_space<vmem_shared>> -> memref<100352x16xf32, #tpu.memory_space<vmem_shared>>
          tpu.wait_indirect_dma semaphore(%run_scoped3A_386 : memref<!tpu.dma_semaphore, #tpu.memory_space<semaphore_mem>>) src(%dma_wait3A_398 : memref<128x16xf32, #tpu.memory_space<vmem>>) dst(%dma_wait3A_404 : memref<100352x16xf32, #tpu.memory_space<vmem_shared>>)
          tpu.yield
        }) : () -> ()
        %add3A_379 = arith.constant 1 : i32
        %add3A_380 = arith.addi %scan3A_208, %add3A_379 : i32
        %lt3A_381 = arith.constant 131 : i32
        %lt3A_382 = arith.cmpi slt, %add3A_380, %lt3A_381 : i32
        %convert_element_type3A_383 = arith.extui %lt3A_382 : i1 to i32
        %cond3A_384 = arith.constant 0 : i32
        %cond3A_385 = arith.cmpi ne, %convert_element_type3A_383, %cond3A_384 : i32
        scf.if %cond3A_385 {
          %add3A_386 = arith.constant 1 : i32
          %add3A_387 = arith.addi %scan3A_208, %add3A_386 : i32
          %mul3A_388 = arith.constant 6 : i32
          %mul3A_389 = arith.muli %add3A_387, %mul3A_388 : i32
          %add3A_390 = arith.addi %mul3A_2, %mul3A_389 : i32
          %dma_start3A_391 = arith.constant 0 : i32
          %dma_start3A_392 = tpu.memref_slice %arg2[%add3A_390, %dma_start3A_391] : memref<25152x128xi32, #tpu.memory_space<hbm>> -> memref<6x128xi32, #tpu.memory_space<hbm>>
          %dma_start3A_393 = arith.constant 0 : i32
          %dma_start3A_394 = tpu.memref_slice %arg2[%add3A_390, %dma_start3A_393] : memref<25152x128xi32, #tpu.memory_space<hbm>> -> memref<6x128xi32, #tpu.memory_space<hbm>>
          tpu.enqueue_dma source(%dma_start3A_394 : memref<6x128xi32, #tpu.memory_space<hbm>>) target(%arg11 : memref<6x128xi32, #tpu.memory_space<vmem>>) target_semaphore(%arg14 : memref<!tpu.dma_semaphore, #tpu.memory_space<semaphore_mem>>)
          %dma_start3A_395 = arith.constant 0 : i32
          %dma_start3A_396 = tpu.memref_slice %arg3[%add3A_390, %dma_start3A_395] : memref<25152x128xi32, #tpu.memory_space<hbm>> -> memref<6x128xi32, #tpu.memory_space<hbm>>
          %dma_start3A_397 = arith.constant 0 : i32
          %dma_start3A_398 = tpu.memref_slice %arg3[%add3A_390, %dma_start3A_397] : memref<25152x128xi32, #tpu.memory_space<hbm>> -> memref<6x128xi32, #tpu.memory_space<hbm>>
          tpu.enqueue_dma source(%dma_start3A_398 : memref<6x128xi32, #tpu.memory_space<hbm>>) target(%arg12 : memref<6x128xi32, #tpu.memory_space<vmem>>) target_semaphore(%arg14 : memref<!tpu.dma_semaphore, #tpu.memory_space<semaphore_mem>>)
        } else {
        }
      } else {
      }
    }
    %scan3A_137 = arith.constant 130 : i32
    %dma_wait3A_138 = arith.constant 0 : i32
    %dma_wait3A_139 = arith.constant 0 : i32
    %dma_wait3A_140 = arith.constant 0 : i32
    %dma_wait3A_141 = tpu.memref_slice %arg8[%dma_wait3A_139, %dma_wait3A_140] : memref<768x16xf32, #tpu.memory_space<vmem>> -> memref<128x16xf32, #tpu.memory_space<vmem>>
    %dma_wait3A_142 = arith.constant 0 : i32
    %dma_wait3A_143 = tpu.memref_slice %arg6[%dma_wait3A_138, %dma_wait3A_142] : memref<6x128xi32, #tpu.memory_space<vmem>> -> memref<1x128xi32, #tpu.memory_space<vmem>>
    %dma_wait3A_144 = tpu.memref_squeeze %dma_wait3A_143 : memref<1x128xi32, #tpu.memory_space<vmem>> -> memref<128xi32, #tpu.memory_space<vmem>>
    %dma_wait3A_145 = arith.constant 0 : i32
    %dma_wait3A_146 = arith.constant 0 : i32
    %dma_wait3A_147 = tpu.memref_slice %arg4[%dma_wait3A_145, %dma_wait3A_146] : memref<100352x16xf32, #tpu.memory_space<hbm>> -> memref<100352x16xf32, #tpu.memory_space<hbm>>
    tpu.wait_indirect_dma semaphore(%arg10 : memref<!tpu.dma_semaphore, #tpu.memory_space<semaphore_mem>>) src(%dma_wait3A_147 : memref<100352x16xf32, #tpu.memory_space<hbm>>) dst(%dma_wait3A_141 : memref<128x16xf32, #tpu.memory_space<vmem>>)
    %dma_wait3A_148 = arith.constant 1 : i32
    %dma_wait3A_149 = arith.constant 128 : i32
    %dma_wait3A_150 = arith.constant 0 : i32
    %dma_wait3A_151 = tpu.memref_slice %arg8[%dma_wait3A_149, %dma_wait3A_150] : memref<768x16xf32, #tpu.memory_space<vmem>> -> memref<128x16xf32, #tpu.memory_space<vmem>>
    %dma_wait3A_152 = arith.constant 0 : i32
    %dma_wait3A_153 = tpu.memref_slice %arg6[%dma_wait3A_148, %dma_wait3A_152] : memref<6x128xi32, #tpu.memory_space<vmem>> -> memref<1x128xi32, #tpu.memory_space<vmem>>
    %dma_wait3A_154 = tpu.memref_squeeze %dma_wait3A_153 : memref<1x128xi32, #tpu.memory_space<vmem>> -> memref<128xi32, #tpu.memory_space<vmem>>
    %dma_wait3A_155 = arith.constant 0 : i32
    %dma_wait3A_156 = arith.constant 0 : i32
    %dma_wait3A_157 = tpu.memref_slice %arg4[%dma_wait3A_155, %dma_wait3A_156] : memref<100352x16xf32, #tpu.memory_space<hbm>> -> memref<100352x16xf32, #tpu.memory_space<hbm>>
    tpu.wait_indirect_dma semaphore(%arg10 : memref<!tpu.dma_semaphore, #tpu.memory_space<semaphore_mem>>) src(%dma_wait3A_157 : memref<100352x16xf32, #tpu.memory_space<hbm>>) dst(%dma_wait3A_151 : memref<128x16xf32, #tpu.memory_space<vmem>>)
    %dma_wait3A_158 = arith.constant 2 : i32
    %dma_wait3A_159 = arith.constant 256 : i32
    %dma_wait3A_160 = arith.constant 0 : i32
    %dma_wait3A_161 = tpu.memref_slice %arg8[%dma_wait3A_159, %dma_wait3A_160] : memref<768x16xf32, #tpu.memory_space<vmem>> -> memref<128x16xf32, #tpu.memory_space<vmem>>
    %dma_wait3A_162 = arith.constant 0 : i32
    %dma_wait3A_163 = tpu.memref_slice %arg6[%dma_wait3A_158, %dma_wait3A_162] : memref<6x128xi32, #tpu.memory_space<vmem>> -> memref<1x128xi32, #tpu.memory_space<vmem>>
    %dma_wait3A_164 = tpu.memref_squeeze %dma_wait3A_163 : memref<1x128xi32, #tpu.memory_space<vmem>> -> memref<128xi32, #tpu.memory_space<vmem>>
    %dma_wait3A_165 = arith.constant 0 : i32
    %dma_wait3A_166 = arith.constant 0 : i32
    %dma_wait3A_167 = tpu.memref_slice %arg4[%dma_wait3A_165, %dma_wait3A_166] : memref<100352x16xf32, #tpu.memory_space<hbm>> -> memref<100352x16xf32, #tpu.memory_space<hbm>>
    tpu.wait_indirect_dma semaphore(%arg10 : memref<!tpu.dma_semaphore, #tpu.memory_space<semaphore_mem>>) src(%dma_wait3A_167 : memref<100352x16xf32, #tpu.memory_space<hbm>>) dst(%dma_wait3A_161 : memref<128x16xf32, #tpu.memory_space<vmem>>)
    %dma_wait3A_168 = arith.constant 3 : i32
    %dma_wait3A_169 = arith.constant 384 : i32
    %dma_wait3A_170 = arith.constant 0 : i32
    %dma_wait3A_171 = tpu.memref_slice %arg8[%dma_wait3A_169, %dma_wait3A_170] : memref<768x16xf32, #tpu.memory_space<vmem>> -> memref<128x16xf32, #tpu.memory_space<vmem>>
    %dma_wait3A_172 = arith.constant 0 : i32
    %dma_wait3A_173 = tpu.memref_slice %arg6[%dma_wait3A_168, %dma_wait3A_172] : memref<6x128xi32, #tpu.memory_space<vmem>> -> memref<1x128xi32, #tpu.memory_space<vmem>>
    %dma_wait3A_174 = tpu.memref_squeeze %dma_wait3A_173 : memref<1x128xi32, #tpu.memory_space<vmem>> -> memref<128xi32, #tpu.memory_space<vmem>>
    %dma_wait3A_175 = arith.constant 0 : i32
    %dma_wait3A_176 = arith.constant 0 : i32
    %dma_wait3A_177 = tpu.memref_slice %arg4[%dma_wait3A_175, %dma_wait3A_176] : memref<100352x16xf32, #tpu.memory_space<hbm>> -> memref<100352x16xf32, #tpu.memory_space<hbm>>
    tpu.wait_indirect_dma semaphore(%arg10 : memref<!tpu.dma_semaphore, #tpu.memory_space<semaphore_mem>>) src(%dma_wait3A_177 : memref<100352x16xf32, #tpu.memory_space<hbm>>) dst(%dma_wait3A_171 : memref<128x16xf32, #tpu.memory_space<vmem>>)
    %dma_wait3A_178 = arith.constant 4 : i32
    %dma_wait3A_179 = arith.constant 512 : i32
    %dma_wait3A_180 = arith.constant 0 : i32
    %dma_wait3A_181 = tpu.memref_slice %arg8[%dma_wait3A_179, %dma_wait3A_180] : memref<768x16xf32, #tpu.memory_space<vmem>> -> memref<128x16xf32, #tpu.memory_space<vmem>>
    %dma_wait3A_182 = arith.constant 0 : i32
    %dma_wait3A_183 = tpu.memref_slice %arg6[%dma_wait3A_178, %dma_wait3A_182] : memref<6x128xi32, #tpu.memory_space<vmem>> -> memref<1x128xi32, #tpu.memory_space<vmem>>
    %dma_wait3A_184 = tpu.memref_squeeze %dma_wait3A_183 : memref<1x128xi32, #tpu.memory_space<vmem>> -> memref<128xi32, #tpu.memory_space<vmem>>
    %dma_wait3A_185 = arith.constant 0 : i32
    %dma_wait3A_186 = arith.constant 0 : i32
    %dma_wait3A_187 = tpu.memref_slice %arg4[%dma_wait3A_185, %dma_wait3A_186] : memref<100352x16xf32, #tpu.memory_space<hbm>> -> memref<100352x16xf32, #tpu.memory_space<hbm>>
    tpu.wait_indirect_dma semaphore(%arg10 : memref<!tpu.dma_semaphore, #tpu.memory_space<semaphore_mem>>) src(%dma_wait3A_187 : memref<100352x16xf32, #tpu.memory_space<hbm>>) dst(%dma_wait3A_181 : memref<128x16xf32, #tpu.memory_space<vmem>>)
    %dma_wait3A_188 = arith.constant 5 : i32
    %dma_wait3A_189 = arith.constant 640 : i32
    %dma_wait3A_190 = arith.constant 0 : i32
    %dma_wait3A_191 = tpu.memref_slice %arg8[%dma_wait3A_189, %dma_wait3A_190] : memref<768x16xf32, #tpu.memory_space<vmem>> -> memref<128x16xf32, #tpu.memory_space<vmem>>
    %dma_wait3A_192 = arith.constant 0 : i32
    %dma_wait3A_193 = tpu.memref_slice %arg6[%dma_wait3A_188, %dma_wait3A_192] : memref<6x128xi32, #tpu.memory_space<vmem>> -> memref<1x128xi32, #tpu.memory_space<vmem>>
    %dma_wait3A_194 = tpu.memref_squeeze %dma_wait3A_193 : memref<1x128xi32, #tpu.memory_space<vmem>> -> memref<128xi32, #tpu.memory_space<vmem>>
    %dma_wait3A_195 = arith.constant 0 : i32
    %dma_wait3A_196 = arith.constant 0 : i32
    %dma_wait3A_197 = tpu.memref_slice %arg4[%dma_wait3A_195, %dma_wait3A_196] : memref<100352x16xf32, #tpu.memory_space<hbm>> -> memref<100352x16xf32, #tpu.memory_space<hbm>>
    tpu.wait_indirect_dma semaphore(%arg10 : memref<!tpu.dma_semaphore, #tpu.memory_space<semaphore_mem>>) src(%dma_wait3A_197 : memref<100352x16xf32, #tpu.memory_space<hbm>>) dst(%dma_wait3A_191 : memref<128x16xf32, #tpu.memory_space<vmem>>)
    %run_scoped3A = arith.constant 0 : i32
    "tpu.region"() ({
      %run_scoped3A_208 = tpu.sem_alloc : memref<!tpu.dma_semaphore, #tpu.memory_space<semaphore_mem>>
      %dma_start3A_209 = arith.constant 0 : i32
      %dma_start3A_210 = arith.constant 0 : i32
      %dma_start3A_211 = tpu.memref_slice %arg8[%dma_start3A_209, %dma_start3A_210] : memref<768x16xf32, #tpu.memory_space<vmem>> -> memref<128x16xf32, #tpu.memory_space<vmem>>
      %dma_start3A_212 = arith.constant 0 : i32
      %dma_start3A_213 = tpu.memref_slice %arg7[%run_scoped3A, %dma_start3A_212] : memref<6x128xi32, #tpu.memory_space<vmem>> -> memref<1x128xi32, #tpu.memory_space<vmem>>
      %dma_start3A_214 = tpu.memref_squeeze %dma_start3A_213 : memref<1x128xi32, #tpu.memory_space<vmem>> -> memref<128xi32, #tpu.memory_space<vmem>>
      %dma_start3A_215 = arith.constant 0 : i32
      %dma_start3A_216 = arith.constant 0 : i32
      %dma_start3A_217 = tpu.memref_slice %arg16[%dma_start3A_215, %dma_start3A_216] : memref<100352x16xf32, #tpu.memory_space<vmem_shared>> -> memref<100352x16xf32, #tpu.memory_space<vmem_shared>>
      tpu.enqueue_indirect_dma source(%dma_start3A_211 : memref<128x16xf32, #tpu.memory_space<vmem>>) target(%dma_start3A_217 : memref<100352x16xf32, #tpu.memory_space<vmem_shared>>) offsets(%dma_start3A_214 : memref<128xi32, #tpu.memory_space<vmem>>) semaphore(%run_scoped3A_208 : memref<!tpu.dma_semaphore, #tpu.memory_space<semaphore_mem>>) {add = true}
      %dma_wait3A_218 = arith.constant 0 : i32
      %dma_wait3A_219 = arith.constant 0 : i32
      %dma_wait3A_220 = tpu.memref_slice %arg8[%dma_wait3A_218, %dma_wait3A_219] : memref<768x16xf32, #tpu.memory_space<vmem>> -> memref<128x16xf32, #tpu.memory_space<vmem>>
      %dma_wait3A_221 = arith.constant 0 : i32
      %dma_wait3A_222 = tpu.memref_slice %arg7[%run_scoped3A, %dma_wait3A_221] : memref<6x128xi32, #tpu.memory_space<vmem>> -> memref<1x128xi32, #tpu.memory_space<vmem>>
      %dma_wait3A_223 = tpu.memref_squeeze %dma_wait3A_222 : memref<1x128xi32, #tpu.memory_space<vmem>> -> memref<128xi32, #tpu.memory_space<vmem>>
      %dma_wait3A_224 = arith.constant 0 : i32
      %dma_wait3A_225 = arith.constant 0 : i32
      %dma_wait3A_226 = tpu.memref_slice %arg16[%dma_wait3A_224, %dma_wait3A_225] : memref<100352x16xf32, #tpu.memory_space<vmem_shared>> -> memref<100352x16xf32, #tpu.memory_space<vmem_shared>>
      tpu.wait_indirect_dma semaphore(%run_scoped3A_208 : memref<!tpu.dma_semaphore, #tpu.memory_space<semaphore_mem>>) src(%dma_wait3A_220 : memref<128x16xf32, #tpu.memory_space<vmem>>) dst(%dma_wait3A_226 : memref<100352x16xf32, #tpu.memory_space<vmem_shared>>)
      tpu.yield
    }) : () -> ()
    %run_scoped3A_198 = arith.constant 1 : i32
    "tpu.region"() ({
      %run_scoped3A_208 = tpu.sem_alloc : memref<!tpu.dma_semaphore, #tpu.memory_space<semaphore_mem>>
      %dma_start3A_209 = arith.constant 128 : i32
      %dma_start3A_210 = arith.constant 0 : i32
      %dma_start3A_211 = tpu.memref_slice %arg8[%dma_start3A_209, %dma_start3A_210] : memref<768x16xf32, #tpu.memory_space<vmem>> -> memref<128x16xf32, #tpu.memory_space<vmem>>
      %dma_start3A_212 = arith.constant 0 : i32
      %dma_start3A_213 = tpu.memref_slice %arg7[%run_scoped3A_198, %dma_start3A_212] : memref<6x128xi32, #tpu.memory_space<vmem>> -> memref<1x128xi32, #tpu.memory_space<vmem>>
      %dma_start3A_214 = tpu.memref_squeeze %dma_start3A_213 : memref<1x128xi32, #tpu.memory_space<vmem>> -> memref<128xi32, #tpu.memory_space<vmem>>
      %dma_start3A_215 = arith.constant 0 : i32
      %dma_start3A_216 = arith.constant 0 : i32
      %dma_start3A_217 = tpu.memref_slice %arg16[%dma_start3A_215, %dma_start3A_216] : memref<100352x16xf32, #tpu.memory_space<vmem_shared>> -> memref<100352x16xf32, #tpu.memory_space<vmem_shared>>
      tpu.enqueue_indirect_dma source(%dma_start3A_211 : memref<128x16xf32, #tpu.memory_space<vmem>>) target(%dma_start3A_217 : memref<100352x16xf32, #tpu.memory_space<vmem_shared>>) offsets(%dma_start3A_214 : memref<128xi32, #tpu.memory_space<vmem>>) semaphore(%run_scoped3A_208 : memref<!tpu.dma_semaphore, #tpu.memory_space<semaphore_mem>>) {add = true}
      %dma_wait3A_218 = arith.constant 128 : i32
      %dma_wait3A_219 = arith.constant 0 : i32
      %dma_wait3A_220 = tpu.memref_slice %arg8[%dma_wait3A_218, %dma_wait3A_219] : memref<768x16xf32, #tpu.memory_space<vmem>> -> memref<128x16xf32, #tpu.memory_space<vmem>>
      %dma_wait3A_221 = arith.constant 0 : i32
      %dma_wait3A_222 = tpu.memref_slice %arg7[%run_scoped3A_198, %dma_wait3A_221] : memref<6x128xi32, #tpu.memory_space<vmem>> -> memref<1x128xi32, #tpu.memory_space<vmem>>
      %dma_wait3A_223 = tpu.memref_squeeze %dma_wait3A_222 : memref<1x128xi32, #tpu.memory_space<vmem>> -> memref<128xi32, #tpu.memory_space<vmem>>
      %dma_wait3A_224 = arith.constant 0 : i32
      %dma_wait3A_225 = arith.constant 0 : i32
      %dma_wait3A_226 = tpu.memref_slice %arg16[%dma_wait3A_224, %dma_wait3A_225] : memref<100352x16xf32, #tpu.memory_space<vmem_shared>> -> memref<100352x16xf32, #tpu.memory_space<vmem_shared>>
      tpu.wait_indirect_dma semaphore(%run_scoped3A_208 : memref<!tpu.dma_semaphore, #tpu.memory_space<semaphore_mem>>) src(%dma_wait3A_220 : memref<128x16xf32, #tpu.memory_space<vmem>>) dst(%dma_wait3A_226 : memref<100352x16xf32, #tpu.memory_space<vmem_shared>>)
      tpu.yield
    }) : () -> ()
    %run_scoped3A_199 = arith.constant 2 : i32
    "tpu.region"() ({
      %run_scoped3A_208 = tpu.sem_alloc : memref<!tpu.dma_semaphore, #tpu.memory_space<semaphore_mem>>
      %dma_start3A_209 = arith.constant 256 : i32
      %dma_start3A_210 = arith.constant 0 : i32
      %dma_start3A_211 = tpu.memref_slice %arg8[%dma_start3A_209, %dma_start3A_210] : memref<768x16xf32, #tpu.memory_space<vmem>> -> memref<128x16xf32, #tpu.memory_space<vmem>>
      %dma_start3A_212 = arith.constant 0 : i32
      %dma_start3A_213 = tpu.memref_slice %arg7[%run_scoped3A_199, %dma_start3A_212] : memref<6x128xi32, #tpu.memory_space<vmem>> -> memref<1x128xi32, #tpu.memory_space<vmem>>
      %dma_start3A_214 = tpu.memref_squeeze %dma_start3A_213 : memref<1x128xi32, #tpu.memory_space<vmem>> -> memref<128xi32, #tpu.memory_space<vmem>>
      %dma_start3A_215 = arith.constant 0 : i32
      %dma_start3A_216 = arith.constant 0 : i32
      %dma_start3A_217 = tpu.memref_slice %arg16[%dma_start3A_215, %dma_start3A_216] : memref<100352x16xf32, #tpu.memory_space<vmem_shared>> -> memref<100352x16xf32, #tpu.memory_space<vmem_shared>>
      tpu.enqueue_indirect_dma source(%dma_start3A_211 : memref<128x16xf32, #tpu.memory_space<vmem>>) target(%dma_start3A_217 : memref<100352x16xf32, #tpu.memory_space<vmem_shared>>) offsets(%dma_start3A_214 : memref<128xi32, #tpu.memory_space<vmem>>) semaphore(%run_scoped3A_208 : memref<!tpu.dma_semaphore, #tpu.memory_space<semaphore_mem>>) {add = true}
      %dma_wait3A_218 = arith.constant 256 : i32
      %dma_wait3A_219 = arith.constant 0 : i32
      %dma_wait3A_220 = tpu.memref_slice %arg8[%dma_wait3A_218, %dma_wait3A_219] : memref<768x16xf32, #tpu.memory_space<vmem>> -> memref<128x16xf32, #tpu.memory_space<vmem>>
      %dma_wait3A_221 = arith.constant 0 : i32
      %dma_wait3A_222 = tpu.memref_slice %arg7[%run_scoped3A_199, %dma_wait3A_221] : memref<6x128xi32, #tpu.memory_space<vmem>> -> memref<1x128xi32, #tpu.memory_space<vmem>>
      %dma_wait3A_223 = tpu.memref_squeeze %dma_wait3A_222 : memref<1x128xi32, #tpu.memory_space<vmem>> -> memref<128xi32, #tpu.memory_space<vmem>>
      %dma_wait3A_224 = arith.constant 0 : i32
      %dma_wait3A_225 = arith.constant 0 : i32
      %dma_wait3A_226 = tpu.memref_slice %arg16[%dma_wait3A_224, %dma_wait3A_225] : memref<100352x16xf32, #tpu.memory_space<vmem_shared>> -> memref<100352x16xf32, #tpu.memory_space<vmem_shared>>
      tpu.wait_indirect_dma semaphore(%run_scoped3A_208 : memref<!tpu.dma_semaphore, #tpu.memory_space<semaphore_mem>>) src(%dma_wait3A_220 : memref<128x16xf32, #tpu.memory_space<vmem>>) dst(%dma_wait3A_226 : memref<100352x16xf32, #tpu.memory_space<vmem_shared>>)
      tpu.yield
    }) : () -> ()
    %run_scoped3A_200 = arith.constant 3 : i32
    "tpu.region"() ({
      %run_scoped3A_208 = tpu.sem_alloc : memref<!tpu.dma_semaphore, #tpu.memory_space<semaphore_mem>>
      %dma_start3A_209 = arith.constant 384 : i32
      %dma_start3A_210 = arith.constant 0 : i32
      %dma_start3A_211 = tpu.memref_slice %arg8[%dma_start3A_209, %dma_start3A_210] : memref<768x16xf32, #tpu.memory_space<vmem>> -> memref<128x16xf32, #tpu.memory_space<vmem>>
      %dma_start3A_212 = arith.constant 0 : i32
      %dma_start3A_213 = tpu.memref_slice %arg7[%run_scoped3A_200, %dma_start3A_212] : memref<6x128xi32, #tpu.memory_space<vmem>> -> memref<1x128xi32, #tpu.memory_space<vmem>>
      %dma_start3A_214 = tpu.memref_squeeze %dma_start3A_213 : memref<1x128xi32, #tpu.memory_space<vmem>> -> memref<128xi32, #tpu.memory_space<vmem>>
      %dma_start3A_215 = arith.constant 0 : i32
      %dma_start3A_216 = arith.constant 0 : i32
      %dma_start3A_217 = tpu.memref_slice %arg16[%dma_start3A_215, %dma_start3A_216] : memref<100352x16xf32, #tpu.memory_space<vmem_shared>> -> memref<100352x16xf32, #tpu.memory_space<vmem_shared>>
      tpu.enqueue_indirect_dma source(%dma_start3A_211 : memref<128x16xf32, #tpu.memory_space<vmem>>) target(%dma_start3A_217 : memref<100352x16xf32, #tpu.memory_space<vmem_shared>>) offsets(%dma_start3A_214 : memref<128xi32, #tpu.memory_space<vmem>>) semaphore(%run_scoped3A_208 : memref<!tpu.dma_semaphore, #tpu.memory_space<semaphore_mem>>) {add = true}
      %dma_wait3A_218 = arith.constant 384 : i32
      %dma_wait3A_219 = arith.constant 0 : i32
      %dma_wait3A_220 = tpu.memref_slice %arg8[%dma_wait3A_218, %dma_wait3A_219] : memref<768x16xf32, #tpu.memory_space<vmem>> -> memref<128x16xf32, #tpu.memory_space<vmem>>
      %dma_wait3A_221 = arith.constant 0 : i32
      %dma_wait3A_222 = tpu.memref_slice %arg7[%run_scoped3A_200, %dma_wait3A_221] : memref<6x128xi32, #tpu.memory_space<vmem>> -> memref<1x128xi32, #tpu.memory_space<vmem>>
      %dma_wait3A_223 = tpu.memref_squeeze %dma_wait3A_222 : memref<1x128xi32, #tpu.memory_space<vmem>> -> memref<128xi32, #tpu.memory_space<vmem>>
      %dma_wait3A_224 = arith.constant 0 : i32
      %dma_wait3A_225 = arith.constant 0 : i32
      %dma_wait3A_226 = tpu.memref_slice %arg16[%dma_wait3A_224, %dma_wait3A_225] : memref<100352x16xf32, #tpu.memory_space<vmem_shared>> -> memref<100352x16xf32, #tpu.memory_space<vmem_shared>>
      tpu.wait_indirect_dma semaphore(%run_scoped3A_208 : memref<!tpu.dma_semaphore, #tpu.memory_space<semaphore_mem>>) src(%dma_wait3A_220 : memref<128x16xf32, #tpu.memory_space<vmem>>) dst(%dma_wait3A_226 : memref<100352x16xf32, #tpu.memory_space<vmem_shared>>)
      tpu.yield
    }) : () -> ()
    %run_scoped3A_201 = arith.constant 4 : i32
    "tpu.region"() ({
      %run_scoped3A_208 = tpu.sem_alloc : memref<!tpu.dma_semaphore, #tpu.memory_space<semaphore_mem>>
      %dma_start3A_209 = arith.constant 512 : i32
      %dma_start3A_210 = arith.constant 0 : i32
      %dma_start3A_211 = tpu.memref_slice %arg8[%dma_start3A_209, %dma_start3A_210] : memref<768x16xf32, #tpu.memory_space<vmem>> -> memref<128x16xf32, #tpu.memory_space<vmem>>
      %dma_start3A_212 = arith.constant 0 : i32
      %dma_start3A_213 = tpu.memref_slice %arg7[%run_scoped3A_201, %dma_start3A_212] : memref<6x128xi32, #tpu.memory_space<vmem>> -> memref<1x128xi32, #tpu.memory_space<vmem>>
      %dma_start3A_214 = tpu.memref_squeeze %dma_start3A_213 : memref<1x128xi32, #tpu.memory_space<vmem>> -> memref<128xi32, #tpu.memory_space<vmem>>
      %dma_start3A_215 = arith.constant 0 : i32
      %dma_start3A_216 = arith.constant 0 : i32
      %dma_start3A_217 = tpu.memref_slice %arg16[%dma_start3A_215, %dma_start3A_216] : memref<100352x16xf32, #tpu.memory_space<vmem_shared>> -> memref<100352x16xf32, #tpu.memory_space<vmem_shared>>
      tpu.enqueue_indirect_dma source(%dma_start3A_211 : memref<128x16xf32, #tpu.memory_space<vmem>>) target(%dma_start3A_217 : memref<100352x16xf32, #tpu.memory_space<vmem_shared>>) offsets(%dma_start3A_214 : memref<128xi32, #tpu.memory_space<vmem>>) semaphore(%run_scoped3A_208 : memref<!tpu.dma_semaphore, #tpu.memory_space<semaphore_mem>>) {add = true}
      %dma_wait3A_218 = arith.constant 512 : i32
      %dma_wait3A_219 = arith.constant 0 : i32
      %dma_wait3A_220 = tpu.memref_slice %arg8[%dma_wait3A_218, %dma_wait3A_219] : memref<768x16xf32, #tpu.memory_space<vmem>> -> memref<128x16xf32, #tpu.memory_space<vmem>>
      %dma_wait3A_221 = arith.constant 0 : i32
      %dma_wait3A_222 = tpu.memref_slice %arg7[%run_scoped3A_201, %dma_wait3A_221] : memref<6x128xi32, #tpu.memory_space<vmem>> -> memref<1x128xi32, #tpu.memory_space<vmem>>
      %dma_wait3A_223 = tpu.memref_squeeze %dma_wait3A_222 : memref<1x128xi32, #tpu.memory_space<vmem>> -> memref<128xi32, #tpu.memory_space<vmem>>
      %dma_wait3A_224 = arith.constant 0 : i32
      %dma_wait3A_225 = arith.constant 0 : i32
      %dma_wait3A_226 = tpu.memref_slice %arg16[%dma_wait3A_224, %dma_wait3A_225] : memref<100352x16xf32, #tpu.memory_space<vmem_shared>> -> memref<100352x16xf32, #tpu.memory_space<vmem_shared>>
      tpu.wait_indirect_dma semaphore(%run_scoped3A_208 : memref<!tpu.dma_semaphore, #tpu.memory_space<semaphore_mem>>) src(%dma_wait3A_220 : memref<128x16xf32, #tpu.memory_space<vmem>>) dst(%dma_wait3A_226 : memref<100352x16xf32, #tpu.memory_space<vmem_shared>>)
      tpu.yield
    }) : () -> ()
    %run_scoped3A_202 = arith.constant 5 : i32
    "tpu.region"() ({
      %run_scoped3A_208 = tpu.sem_alloc : memref<!tpu.dma_semaphore, #tpu.memory_space<semaphore_mem>>
      %dma_start3A_209 = arith.constant 640 : i32
      %dma_start3A_210 = arith.constant 0 : i32
      %dma_start3A_211 = tpu.memref_slice %arg8[%dma_start3A_209, %dma_start3A_210] : memref<768x16xf32, #tpu.memory_space<vmem>> -> memref<128x16xf32, #tpu.memory_space<vmem>>
      %dma_start3A_212 = arith.constant 0 : i32
      %dma_start3A_213 = tpu.memref_slice %arg7[%run_scoped3A_202, %dma_start3A_212] : memref<6x128xi32, #tpu.memory_space<vmem>> -> memref<1x128xi32, #tpu.memory_space<vmem>>
      %dma_start3A_214 = tpu.memref_squeeze %dma_start3A_213 : memref<1x128xi32, #tpu.memory_space<vmem>> -> memref<128xi32, #tpu.memory_space<vmem>>
      %dma_start3A_215 = arith.constant 0 : i32
      %dma_start3A_216 = arith.constant 0 : i32
      %dma_start3A_217 = tpu.memref_slice %arg16[%dma_start3A_215, %dma_start3A_216] : memref<100352x16xf32, #tpu.memory_space<vmem_shared>> -> memref<100352x16xf32, #tpu.memory_space<vmem_shared>>
      tpu.enqueue_indirect_dma source(%dma_start3A_211 : memref<128x16xf32, #tpu.memory_space<vmem>>) target(%dma_start3A_217 : memref<100352x16xf32, #tpu.memory_space<vmem_shared>>) offsets(%dma_start3A_214 : memref<128xi32, #tpu.memory_space<vmem>>) semaphore(%run_scoped3A_208 : memref<!tpu.dma_semaphore, #tpu.memory_space<semaphore_mem>>) {add = true}
      %dma_wait3A_218 = arith.constant 640 : i32
      %dma_wait3A_219 = arith.constant 0 : i32
      %dma_wait3A_220 = tpu.memref_slice %arg8[%dma_wait3A_218, %dma_wait3A_219] : memref<768x16xf32, #tpu.memory_space<vmem>> -> memref<128x16xf32, #tpu.memory_space<vmem>>
      %dma_wait3A_221 = arith.constant 0 : i32
      %dma_wait3A_222 = tpu.memref_slice %arg7[%run_scoped3A_202, %dma_wait3A_221] : memref<6x128xi32, #tpu.memory_space<vmem>> -> memref<1x128xi32, #tpu.memory_space<vmem>>
      %dma_wait3A_223 = tpu.memref_squeeze %dma_wait3A_222 : memref<1x128xi32, #tpu.memory_space<vmem>> -> memref<128xi32, #tpu.memory_space<vmem>>
      %dma_wait3A_224 = arith.constant 0 : i32
      %dma_wait3A_225 = arith.constant 0 : i32
      %dma_wait3A_226 = tpu.memref_slice %arg16[%dma_wait3A_224, %dma_wait3A_225] : memref<100352x16xf32, #tpu.memory_space<vmem_shared>> -> memref<100352x16xf32, #tpu.memory_space<vmem_shared>>
      tpu.wait_indirect_dma semaphore(%run_scoped3A_208 : memref<!tpu.dma_semaphore, #tpu.memory_space<semaphore_mem>>) src(%dma_wait3A_220 : memref<128x16xf32, #tpu.memory_space<vmem>>) dst(%dma_wait3A_226 : memref<100352x16xf32, #tpu.memory_space<vmem_shared>>)
      tpu.yield
    }) : () -> ()
    %barrier3A_203 = arith.constant 0 : index
    tpu.barrier barrier_id(%barrier3A_203)
    %mul3A_204 = arith.constant 6272 : i32
    %mul3A_205 = arith.muli %arg1, %mul3A_204 : i32
    %mul3A_206 = arith.constant 6272 : i32
    %mul3A_207 = arith.muli %arg1, %mul3A_206 : i32
    "tpu.region"() ({
      %run_scoped3A_208 = tpu.sem_alloc : memref<!tpu.dma_semaphore, #tpu.memory_space<semaphore_mem>>
      %dma_start3A_209 = arith.constant 0 : i32
      %dma_start3A_210 = tpu.memref_slice %arg5[%arg0, %mul3A_207, %dma_start3A_209] : memref<2x100352x16xf32, #tpu.memory_space<hbm>> -> memref<1x6272x16xf32, #tpu.memory_space<hbm>>
      %dma_start3A_211 = tpu.memref_squeeze %dma_start3A_210 : memref<1x6272x16xf32, #tpu.memory_space<hbm>> -> memref<6272x16xf32, #tpu.memory_space<hbm>>
      %dma_start3A_212 = arith.constant 0 : i32
      %dma_start3A_213 = tpu.memref_slice %arg16[%mul3A_205, %dma_start3A_212] : memref<100352x16xf32, #tpu.memory_space<vmem_shared>> -> memref<6272x16xf32, #tpu.memory_space<vmem_shared>>
      tpu.enqueue_dma source(%dma_start3A_213 : memref<6272x16xf32, #tpu.memory_space<vmem_shared>>) target(%dma_start3A_211 : memref<6272x16xf32, #tpu.memory_space<hbm>>) target_semaphore(%run_scoped3A_208 : memref<!tpu.dma_semaphore, #tpu.memory_space<semaphore_mem>>)
      %dma_wait3A_214 = arith.constant 0 : i32
      %dma_wait3A_215 = tpu.memref_slice %arg5[%arg0, %mul3A_207, %dma_wait3A_214] : memref<2x100352x16xf32, #tpu.memory_space<hbm>> -> memref<1x6272x16xf32, #tpu.memory_space<hbm>>
      %dma_wait3A_216 = tpu.memref_squeeze %dma_wait3A_215 : memref<1x6272x16xf32, #tpu.memory_space<hbm>> -> memref<6272x16xf32, #tpu.memory_space<hbm>>
      %dma_wait3A_217 = arith.constant 0 : i32
      %dma_wait3A_218 = tpu.memref_slice %arg16[%mul3A_205, %dma_wait3A_217] : memref<100352x16xf32, #tpu.memory_space<vmem_shared>> -> memref<6272x16xf32, #tpu.memory_space<vmem_shared>>
      tpu.wait_dma2 semaphore(%run_scoped3A_208 : memref<!tpu.dma_semaphore, #tpu.memory_space<semaphore_mem>>) src(%dma_wait3A_218 : memref<6272x16xf32, #tpu.memory_space<vmem_shared>>) dst(%dma_wait3A_216 : memref<6272x16xf32, #tpu.memory_space<hbm>>)
      tpu.yield
    }) : () -> ()
    return
  }
}

module attributes {stable_mosaic.version = 14 : i64} {
  func.func @body(%arg0: i32, %arg1: memref<6272x42xf32, #tpu.memory_space<vmem>>, %arg2: memref<6272x128xf32, #tpu.memory_space<vmem>>, %arg3: memref<128x3xf32, #tpu.memory_space<vmem>>, %arg4: memref<42x32xf32, #tpu.memory_space<vmem>>, %arg5: memref<3x32xf32, #tpu.memory_space<vmem>>, %arg6: memref<1x32xf32, #tpu.memory_space<vmem>>, %arg7: memref<32x16xf32, #tpu.memory_space<vmem>>, %arg8: memref<1x16xf32, #tpu.memory_space<vmem>>, %arg9: memref<16x16xf32, #tpu.memory_space<vmem>>, %arg10: memref<6272x16xf32, #tpu.memory_space<vmem>>) attributes {dimension_semantics = [#tpu.dimension_semantics<arbitrary>], iteration_bounds = array<i64: 16>, scalar_prefetch = 0 : i64, scratch_operands = 0 : i64, tpu.core_type = #tpu.core_type<tc>, window_params = [{transform_indices = @transform_0, window_bounds = array<i64: 6272, 42>}, {transform_indices = @transform_1, window_bounds = array<i64: 6272, 128>}, {pipeline_mode = #tpu.pipeline_mode<synchronous>, transform_indices = @transform_2, window_bounds = array<i64: 128, 3>}, {pipeline_mode = #tpu.pipeline_mode<synchronous>, transform_indices = @transform_3, window_bounds = array<i64: 42, 32>}, {pipeline_mode = #tpu.pipeline_mode<synchronous>, transform_indices = @transform_4, window_bounds = array<i64: 3, 32>}, {pipeline_mode = #tpu.pipeline_mode<synchronous>, transform_indices = @transform_5, window_bounds = array<i64: 1, 32>}, {pipeline_mode = #tpu.pipeline_mode<synchronous>, transform_indices = @transform_6, window_bounds = array<i64: 32, 16>}, {pipeline_mode = #tpu.pipeline_mode<synchronous>, transform_indices = @transform_7, window_bounds = array<i64: 1, 16>}, {pipeline_mode = #tpu.pipeline_mode<synchronous>, transform_indices = @transform_8, window_bounds = array<i64: 16, 16>}, {transform_indices = @transform_9, window_bounds = array<i64: 6272, 16>}]} {
    %get3A = arith.constant 0 : index
    %get3A_0 = arith.constant 0 : index
    %get3A_1 = vector.load %arg3[%get3A, %get3A_0] : memref<128x3xf32, #tpu.memory_space<vmem>>, vector<128x3xf32>
    %get3A_2 = arith.constant 0 : index
    %get3A_3 = arith.constant 0 : index
    %get3A_4 = vector.load %arg5[%get3A_2, %get3A_3] : memref<3x32xf32, #tpu.memory_space<vmem>>, vector<3x32xf32>
    %dot_general3A = arith.constant dense<0.000000e+00> : vector<128x32xf32>
    %dot_general3A_5 = tpu.matmul %get3A_1, %get3A_4, %dot_general3A {dimension_numbers = #tpu.dot_dimension_numbers<[1], [0], [0], [1], [0, 0, 1, 1], [], []>, transpose_lhs_hint = false} : vector<128x3xf32>, vector<3x32xf32>, vector<128x32xf32> -> vector<128x32xf32>
    %get3A_6 = arith.constant 0 : index
    %get3A_7 = arith.constant 0 : index
    %get3A_8 = vector.load %arg1[%get3A_6, %get3A_7] : memref<6272x42xf32, #tpu.memory_space<vmem>>, vector<6272x42xf32>
    %get3A_9 = arith.constant 0 : index
    %get3A_10 = arith.constant 0 : index
    %get3A_11 = vector.load %arg4[%get3A_9, %get3A_10] : memref<42x32xf32, #tpu.memory_space<vmem>>, vector<42x32xf32>
    %dot_general3A_12 = arith.constant dense<0.000000e+00> : vector<6272x32xf32>
    %dot_general3A_13 = tpu.matmul %get3A_8, %get3A_11, %dot_general3A_12 {dimension_numbers = #tpu.dot_dimension_numbers<[1], [0], [0], [1], [0, 0, 1, 1], [], []>, transpose_lhs_hint = false} : vector<6272x42xf32>, vector<42x32xf32>, vector<6272x32xf32> -> vector<6272x32xf32>
    %get3A_14 = arith.constant 0 : index
    %get3A_15 = arith.constant 0 : index
    %get3A_16 = vector.load %arg2[%get3A_14, %get3A_15] : memref<6272x128xf32, #tpu.memory_space<vmem>>, vector<6272x128xf32>
    %dot_general3A_17 = arith.constant dense<0.000000e+00> : vector<6272x32xf32>
    %dot_general3A_18 = tpu.matmul %get3A_16, %dot_general3A_5, %dot_general3A_17 {dimension_numbers = #tpu.dot_dimension_numbers<[1], [0], [0], [1], [0, 0, 1, 1], [], []>, transpose_lhs_hint = false} : vector<6272x128xf32>, vector<128x32xf32>, vector<6272x32xf32> -> vector<6272x32xf32>
    %add3A = arith.addf %dot_general3A_13, %dot_general3A_18 : vector<6272x32xf32>
    %get3A_19 = arith.constant 0 : index
    %get3A_20 = arith.constant 0 : index
    %get3A_21 = vector.load %arg6[%get3A_19, %get3A_20] : memref<1x32xf32, #tpu.memory_space<vmem>>, vector<1x32xf32>
    %add3A_22 = vector.broadcast %get3A_21 : vector<1x32xf32> to vector<6272x32xf32>
    %add3A_23 = arith.addf %add3A, %add3A_22 : vector<6272x32xf32>
    %tanh3A = math.tanh %add3A_23 : vector<6272x32xf32>
    %get3A_24 = arith.constant 0 : index
    %get3A_25 = arith.constant 0 : index
    %get3A_26 = vector.load %arg7[%get3A_24, %get3A_25] : memref<32x16xf32, #tpu.memory_space<vmem>>, vector<32x16xf32>
    %dot_general3A_27 = arith.constant dense<0.000000e+00> : vector<6272x16xf32>
    %dot_general3A_28 = tpu.matmul %tanh3A, %get3A_26, %dot_general3A_27 {dimension_numbers = #tpu.dot_dimension_numbers<[1], [0], [0], [1], [0, 0, 1, 1], [], []>, transpose_lhs_hint = false} : vector<6272x32xf32>, vector<32x16xf32>, vector<6272x16xf32> -> vector<6272x16xf32>
    %get3A_29 = arith.constant 0 : index
    %get3A_30 = arith.constant 0 : index
    %get3A_31 = vector.load %arg8[%get3A_29, %get3A_30] : memref<1x16xf32, #tpu.memory_space<vmem>>, vector<1x16xf32>
    %add3A_32 = vector.broadcast %get3A_31 : vector<1x16xf32> to vector<6272x16xf32>
    %add3A_33 = arith.addf %dot_general3A_28, %add3A_32 : vector<6272x16xf32>
    %tanh3A_34 = math.tanh %add3A_33 : vector<6272x16xf32>
    %get3A_35 = arith.constant 0 : index
    %get3A_36 = arith.constant 0 : index
    %get3A_37 = vector.load %arg9[%get3A_35, %get3A_36] : memref<16x16xf32, #tpu.memory_space<vmem>>, vector<16x16xf32>
    %dot_general3A_38 = arith.constant dense<0.000000e+00> : vector<6272x16xf32>
    %dot_general3A_39 = tpu.matmul %tanh3A_34, %get3A_37, %dot_general3A_38 {dimension_numbers = #tpu.dot_dimension_numbers<[1], [0], [0], [1], [0, 0, 1, 1], [], []>, transpose_lhs_hint = false} : vector<6272x16xf32>, vector<16x16xf32>, vector<6272x16xf32> -> vector<6272x16xf32>
    %swap3A = arith.constant 0 : index
    %swap3A_40 = arith.constant 0 : index
    %swap3A_41 = vector.load %arg10[%swap3A, %swap3A_40] : memref<6272x16xf32, #tpu.memory_space<vmem>>, vector<6272x16xf32>
    tpu.vector_store %arg10[%swap3A, %swap3A_40], %dot_general3A_39 {strides = array<i32>} : memref<6272x16xf32, #tpu.memory_space<vmem>>, vector<6272x16xf32>,
    return
  }
  func.func @transform_0(%arg0: i32) -> (i32, i32) {
    %c0_i32 = arith.constant 0 : i32
    %c0_i32_0 = arith.constant 0 : i32
    return %arg0, %c0_i32 : i32, i32
  }
  func.func @transform_1(%arg0: i32) -> (i32, i32) {
    %c0_i32 = arith.constant 0 : i32
    %c0_i32_0 = arith.constant 0 : i32
    return %arg0, %c0_i32 : i32, i32
  }
  func.func @transform_2(%arg0: i32) -> (i32, i32) {
    %c0_i32 = arith.constant 0 : i32
    %c0_i32_0 = arith.constant 0 : i32
    %c0_i32_1 = arith.constant 0 : i32
    return %c0_i32, %c0_i32_0 : i32, i32
  }
  func.func @transform_3(%arg0: i32) -> (i32, i32) {
    %c0_i32 = arith.constant 0 : i32
    %c0_i32_0 = arith.constant 0 : i32
    %c0_i32_1 = arith.constant 0 : i32
    return %c0_i32, %c0_i32_0 : i32, i32
  }
  func.func @transform_4(%arg0: i32) -> (i32, i32) {
    %c0_i32 = arith.constant 0 : i32
    %c0_i32_0 = arith.constant 0 : i32
    %c0_i32_1 = arith.constant 0 : i32
    return %c0_i32, %c0_i32_0 : i32, i32
  }
  func.func @transform_5(%arg0: i32) -> (i32, i32) {
    %c0_i32 = arith.constant 0 : i32
    %c0_i32_0 = arith.constant 0 : i32
    %c0_i32_1 = arith.constant 0 : i32
    return %c0_i32, %c0_i32_0 : i32, i32
  }
  func.func @transform_6(%arg0: i32) -> (i32, i32) {
    %c0_i32 = arith.constant 0 : i32
    %c0_i32_0 = arith.constant 0 : i32
    %c0_i32_1 = arith.constant 0 : i32
    return %c0_i32, %c0_i32_0 : i32, i32
  }
  func.func @transform_7(%arg0: i32) -> (i32, i32) {
    %c0_i32 = arith.constant 0 : i32
    %c0_i32_0 = arith.constant 0 : i32
    %c0_i32_1 = arith.constant 0 : i32
    return %c0_i32, %c0_i32_0 : i32, i32
  }
  func.func @transform_8(%arg0: i32) -> (i32, i32) {
    %c0_i32 = arith.constant 0 : i32
    %c0_i32_0 = arith.constant 0 : i32
    %c0_i32_1 = arith.constant 0 : i32
    return %c0_i32, %c0_i32_0 : i32, i32
  }
  func.func @transform_9(%arg0: i32) -> (i32, i32) {
    %c0_i32 = arith.constant 0 : i32
    %c0_i32_0 = arith.constant 0 : i32
    return %arg0, %c0_i32 : i32, i32
  }
}

module attributes {stable_mosaic.version = 14 : i64} {
  func.func @body(%arg0: i32, %arg1: memref<2x784x128xf32, #tpu.memory_space<vmem>>, %arg2: memref<784x128xf32, #tpu.memory_space<vmem>>, %arg3: memref<2x784x128xf32, #tpu.memory_space<vmem>>, %arg4: memref<1x128xf32, #tpu.memory_space<vmem>>, %arg5: memref<128x128xf32, #tpu.memory_space<vmem>>, %arg6: memref<784x128xf32, #tpu.memory_space<vmem>>) attributes {dimension_semantics = [#tpu.dimension_semantics<arbitrary>], iteration_bounds = array<i64: 16>, scalar_prefetch = 0 : i64, scratch_operands = 0 : i64, tpu.core_type = #tpu.core_type<tc>, window_params = [{transform_indices = @transform_0, window_bounds = array<i64: 2, 784, 128>}, {transform_indices = @transform_1, window_bounds = array<i64: 784, 128>}, {transform_indices = @transform_2, window_bounds = array<i64: 2, 784, 128>}, {pipeline_mode = #tpu.pipeline_mode<synchronous>, transform_indices = @transform_3, window_bounds = array<i64: 1, 128>}, {pipeline_mode = #tpu.pipeline_mode<synchronous>, transform_indices = @transform_4, window_bounds = array<i64: 128, 128>}, {transform_indices = @transform_5, window_bounds = array<i64: 784, 128>}]} {
    %get3A = arith.constant 0 : index
    %get3A_0 = arith.constant 0 : index
    %get3A_1 = arith.constant 0 : index
    %get3A_2 = vector.load %arg3[%get3A, %get3A_0, %get3A_1] : memref<2x784x128xf32, #tpu.memory_space<vmem>>, vector<2x784x128xf32>
    %slice3A = vector.extract_strided_slice %get3A_2 {offsets = [0, 0, 0], sizes = [1, 784, 128], strides = [1, 1, 1]} : vector<2x784x128xf32> to vector<1x784x128xf32>
    %squeeze3A = vector.shape_cast %slice3A : vector<1x784x128xf32> to vector<784x128xf32>
    %slice3A_3 = vector.extract_strided_slice %get3A_2 {offsets = [1, 0, 0], sizes = [1, 784, 128], strides = [1, 1, 1]} : vector<2x784x128xf32> to vector<1x784x128xf32>
    %squeeze3A_4 = vector.shape_cast %slice3A_3 : vector<1x784x128xf32> to vector<784x128xf32>
    %add3A = arith.addf %squeeze3A, %squeeze3A_4 : vector<784x128xf32>
    %add3A_5 = arith.constant 1.000000e+00 : f32
    %add3A_6 = vector.broadcast %add3A_5 : f32 to vector<784x128xf32>
    %add3A_7 = arith.addf %add3A, %add3A_6 : vector<784x128xf32>
    %rsqrt3A = math.rsqrt %add3A_7 : vector<784x128xf32>
    %get3A_8 = arith.constant 0 : index
    %get3A_9 = arith.constant 0 : index
    %get3A_10 = arith.constant 0 : index
    %get3A_11 = vector.load %arg1[%get3A_8, %get3A_9, %get3A_10] : memref<2x784x128xf32, #tpu.memory_space<vmem>>, vector<1x784x128xf32>
    %get3A_12 = vector.shape_cast %get3A_11 : vector<1x784x128xf32> to vector<784x128xf32>
    %get3A_13 = arith.constant 1 : index
    %get3A_14 = arith.constant 0 : index
    %get3A_15 = arith.constant 0 : index
    %get3A_16 = vector.load %arg1[%get3A_13, %get3A_14, %get3A_15] : memref<2x784x128xf32, #tpu.memory_space<vmem>>, vector<1x784x128xf32>
    %get3A_17 = vector.shape_cast %get3A_16 : vector<1x784x128xf32> to vector<784x128xf32>
    %add3A_18 = arith.addf %get3A_12, %get3A_17 : vector<784x128xf32>
    %get3A_19 = arith.constant 0 : index
    %get3A_20 = arith.constant 0 : index
    %get3A_21 = vector.load %arg2[%get3A_19, %get3A_20] : memref<784x128xf32, #tpu.memory_space<vmem>>, vector<784x128xf32>
    %add3A_22 = arith.addf %add3A_18, %get3A_21 : vector<784x128xf32>
    %mul3A = arith.mulf %add3A_22, %rsqrt3A : vector<784x128xf32>
    %get3A_23 = arith.constant 0 : index
    %get3A_24 = arith.constant 0 : index
    %get3A_25 = vector.load %arg4[%get3A_23, %get3A_24] : memref<1x128xf32, #tpu.memory_space<vmem>>, vector<1x128xf32>
    %add3A_26 = vector.broadcast %get3A_25 : vector<1x128xf32> to vector<784x128xf32>
    %add3A_27 = arith.addf %mul3A, %add3A_26 : vector<784x128xf32>
    %max3A = arith.constant 0.000000e+00 : f32
    %max3A_28 = vector.broadcast %max3A : f32 to vector<784x128xf32>
    %max3A_29 = arith.maximumf %add3A_27, %max3A_28 : vector<784x128xf32>
    %get3A_30 = arith.constant 0 : index
    %get3A_31 = arith.constant 0 : index
    %get3A_32 = vector.load %arg5[%get3A_30, %get3A_31] : memref<128x128xf32, #tpu.memory_space<vmem>>, vector<128x128xf32>
    %dot_general3A = arith.constant dense<0.000000e+00> : vector<784x128xf32>
    %dot_general3A_33 = tpu.matmul %max3A_29, %get3A_32, %dot_general3A {dimension_numbers = #tpu.dot_dimension_numbers<[1], [0], [0], [1], [0, 0, 1, 1], [], []>, transpose_lhs_hint = false} : vector<784x128xf32>, vector<128x128xf32>, vector<784x128xf32> -> vector<784x128xf32>
    %mul3A_34 = arith.mulf %dot_general3A_33, %rsqrt3A : vector<784x128xf32>
    %swap3A = arith.constant 0 : index
    %swap3A_35 = arith.constant 0 : index
    %swap3A_36 = vector.load %arg6[%swap3A, %swap3A_35] : memref<784x128xf32, #tpu.memory_space<vmem>>, vector<784x128xf32>
    tpu.vector_store %arg6[%swap3A, %swap3A_35], %mul3A_34 {strides = array<i32>} : memref<784x128xf32, #tpu.memory_space<vmem>>, vector<784x128xf32>,
    return
  }
  func.func @transform_0(%arg0: i32) -> (i32, i32, i32) {
    %c0_i32 = arith.constant 0 : i32
    %c0_i32_0 = arith.constant 0 : i32
    %c0_i32_1 = arith.constant 0 : i32
    return %c0_i32, %arg0, %c0_i32_0 : i32, i32, i32
  }
  func.func @transform_1(%arg0: i32) -> (i32, i32) {
    %c0_i32 = arith.constant 0 : i32
    %c0_i32_0 = arith.constant 0 : i32
    return %arg0, %c0_i32 : i32, i32
  }
  func.func @transform_2(%arg0: i32) -> (i32, i32, i32) {
    %c0_i32 = arith.constant 0 : i32
    %c0_i32_0 = arith.constant 0 : i32
    %c0_i32_1 = arith.constant 0 : i32
    return %c0_i32, %arg0, %c0_i32_0 : i32, i32, i32
  }
  func.func @transform_3(%arg0: i32) -> (i32, i32) {
    %c0_i32 = arith.constant 0 : i32
    %c0_i32_0 = arith.constant 0 : i32
    %c0_i32_1 = arith.constant 0 : i32
    return %c0_i32, %c0_i32_0 : i32, i32
  }
  func.func @transform_4(%arg0: i32) -> (i32, i32) {
    %c0_i32 = arith.constant 0 : i32
    %c0_i32_0 = arith.constant 0 : i32
    %c0_i32_1 = arith.constant 0 : i32
    return %c0_i32, %c0_i32_0 : i32, i32
  }
  func.func @transform_5(%arg0: i32) -> (i32, i32) {
    %c0_i32 = arith.constant 0 : i32
    %c0_i32_0 = arith.constant 0 : i32
    return %arg0, %c0_i32 : i32, i32
  }
}

module attributes {stable_mosaic.version = 14 : i64} {
  func.func @body(%arg0: i32, %arg1: memref<2x784x128xf32, #tpu.memory_space<vmem>>, %arg2: memref<784x128xf32, #tpu.memory_space<vmem>>, %arg3: memref<2x784x128xf32, #tpu.memory_space<vmem>>, %arg4: memref<1x128xf32, #tpu.memory_space<vmem>>, %arg5: memref<128x64xf32, #tpu.memory_space<vmem>>, %arg6: memref<1x64xf32, #tpu.memory_space<vmem>>, %arg7: memref<64x8xf32, #tpu.memory_space<vmem>>, %arg8: memref<1x8xf32, #tpu.memory_space<vmem>>, %arg9: memref<784x8xf32, #tpu.memory_space<vmem>>, %arg10: memref<784x8xf32, #tpu.memory_space<vmem>>) attributes {dimension_semantics = [#tpu.dimension_semantics<arbitrary>], iteration_bounds = array<i64: 16>, scalar_prefetch = 0 : i64, scratch_operands = 0 : i64, tpu.core_type = #tpu.core_type<tc>, window_params = [{transform_indices = @transform_0, window_bounds = array<i64: 2, 784, 128>}, {transform_indices = @transform_1, window_bounds = array<i64: 784, 128>}, {transform_indices = @transform_2, window_bounds = array<i64: 2, 784, 128>}, {pipeline_mode = #tpu.pipeline_mode<synchronous>, transform_indices = @transform_3, window_bounds = array<i64: 1, 128>}, {pipeline_mode = #tpu.pipeline_mode<synchronous>, transform_indices = @transform_4, window_bounds = array<i64: 128, 64>}, {pipeline_mode = #tpu.pipeline_mode<synchronous>, transform_indices = @transform_5, window_bounds = array<i64: 1, 64>}, {pipeline_mode = #tpu.pipeline_mode<synchronous>, transform_indices = @transform_6, window_bounds = array<i64: 64, 8>}, {pipeline_mode = #tpu.pipeline_mode<synchronous>, transform_indices = @transform_7, window_bounds = array<i64: 1, 8>}, {transform_indices = @transform_8, window_bounds = array<i64: 784, 8>}, {transform_indices = @transform_9, window_bounds = array<i64: 784, 8>}]} {
    %get3A = arith.constant 0 : index
    %get3A_0 = arith.constant 0 : index
    %get3A_1 = arith.constant 0 : index
    %get3A_2 = vector.load %arg3[%get3A, %get3A_0, %get3A_1] : memref<2x784x128xf32, #tpu.memory_space<vmem>>, vector<2x784x128xf32>
    %slice3A = vector.extract_strided_slice %get3A_2 {offsets = [0, 0, 0], sizes = [1, 784, 128], strides = [1, 1, 1]} : vector<2x784x128xf32> to vector<1x784x128xf32>
    %squeeze3A = vector.shape_cast %slice3A : vector<1x784x128xf32> to vector<784x128xf32>
    %slice3A_3 = vector.extract_strided_slice %get3A_2 {offsets = [1, 0, 0], sizes = [1, 784, 128], strides = [1, 1, 1]} : vector<2x784x128xf32> to vector<1x784x128xf32>
    %squeeze3A_4 = vector.shape_cast %slice3A_3 : vector<1x784x128xf32> to vector<784x128xf32>
    %add3A = arith.addf %squeeze3A, %squeeze3A_4 : vector<784x128xf32>
    %add3A_5 = arith.constant 1.000000e+00 : f32
    %add3A_6 = vector.broadcast %add3A_5 : f32 to vector<784x128xf32>
    %add3A_7 = arith.addf %add3A, %add3A_6 : vector<784x128xf32>
    %rsqrt3A = math.rsqrt %add3A_7 : vector<784x128xf32>
    %get3A_8 = arith.constant 0 : index
    %get3A_9 = arith.constant 0 : index
    %get3A_10 = arith.constant 0 : index
    %get3A_11 = vector.load %arg1[%get3A_8, %get3A_9, %get3A_10] : memref<2x784x128xf32, #tpu.memory_space<vmem>>, vector<1x784x128xf32>
    %get3A_12 = vector.shape_cast %get3A_11 : vector<1x784x128xf32> to vector<784x128xf32>
    %get3A_13 = arith.constant 1 : index
    %get3A_14 = arith.constant 0 : index
    %get3A_15 = arith.constant 0 : index
    %get3A_16 = vector.load %arg1[%get3A_13, %get3A_14, %get3A_15] : memref<2x784x128xf32, #tpu.memory_space<vmem>>, vector<1x784x128xf32>
    %get3A_17 = vector.shape_cast %get3A_16 : vector<1x784x128xf32> to vector<784x128xf32>
    %add3A_18 = arith.addf %get3A_12, %get3A_17 : vector<784x128xf32>
    %get3A_19 = arith.constant 0 : index
    %get3A_20 = arith.constant 0 : index
    %get3A_21 = vector.load %arg2[%get3A_19, %get3A_20] : memref<784x128xf32, #tpu.memory_space<vmem>>, vector<784x128xf32>
    %add3A_22 = arith.addf %add3A_18, %get3A_21 : vector<784x128xf32>
    %mul3A = arith.mulf %add3A_22, %rsqrt3A : vector<784x128xf32>
    %get3A_23 = arith.constant 0 : index
    %get3A_24 = arith.constant 0 : index
    %get3A_25 = vector.load %arg4[%get3A_23, %get3A_24] : memref<1x128xf32, #tpu.memory_space<vmem>>, vector<1x128xf32>
    %add3A_26 = vector.broadcast %get3A_25 : vector<1x128xf32> to vector<784x128xf32>
    %add3A_27 = arith.addf %mul3A, %add3A_26 : vector<784x128xf32>
    %max3A = arith.constant 0.000000e+00 : f32
    %max3A_28 = vector.broadcast %max3A : f32 to vector<784x128xf32>
    %max3A_29 = arith.maximumf %add3A_27, %max3A_28 : vector<784x128xf32>
    %get3A_30 = arith.constant 0 : index
    %get3A_31 = arith.constant 0 : index
    %get3A_32 = vector.load %arg5[%get3A_30, %get3A_31] : memref<128x64xf32, #tpu.memory_space<vmem>>, vector<128x64xf32>
    %dot_general3A = arith.constant dense<0.000000e+00> : vector<784x64xf32>
    %dot_general3A_33 = tpu.matmul %max3A_29, %get3A_32, %dot_general3A {dimension_numbers = #tpu.dot_dimension_numbers<[1], [0], [0], [1], [0, 0, 1, 1], [], []>, transpose_lhs_hint = false} : vector<784x128xf32>, vector<128x64xf32>, vector<784x64xf32> -> vector<784x64xf32>
    %get3A_34 = arith.constant 0 : index
    %get3A_35 = arith.constant 0 : index
    %get3A_36 = vector.load %arg6[%get3A_34, %get3A_35] : memref<1x64xf32, #tpu.memory_space<vmem>>, vector<1x64xf32>
    %add3A_37 = vector.broadcast %get3A_36 : vector<1x64xf32> to vector<784x64xf32>
    %add3A_38 = arith.addf %dot_general3A_33, %add3A_37 : vector<784x64xf32>
    %tanh3A = math.tanh %add3A_38 : vector<784x64xf32>
    %get3A_39 = arith.constant 0 : index
    %get3A_40 = arith.constant 0 : index
    %get3A_41 = vector.load %arg7[%get3A_39, %get3A_40] : memref<64x8xf32, #tpu.memory_space<vmem>>, vector<64x8xf32>
    %dot_general3A_42 = arith.constant dense<0.000000e+00> : vector<784x8xf32>
    %dot_general3A_43 = tpu.matmul %tanh3A, %get3A_41, %dot_general3A_42 {dimension_numbers = #tpu.dot_dimension_numbers<[1], [0], [0], [1], [0, 0, 1, 1], [], []>, transpose_lhs_hint = false} : vector<784x64xf32>, vector<64x8xf32>, vector<784x8xf32> -> vector<784x8xf32>
    %get3A_44 = arith.constant 0 : index
    %get3A_45 = arith.constant 0 : index
    %get3A_46 = vector.load %arg8[%get3A_44, %get3A_45] : memref<1x8xf32, #tpu.memory_space<vmem>>, vector<1x8xf32>
    %add3A_47 = vector.broadcast %get3A_46 : vector<1x8xf32> to vector<784x8xf32>
    %add3A_48 = arith.addf %dot_general3A_43, %add3A_47 : vector<784x8xf32>
    %tanh3A_49 = math.tanh %add3A_48 : vector<784x8xf32>
    %get3A_50 = arith.constant 0 : index
    %get3A_51 = arith.constant 0 : index
    %get3A_52 = vector.load %arg9[%get3A_50, %get3A_51] : memref<784x8xf32, #tpu.memory_space<vmem>>, vector<784x8xf32>
    %add3A_53 = arith.addf %tanh3A_49, %get3A_52 : vector<784x8xf32>
    %swap3A = arith.constant 0 : index
    %swap3A_54 = arith.constant 0 : index
    %swap3A_55 = vector.load %arg10[%swap3A, %swap3A_54] : memref<784x8xf32, #tpu.memory_space<vmem>>, vector<784x8xf32>
    tpu.vector_store %arg10[%swap3A, %swap3A_54], %add3A_53 {strides = array<i32>} : memref<784x8xf32, #tpu.memory_space<vmem>>, vector<784x8xf32>,
    return
  }
  func.func @transform_0(%arg0: i32) -> (i32, i32, i32) {
    %c0_i32 = arith.constant 0 : i32
    %c0_i32_0 = arith.constant 0 : i32
    %c0_i32_1 = arith.constant 0 : i32
    return %c0_i32, %arg0, %c0_i32_0 : i32, i32, i32
  }
  func.func @transform_1(%arg0: i32) -> (i32, i32) {
    %c0_i32 = arith.constant 0 : i32
    %c0_i32_0 = arith.constant 0 : i32
    return %arg0, %c0_i32 : i32, i32
  }
  func.func @transform_2(%arg0: i32) -> (i32, i32, i32) {
    %c0_i32 = arith.constant 0 : i32
    %c0_i32_0 = arith.constant 0 : i32
    %c0_i32_1 = arith.constant 0 : i32
    return %c0_i32, %arg0, %c0_i32_0 : i32, i32, i32
  }
  func.func @transform_3(%arg0: i32) -> (i32, i32) {
    %c0_i32 = arith.constant 0 : i32
    %c0_i32_0 = arith.constant 0 : i32
    %c0_i32_1 = arith.constant 0 : i32
    return %c0_i32, %c0_i32_0 : i32, i32
  }
  func.func @transform_4(%arg0: i32) -> (i32, i32) {
    %c0_i32 = arith.constant 0 : i32
    %c0_i32_0 = arith.constant 0 : i32
    %c0_i32_1 = arith.constant 0 : i32
    return %c0_i32, %c0_i32_0 : i32, i32
  }
  func.func @transform_5(%arg0: i32) -> (i32, i32) {
    %c0_i32 = arith.constant 0 : i32
    %c0_i32_0 = arith.constant 0 : i32
    %c0_i32_1 = arith.constant 0 : i32
    return %c0_i32, %c0_i32_0 : i32, i32
  }
  func.func @transform_6(%arg0: i32) -> (i32, i32) {
    %c0_i32 = arith.constant 0 : i32
    %c0_i32_0 = arith.constant 0 : i32
    %c0_i32_1 = arith.constant 0 : i32
    return %c0_i32, %c0_i32_0 : i32, i32
  }
  func.func @transform_7(%arg0: i32) -> (i32, i32) {
    %c0_i32 = arith.constant 0 : i32
    %c0_i32_0 = arith.constant 0 : i32
    %c0_i32_1 = arith.constant 0 : i32
    return %c0_i32, %c0_i32_0 : i32, i32
  }
  func.func @transform_8(%arg0: i32) -> (i32, i32) {
    %c0_i32 = arith.constant 0 : i32
    %c0_i32_0 = arith.constant 0 : i32
    return %arg0, %c0_i32 : i32, i32
  }
  func.func @transform_9(%arg0: i32) -> (i32, i32) {
    %c0_i32 = arith.constant 0 : i32
    %c0_i32_0 = arith.constant 0 : i32
    return %arg0, %c0_i32 : i32, i32
  }
}

</mosaic_0001>

<sc_bundles>
// kernel: kernel.11.cloned.1.call-start
scs
__scs_entry_jumppad:
0x0: {  	(pc) =	sbr.rel $0x88, $3  }
0x1: {  	(tag) =	ssettag $0x0;
	lr =	simm.s32 $0x1  }
0x2: {  	[smem:$0x3F90] =	sst lr;
	_ =	strace $0xD0000000  }
0x3: {  	_ = 	snop  }
0x4: {  	_ = 	snop  }
0x5: {  	_ = 	snop  }
0x6: {  	_ = 	snop  }
0x7: {  	_ = 	snop  }
__scs_overlays_trampoline_lowered:
0x8: {  	[smem:$0x3F9F] =	sst s0  }
0x9: {  	[smem:$0x3FA0] =	sst s1  }
0xa: {  	[smem:$0x3FA1] =	sst s2  }
0xb: {  	[smem:$0x3FA2] =	sst s3  }
0xc: {  	[smem:$0x3FA3] =	sst s4  }
0xd: {  	[smem:$0x3FA4] =	sst s5  }
0xe: {  	[smem:$0x3FA5] =	sst s6  }
0xf: {  	[smem:$0x3FA6] =	sst s7  }
0x10: {  	[smem:$0x3FA7] =	sst s8  }
0x11: {  	[smem:$0x3FA8] =	sst s9;
	s0 =	simm.s32 @!p0 $0x0  }
0x12: {  	s1 =	sld [smem:$0x3F8E];
	s0 =	simm.s32 @p0 $0x1  }
0x13: {  	[smem:$0x3FA9] =	sst s0;
	s0 =	simm.s32 @!p1 $0x0  }
0x14: {  	s2 =	sld [smem:$0x3F8D];
	s0 =	simm.s32 @p1 $0x1  }
0x15: {  	[smem:$0x3FAA] =	sst s0;
	s0 =	simm.s32 @!p2 $0x0  }
0x16: {  	s3 =	sld [smem:$0x3FDB];
	s0 =	simm.s32 @p2 $0x1  }
0x17: {  	s4 =	simm.s32 $0x1BF5;
	[smem:$0x3FAC] =	sst s0  }
0x18: {  	s0 =	sld [smem:$0x3F8F];
	_ =	swait.ge [sflag:s4], $0x0  }
0x19: {  	s7 =	sld [smem:$0x3F90]  }
0x1a: {  	s8 =	sadd.s32 $0xFFFFE003, lr  }
0x1b: {  	s9 =	sadd.s32 $0xFFFFFEF7, lr;
	s5 =	simm.s32 $0xFFFFFFFF;
	p2 =	slt.u32 s8, $0xFFFFF086  }
0x1c: {  	p1 =	slt.u32 s9, $0xF7A;
	s5 =	simm.s32 @!p2 $0x0  }
0x1d: {  	s5 =	simm.s32 @p1 $0x1;
	p0 =	seq.s32 s7, s2  }
0x1e: {  	s7 =	smul.u32 @!p0 $0xF7A, s2;
	p2 =	seq.s32 @!p0 s5, $0x0  }
0x1f: {  	s9 =	smul.u32 $0xF7A, s1;
	s8 =	simm.s32 @!p0 $0x1BF5;
	p2 =	por !p2, p0  }
0x20: {  	[sflag:s8] =	ssyncset.s32 @!p0 $0xFFFFF086;
	s6 =	sadd.s32 @!p0 s3, s7;
	s7 =	simm.s32 @!p0 $0x108  }
0x21: {  	s3 =	sadd.s32 s3, s9;
	s6 =	sadd.s32 @!p0 $0x88, s6;
	s7 =	simm.s32 @p2 $0x1082  }
0x22: {  	[simem:s7], [sflag:s8] =	dma.local @!p0 [hbm:s6], $0xF7A  }
0x23: {  	s9 =	sor.u32 $0xD0000000, s2;
	s6 =	simm.s32 $0x108;
	_ =	swait.ge @!p0 [sflag:s8], $0x0  }
0x24: {  	s3 =	sadd.s32 $0x88, s3;
	s6 =	simm.s32 @!p1 $0x1082;
	[sflag:s4] =	ssyncset.s32 $0xFFFFF086  }
0x25: {  	[simem:s6], [sflag:s4] =	dma.local [hbm:s3], $0xF7A  }
0x26: {  	[smem:$0x3F90] =	sst s1;
	(tag) =	ssettag s2;
	_ =	strace s9  }
0x27: {  	s1 =	sld [smem:$0x3FA0]  }
0x28: {  	s2 =	sld [smem:$0x3FA1]  }
0x29: {  	s4 =	sld [smem:$0x3FA3]  }
0x2a: {  	p0 =	seq.s32 s5, $0x0;
	s5 =	sld [smem:$0x3FA4]  }
0x2b: {  	s6 =	sld [smem:$0x3FA5]  }
0x2c: {  	s7 =	sld [smem:$0x3FA6]  }
0x2d: {  	s3 =	simm.s32 $0x108;
	s8 =	sld [smem:$0x3FA7]  }
0x2e: {  	s3 =	simm.s32 @!p0 $0x1082;
	s9 =	sld [smem:$0x3FA8]  }
0x2f: {  	lr =	sadd.s32 s0, s3;
	s0 =	sld [smem:$0x3F9F]  }
0x30: {  	s3 =	sld [smem:$0x3FA2]  }
0x31: {  	[smem:$0x3FAB] =	sst s10  }
0x32: {  	s10 =	sld [smem:$0x3FA9];
	_ =	sdelay $0x3  }
0x33: {  	p0 =	seq.s32 s10, $0x1;
	s10 =	sld [smem:$0x3FAB];
	_ =	sdelay $0x3  }
0x34: {  	[smem:$0x3FAB] =	sst s10  }
0x35: {  	s10 =	sld [smem:$0x3FAA];
	_ =	sdelay $0x3  }
0x36: {  	p1 =	seq.s32 s10, $0x1;
	s10 =	sld [smem:$0x3FAB];
	_ =	sdelay $0x3  }
0x37: {  	[smem:$0x3FAB] =	sst s10  }
0x38: {  	s10 =	sld [smem:$0x3FAC]  }
0x39: {  	_ = 	snop;
	(pc) =	sbr.ind lr, $3  }
0x3a: {  	_ = 	snop  }
0x3b: {  	_ = 	snop  }
0x3c: {  	p2 =	seq.s32 s10, $0x1;
	s10 =	sld [smem:$0x3FAB]  }
0x3d: {  	_ =	shalt  }
0x3e: {  	_ =	shalt  }
0x3f: {  	_ =	shalt  }
0x40: {  	_ =	shalt  }
0x41: {  	_ =	shalt  }
0x42: {  	_ =	shalt  }
0x43: {  	_ =	shalt  }
0x44: {  	_ =	shalt  }
0x45: {  	_ =	shalt  }
0x46: {  	_ =	shalt  }
0x47: {  	_ =	shalt  }
0x48: {  	_ =	shalt  }
0x49: {  	_ =	shalt  }
0x4a: {  	_ =	shalt  }
0x4b: {  	_ =	shalt  }
0x4c: {  	_ =	shalt  }
0x4d: {  	_ =	shalt  }
0x4e: {  	_ =	shalt  }
0x4f: {  	_ =	shalt  }
0x50: {  	_ =	shalt  }
0x51: {  	_ =	shalt  }
0x52: {  	_ =	shalt  }
0x53: {  	_ =	shalt  }
0x54: {  	_ =	shalt  }
0x55: {  	_ =	shalt  }
0x56: {  	_ =	shalt  }
0x57: {  	_ =	shalt  }
0x58: {  	_ =	shalt  }
0x59: {  	_ =	shalt  }
0x5a: {  	_ =	shalt  }
0x5b: {  	_ =	shalt  }
0x5c: {  	_ =	shalt  }
0x5d: {  	_ =	shalt  }
0x5e: {  	_ =	shalt  }
0x5f: {  	_ =	shalt  }
0x60: {  	_ =	shalt  }
0x61: {  	_ =	shalt  }
0x62: {  	_ =	shalt  }
0x63: {  	_ =	shalt  }
0x64: {  	_ =	shalt  }
0x65: {  	_ =	shalt  }
0x66: {  	_ =	shalt  }
0x67: {  	_ =	shalt  }
0x68: {  	_ =	shalt  }
0x69: {  	_ =	shalt  }
0x6a: {  	_ =	shalt  }
0x6b: {  	_ =	shalt  }
0x6c: {  	_ =	shalt  }
0x6d: {  	_ =	shalt  }
0x6e: {  	_ =	shalt  }
0x6f: {  	_ =	shalt  }
0x70: {  	_ =	shalt  }
0x71: {  	_ =	shalt  }
0x72: {  	_ =	shalt  }
0x73: {  	_ =	shalt  }
0x74: {  	_ =	shalt  }
0x75: {  	_ =	shalt  }
0x76: {  	_ =	shalt  }
0x77: {  	_ =	shalt  }
0x78: {  	_ =	shalt  }
0x79: {  	_ =	shalt  }
0x7a: {  	_ =	shalt  }
0x7b: {  	_ =	shalt  }
0x7c: {  	_ =	shalt  }
0x7d: {  	_ =	shalt  }
0x7e: {  	_ =	shalt  }
0x7f: {  	_ =	shalt  }
0x80: {  	_ =	shalt  }
0x81: {  	_ =	shalt  }
0x82: {  	_ =	shalt  }
0x83: {  	_ =	shalt  }
0x84: {  	_ =	shalt  }
0x85: {  	_ =	shalt  }
0x86: {  	_ =	shalt  }
0x87: {  	_ =	shalt  }
.Lfunc_end0:
.L_simem_size_0:
called_computation.1_lowered:
.L_overlay_start_0:
0x88: {  	s2 =	sld [smem:$0x3FD9]  }
0x89: {  	s3 =	sld [smem:$0x3FFE];
	_ =	sdelay $0x1  }
0x8a: {  	s1 =	srdreg.scid  }
0x8b: {  	s0 =	sand.u32 $0x1, s1  }
0x8c: {  	s16 =	sshll.u32 s0, $0xA;
	s2 =	sadd.s32 s3, s2  }
0x8d: {  	s2 =	sadd.s32 s2, s16  }
0x8e: {  	[smem:$0x3FB7] =	sst s2  }
0x8f: {  	_ = 	snop  }
0x90: {  	(tm) =	ssettm $0x1  }
0x91: {  	s17 =	sld [smem:$0x3FFB];
	_ =	sdelay $0x3  }
0x92: {  	_ =	strace s17  }
0x93: {  	s2 =	sld [smem:$0x3FFC];
	_ =	sdelay $0x3  }
0x94: {  	_ =	strace s2  }
0x95: {  	s2 =	sld [smem:$0x3FFD];
	_ =	sdelay $0x3  }
0x96: {  	_ =	strace s2  }
0x97: {  	_ =	strace $0x8FFFFFFF  }
0x98: {  	s18 =	sld [smem:$0x3FDB];
	_ =	sdelay $0x1  }
0x99: {  	s19 =	simm.s32 $_scs_section_size  }
0x9a: {  	s4 =	simm.s32 $_size__tile_overlayer_lowered;
	s5 =	simm.s32 $_tile_overlayer_lowered  }
0x9b: {  	s22 =	simm.s32 $0x1BFF;
	s21 =	sshll.u32 s5, $0x1;
	s2 =	sadd.s32 s19, s18  }
0x9c: {  	s6 =	simm.s32 $0x0;
	s20 =	sshll.u32 s4, $0x1;
	s4 =	sadd.s32 s21, s2  }
0x9d: {  	[timem:s6], [sflag:s22] =	dma.local [hbm:s4], s20  }
0x9e: {  	_ =	swait.ge [sflag:s22], s20  }
0x9f: {  	s3 =	ssub.s32 $0x0, s20;
	[sflag:s22] =	ssyncset.done $0x0  }
0xa0: {  	[sflag:s22] =	ssyncadd.s32 s3;
	_ =	sdelay $0x1  }
0xa1: {  	s23 =	simm.s32 $0x1B8B  }
0xa2: {  	_ =	swait.ge [sflag:s23], $0x1  }
0xa3: {  	[sflag:s23] =	ssyncset.done $0x0  }
0xa4: {  	s25 =	simm.s32 $0x1B8E;
	s24 =	sld [smem:$0x3FFE];
	[sflag:s23] =	ssyncadd.s32 $0xFFFFFFFF  }
0xa5: {  	s26 =	simm.s32 $execute0_lowered;
	[smem:$0x3FD2] =	sst s25  }
0xa6: {  	s4 =	sshll.u32 s26, $0x1;
	_ =	strace $0x80000049;
	[dreg:$0x1] =	wrdreg $0xFFFFFFFF  }
0xa7: {  	s28 =	simm.s32 $_size_execute0_lowered;
	s2 =	sadd.s32 s2, s4;
	[dreg:$0x0] =	wrdreg $0x0  }
0xa8: {  	s4 =	sshll.u32 s28, $0x1;
	[dreg:$0x2] =	wrdreg s2  }
0xa9: {  	[dreg:$0x3] =	wrdreg s4  }
0xaa: {  	[dreg:$0x4] =	wrdreg $0xC0  }
0xab: {  	_ =	task [dreg:s6], $0x5FFFF  }
0xac: {  	[dreg:$0x1] =	wrdreg $0xFFFFFFFF  }
0xad: {  	[dreg:$0x0] =	wrdreg $0x60  }
0xae: {  	[dreg:$0x2] =	wrdreg s24  }
0xaf: {  	[dreg:$0x3] =	wrdreg $0x6C000  }
0xb0: {  	[dreg:$0x4] =	wrdreg $0x9  }
0xb1: {  	_ =	task.clear_ibuf [dreg:s6], $0x5FFFF;
	_ =	strace $0x90000049  }
0xb2: {  	s29 =	simm.s32 $0x9;
	_ =	strace $0x8000004B  }
0xb3: {  	_ =	swait.ge [sflag:s29], $0x1  }
0xb4: {  	[sflag:s29] =	ssyncadd.s32 $0xFFFFFFFF  }
0xb5: {  	_ =	strace $0x9000004B  }
0xb6: {  	_ =	sfence  }
0xb7: {  	s30 =	sld [smem:$0x0];
	_ =	sdelay $0x2  }
0xb8: {  	s31 =	sshll.u32 s1, $0xD;
	s1 =	sshrl.u32 s1, $0x2  }
0xb9: {  	s3 =	sand.u32 $0x4000, s31;
	s1 =	sadd.s32 s1, s30  }
0xba: {  	s0 =	sor.u32 s3, s0;
	s1 =	sshll.u32 s1, $0x11  }
0xbb: {  	s0 =	sor.u32 s1, s0  }
0xbc: {  	s0 =	sadd.s32 $0x8F2B, s0  }
0xbd: {  	[sflag:s0] =	ssyncadd.remote.s32 $0x1  }
0xbe: {  	_ =	sfence.sel $0xFFFF  }
0xbf: {  	[dreg:$0x0] =	wrdreg $0xFFFFFFFF;
	(pc) =	sbr.abs _section_cstart, $3  }
0xc0: {  	[dreg:$0x1] =	wrdreg $0xFFFFFFFF  }
0xc1: {  	_ =	task.clear_ibuf [dreg:s6], $0x2FFFF;
	_ =	strace $0x9FFFFFFF  }
0xc2: {  	(tm) =	ssettm $0x7FFFFFFF  }
0xc3: {  	_ =	shalt  }
tec
execute0_lowered:
.L_overlay_start_1:
0x0: {  	(tag) =	ssettag $0x1  }
0x1: {  	s0 =	rddreg [dreg:$0x0]  }
0x2: {  	s2 =	rddreg [dreg:$0x1]  }
0x3: {  	s1 =	srdreg.scid;
	s12 =	stileid.u32;
	s3 =	simm.s32 $0x0  }
0x4: {  	s28 =	simm.s32 $0xE00;
	s30 =	simm.s32 $0x1600;
	s5 =	smul.u32 $0x18800, s12  }
0x5: {  	s29 =	simm.s32 $0x580;
	s31 =	simm.s32 $0x4;
	s9 =	smul.u32 $0x62000, s12  }
0x6: {  	s1 =	sand.u32 $0x1, s1;
	[smem:$0x7FF] =	sst s3;
	s18 =	smul.u32 $0x312, s12  }
0x7: {  	s6 =	sadd.s32 $0x24EA00, s0;
	s7 =	sadd.s32 $0x3C00, s0;
	s4 =	smul.u32 $0x188000, s1  }
0x8: {  	_ =	strace $0x8000004A;
	s23 =	ssub.s32 $0x2, s1;
	s10 =	sshll.u32 s1, $0x4  }
0x9: {  	s1 =	smul.u32 $0x3120, s1;
	s11 =	sshrl.u32 s23, $0x1;
	s10 =	sor.u32 s12, s10  }
0xa: {  	s9 =	sshrl.u32 s9, $0x2;
	s17 =	sadd.s32 s5, s2;
	s12 =	simm.s32 $0x3C00  }
0xb: {  	s8 =	sadd.s32 s5, s4;
	s4 =	sadd.s32 $0xC8000, s0;
	s9 =	sadd.s32 s9, s2  }
0xc: {  	s24 =	smul.u32 $0x3120, s10;
	[dreg:$0x3] =	wrdreg s17;
	s25 =	sadd.s32 $0x3000, s9  }
0xd: {  	s26 =	smul.u32 $0x18900, s10;
	s13 =	sadd.s32 $0x6000, s9;
	[dreg:$0x4] =	wrdreg s25  }
0xe: {  	s1 =	sadd.s32 s18, s1;
	s14 =	sadd.s32 $0x9000, s9;
	[dreg:$0x5] =	wrdreg s13  }
0xf: {  	s10 =	simm.s32 $0x3900;
	s15 =	sadd.s32 $0xC000, s9;
	[dreg:$0x6] =	wrdreg s14  }
0x10: {  	s18 =	simm.s32 $0x5400;
	s16 =	sadd.s32 $0xF000, s9;
	[dreg:$0x7] =	wrdreg s15  }
0x11: {  	s8 =	sshrl.u32 s8, $0x3;
	s19 =	sadd.s32 $0x12000, s9;
	[dreg:$0x8] =	wrdreg s16  }
0x12: {  	s20 =	sadd.s32 $0x15000, s9;
	s9 =	sadd.s32 $0x18000, s9;
	[dreg:$0x9] =	wrdreg s19  }
0x13: {  	s1 =	sshll.u32 s1, $0x4;
	s0 =	sadd.s32 s8, s0;
	[dreg:$0xa] =	wrdreg s20  }
0x14: {  	s8 =	ssub.s32 s23, s11;
	[dreg:$0xb] =	wrdreg s9;
	s21 =	sadd.s32 s6, s24  }
0x15: {  	s5 =	sshrl.u32 s26, $0x3;
	s22 =	sadd.s32 s7, s24;
	s1 =	sadd.s32 $0xC0, s1  }
0x16: {  	s9 =	simm.s32 $0x3600;
	s11 =	simm.s32 $0x3;
	s14 =	simm.s32 $0x4400  }
0x17: {  	s16 =	simm.s32 $0x4C00;
	s20 =	simm.s32 $0x5C00;
	[dreg:$0xc] =	wrdreg s21  }
0x18: {  	s13 =	simm.s32 $0x2;
	[dreg:$0xd] =	wrdreg s22;
	s5 =	sadd.s32 $0x60, s5  }
0x19: {  	s0 =	sadd.s32 $0xF9000, s0;
	s24 =	smax.u32 s8, $0x1;
	s25 =	sadd.s32 s1, s6  }
0x1a: {  	s26 =	sadd.s32 s1, s7;
	s22 =	simm.s32 $0x600;
	[dreg:$0x10] =	wrdreg s0  }
0x1b: {  	s8 =	simm.s32 $0x2E00;
	s21 =	simm.s32 $0x500;
	[dreg:$0x11] =	wrdreg s24  }
.Ltmp0:
0x1c: {  	s1 =	simm.s32 $0x0;
	[dreg:$0x12] =	wrdreg s25;
	(pc) =	sbr.rel .LBB2_1-.Ltmp0, $4  }
0x1d: {  	s23 =	sadd.s32 s6, s5;
	s5 =	sadd.s32 s7, s5;
	[dreg:$0x13] =	wrdreg s26  }
0x1e: {  	s24 =	simm.s32 $0x300;
	s25 =	simm.s32 $0x1;
	s26 =	simm.s32 $0x80  }
0x1f: {  	s0 =	simm.s32 $0x1E00;
	s6 =	simm.s32 $0x2600;
	[dreg:$0xe] =	wrdreg s23  }
0x20: {  	v0 =	vimm.f32 $0.0e+00;
	[dreg:$0xf] =	wrdreg s5;
	s23 =	simm.s32 $0x5;
	s5 =	simm.s32 $0x6400  }
.LBB2_9:
0x21: {  	_ =	swait.ge [sflag:s13], $0x800  }
0x22: {  	[sflag:s13] =	ssyncset.done $0x0  }
0x23: {  	[sflag:s13] =	ssyncadd.s32 $0xFFFFF800  }
0x24: {  	_ =	swait.ge [sflag:s13], $0x800  }
0x25: {  	[sflag:s13] =	ssyncset.done $0x0  }
0x26: {  	[sflag:s13] =	ssyncadd.s32 $0xFFFFF800  }
0x27: {  	_ =	swait.ge [sflag:s13], $0x800  }
0x28: {  	[sflag:s13] =	ssyncset.done $0x0  }
0x29: {  	[sflag:s13] =	ssyncadd.s32 $0xFFFFF800  }
0x2a: {  	_ =	swait.ge [sflag:s13], $0x800  }
0x2b: {  	[sflag:s13] =	ssyncset.done $0x0  }
0x2c: {  	[sflag:s13] =	ssyncadd.s32 $0xFFFFF800  }
0x2d: {  	_ =	swait.ge [sflag:s13], $0x800  }
0x2e: {  	[sflag:s13] =	ssyncset.done $0x0  }
0x2f: {  	[sflag:s13] =	ssyncadd.s32 $0xFFFFF800  }
0x30: {  	_ =	swait.ge [sflag:s13], $0x800  }
0x31: {  	[sflag:s13] =	ssyncset.done $0x0  }
0x32: {  	[sflag:s13] =	ssyncadd.s32 $0xFFFFF800  }
0x33: {  	[spmem:s2] =	stream.indirect.scatter.add.f32 [tilespmem:s22], [sflag:$0x5], $0x10, s24, s26, $0xb8;
	[tilespmem:$0x1F400] =	vst v63  }
0x34: {  	_ =	swait.ge [sflag:s23], $0x800  }
0x35: {  	[sflag:s23] =	ssyncset.done $0x0  }
0x36: {  	s7 =	simm.s32 $0x380;
	[sflag:s23] =	ssyncadd.s32 $0xFFFFF800  }
0x37: {  	[spmem:s2] =	stream.indirect.scatter.add.f32 [tilespmem:s28], [sflag:$0x5], $0x10, s7, s26, $0xb8;
	[tilespmem:$0x1F400] =	vst v63  }
0x38: {  	_ =	swait.ge [sflag:s23], $0x800  }
0x39: {  	[sflag:s23] =	ssyncset.done $0x0  }
0x3a: {  	s19 =	simm.s32 $0x400;
	[sflag:s23] =	ssyncadd.s32 $0xFFFFF800  }
0x3b: {  	[spmem:s2] =	stream.indirect.scatter.add.f32 [tilespmem:s30], [sflag:$0x5], $0x10, s19, s26, $0xb8;
	[tilespmem:$0x1F400] =	vst v63  }
0x3c: {  	_ =	swait.ge [sflag:s23], $0x800  }
0x3d: {  	[sflag:s23] =	ssyncset.done $0x0  }
0x3e: {  	s15 =	simm.s32 $0x480;
	[sflag:s23] =	ssyncadd.s32 $0xFFFFF800  }
0x3f: {  	[spmem:s2] =	stream.indirect.scatter.add.f32 [tilespmem:s0], [sflag:$0x5], $0x10, s15, s26, $0xb8;
	[tilespmem:$0x1F400] =	vst v63  }
0x40: {  	_ =	swait.ge [sflag:s23], $0x800  }
0x41: {  	[sflag:s23] =	ssyncset.done $0x0  }
0x42: {  	[sflag:s23] =	ssyncadd.s32 $0xFFFFF800  }
0x43: {  	[spmem:s2] =	stream.indirect.scatter.add.f32 [tilespmem:s6], [sflag:$0x5], $0x10, s21, s26, $0xb8;
	[tilespmem:$0x1F400] =	vst v63  }
0x44: {  	_ =	swait.ge [sflag:s23], $0x800  }
0x45: {  	[sflag:s23] =	ssyncset.done $0x0  }
0x46: {  	[sflag:s23] =	ssyncadd.s32 $0xFFFFF800  }
0x47: {  	[spmem:s2] =	stream.indirect.scatter.add.f32 [tilespmem:s8], [sflag:$0x5], $0x10, s29, s26, $0xb8;
	[tilespmem:$0x1F400] =	vst v63  }
0x48: {  	_ =	swait.ge [sflag:s23], $0x800  }
0x49: {  	[sflag:s23] =	ssyncset.done $0x0  }
0x4a: {  	[sflag:s23] =	ssyncadd.s32 $0xFFFFF800  }
0x4b: {  	s17 =	stileid.u32;
	[bflag:$0x0] =	sbarrier.arrive $0xFFFF  }
0x4c: {  	s7 =	sshll.u32 s17, $0x6;
	s17 =	rddreg [dreg:$0x3]  }
0x4d: {  	s7 =	sor.u32 $0x1C05, s7;
	s19 =	rddreg [dreg:$0x10];
	s15 =	sshrl.u32 s17, $0x3  }
0x4e: {  	[hbm:s19], [sflag:s7] =	dma.local [spmem:s15], $0x3100  }
0x4f: {  	_ =	swait.ge [sflag:s23], $0x3100  }
0x50: {  	s1 =	sadd.s32 $0x1, s1;
	s19 =	rddreg [dreg:$0x11]  }
0x51: {  	p0 =	sne.s32 s1, s19  }
.Ltmp1:
0x52: {  	_ = 	snop;
	(pc) =	sbr.rel @!p0 .LBB2_10-.Ltmp1, $3  }
0x53: {  	_ =	sdelay $0x1  }
0x54: {  	[sflag:s23] =	ssyncset.done $0x0  }
0x55: {  	[sflag:s23] =	ssyncadd.s32 $0xFFFFCF00  }
.LBB2_1:
0x56: {  	s7 =	simm.s32 $0x40;
	s15 =	simm.s32 $0x0  }
.LBB2_2:
0x57: {  	p0 =	sne.s32 s7, $0xBFC0;
	[tilespmem:s15+$0x600] =	vst v0;
	s15 =	smov.u32 s7;
	s7 =	sadd.s32 $0x40, s7  }
.Ltmp2:
0x58: {  	(pc) =	sbr.rel @p0 .LBB2_2-.Ltmp2, $2  }
0x59: {  	_ =	sdelay $0x2  }
0x5a: {  	s15 =	sshra.s32 s15, $0x2  }
0x5b: {  	[tilespmem:s15+$0x600] =	vst v0  }
0x5c: {  	[spmem:s17] =	stream.linear.scatter [tilespmem:s22], [sflag:$0x5], $0x3000, $0x38;
	[tilespmem:$0x1F400] =	vst v63  }
0x5d: {  	_ =	swait.ge [sflag:s23], $0x3000  }
0x5e: {  	[sflag:s23] =	ssyncset.done $0x0  }
0x5f: {  	s7 =	rddreg [dreg:$0x4];
	[sflag:s23] =	ssyncadd.s32 $0xFFFFD000  }
0x60: {  	[spmem:s7] =	stream.linear.scatter [tilespmem:s22], [sflag:$0x5], $0x3000, $0x38;
	[tilespmem:$0x1F400] =	vst v63  }
0x61: {  	_ =	swait.ge [sflag:s23], $0x3000  }
0x62: {  	[sflag:s23] =	ssyncset.done $0x0  }
0x63: {  	s15 =	rddreg [dreg:$0x5];
	[sflag:s23] =	ssyncadd.s32 $0xFFFFD000  }
0x64: {  	[spmem:s15] =	stream.linear.scatter [tilespmem:s22], [sflag:$0x5], $0x3000, $0x38;
	[tilespmem:$0x1F400] =	vst v63  }
0x65: {  	_ =	swait.ge [sflag:s23], $0x3000  }
0x66: {  	[sflag:s23] =	ssyncset.done $0x0  }
0x67: {  	s17 =	rddreg [dreg:$0x6];
	[sflag:s23] =	ssyncadd.s32 $0xFFFFD000  }
0x68: {  	[spmem:s17] =	stream.linear.scatter [tilespmem:s22], [sflag:$0x5], $0x3000, $0x38;
	[tilespmem:$0x1F400] =	vst v63  }
0x69: {  	_ =	swait.ge [sflag:s23], $0x3000  }
0x6a: {  	[sflag:s23] =	ssyncset.done $0x0  }
0x6b: {  	s19 =	rddreg [dreg:$0x7];
	[sflag:s23] =	ssyncadd.s32 $0xFFFFD000  }
0x6c: {  	[spmem:s19] =	stream.linear.scatter [tilespmem:s22], [sflag:$0x5], $0x3000, $0x38;
	[tilespmem:$0x1F400] =	vst v63  }
0x6d: {  	_ =	swait.ge [sflag:s23], $0x3000  }
0x6e: {  	[sflag:s23] =	ssyncset.done $0x0  }
0x6f: {  	s15 =	rddreg [dreg:$0x8];
	[sflag:s23] =	ssyncadd.s32 $0xFFFFD000  }
0x70: {  	[spmem:s15] =	stream.linear.scatter [tilespmem:s22], [sflag:$0x5], $0x3000, $0x38;
	[tilespmem:$0x1F400] =	vst v63  }
0x71: {  	_ =	swait.ge [sflag:s23], $0x3000  }
0x72: {  	[sflag:s23] =	ssyncset.done $0x0  }
0x73: {  	s17 =	rddreg [dreg:$0x9];
	[sflag:s23] =	ssyncadd.s32 $0xFFFFD000  }
0x74: {  	[spmem:s17] =	stream.linear.scatter [tilespmem:s22], [sflag:$0x5], $0x3000, $0x38;
	[tilespmem:$0x1F400] =	vst v63  }
0x75: {  	_ =	swait.ge [sflag:s23], $0x3000  }
0x76: {  	[sflag:s23] =	ssyncset.done $0x0  }
0x77: {  	s19 =	rddreg [dreg:$0xa];
	[sflag:s23] =	ssyncadd.s32 $0xFFFFD000  }
0x78: {  	[spmem:s19] =	stream.linear.scatter [tilespmem:s22], [sflag:$0x5], $0x3000, $0x38;
	[tilespmem:$0x1F400] =	vst v63  }
0x79: {  	_ =	swait.ge [sflag:s23], $0x3000  }
0x7a: {  	[sflag:s23] =	ssyncset.done $0x0  }
0x7b: {  	s15 =	rddreg [dreg:$0xb];
	[sflag:s23] =	ssyncadd.s32 $0xFFFFD000  }
0x7c: {  	[spmem:s15] =	stream.linear.scatter [tilespmem:s22], [sflag:$0x5], $0x800, $0x38;
	[tilespmem:$0x1F400] =	vst v63  }
0x7d: {  	_ =	swait.ge [sflag:s23], $0x800  }
0x7e: {  	[sflag:s23] =	ssyncset.done $0x0  }
0x7f: {  	[sflag:s23] =	ssyncadd.s32 $0xFFFFF800  }
0x80: {  	[bflag:$0x0] =	sbarrier.arrive $0xFFFF  }
0x81: {  	s17 =	rddreg [dreg:$0xc]  }
0x82: {  	[tilespmem:s3], [sflag:$0x1] =	stream.linear.gather [hbm4b:s17+s3], $0x300, $0x38;
	[tilespmem:$0x1F400] =	vst v63  }
0x83: {  	s19 =	rddreg [dreg:$0xd]  }
0x84: {  	[tilespmem:s24], [sflag:$0x1] =	stream.linear.gather [hbm4b:s19+s3], $0x300, $0x38;
	[tilespmem:$0x1F400] =	vst v63  }
0x85: {  	_ =	swait.ge [sflag:s25], $0x300  }
0x86: {  	[sflag:s25] =	ssyncset.done $0x0  }
0x87: {  	[sflag:s25] =	ssyncadd.s32 $0xFFFFFD00  }
0x88: {  	_ =	swait.ge [sflag:s25], $0x300  }
0x89: {  	[sflag:s25] =	ssyncset.done $0x0  }
0x8a: {  	[sflag:s25] =	ssyncadd.s32 $0xFFFFFD00  }
0x8b: {  	[tilespmem:s22], [sflag:$0x2] =	stream.indirect.gather [hbm4b:s4+s26], $0x10, s3, s26, $0xb8;
	[tilespmem:$0x1F400] =	vst v63  }
0x8c: {  	_ = 	snop  }
0x8d: {  	[tilespmem:s28], [sflag:$0x2] =	stream.indirect.gather [hbm4b:s4+s26], $0x10, s26, s26, $0xb8;
	[tilespmem:$0x1F400] =	vst v63  }
0x8e: {  	s15 =	simm.s32 $0x100  }
0x8f: {  	[tilespmem:s30], [sflag:$0x2] =	stream.indirect.gather [hbm4b:s4+s26], $0x10, s15, s26, $0xb8;
	[tilespmem:$0x1F400] =	vst v63  }
0x90: {  	s17 =	simm.s32 $0x180  }
0x91: {  	[tilespmem:s0], [sflag:$0x2] =	stream.indirect.gather [hbm4b:s4+s26], $0x10, s17, s26, $0xb8;
	[tilespmem:$0x1F400] =	vst v63  }
0x92: {  	s19 =	simm.s32 $0x200  }
0x93: {  	[tilespmem:s6], [sflag:$0x2] =	stream.indirect.gather [hbm4b:s4+s26], $0x10, s19, s26, $0xb8;
	[tilespmem:$0x1F400] =	vst v63  }
0x94: {  	s15 =	simm.s32 $0x280;
	s17 =	rddreg [dreg:$0xe]  }
0x95: {  	[tilespmem:s8], [sflag:$0x2] =	stream.indirect.gather [hbm4b:s4+s26], $0x10, s15, s26, $0xb8;
	[tilespmem:$0x1F400] =	vst v63  }
.Ltmp3:
0x96: {  	s19 =	rddreg [dreg:$0xf];
	(pc) =	sbr.rel .LBB2_4-.Ltmp3, $4  }
0x97: {  	s15 =	rddreg [dreg:$0x13]  }
0x98: {  	[tilespmem:s9], [sflag:$0x3] =	stream.linear.gather [hbm4b:s17+s3], $0x300, $0x38;
	[tilespmem:$0x1F400] =	vst v63  }
0x99: {  	s7 =	simm.s32 $0xFFFFFF7E;
	s17 =	rddreg [dreg:$0x12]  }
0x9a: {  	[tilespmem:s10], [sflag:$0x3] =	stream.linear.gather [hbm4b:s19+s3], $0x300, $0x38;
	[tilespmem:$0x1F400] =	vst v63  }
.LBB2_5:
0x9b: {  	_ =	swait.ge [sflag:s11], $0x300  }
0x9c: {  	[sflag:s11] =	ssyncset.done $0x0  }
0x9d: {  	[sflag:s11] =	ssyncadd.s32 $0xFFFFFD00  }
0x9e: {  	_ =	swait.ge [sflag:s11], $0x300  }
0x9f: {  	[sflag:s11] =	ssyncset.done $0x0  }
0xa0: {  	[sflag:s11] =	ssyncadd.s32 $0xFFFFFD00  }
0xa1: {  	[tilespmem:s12], [sflag:$0x4] =	stream.indirect.gather [hbm4b:s4+s26], $0x10, s9, s26, $0xb8;
	[tilespmem:$0x1F400] =	vst v63  }
0xa2: {  	s19 =	simm.s32 $0x3680  }
0xa3: {  	[tilespmem:s14], [sflag:$0x4] =	stream.indirect.gather [hbm4b:s4+s26], $0x10, s19, s26, $0xb8;
	[tilespmem:$0x1F400] =	vst v63  }
0xa4: {  	s19 =	simm.s32 $0x3700  }
0xa5: {  	[tilespmem:s16], [sflag:$0x4] =	stream.indirect.gather [hbm4b:s4+s26], $0x10, s19, s26, $0xb8;
	[tilespmem:$0x1F400] =	vst v63  }
0xa6: {  	s19 =	simm.s32 $0x3780  }
0xa7: {  	[tilespmem:s18], [sflag:$0x4] =	stream.indirect.gather [hbm4b:s4+s26], $0x10, s19, s26, $0xb8;
	[tilespmem:$0x1F400] =	vst v63  }
0xa8: {  	s19 =	simm.s32 $0x3800  }
0xa9: {  	[tilespmem:s20], [sflag:$0x4] =	stream.indirect.gather [hbm4b:s4+s26], $0x10, s19, s26, $0xb8;
	[tilespmem:$0x1F400] =	vst v63  }
0xaa: {  	s19 =	simm.s32 $0x3880  }
0xab: {  	[tilespmem:s5], [sflag:$0x4] =	stream.indirect.gather [hbm4b:s4+s26], $0x10, s19, s26, $0xb8;
	[tilespmem:$0x1F400] =	vst v63  }
0xac: {  	_ =	swait.ge [sflag:s13], $0x800  }
0xad: {  	[sflag:s13] =	ssyncset.done $0x0  }
0xae: {  	[sflag:s13] =	ssyncadd.s32 $0xFFFFF800  }
0xaf: {  	_ =	swait.ge [sflag:s13], $0x800  }
0xb0: {  	[sflag:s13] =	ssyncset.done $0x0  }
0xb1: {  	[sflag:s13] =	ssyncadd.s32 $0xFFFFF800  }
0xb2: {  	_ =	swait.ge [sflag:s13], $0x800  }
0xb3: {  	[sflag:s13] =	ssyncset.done $0x0  }
0xb4: {  	[sflag:s13] =	ssyncadd.s32 $0xFFFFF800  }
0xb5: {  	_ =	swait.ge [sflag:s13], $0x800  }
0xb6: {  	[sflag:s13] =	ssyncset.done $0x0  }
0xb7: {  	[sflag:s13] =	ssyncadd.s32 $0xFFFFF800  }
0xb8: {  	_ =	swait.ge [sflag:s13], $0x800  }
0xb9: {  	[sflag:s13] =	ssyncset.done $0x0  }
0xba: {  	[sflag:s13] =	ssyncadd.s32 $0xFFFFF800  }
0xbb: {  	_ =	swait.ge [sflag:s13], $0x800  }
0xbc: {  	[sflag:s13] =	ssyncset.done $0x0  }
0xbd: {  	[sflag:s13] =	ssyncadd.s32 $0xFFFFF800  }
0xbe: {  	[spmem:s2] =	stream.indirect.scatter.add.f32 [tilespmem:s22], [sflag:$0x5], $0x10, s24, s26, $0xb8;
	[tilespmem:$0x1F400] =	vst v63  }
0xbf: {  	_ =	swait.ge [sflag:s23], $0x800  }
0xc0: {  	[sflag:s23] =	ssyncset.done $0x0  }
0xc1: {  	s19 =	simm.s32 $0x380;
	[sflag:s23] =	ssyncadd.s32 $0xFFFFF800  }
0xc2: {  	[spmem:s2] =	stream.indirect.scatter.add.f32 [tilespmem:s28], [sflag:$0x5], $0x10, s19, s26, $0xb8;
	[tilespmem:$0x1F400] =	vst v63  }
0xc3: {  	_ =	swait.ge [sflag:s23], $0x800  }
0xc4: {  	[sflag:s23] =	ssyncset.done $0x0  }
0xc5: {  	s19 =	simm.s32 $0x400;
	[sflag:s23] =	ssyncadd.s32 $0xFFFFF800  }
0xc6: {  	[spmem:s2] =	stream.indirect.scatter.add.f32 [tilespmem:s30], [sflag:$0x5], $0x10, s19, s26, $0xb8;
	[tilespmem:$0x1F400] =	vst v63  }
0xc7: {  	_ =	swait.ge [sflag:s23], $0x800  }
0xc8: {  	[sflag:s23] =	ssyncset.done $0x0  }
0xc9: {  	s19 =	simm.s32 $0x480;
	[sflag:s23] =	ssyncadd.s32 $0xFFFFF800  }
0xca: {  	[spmem:s2] =	stream.indirect.scatter.add.f32 [tilespmem:s0], [sflag:$0x5], $0x10, s19, s26, $0xb8;
	[tilespmem:$0x1F400] =	vst v63  }
0xcb: {  	_ =	swait.ge [sflag:s23], $0x800  }
0xcc: {  	[sflag:s23] =	ssyncset.done $0x0  }
0xcd: {  	[sflag:s23] =	ssyncadd.s32 $0xFFFFF800  }
0xce: {  	[spmem:s2] =	stream.indirect.scatter.add.f32 [tilespmem:s6], [sflag:$0x5], $0x10, s21, s26, $0xb8;
	[tilespmem:$0x1F400] =	vst v63  }
0xcf: {  	_ =	swait.ge [sflag:s23], $0x800  }
0xd0: {  	[sflag:s23] =	ssyncset.done $0x0  }
0xd1: {  	[sflag:s23] =	ssyncadd.s32 $0xFFFFF800  }
0xd2: {  	[spmem:s2] =	stream.indirect.scatter.add.f32 [tilespmem:s8], [sflag:$0x5], $0x10, s29, s26, $0xb8;
	[tilespmem:$0x1F400] =	vst v63  }
0xd3: {  	_ =	swait.ge [sflag:s23], $0x800  }
0xd4: {  	[sflag:s23] =	ssyncset.done $0x0  }
0xd5: {  	[sflag:s23] =	ssyncadd.s32 $0xFFFFF800  }
0xd6: {  	[tilespmem:s3], [sflag:$0x1] =	stream.linear.gather [hbm4b:s17+s3], $0x300, $0x38;
	[tilespmem:$0x1F400] =	vst v63  }
0xd7: {  	_ = 	snop  }
0xd8: {  	[tilespmem:s24], [sflag:$0x1] =	stream.linear.gather [hbm4b:s15+s3], $0x300, $0x38;
	[tilespmem:$0x1F400] =	vst v63  }
.LBB2_8:
0xd9: {  	s7 =	sadd.s32 $0x1, s7  }
0xda: {  	p0 =	seq.s32 s7, $0x0  }
.Ltmp4:
0xdb: {  	_ = 	snop;
	(pc) =	sbr.rel @p0 .LBB2_9-.Ltmp4, $2  }
0xdc: {  	_ =	sdelay $0x2  }
0xdd: {  	s17 =	sadd.s32 $0x60, s17;
	s15 =	sadd.s32 $0x60, s15  }
.LBB2_4:
0xde: {  	s19 =	sand.u32 $0x1, s7  }
0xdf: {  	p0 =	seq.s32 s19, $0x1  }
.Ltmp5:
0xe0: {  	_ = 	snop;
	(pc) =	sbr.rel @!p0 .LBB2_5-.Ltmp5, $1  }
0xe1: {  	_ =	sdelay $0x3  }
0xe2: {  	_ =	swait.ge [sflag:s25], $0x300  }
0xe3: {  	[sflag:s25] =	ssyncset.done $0x0  }
0xe4: {  	[sflag:s25] =	ssyncadd.s32 $0xFFFFFD00  }
0xe5: {  	_ =	swait.ge [sflag:s25], $0x300  }
0xe6: {  	[sflag:s25] =	ssyncset.done $0x0  }
0xe7: {  	[sflag:s25] =	ssyncadd.s32 $0xFFFFFD00  }
0xe8: {  	[tilespmem:s22], [sflag:$0x2] =	stream.indirect.gather [hbm4b:s4+s26], $0x10, s3, s26, $0xb8;
	[tilespmem:$0x1F400] =	vst v63  }
0xe9: {  	_ = 	snop  }
0xea: {  	[tilespmem:s28], [sflag:$0x2] =	stream.indirect.gather [hbm4b:s4+s26], $0x10, s26, s26, $0xb8;
	[tilespmem:$0x1F400] =	vst v63  }
0xeb: {  	s19 =	simm.s32 $0x100  }
0xec: {  	[tilespmem:s30], [sflag:$0x2] =	stream.indirect.gather [hbm4b:s4+s26], $0x10, s19, s26, $0xb8;
	[tilespmem:$0x1F400] =	vst v63  }
0xed: {  	s19 =	simm.s32 $0x180  }
0xee: {  	[tilespmem:s0], [sflag:$0x2] =	stream.indirect.gather [hbm4b:s4+s26], $0x10, s19, s26, $0xb8;
	[tilespmem:$0x1F400] =	vst v63  }
0xef: {  	s19 =	simm.s32 $0x200  }
0xf0: {  	[tilespmem:s6], [sflag:$0x2] =	stream.indirect.gather [hbm4b:s4+s26], $0x10, s19, s26, $0xb8;
	[tilespmem:$0x1F400] =	vst v63  }
0xf1: {  	s19 =	simm.s32 $0x280  }
0xf2: {  	[tilespmem:s8], [sflag:$0x2] =	stream.indirect.gather [hbm4b:s4+s26], $0x10, s19, s26, $0xb8;
	[tilespmem:$0x1F400] =	vst v63  }
0xf3: {  	_ =	swait.ge [sflag:s31], $0x800  }
0xf4: {  	[sflag:s31] =	ssyncset.done $0x0  }
0xf5: {  	[sflag:s31] =	ssyncadd.s32 $0xFFFFF800  }
0xf6: {  	_ =	swait.ge [sflag:s31], $0x800  }
0xf7: {  	[sflag:s31] =	ssyncset.done $0x0  }
0xf8: {  	[sflag:s31] =	ssyncadd.s32 $0xFFFFF800  }
0xf9: {  	_ =	swait.ge [sflag:s31], $0x800  }
0xfa: {  	[sflag:s31] =	ssyncset.done $0x0  }
0xfb: {  	[sflag:s31] =	ssyncadd.s32 $0xFFFFF800  }
0xfc: {  	_ =	swait.ge [sflag:s31], $0x800  }
0xfd: {  	[sflag:s31] =	ssyncset.done $0x0  }
0xfe: {  	[sflag:s31] =	ssyncadd.s32 $0xFFFFF800  }
0xff: {  	_ =	swait.ge [sflag:s31], $0x800  }
0x100: {  	[sflag:s31] =	ssyncset.done $0x0  }
0x101: {  	[sflag:s31] =	ssyncadd.s32 $0xFFFFF800  }
0x102: {  	_ =	swait.ge [sflag:s31], $0x800  }
0x103: {  	[sflag:s31] =	ssyncset.done $0x0  }
0x104: {  	[sflag:s31] =	ssyncadd.s32 $0xFFFFF800  }
0x105: {  	[spmem:s2] =	stream.indirect.scatter.add.f32 [tilespmem:s12], [sflag:$0x5], $0x10, s10, s26, $0xb8;
	[tilespmem:$0x1F400] =	vst v63  }
0x106: {  	_ =	swait.ge [sflag:s23], $0x800  }
0x107: {  	[sflag:s23] =	ssyncset.done $0x0  }
0x108: {  	s19 =	simm.s32 $0x3980;
	[sflag:s23] =	ssyncadd.s32 $0xFFFFF800  }
0x109: {  	[spmem:s2] =	stream.indirect.scatter.add.f32 [tilespmem:s14], [sflag:$0x5], $0x10, s19, s26, $0xb8;
	[tilespmem:$0x1F400] =	vst v63  }
0x10a: {  	_ =	swait.ge [sflag:s23], $0x800  }
0x10b: {  	[sflag:s23] =	ssyncset.done $0x0  }
0x10c: {  	s19 =	simm.s32 $0x3A00;
	[sflag:s23] =	ssyncadd.s32 $0xFFFFF800  }
0x10d: {  	[spmem:s2] =	stream.indirect.scatter.add.f32 [tilespmem:s16], [sflag:$0x5], $0x10, s19, s26, $0xb8;
	[tilespmem:$0x1F400] =	vst v63  }
0x10e: {  	_ =	swait.ge [sflag:s23], $0x800  }
0x10f: {  	[sflag:s23] =	ssyncset.done $0x0  }
0x110: {  	s19 =	simm.s32 $0x3A80;
	[sflag:s23] =	ssyncadd.s32 $0xFFFFF800  }
0x111: {  	[spmem:s2] =	stream.indirect.scatter.add.f32 [tilespmem:s18], [sflag:$0x5], $0x10, s19, s26, $0xb8;
	[tilespmem:$0x1F400] =	vst v63  }
0x112: {  	_ =	swait.ge [sflag:s23], $0x800  }
0x113: {  	[sflag:s23] =	ssyncset.done $0x0  }
0x114: {  	s19 =	simm.s32 $0x3B00;
	[sflag:s23] =	ssyncadd.s32 $0xFFFFF800  }
0x115: {  	[spmem:s2] =	stream.indirect.scatter.add.f32 [tilespmem:s20], [sflag:$0x5], $0x10, s19, s26, $0xb8;
	[tilespmem:$0x1F400] =	vst v63  }
0x116: {  	_ =	swait.ge [sflag:s23], $0x800  }
0x117: {  	p0 =	seq.s32 s7, $0xFFFFFFFF;
	[sflag:s23] =	ssyncset.done $0x0  }
.Ltmp6:
0x118: {  	s19 =	simm.s32 $0x3B80;
	[sflag:s23] =	ssyncadd.s32 $0xFFFFF800;
	(pc) =	sbr.rel @p0 .LBB2_9-.Ltmp6, $4  }
0x119: {  	[spmem:s2] =	stream.indirect.scatter.add.f32 [tilespmem:s5], [sflag:$0x5], $0x10, s19, s26, $0xb8;
	[tilespmem:$0x1F400] =	vst v63  }
0x11a: {  	_ =	swait.ge [sflag:s23], $0x800  }
0x11b: {  	[sflag:s23] =	ssyncset.done $0x0  }
0x11c: {  	[sflag:s23] =	ssyncadd.s32 $0xFFFFF800  }
.Ltmp7:
0x11d: {  	(pc) =	sbr.rel .LBB2_8-.Ltmp7, $4  }
0x11e: {  	_ = 	snop  }
0x11f: {  	[tilespmem:s9], [sflag:$0x3] =	stream.linear.gather [hbm4b:s17+s3], $0x300, $0x38;
	[tilespmem:$0x1F400] =	vst v63  }
0x120: {  	_ = 	snop  }
0x121: {  	[tilespmem:s10], [sflag:$0x3] =	stream.linear.gather [hbm4b:s15+s3], $0x300, $0x38;
	[tilespmem:$0x1F400] =	vst v63  }
.LBB2_10:
0x122: {  	_ =	sfence.sel $0x180000  }
0x123: {  	[bflag:$0x0] =	sbarrier.arrive $0xFFFF  }
0x124: {  	_ =	strace $0x9000004A  }
0x125: {  	s0 =	stileid.u32;
	[bflag:$0x2] =	sbarrier.arrive $0xFFFF  }
0x126: {  	p0 =	sne.s32 s0, $0x0;
	s0 =	rddreg [dreg:$0x2]  }
0x127: {  	s0 =	sadd.s32 @!p0 $0x100000, s0  }
0x128: {  	[sflag:s0] =	ssyncadd.tile.s32 @!p0 $0x1;
	_ =	shalt  }
.Lfunc_end2:
_tile_overlayer_lowered:
.L_overlay_start_2:
0x129: {  	(tag) =	ssettag $0x2  }
0x12a: {  	s0 =	rddreg [dreg:$0x0];
	s2 =	stileid.u32  }
0x12b: {  	s1 =	rddreg [dreg:$0x1];
	p0 =	sne.s32 s2, $0x0  }
0x12c: {  	s3 =	rddreg [dreg:$0x2];
	[bflag:$0x3] =	sbarrier.arrive $0xFFFF;
	s2 =	simm.s32 @!p0 $0x1C05  }
0x12d: {  	[timem:s3], [sflag:s2] =	dma.local @!p0 [hbm:s0], s1  }
0x12e: {  	s0 =	simm.s32 @!p0 $0x5  }
0x12f: {  	_ =	swait.ge @!p0 [sflag:s0], s1  }
0x130: {  	s1 =	ssub.s32 @!p0 $0x0, s1;
	[sflag:s0] =	ssyncset.done @!p0 $0x0  }
0x131: {  	[sflag:s0] =	ssyncadd.s32 @!p0 s1  }
0x132: {  	[bflag:$0x3] =	sbarrier.arrive $0xFFFF  }
0x133: {  	_ =	shalt  }

// kernel: kernel.14.cloned.1.call-start
scs
__scs_entry_jumppad:
0x0: {  	(pc) =	sbr.rel $0x88, $3  }
0x1: {  	(tag) =	ssettag $0x0;
	lr =	simm.s32 $0x1  }
0x2: {  	[smem:$0x3F90] =	sst lr;
	_ =	strace $0xD0000000  }
0x3: {  	_ = 	snop  }
0x4: {  	_ = 	snop  }
0x5: {  	_ = 	snop  }
0x6: {  	_ = 	snop  }
0x7: {  	_ = 	snop  }
__scs_overlays_trampoline_lowered:
0x8: {  	[smem:$0x3F9F] =	sst s0  }
0x9: {  	[smem:$0x3FA0] =	sst s1  }
0xa: {  	[smem:$0x3FA1] =	sst s2  }
0xb: {  	[smem:$0x3FA2] =	sst s3  }
0xc: {  	[smem:$0x3FA3] =	sst s4  }
0xd: {  	[smem:$0x3FA4] =	sst s5  }
0xe: {  	[smem:$0x3FA5] =	sst s6  }
0xf: {  	[smem:$0x3FA6] =	sst s7  }
0x10: {  	[smem:$0x3FA7] =	sst s8  }
0x11: {  	[smem:$0x3FA8] =	sst s9;
	s0 =	simm.s32 @!p0 $0x0  }
0x12: {  	s1 =	sld [smem:$0x3F8E];
	s0 =	simm.s32 @p0 $0x1  }
0x13: {  	[smem:$0x3FA9] =	sst s0;
	s0 =	simm.s32 @!p1 $0x0  }
0x14: {  	s2 =	sld [smem:$0x3F8D];
	s0 =	simm.s32 @p1 $0x1  }
0x15: {  	[smem:$0x3FAA] =	sst s0;
	s0 =	simm.s32 @!p2 $0x0  }
0x16: {  	s3 =	sld [smem:$0x3FDB];
	s0 =	simm.s32 @p2 $0x1  }
0x17: {  	s4 =	simm.s32 $0x1BF5;
	[smem:$0x3FAC] =	sst s0  }
0x18: {  	s0 =	sld [smem:$0x3F8F];
	_ =	swait.ge [sflag:s4], $0x0  }
0x19: {  	s7 =	sld [smem:$0x3F90]  }
0x1a: {  	s8 =	sadd.s32 $0xFFFFE003, lr  }
0x1b: {  	s9 =	sadd.s32 $0xFFFFFEF7, lr;
	s5 =	simm.s32 $0xFFFFFFFF;
	p2 =	slt.u32 s8, $0xFFFFF086  }
0x1c: {  	p1 =	slt.u32 s9, $0xF7A;
	s5 =	simm.s32 @!p2 $0x0  }
0x1d: {  	s5 =	simm.s32 @p1 $0x1;
	p0 =	seq.s32 s7, s2  }
0x1e: {  	s7 =	smul.u32 @!p0 $0xF7A, s2;
	p2 =	seq.s32 @!p0 s5, $0x0  }
0x1f: {  	s9 =	smul.u32 $0xF7A, s1;
	s8 =	simm.s32 @!p0 $0x1BF5;
	p2 =	por !p2, p0  }
0x20: {  	[sflag:s8] =	ssyncset.s32 @!p0 $0xFFFFF086;
	s6 =	sadd.s32 @!p0 s3, s7;
	s7 =	simm.s32 @!p0 $0x108  }
0x21: {  	s3 =	sadd.s32 s3, s9;
	s6 =	sadd.s32 @!p0 $0x88, s6;
	s7 =	simm.s32 @p2 $0x1082  }
0x22: {  	[simem:s7], [sflag:s8] =	dma.local @!p0 [hbm:s6], $0xF7A  }
0x23: {  	s9 =	sor.u32 $0xD0000000, s2;
	s6 =	simm.s32 $0x108;
	_ =	swait.ge @!p0 [sflag:s8], $0x0  }
0x24: {  	s3 =	sadd.s32 $0x88, s3;
	s6 =	simm.s32 @!p1 $0x1082;
	[sflag:s4] =	ssyncset.s32 $0xFFFFF086  }
0x25: {  	[simem:s6], [sflag:s4] =	dma.local [hbm:s3], $0xF7A  }
0x26: {  	[smem:$0x3F90] =	sst s1;
	(tag) =	ssettag s2;
	_ =	strace s9  }
0x27: {  	s1 =	sld [smem:$0x3FA0]  }
0x28: {  	s2 =	sld [smem:$0x3FA1]  }
0x29: {  	s4 =	sld [smem:$0x3FA3]  }
0x2a: {  	p0 =	seq.s32 s5, $0x0;
	s5 =	sld [smem:$0x3FA4]  }
0x2b: {  	s6 =	sld [smem:$0x3FA5]  }
0x2c: {  	s7 =	sld [smem:$0x3FA6]  }
0x2d: {  	s3 =	simm.s32 $0x108;
	s8 =	sld [smem:$0x3FA7]  }
0x2e: {  	s3 =	simm.s32 @!p0 $0x1082;
	s9 =	sld [smem:$0x3FA8]  }
0x2f: {  	lr =	sadd.s32 s0, s3;
	s0 =	sld [smem:$0x3F9F]  }
0x30: {  	s3 =	sld [smem:$0x3FA2]  }
0x31: {  	[smem:$0x3FAB] =	sst s10  }
0x32: {  	s10 =	sld [smem:$0x3FA9];
	_ =	sdelay $0x3  }
0x33: {  	p0 =	seq.s32 s10, $0x1;
	s10 =	sld [smem:$0x3FAB];
	_ =	sdelay $0x3  }
0x34: {  	[smem:$0x3FAB] =	sst s10  }
0x35: {  	s10 =	sld [smem:$0x3FAA];
	_ =	sdelay $0x3  }
0x36: {  	p1 =	seq.s32 s10, $0x1;
	s10 =	sld [smem:$0x3FAB];
	_ =	sdelay $0x3  }
0x37: {  	[smem:$0x3FAB] =	sst s10  }
0x38: {  	s10 =	sld [smem:$0x3FAC]  }
0x39: {  	_ = 	snop;
	(pc) =	sbr.ind lr, $3  }
0x3a: {  	_ = 	snop  }
0x3b: {  	_ = 	snop  }
0x3c: {  	p2 =	seq.s32 s10, $0x1;
	s10 =	sld [smem:$0x3FAB]  }
0x3d: {  	_ =	shalt  }
0x3e: {  	_ =	shalt  }
0x3f: {  	_ =	shalt  }
0x40: {  	_ =	shalt  }
0x41: {  	_ =	shalt  }
0x42: {  	_ =	shalt  }
0x43: {  	_ =	shalt  }
0x44: {  	_ =	shalt  }
0x45: {  	_ =	shalt  }
0x46: {  	_ =	shalt  }
0x47: {  	_ =	shalt  }
0x48: {  	_ =	shalt  }
0x49: {  	_ =	shalt  }
0x4a: {  	_ =	shalt  }
0x4b: {  	_ =	shalt  }
0x4c: {  	_ =	shalt  }
0x4d: {  	_ =	shalt  }
0x4e: {  	_ =	shalt  }
0x4f: {  	_ =	shalt  }
0x50: {  	_ =	shalt  }
0x51: {  	_ =	shalt  }
0x52: {  	_ =	shalt  }
0x53: {  	_ =	shalt  }
0x54: {  	_ =	shalt  }
0x55: {  	_ =	shalt  }
0x56: {  	_ =	shalt  }
0x57: {  	_ =	shalt  }
0x58: {  	_ =	shalt  }
0x59: {  	_ =	shalt  }
0x5a: {  	_ =	shalt  }
0x5b: {  	_ =	shalt  }
0x5c: {  	_ =	shalt  }
0x5d: {  	_ =	shalt  }
0x5e: {  	_ =	shalt  }
0x5f: {  	_ =	shalt  }
0x60: {  	_ =	shalt  }
0x61: {  	_ =	shalt  }
0x62: {  	_ =	shalt  }
0x63: {  	_ =	shalt  }
0x64: {  	_ =	shalt  }
0x65: {  	_ =	shalt  }
0x66: {  	_ =	shalt  }
0x67: {  	_ =	shalt  }
0x68: {  	_ =	shalt  }
0x69: {  	_ =	shalt  }
0x6a: {  	_ =	shalt  }
0x6b: {  	_ =	shalt  }
0x6c: {  	_ =	shalt  }
0x6d: {  	_ =	shalt  }
0x6e: {  	_ =	shalt  }
0x6f: {  	_ =	shalt  }
0x70: {  	_ =	shalt  }
0x71: {  	_ =	shalt  }
0x72: {  	_ =	shalt  }
0x73: {  	_ =	shalt  }
0x74: {  	_ =	shalt  }
0x75: {  	_ =	shalt  }
0x76: {  	_ =	shalt  }
0x77: {  	_ =	shalt  }
0x78: {  	_ =	shalt  }
0x79: {  	_ =	shalt  }
0x7a: {  	_ =	shalt  }
0x7b: {  	_ =	shalt  }
0x7c: {  	_ =	shalt  }
0x7d: {  	_ =	shalt  }
0x7e: {  	_ =	shalt  }
0x7f: {  	_ =	shalt  }
0x80: {  	_ =	shalt  }
0x81: {  	_ =	shalt  }
0x82: {  	_ =	shalt  }
0x83: {  	_ =	shalt  }
0x84: {  	_ =	shalt  }
0x85: {  	_ =	shalt  }
0x86: {  	_ =	shalt  }
0x87: {  	_ =	shalt  }
.Lfunc_end0:
.L_simem_size_0:
called_computation.2_lowered:
.L_overlay_start_0:
0x88: {  	s2 =	sld [smem:$0x3FD9]  }
0x89: {  	s3 =	sld [smem:$0x3FFE];
	_ =	sdelay $0x1  }
0x8a: {  	s1 =	srdreg.scid  }
0x8b: {  	s0 =	sand.u32 $0x1, s1  }
0x8c: {  	s16 =	sshll.u32 s0, $0xA;
	s2 =	sadd.s32 s3, s2  }
0x8d: {  	s2 =	sadd.s32 s2, s16  }
0x8e: {  	[smem:$0x3FB7] =	sst s2  }
0x8f: {  	_ = 	snop  }
0x90: {  	(tm) =	ssettm $0x1  }
0x91: {  	s17 =	sld [smem:$0x3FFB];
	_ =	sdelay $0x3  }
0x92: {  	_ =	strace s17  }
0x93: {  	s2 =	sld [smem:$0x3FFC];
	_ =	sdelay $0x3  }
0x94: {  	_ =	strace s2  }
0x95: {  	s2 =	sld [smem:$0x3FFD];
	_ =	sdelay $0x3  }
0x96: {  	_ =	strace s2  }
0x97: {  	_ =	strace $0x8FFFFFFF  }
0x98: {  	s18 =	sld [smem:$0x3FDB];
	_ =	sdelay $0x1  }
0x99: {  	s19 =	simm.s32 $_scs_section_size  }
0x9a: {  	s4 =	simm.s32 $_size__tile_overlayer_lowered;
	s5 =	simm.s32 $_tile_overlayer_lowered  }
0x9b: {  	s22 =	simm.s32 $0x1BFF;
	s21 =	sshll.u32 s5, $0x1;
	s2 =	sadd.s32 s19, s18  }
0x9c: {  	s6 =	simm.s32 $0x0;
	s20 =	sshll.u32 s4, $0x1;
	s4 =	sadd.s32 s21, s2  }
0x9d: {  	[timem:s6], [sflag:s22] =	dma.local [hbm:s4], s20  }
0x9e: {  	_ =	swait.ge [sflag:s22], s20  }
0x9f: {  	s3 =	ssub.s32 $0x0, s20;
	[sflag:s22] =	ssyncset.done $0x0  }
0xa0: {  	[sflag:s22] =	ssyncadd.s32 s3;
	_ =	sdelay $0x1  }
0xa1: {  	s23 =	simm.s32 $0x1B8B  }
0xa2: {  	_ =	swait.ge [sflag:s23], $0x1  }
0xa3: {  	[sflag:s23] =	ssyncset.done $0x0  }
0xa4: {  	s25 =	simm.s32 $0x1B8E;
	s24 =	sld [smem:$0x3FFE];
	[sflag:s23] =	ssyncadd.s32 $0xFFFFFFFF  }
0xa5: {  	s26 =	simm.s32 $execute0_lowered;
	[smem:$0x3FD2] =	sst s25  }
0xa6: {  	s4 =	sshll.u32 s26, $0x1;
	_ =	strace $0x8000004C;
	[dreg:$0x1] =	wrdreg $0xFFFFFFFF  }
0xa7: {  	s28 =	simm.s32 $_size_execute0_lowered;
	s2 =	sadd.s32 s2, s4;
	[dreg:$0x0] =	wrdreg $0x0  }
0xa8: {  	s4 =	sshll.u32 s28, $0x1;
	[dreg:$0x2] =	wrdreg s2  }
0xa9: {  	[dreg:$0x3] =	wrdreg s4  }
0xaa: {  	[dreg:$0x4] =	wrdreg $0xC0  }
0xab: {  	_ =	task [dreg:s6], $0x5FFFF  }
0xac: {  	[dreg:$0x1] =	wrdreg $0xFFFFFFFF  }
0xad: {  	[dreg:$0x0] =	wrdreg $0x60  }
0xae: {  	[dreg:$0x2] =	wrdreg s24  }
0xaf: {  	[dreg:$0x3] =	wrdreg $0x6C000  }
0xb0: {  	[dreg:$0x4] =	wrdreg $0x9  }
0xb1: {  	_ =	task.clear_ibuf [dreg:s6], $0x5FFFF;
	_ =	strace $0x9000004C  }
0xb2: {  	s29 =	simm.s32 $0x9;
	_ =	strace $0x8000004E  }
0xb3: {  	_ =	swait.ge [sflag:s29], $0x1  }
0xb4: {  	[sflag:s29] =	ssyncadd.s32 $0xFFFFFFFF  }
0xb5: {  	_ =	strace $0x9000004E  }
0xb6: {  	_ =	sfence  }
0xb7: {  	s30 =	sld [smem:$0x0];
	_ =	sdelay $0x2  }
0xb8: {  	s31 =	sshll.u32 s1, $0xD;
	s1 =	sshrl.u32 s1, $0x2  }
0xb9: {  	s3 =	sand.u32 $0x4000, s31;
	s1 =	sadd.s32 s1, s30  }
0xba: {  	s0 =	sor.u32 s3, s0;
	s1 =	sshll.u32 s1, $0x11  }
0xbb: {  	s0 =	sor.u32 s1, s0  }
0xbc: {  	s0 =	sadd.s32 $0x8F2B, s0  }
0xbd: {  	[sflag:s0] =	ssyncadd.remote.s32 $0x1  }
0xbe: {  	_ =	sfence.sel $0xFFFF  }
0xbf: {  	[dreg:$0x0] =	wrdreg $0xFFFFFFFF;
	(pc) =	sbr.abs _section_cstart, $3  }
0xc0: {  	[dreg:$0x1] =	wrdreg $0xFFFFFFFF  }
0xc1: {  	_ =	task.clear_ibuf [dreg:s6], $0x2FFFF;
	_ =	strace $0x9FFFFFFF  }
0xc2: {  	(tm) =	ssettm $0x7FFFFFFF  }
0xc3: {  	_ =	shalt  }
tec
execute0_lowered:
.L_overlay_start_1:
0x0: {  	(tag) =	ssettag $0x1  }
0x1: {  	s0 =	rddreg [dreg:$0x0]  }
0x2: {  	s2 =	rddreg [dreg:$0x1]  }
0x3: {  	s1 =	srdreg.scid;
	s12 =	stileid.u32;
	s3 =	simm.s32 $0x0  }
0x4: {  	s28 =	simm.s32 $0xE00;
	s30 =	simm.s32 $0x1600;
	s5 =	smul.u32 $0x18800, s12  }
0x5: {  	s29 =	simm.s32 $0x580;
	s31 =	simm.s32 $0x4;
	s9 =	smul.u32 $0x62000, s12  }
0x6: {  	s1 =	sand.u32 $0x1, s1;
	[smem:$0x7FF] =	sst s3;
	s18 =	smul.u32 $0x312, s12  }
0x7: {  	s6 =	sadd.s32 $0x24EA00, s0;
	s7 =	sadd.s32 $0x3C00, s0;
	s4 =	smul.u32 $0x188000, s1  }
0x8: {  	_ =	strace $0x8000004D;
	s23 =	ssub.s32 $0x2, s1;
	s10 =	sshll.u32 s1, $0x4  }
0x9: {  	s1 =	smul.u32 $0x3120, s1;
	s11 =	sshrl.u32 s23, $0x1;
	s10 =	sor.u32 s12, s10  }
0xa: {  	s9 =	sshrl.u32 s9, $0x2;
	s17 =	sadd.s32 s5, s2;
	s12 =	simm.s32 $0x3C00  }
0xb: {  	s8 =	sadd.s32 s5, s4;
	s4 =	sadd.s32 $0xC8000, s0;
	s9 =	sadd.s32 s9, s2  }
0xc: {  	s24 =	smul.u32 $0x3120, s10;
	[dreg:$0x3] =	wrdreg s17;
	s25 =	sadd.s32 $0x3000, s9  }
0xd: {  	s26 =	smul.u32 $0x18900, s10;
	s13 =	sadd.s32 $0x6000, s9;
	[dreg:$0x4] =	wrdreg s25  }
0xe: {  	s1 =	sadd.s32 s18, s1;
	s14 =	sadd.s32 $0x9000, s9;
	[dreg:$0x5] =	wrdreg s13  }
0xf: {  	s10 =	simm.s32 $0x3900;
	s15 =	sadd.s32 $0xC000, s9;
	[dreg:$0x6] =	wrdreg s14  }
0x10: {  	s18 =	simm.s32 $0x5400;
	s16 =	sadd.s32 $0xF000, s9;
	[dreg:$0x7] =	wrdreg s15  }
0x11: {  	s8 =	sshrl.u32 s8, $0x3;
	s19 =	sadd.s32 $0x12000, s9;
	[dreg:$0x8] =	wrdreg s16  }
0x12: {  	s20 =	sadd.s32 $0x15000, s9;
	s9 =	sadd.s32 $0x18000, s9;
	[dreg:$0x9] =	wrdreg s19  }
0x13: {  	s1 =	sshll.u32 s1, $0x4;
	s0 =	sadd.s32 s8, s0;
	[dreg:$0xa] =	wrdreg s20  }
0x14: {  	s8 =	ssub.s32 s23, s11;
	[dreg:$0xb] =	wrdreg s9;
	s21 =	sadd.s32 s6, s24  }
0x15: {  	s5 =	sshrl.u32 s26, $0x3;
	s22 =	sadd.s32 s7, s24;
	s1 =	sadd.s32 $0xC0, s1  }
0x16: {  	s9 =	simm.s32 $0x3600;
	s11 =	simm.s32 $0x3;
	s14 =	simm.s32 $0x4400  }
0x17: {  	s16 =	simm.s32 $0x4C00;
	s20 =	simm.s32 $0x5C00;
	[dreg:$0xc] =	wrdreg s21  }
0x18: {  	s13 =	simm.s32 $0x2;
	[dreg:$0xd] =	wrdreg s22;
	s5 =	sadd.s32 $0x60, s5  }
0x19: {  	s0 =	sadd.s32 $0xF9000, s0;
	s24 =	smax.u32 s8, $0x1;
	s25 =	sadd.s32 s1, s6  }
0x1a: {  	s26 =	sadd.s32 s1, s7;
	s22 =	simm.s32 $0x600;
	[dreg:$0x10] =	wrdreg s0  }
0x1b: {  	s8 =	simm.s32 $0x2E00;
	s21 =	simm.s32 $0x500;
	[dreg:$0x11] =	wrdreg s24  }
.Ltmp0:
0x1c: {  	s1 =	simm.s32 $0x0;
	[dreg:$0x12] =	wrdreg s25;
	(pc) =	sbr.rel .LBB2_1-.Ltmp0, $4  }
0x1d: {  	s23 =	sadd.s32 s6, s5;
	s5 =	sadd.s32 s7, s5;
	[dreg:$0x13] =	wrdreg s26  }
0x1e: {  	s24 =	simm.s32 $0x300;
	s25 =	simm.s32 $0x1;
	s26 =	simm.s32 $0x80  }
0x1f: {  	s0 =	simm.s32 $0x1E00;
	s6 =	simm.s32 $0x2600;
	[dreg:$0xe] =	wrdreg s23  }
0x20: {  	v0 =	vimm.f32 $0.0e+00;
	[dreg:$0xf] =	wrdreg s5;
	s23 =	simm.s32 $0x5;
	s5 =	simm.s32 $0x6400  }
.LBB2_9:
0x21: {  	_ =	swait.ge [sflag:s13], $0x800  }
0x22: {  	[sflag:s13] =	ssyncset.done $0x0  }
0x23: {  	[sflag:s13] =	ssyncadd.s32 $0xFFFFF800  }
0x24: {  	_ =	swait.ge [sflag:s13], $0x800  }
0x25: {  	[sflag:s13] =	ssyncset.done $0x0  }
0x26: {  	[sflag:s13] =	ssyncadd.s32 $0xFFFFF800  }
0x27: {  	_ =	swait.ge [sflag:s13], $0x800  }
0x28: {  	[sflag:s13] =	ssyncset.done $0x0  }
0x29: {  	[sflag:s13] =	ssyncadd.s32 $0xFFFFF800  }
0x2a: {  	_ =	swait.ge [sflag:s13], $0x800  }
0x2b: {  	[sflag:s13] =	ssyncset.done $0x0  }
0x2c: {  	[sflag:s13] =	ssyncadd.s32 $0xFFFFF800  }
0x2d: {  	_ =	swait.ge [sflag:s13], $0x800  }
0x2e: {  	[sflag:s13] =	ssyncset.done $0x0  }
0x2f: {  	[sflag:s13] =	ssyncadd.s32 $0xFFFFF800  }
0x30: {  	_ =	swait.ge [sflag:s13], $0x800  }
0x31: {  	[sflag:s13] =	ssyncset.done $0x0  }
0x32: {  	[sflag:s13] =	ssyncadd.s32 $0xFFFFF800  }
0x33: {  	[spmem:s2] =	stream.indirect.scatter.add.f32 [tilespmem:s22], [sflag:$0x5], $0x10, s24, s26, $0xb8;
	[tilespmem:$0x1F400] =	vst v63  }
0x34: {  	_ =	swait.ge [sflag:s23], $0x800  }
0x35: {  	[sflag:s23] =	ssyncset.done $0x0  }
0x36: {  	s7 =	simm.s32 $0x380;
	[sflag:s23] =	ssyncadd.s32 $0xFFFFF800  }
0x37: {  	[spmem:s2] =	stream.indirect.scatter.add.f32 [tilespmem:s28], [sflag:$0x5], $0x10, s7, s26, $0xb8;
	[tilespmem:$0x1F400] =	vst v63  }
0x38: {  	_ =	swait.ge [sflag:s23], $0x800  }
0x39: {  	[sflag:s23] =	ssyncset.done $0x0  }
0x3a: {  	s19 =	simm.s32 $0x400;
	[sflag:s23] =	ssyncadd.s32 $0xFFFFF800  }
0x3b: {  	[spmem:s2] =	stream.indirect.scatter.add.f32 [tilespmem:s30], [sflag:$0x5], $0x10, s19, s26, $0xb8;
	[tilespmem:$0x1F400] =	vst v63  }
0x3c: {  	_ =	swait.ge [sflag:s23], $0x800  }
0x3d: {  	[sflag:s23] =	ssyncset.done $0x0  }
0x3e: {  	s15 =	simm.s32 $0x480;
	[sflag:s23] =	ssyncadd.s32 $0xFFFFF800  }
0x3f: {  	[spmem:s2] =	stream.indirect.scatter.add.f32 [tilespmem:s0], [sflag:$0x5], $0x10, s15, s26, $0xb8;
	[tilespmem:$0x1F400] =	vst v63  }
0x40: {  	_ =	swait.ge [sflag:s23], $0x800  }
0x41: {  	[sflag:s23] =	ssyncset.done $0x0  }
0x42: {  	[sflag:s23] =	ssyncadd.s32 $0xFFFFF800  }
0x43: {  	[spmem:s2] =	stream.indirect.scatter.add.f32 [tilespmem:s6], [sflag:$0x5], $0x10, s21, s26, $0xb8;
	[tilespmem:$0x1F400] =	vst v63  }
0x44: {  	_ =	swait.ge [sflag:s23], $0x800  }
0x45: {  	[sflag:s23] =	ssyncset.done $0x0  }
0x46: {  	[sflag:s23] =	ssyncadd.s32 $0xFFFFF800  }
0x47: {  	[spmem:s2] =	stream.indirect.scatter.add.f32 [tilespmem:s8], [sflag:$0x5], $0x10, s29, s26, $0xb8;
	[tilespmem:$0x1F400] =	vst v63  }
0x48: {  	_ =	swait.ge [sflag:s23], $0x800  }
0x49: {  	[sflag:s23] =	ssyncset.done $0x0  }
0x4a: {  	[sflag:s23] =	ssyncadd.s32 $0xFFFFF800  }
0x4b: {  	s17 =	stileid.u32;
	[bflag:$0x0] =	sbarrier.arrive $0xFFFF  }
0x4c: {  	s7 =	sshll.u32 s17, $0x6;
	s17 =	rddreg [dreg:$0x3]  }
0x4d: {  	s7 =	sor.u32 $0x1C05, s7;
	s19 =	rddreg [dreg:$0x10];
	s15 =	sshrl.u32 s17, $0x3  }
0x4e: {  	[hbm:s19], [sflag:s7] =	dma.local [spmem:s15], $0x3100  }
0x4f: {  	_ =	swait.ge [sflag:s23], $0x3100  }
0x50: {  	s1 =	sadd.s32 $0x1, s1;
	s19 =	rddreg [dreg:$0x11]  }
0x51: {  	p0 =	sne.s32 s1, s19  }
.Ltmp1:
0x52: {  	_ = 	snop;
	(pc) =	sbr.rel @!p0 .LBB2_10-.Ltmp1, $3  }
0x53: {  	_ =	sdelay $0x1  }
0x54: {  	[sflag:s23] =	ssyncset.done $0x0  }
0x55: {  	[sflag:s23] =	ssyncadd.s32 $0xFFFFCF00  }
.LBB2_1:
0x56: {  	s7 =	simm.s32 $0x40;
	s15 =	simm.s32 $0x0  }
.LBB2_2:
0x57: {  	p0 =	sne.s32 s7, $0xBFC0;
	[tilespmem:s15+$0x600] =	vst v0;
	s15 =	smov.u32 s7;
	s7 =	sadd.s32 $0x40, s7  }
.Ltmp2:
0x58: {  	(pc) =	sbr.rel @p0 .LBB2_2-.Ltmp2, $2  }
0x59: {  	_ =	sdelay $0x2  }
0x5a: {  	s15 =	sshra.s32 s15, $0x2  }
0x5b: {  	[tilespmem:s15+$0x600] =	vst v0  }
0x5c: {  	[spmem:s17] =	stream.linear.scatter [tilespmem:s22], [sflag:$0x5], $0x3000, $0x38;
	[tilespmem:$0x1F400] =	vst v63  }
0x5d: {  	_ =	swait.ge [sflag:s23], $0x3000  }
0x5e: {  	[sflag:s23] =	ssyncset.done $0x0  }
0x5f: {  	s7 =	rddreg [dreg:$0x4];
	[sflag:s23] =	ssyncadd.s32 $0xFFFFD000  }
0x60: {  	[spmem:s7] =	stream.linear.scatter [tilespmem:s22], [sflag:$0x5], $0x3000, $0x38;
	[tilespmem:$0x1F400] =	vst v63  }
0x61: {  	_ =	swait.ge [sflag:s23], $0x3000  }
0x62: {  	[sflag:s23] =	ssyncset.done $0x0  }
0x63: {  	s15 =	rddreg [dreg:$0x5];
	[sflag:s23] =	ssyncadd.s32 $0xFFFFD000  }
0x64: {  	[spmem:s15] =	stream.linear.scatter [tilespmem:s22], [sflag:$0x5], $0x3000, $0x38;
	[tilespmem:$0x1F400] =	vst v63  }
0x65: {  	_ =	swait.ge [sflag:s23], $0x3000  }
0x66: {  	[sflag:s23] =	ssyncset.done $0x0  }
0x67: {  	s17 =	rddreg [dreg:$0x6];
	[sflag:s23] =	ssyncadd.s32 $0xFFFFD000  }
0x68: {  	[spmem:s17] =	stream.linear.scatter [tilespmem:s22], [sflag:$0x5], $0x3000, $0x38;
	[tilespmem:$0x1F400] =	vst v63  }
0x69: {  	_ =	swait.ge [sflag:s23], $0x3000  }
0x6a: {  	[sflag:s23] =	ssyncset.done $0x0  }
0x6b: {  	s19 =	rddreg [dreg:$0x7];
	[sflag:s23] =	ssyncadd.s32 $0xFFFFD000  }
0x6c: {  	[spmem:s19] =	stream.linear.scatter [tilespmem:s22], [sflag:$0x5], $0x3000, $0x38;
	[tilespmem:$0x1F400] =	vst v63  }
0x6d: {  	_ =	swait.ge [sflag:s23], $0x3000  }
0x6e: {  	[sflag:s23] =	ssyncset.done $0x0  }
0x6f: {  	s15 =	rddreg [dreg:$0x8];
	[sflag:s23] =	ssyncadd.s32 $0xFFFFD000  }
0x70: {  	[spmem:s15] =	stream.linear.scatter [tilespmem:s22], [sflag:$0x5], $0x3000, $0x38;
	[tilespmem:$0x1F400] =	vst v63  }
0x71: {  	_ =	swait.ge [sflag:s23], $0x3000  }
0x72: {  	[sflag:s23] =	ssyncset.done $0x0  }
0x73: {  	s17 =	rddreg [dreg:$0x9];
	[sflag:s23] =	ssyncadd.s32 $0xFFFFD000  }
0x74: {  	[spmem:s17] =	stream.linear.scatter [tilespmem:s22], [sflag:$0x5], $0x3000, $0x38;
	[tilespmem:$0x1F400] =	vst v63  }
0x75: {  	_ =	swait.ge [sflag:s23], $0x3000  }
0x76: {  	[sflag:s23] =	ssyncset.done $0x0  }
0x77: {  	s19 =	rddreg [dreg:$0xa];
	[sflag:s23] =	ssyncadd.s32 $0xFFFFD000  }
0x78: {  	[spmem:s19] =	stream.linear.scatter [tilespmem:s22], [sflag:$0x5], $0x3000, $0x38;
	[tilespmem:$0x1F400] =	vst v63  }
0x79: {  	_ =	swait.ge [sflag:s23], $0x3000  }
0x7a: {  	[sflag:s23] =	ssyncset.done $0x0  }
0x7b: {  	s15 =	rddreg [dreg:$0xb];
	[sflag:s23] =	ssyncadd.s32 $0xFFFFD000  }
0x7c: {  	[spmem:s15] =	stream.linear.scatter [tilespmem:s22], [sflag:$0x5], $0x800, $0x38;
	[tilespmem:$0x1F400] =	vst v63  }
0x7d: {  	_ =	swait.ge [sflag:s23], $0x800  }
0x7e: {  	[sflag:s23] =	ssyncset.done $0x0  }
0x7f: {  	[sflag:s23] =	ssyncadd.s32 $0xFFFFF800  }
0x80: {  	[bflag:$0x0] =	sbarrier.arrive $0xFFFF  }
0x81: {  	s17 =	rddreg [dreg:$0xc]  }
0x82: {  	[tilespmem:s3], [sflag:$0x1] =	stream.linear.gather [hbm4b:s17+s3], $0x300, $0x38;
	[tilespmem:$0x1F400] =	vst v63  }
0x83: {  	s19 =	rddreg [dreg:$0xd]  }
0x84: {  	[tilespmem:s24], [sflag:$0x1] =	stream.linear.gather [hbm4b:s19+s3], $0x300, $0x38;
	[tilespmem:$0x1F400] =	vst v63  }
0x85: {  	_ =	swait.ge [sflag:s25], $0x300  }
0x86: {  	[sflag:s25] =	ssyncset.done $0x0  }
0x87: {  	[sflag:s25] =	ssyncadd.s32 $0xFFFFFD00  }
0x88: {  	_ =	swait.ge [sflag:s25], $0x300  }
0x89: {  	[sflag:s25] =	ssyncset.done $0x0  }
0x8a: {  	[sflag:s25] =	ssyncadd.s32 $0xFFFFFD00  }
0x8b: {  	[tilespmem:s22], [sflag:$0x2] =	stream.indirect.gather [hbm4b:s4+s26], $0x10, s3, s26, $0xb8;
	[tilespmem:$0x1F400] =	vst v63  }
0x8c: {  	_ = 	snop  }
0x8d: {  	[tilespmem:s28], [sflag:$0x2] =	stream.indirect.gather [hbm4b:s4+s26], $0x10, s26, s26, $0xb8;
	[tilespmem:$0x1F400] =	vst v63  }
0x8e: {  	s15 =	simm.s32 $0x100  }
0x8f: {  	[tilespmem:s30], [sflag:$0x2] =	stream.indirect.gather [hbm4b:s4+s26], $0x10, s15, s26, $0xb8;
	[tilespmem:$0x1F400] =	vst v63  }
0x90: {  	s17 =	simm.s32 $0x180  }
0x91: {  	[tilespmem:s0], [sflag:$0x2] =	stream.indirect.gather [hbm4b:s4+s26], $0x10, s17, s26, $0xb8;
	[tilespmem:$0x1F400] =	vst v63  }
0x92: {  	s19 =	simm.s32 $0x200  }
0x93: {  	[tilespmem:s6], [sflag:$0x2] =	stream.indirect.gather [hbm4b:s4+s26], $0x10, s19, s26, $0xb8;
	[tilespmem:$0x1F400] =	vst v63  }
0x94: {  	s15 =	simm.s32 $0x280;
	s17 =	rddreg [dreg:$0xe]  }
0x95: {  	[tilespmem:s8], [sflag:$0x2] =	stream.indirect.gather [hbm4b:s4+s26], $0x10, s15, s26, $0xb8;
	[tilespmem:$0x1F400] =	vst v63  }
.Ltmp3:
0x96: {  	s19 =	rddreg [dreg:$0xf];
	(pc) =	sbr.rel .LBB2_4-.Ltmp3, $4  }
0x97: {  	s15 =	rddreg [dreg:$0x13]  }
0x98: {  	[tilespmem:s9], [sflag:$0x3] =	stream.linear.gather [hbm4b:s17+s3], $0x300, $0x38;
	[tilespmem:$0x1F400] =	vst v63  }
0x99: {  	s7 =	simm.s32 $0xFFFFFF7E;
	s17 =	rddreg [dreg:$0x12]  }
0x9a: {  	[tilespmem:s10], [sflag:$0x3] =	stream.linear.gather [hbm4b:s19+s3], $0x300, $0x38;
	[tilespmem:$0x1F400] =	vst v63  }
.LBB2_5:
0x9b: {  	_ =	swait.ge [sflag:s11], $0x300  }
0x9c: {  	[sflag:s11] =	ssyncset.done $0x0  }
0x9d: {  	[sflag:s11] =	ssyncadd.s32 $0xFFFFFD00  }
0x9e: {  	_ =	swait.ge [sflag:s11], $0x300  }
0x9f: {  	[sflag:s11] =	ssyncset.done $0x0  }
0xa0: {  	[sflag:s11] =	ssyncadd.s32 $0xFFFFFD00  }
0xa1: {  	[tilespmem:s12], [sflag:$0x4] =	stream.indirect.gather [hbm4b:s4+s26], $0x10, s9, s26, $0xb8;
	[tilespmem:$0x1F400] =	vst v63  }
0xa2: {  	s19 =	simm.s32 $0x3680  }
0xa3: {  	[tilespmem:s14], [sflag:$0x4] =	stream.indirect.gather [hbm4b:s4+s26], $0x10, s19, s26, $0xb8;
	[tilespmem:$0x1F400] =	vst v63  }
0xa4: {  	s19 =	simm.s32 $0x3700  }
0xa5: {  	[tilespmem:s16], [sflag:$0x4] =	stream.indirect.gather [hbm4b:s4+s26], $0x10, s19, s26, $0xb8;
	[tilespmem:$0x1F400] =	vst v63  }
0xa6: {  	s19 =	simm.s32 $0x3780  }
0xa7: {  	[tilespmem:s18], [sflag:$0x4] =	stream.indirect.gather [hbm4b:s4+s26], $0x10, s19, s26, $0xb8;
	[tilespmem:$0x1F400] =	vst v63  }
0xa8: {  	s19 =	simm.s32 $0x3800  }
0xa9: {  	[tilespmem:s20], [sflag:$0x4] =	stream.indirect.gather [hbm4b:s4+s26], $0x10, s19, s26, $0xb8;
	[tilespmem:$0x1F400] =	vst v63  }
0xaa: {  	s19 =	simm.s32 $0x3880  }
0xab: {  	[tilespmem:s5], [sflag:$0x4] =	stream.indirect.gather [hbm4b:s4+s26], $0x10, s19, s26, $0xb8;
	[tilespmem:$0x1F400] =	vst v63  }
0xac: {  	_ =	swait.ge [sflag:s13], $0x800  }
0xad: {  	[sflag:s13] =	ssyncset.done $0x0  }
0xae: {  	[sflag:s13] =	ssyncadd.s32 $0xFFFFF800  }
0xaf: {  	_ =	swait.ge [sflag:s13], $0x800  }
0xb0: {  	[sflag:s13] =	ssyncset.done $0x0  }
0xb1: {  	[sflag:s13] =	ssyncadd.s32 $0xFFFFF800  }
0xb2: {  	_ =	swait.ge [sflag:s13], $0x800  }
0xb3: {  	[sflag:s13] =	ssyncset.done $0x0  }
0xb4: {  	[sflag:s13] =	ssyncadd.s32 $0xFFFFF800  }
0xb5: {  	_ =	swait.ge [sflag:s13], $0x800  }
0xb6: {  	[sflag:s13] =	ssyncset.done $0x0  }
0xb7: {  	[sflag:s13] =	ssyncadd.s32 $0xFFFFF800  }
0xb8: {  	_ =	swait.ge [sflag:s13], $0x800  }
0xb9: {  	[sflag:s13] =	ssyncset.done $0x0  }
0xba: {  	[sflag:s13] =	ssyncadd.s32 $0xFFFFF800  }
0xbb: {  	_ =	swait.ge [sflag:s13], $0x800  }
0xbc: {  	[sflag:s13] =	ssyncset.done $0x0  }
0xbd: {  	[sflag:s13] =	ssyncadd.s32 $0xFFFFF800  }
0xbe: {  	[spmem:s2] =	stream.indirect.scatter.add.f32 [tilespmem:s22], [sflag:$0x5], $0x10, s24, s26, $0xb8;
	[tilespmem:$0x1F400] =	vst v63  }
0xbf: {  	_ =	swait.ge [sflag:s23], $0x800  }
0xc0: {  	[sflag:s23] =	ssyncset.done $0x0  }
0xc1: {  	s19 =	simm.s32 $0x380;
	[sflag:s23] =	ssyncadd.s32 $0xFFFFF800  }
0xc2: {  	[spmem:s2] =	stream.indirect.scatter.add.f32 [tilespmem:s28], [sflag:$0x5], $0x10, s19, s26, $0xb8;
	[tilespmem:$0x1F400] =	vst v63  }
0xc3: {  	_ =	swait.ge [sflag:s23], $0x800  }
0xc4: {  	[sflag:s23] =	ssyncset.done $0x0  }
0xc5: {  	s19 =	simm.s32 $0x400;
	[sflag:s23] =	ssyncadd.s32 $0xFFFFF800  }
0xc6: {  	[spmem:s2] =	stream.indirect.scatter.add.f32 [tilespmem:s30], [sflag:$0x5], $0x10, s19, s26, $0xb8;
	[tilespmem:$0x1F400] =	vst v63  }
0xc7: {  	_ =	swait.ge [sflag:s23], $0x800  }
0xc8: {  	[sflag:s23] =	ssyncset.done $0x0  }
0xc9: {  	s19 =	simm.s32 $0x480;
	[sflag:s23] =	ssyncadd.s32 $0xFFFFF800  }
0xca: {  	[spmem:s2] =	stream.indirect.scatter.add.f32 [tilespmem:s0], [sflag:$0x5], $0x10, s19, s26, $0xb8;
	[tilespmem:$0x1F400] =	vst v63  }
0xcb: {  	_ =	swait.ge [sflag:s23], $0x800  }
0xcc: {  	[sflag:s23] =	ssyncset.done $0x0  }
0xcd: {  	[sflag:s23] =	ssyncadd.s32 $0xFFFFF800  }
0xce: {  	[spmem:s2] =	stream.indirect.scatter.add.f32 [tilespmem:s6], [sflag:$0x5], $0x10, s21, s26, $0xb8;
	[tilespmem:$0x1F400] =	vst v63  }
0xcf: {  	_ =	swait.ge [sflag:s23], $0x800  }
0xd0: {  	[sflag:s23] =	ssyncset.done $0x0  }
0xd1: {  	[sflag:s23] =	ssyncadd.s32 $0xFFFFF800  }
0xd2: {  	[spmem:s2] =	stream.indirect.scatter.add.f32 [tilespmem:s8], [sflag:$0x5], $0x10, s29, s26, $0xb8;
	[tilespmem:$0x1F400] =	vst v63  }
0xd3: {  	_ =	swait.ge [sflag:s23], $0x800  }
0xd4: {  	[sflag:s23] =	ssyncset.done $0x0  }
0xd5: {  	[sflag:s23] =	ssyncadd.s32 $0xFFFFF800  }
0xd6: {  	[tilespmem:s3], [sflag:$0x1] =	stream.linear.gather [hbm4b:s17+s3], $0x300, $0x38;
	[tilespmem:$0x1F400] =	vst v63  }
0xd7: {  	_ = 	snop  }
0xd8: {  	[tilespmem:s24], [sflag:$0x1] =	stream.linear.gather [hbm4b:s15+s3], $0x300, $0x38;
	[tilespmem:$0x1F400] =	vst v63  }
.LBB2_8:
0xd9: {  	s7 =	sadd.s32 $0x1, s7  }
0xda: {  	p0 =	seq.s32 s7, $0x0  }
.Ltmp4:
0xdb: {  	_ = 	snop;
	(pc) =	sbr.rel @p0 .LBB2_9-.Ltmp4, $2  }
0xdc: {  	_ =	sdelay $0x2  }
0xdd: {  	s17 =	sadd.s32 $0x60, s17;
	s15 =	sadd.s32 $0x60, s15  }
.LBB2_4:
0xde: {  	s19 =	sand.u32 $0x1, s7  }
0xdf: {  	p0 =	seq.s32 s19, $0x1  }
.Ltmp5:
0xe0: {  	_ = 	snop;
	(pc) =	sbr.rel @!p0 .LBB2_5-.Ltmp5, $1  }
0xe1: {  	_ =	sdelay $0x3  }
0xe2: {  	_ =	swait.ge [sflag:s25], $0x300  }
0xe3: {  	[sflag:s25] =	ssyncset.done $0x0  }
0xe4: {  	[sflag:s25] =	ssyncadd.s32 $0xFFFFFD00  }
0xe5: {  	_ =	swait.ge [sflag:s25], $0x300  }
0xe6: {  	[sflag:s25] =	ssyncset.done $0x0  }
0xe7: {  	[sflag:s25] =	ssyncadd.s32 $0xFFFFFD00  }
0xe8: {  	[tilespmem:s22], [sflag:$0x2] =	stream.indirect.gather [hbm4b:s4+s26], $0x10, s3, s26, $0xb8;
	[tilespmem:$0x1F400] =	vst v63  }
0xe9: {  	_ = 	snop  }
0xea: {  	[tilespmem:s28], [sflag:$0x2] =	stream.indirect.gather [hbm4b:s4+s26], $0x10, s26, s26, $0xb8;
	[tilespmem:$0x1F400] =	vst v63  }
0xeb: {  	s19 =	simm.s32 $0x100  }
0xec: {  	[tilespmem:s30], [sflag:$0x2] =	stream.indirect.gather [hbm4b:s4+s26], $0x10, s19, s26, $0xb8;
	[tilespmem:$0x1F400] =	vst v63  }
0xed: {  	s19 =	simm.s32 $0x180  }
0xee: {  	[tilespmem:s0], [sflag:$0x2] =	stream.indirect.gather [hbm4b:s4+s26], $0x10, s19, s26, $0xb8;
	[tilespmem:$0x1F400] =	vst v63  }
0xef: {  	s19 =	simm.s32 $0x200  }
0xf0: {  	[tilespmem:s6], [sflag:$0x2] =	stream.indirect.gather [hbm4b:s4+s26], $0x10, s19, s26, $0xb8;
	[tilespmem:$0x1F400] =	vst v63  }
0xf1: {  	s19 =	simm.s32 $0x280  }
0xf2: {  	[tilespmem:s8], [sflag:$0x2] =	stream.indirect.gather [hbm4b:s4+s26], $0x10, s19, s26, $0xb8;
	[tilespmem:$0x1F400] =	vst v63  }
0xf3: {  	_ =	swait.ge [sflag:s31], $0x800  }
0xf4: {  	[sflag:s31] =	ssyncset.done $0x0  }
0xf5: {  	[sflag:s31] =	ssyncadd.s32 $0xFFFFF800  }
0xf6: {  	_ =	swait.ge [sflag:s31], $0x800  }
0xf7: {  	[sflag:s31] =	ssyncset.done $0x0  }
0xf8: {  	[sflag:s31] =	ssyncadd.s32 $0xFFFFF800  }
0xf9: {  	_ =	swait.ge [sflag:s31], $0x800  }
0xfa: {  	[sflag:s31] =	ssyncset.done $0x0  }
0xfb: {  	[sflag:s31] =	ssyncadd.s32 $0xFFFFF800  }
0xfc: {  	_ =	swait.ge [sflag:s31], $0x800  }
0xfd: {  	[sflag:s31] =	ssyncset.done $0x0  }
0xfe: {  	[sflag:s31] =	ssyncadd.s32 $0xFFFFF800  }
0xff: {  	_ =	swait.ge [sflag:s31], $0x800  }
0x100: {  	[sflag:s31] =	ssyncset.done $0x0  }
0x101: {  	[sflag:s31] =	ssyncadd.s32 $0xFFFFF800  }
0x102: {  	_ =	swait.ge [sflag:s31], $0x800  }
0x103: {  	[sflag:s31] =	ssyncset.done $0x0  }
0x104: {  	[sflag:s31] =	ssyncadd.s32 $0xFFFFF800  }
0x105: {  	[spmem:s2] =	stream.indirect.scatter.add.f32 [tilespmem:s12], [sflag:$0x5], $0x10, s10, s26, $0xb8;
	[tilespmem:$0x1F400] =	vst v63  }
0x106: {  	_ =	swait.ge [sflag:s23], $0x800  }
0x107: {  	[sflag:s23] =	ssyncset.done $0x0  }
0x108: {  	s19 =	simm.s32 $0x3980;
	[sflag:s23] =	ssyncadd.s32 $0xFFFFF800  }
0x109: {  	[spmem:s2] =	stream.indirect.scatter.add.f32 [tilespmem:s14], [sflag:$0x5], $0x10, s19, s26, $0xb8;
	[tilespmem:$0x1F400] =	vst v63  }
0x10a: {  	_ =	swait.ge [sflag:s23], $0x800  }
0x10b: {  	[sflag:s23] =	ssyncset.done $0x0  }
0x10c: {  	s19 =	simm.s32 $0x3A00;
	[sflag:s23] =	ssyncadd.s32 $0xFFFFF800  }
0x10d: {  	[spmem:s2] =	stream.indirect.scatter.add.f32 [tilespmem:s16], [sflag:$0x5], $0x10, s19, s26, $0xb8;
	[tilespmem:$0x1F400] =	vst v63  }
0x10e: {  	_ =	swait.ge [sflag:s23], $0x800  }
0x10f: {  	[sflag:s23] =	ssyncset.done $0x0  }
0x110: {  	s19 =	simm.s32 $0x3A80;
	[sflag:s23] =	ssyncadd.s32 $0xFFFFF800  }
0x111: {  	[spmem:s2] =	stream.indirect.scatter.add.f32 [tilespmem:s18], [sflag:$0x5], $0x10, s19, s26, $0xb8;
	[tilespmem:$0x1F400] =	vst v63  }
0x112: {  	_ =	swait.ge [sflag:s23], $0x800  }
0x113: {  	[sflag:s23] =	ssyncset.done $0x0  }
0x114: {  	s19 =	simm.s32 $0x3B00;
	[sflag:s23] =	ssyncadd.s32 $0xFFFFF800  }
0x115: {  	[spmem:s2] =	stream.indirect.scatter.add.f32 [tilespmem:s20], [sflag:$0x5], $0x10, s19, s26, $0xb8;
	[tilespmem:$0x1F400] =	vst v63  }
0x116: {  	_ =	swait.ge [sflag:s23], $0x800  }
0x117: {  	p0 =	seq.s32 s7, $0xFFFFFFFF;
	[sflag:s23] =	ssyncset.done $0x0  }
.Ltmp6:
0x118: {  	s19 =	simm.s32 $0x3B80;
	[sflag:s23] =	ssyncadd.s32 $0xFFFFF800;
	(pc) =	sbr.rel @p0 .LBB2_9-.Ltmp6, $4  }
0x119: {  	[spmem:s2] =	stream.indirect.scatter.add.f32 [tilespmem:s5], [sflag:$0x5], $0x10, s19, s26, $0xb8;
	[tilespmem:$0x1F400] =	vst v63  }
0x11a: {  	_ =	swait.ge [sflag:s23], $0x800  }
0x11b: {  	[sflag:s23] =	ssyncset.done $0x0  }
0x11c: {  	[sflag:s23] =	ssyncadd.s32 $0xFFFFF800  }
.Ltmp7:
0x11d: {  	(pc) =	sbr.rel .LBB2_8-.Ltmp7, $4  }
0x11e: {  	_ = 	snop  }
0x11f: {  	[tilespmem:s9], [sflag:$0x3] =	stream.linear.gather [hbm4b:s17+s3], $0x300, $0x38;
	[tilespmem:$0x1F400] =	vst v63  }
0x120: {  	_ = 	snop  }
0x121: {  	[tilespmem:s10], [sflag:$0x3] =	stream.linear.gather [hbm4b:s15+s3], $0x300, $0x38;
	[tilespmem:$0x1F400] =	vst v63  }
.LBB2_10:
0x122: {  	_ =	sfence.sel $0x180000  }
0x123: {  	[bflag:$0x0] =	sbarrier.arrive $0xFFFF  }
0x124: {  	_ =	strace $0x9000004D  }
0x125: {  	s0 =	stileid.u32;
	[bflag:$0x2] =	sbarrier.arrive $0xFFFF  }
0x126: {  	p0 =	sne.s32 s0, $0x0;
	s0 =	rddreg [dreg:$0x2]  }
0x127: {  	s0 =	sadd.s32 @!p0 $0x100000, s0  }
0x128: {  	[sflag:s0] =	ssyncadd.tile.s32 @!p0 $0x1;
	_ =	shalt  }
.Lfunc_end2:
_tile_overlayer_lowered:
.L_overlay_start_2:
0x129: {  	(tag) =	ssettag $0x2  }
0x12a: {  	s0 =	rddreg [dreg:$0x0];
	s2 =	stileid.u32  }
0x12b: {  	s1 =	rddreg [dreg:$0x1];
	p0 =	sne.s32 s2, $0x0  }
0x12c: {  	s3 =	rddreg [dreg:$0x2];
	[bflag:$0x3] =	sbarrier.arrive $0xFFFF;
	s2 =	simm.s32 @!p0 $0x1C05  }
0x12d: {  	[timem:s3], [sflag:s2] =	dma.local @!p0 [hbm:s0], s1  }
0x12e: {  	s0 =	simm.s32 @!p0 $0x5  }
0x12f: {  	_ =	swait.ge @!p0 [sflag:s0], s1  }
0x130: {  	s1 =	ssub.s32 @!p0 $0x0, s1;
	[sflag:s0] =	ssyncset.done @!p0 $0x0  }
0x131: {  	[sflag:s0] =	ssyncadd.s32 @!p0 s1  }
0x132: {  	[bflag:$0x3] =	sbarrier.arrive $0xFFFF  }
0x133: {  	_ =	shalt  }

// kernel: kernel.8.cloned.1.call-start
scs
__scs_entry_jumppad:
0x0: {  	(pc) =	sbr.rel $0x88, $3  }
0x1: {  	(tag) =	ssettag $0x0;
	lr =	simm.s32 $0x1  }
0x2: {  	[smem:$0x3F90] =	sst lr;
	_ =	strace $0xD0000000  }
0x3: {  	_ = 	snop  }
0x4: {  	_ = 	snop  }
0x5: {  	_ = 	snop  }
0x6: {  	_ = 	snop  }
0x7: {  	_ = 	snop  }
__scs_overlays_trampoline_lowered:
0x8: {  	[smem:$0x3F9F] =	sst s0  }
0x9: {  	[smem:$0x3FA0] =	sst s1  }
0xa: {  	[smem:$0x3FA1] =	sst s2  }
0xb: {  	[smem:$0x3FA2] =	sst s3  }
0xc: {  	[smem:$0x3FA3] =	sst s4  }
0xd: {  	[smem:$0x3FA4] =	sst s5  }
0xe: {  	[smem:$0x3FA5] =	sst s6  }
0xf: {  	[smem:$0x3FA6] =	sst s7  }
0x10: {  	[smem:$0x3FA7] =	sst s8  }
0x11: {  	[smem:$0x3FA8] =	sst s9;
	s0 =	simm.s32 @!p0 $0x0  }
0x12: {  	s1 =	sld [smem:$0x3F8E];
	s0 =	simm.s32 @p0 $0x1  }
0x13: {  	[smem:$0x3FA9] =	sst s0;
	s0 =	simm.s32 @!p1 $0x0  }
0x14: {  	s2 =	sld [smem:$0x3F8D];
	s0 =	simm.s32 @p1 $0x1  }
0x15: {  	[smem:$0x3FAA] =	sst s0;
	s0 =	simm.s32 @!p2 $0x0  }
0x16: {  	s3 =	sld [smem:$0x3FDB];
	s0 =	simm.s32 @p2 $0x1  }
0x17: {  	s4 =	simm.s32 $0x1BF5;
	[smem:$0x3FAC] =	sst s0  }
0x18: {  	s0 =	sld [smem:$0x3F8F];
	_ =	swait.ge [sflag:s4], $0x0  }
0x19: {  	s7 =	sld [smem:$0x3F90]  }
0x1a: {  	s8 =	sadd.s32 $0xFFFFE003, lr  }
0x1b: {  	s9 =	sadd.s32 $0xFFFFFEF7, lr;
	s5 =	simm.s32 $0xFFFFFFFF;
	p2 =	slt.u32 s8, $0xFFFFF086  }
0x1c: {  	p1 =	slt.u32 s9, $0xF7A;
	s5 =	simm.s32 @!p2 $0x0  }
0x1d: {  	s5 =	simm.s32 @p1 $0x1;
	p0 =	seq.s32 s7, s2  }
0x1e: {  	s7 =	smul.u32 @!p0 $0xF7A, s2;
	p2 =	seq.s32 @!p0 s5, $0x0  }
0x1f: {  	s9 =	smul.u32 $0xF7A, s1;
	s8 =	simm.s32 @!p0 $0x1BF5;
	p2 =	por !p2, p0  }
0x20: {  	[sflag:s8] =	ssyncset.s32 @!p0 $0xFFFFF086;
	s6 =	sadd.s32 @!p0 s3, s7;
	s7 =	simm.s32 @!p0 $0x108  }
0x21: {  	s3 =	sadd.s32 s3, s9;
	s6 =	sadd.s32 @!p0 $0x88, s6;
	s7 =	simm.s32 @p2 $0x1082  }
0x22: {  	[simem:s7], [sflag:s8] =	dma.local @!p0 [hbm:s6], $0xF7A  }
0x23: {  	s9 =	sor.u32 $0xD0000000, s2;
	s6 =	simm.s32 $0x108;
	_ =	swait.ge @!p0 [sflag:s8], $0x0  }
0x24: {  	s3 =	sadd.s32 $0x88, s3;
	s6 =	simm.s32 @!p1 $0x1082;
	[sflag:s4] =	ssyncset.s32 $0xFFFFF086  }
0x25: {  	[simem:s6], [sflag:s4] =	dma.local [hbm:s3], $0xF7A  }
0x26: {  	[smem:$0x3F90] =	sst s1;
	(tag) =	ssettag s2;
	_ =	strace s9  }
0x27: {  	s1 =	sld [smem:$0x3FA0]  }
0x28: {  	s2 =	sld [smem:$0x3FA1]  }
0x29: {  	s4 =	sld [smem:$0x3FA3]  }
0x2a: {  	p0 =	seq.s32 s5, $0x0;
	s5 =	sld [smem:$0x3FA4]  }
0x2b: {  	s6 =	sld [smem:$0x3FA5]  }
0x2c: {  	s7 =	sld [smem:$0x3FA6]  }
0x2d: {  	s3 =	simm.s32 $0x108;
	s8 =	sld [smem:$0x3FA7]  }
0x2e: {  	s3 =	simm.s32 @!p0 $0x1082;
	s9 =	sld [smem:$0x3FA8]  }
0x2f: {  	lr =	sadd.s32 s0, s3;
	s0 =	sld [smem:$0x3F9F]  }
0x30: {  	s3 =	sld [smem:$0x3FA2]  }
0x31: {  	[smem:$0x3FAB] =	sst s10  }
0x32: {  	s10 =	sld [smem:$0x3FA9];
	_ =	sdelay $0x3  }
0x33: {  	p0 =	seq.s32 s10, $0x1;
	s10 =	sld [smem:$0x3FAB];
	_ =	sdelay $0x3  }
0x34: {  	[smem:$0x3FAB] =	sst s10  }
0x35: {  	s10 =	sld [smem:$0x3FAA];
	_ =	sdelay $0x3  }
0x36: {  	p1 =	seq.s32 s10, $0x1;
	s10 =	sld [smem:$0x3FAB];
	_ =	sdelay $0x3  }
0x37: {  	[smem:$0x3FAB] =	sst s10  }
0x38: {  	s10 =	sld [smem:$0x3FAC]  }
0x39: {  	_ = 	snop;
	(pc) =	sbr.ind lr, $3  }
0x3a: {  	_ = 	snop  }
0x3b: {  	_ = 	snop  }
0x3c: {  	p2 =	seq.s32 s10, $0x1;
	s10 =	sld [smem:$0x3FAB]  }
0x3d: {  	_ =	shalt  }
0x3e: {  	_ =	shalt  }
0x3f: {  	_ =	shalt  }
0x40: {  	_ =	shalt  }
0x41: {  	_ =	shalt  }
0x42: {  	_ =	shalt  }
0x43: {  	_ =	shalt  }
0x44: {  	_ =	shalt  }
0x45: {  	_ =	shalt  }
0x46: {  	_ =	shalt  }
0x47: {  	_ =	shalt  }
0x48: {  	_ =	shalt  }
0x49: {  	_ =	shalt  }
0x4a: {  	_ =	shalt  }
0x4b: {  	_ =	shalt  }
0x4c: {  	_ =	shalt  }
0x4d: {  	_ =	shalt  }
0x4e: {  	_ =	shalt  }
0x4f: {  	_ =	shalt  }
0x50: {  	_ =	shalt  }
0x51: {  	_ =	shalt  }
0x52: {  	_ =	shalt  }
0x53: {  	_ =	shalt  }
0x54: {  	_ =	shalt  }
0x55: {  	_ =	shalt  }
0x56: {  	_ =	shalt  }
0x57: {  	_ =	shalt  }
0x58: {  	_ =	shalt  }
0x59: {  	_ =	shalt  }
0x5a: {  	_ =	shalt  }
0x5b: {  	_ =	shalt  }
0x5c: {  	_ =	shalt  }
0x5d: {  	_ =	shalt  }
0x5e: {  	_ =	shalt  }
0x5f: {  	_ =	shalt  }
0x60: {  	_ =	shalt  }
0x61: {  	_ =	shalt  }
0x62: {  	_ =	shalt  }
0x63: {  	_ =	shalt  }
0x64: {  	_ =	shalt  }
0x65: {  	_ =	shalt  }
0x66: {  	_ =	shalt  }
0x67: {  	_ =	shalt  }
0x68: {  	_ =	shalt  }
0x69: {  	_ =	shalt  }
0x6a: {  	_ =	shalt  }
0x6b: {  	_ =	shalt  }
0x6c: {  	_ =	shalt  }
0x6d: {  	_ =	shalt  }
0x6e: {  	_ =	shalt  }
0x6f: {  	_ =	shalt  }
0x70: {  	_ =	shalt  }
0x71: {  	_ =	shalt  }
0x72: {  	_ =	shalt  }
0x73: {  	_ =	shalt  }
0x74: {  	_ =	shalt  }
0x75: {  	_ =	shalt  }
0x76: {  	_ =	shalt  }
0x77: {  	_ =	shalt  }
0x78: {  	_ =	shalt  }
0x79: {  	_ =	shalt  }
0x7a: {  	_ =	shalt  }
0x7b: {  	_ =	shalt  }
0x7c: {  	_ =	shalt  }
0x7d: {  	_ =	shalt  }
0x7e: {  	_ =	shalt  }
0x7f: {  	_ =	shalt  }
0x80: {  	_ =	shalt  }
0x81: {  	_ =	shalt  }
0x82: {  	_ =	shalt  }
0x83: {  	_ =	shalt  }
0x84: {  	_ =	shalt  }
0x85: {  	_ =	shalt  }
0x86: {  	_ =	shalt  }
0x87: {  	_ =	shalt  }
.Lfunc_end0:
.L_simem_size_0:
called_computation_lowered:
.L_overlay_start_0:
0x88: {  	s2 =	sld [smem:$0x3FD9]  }
0x89: {  	s3 =	sld [smem:$0x3FFE];
	_ =	sdelay $0x1  }
0x8a: {  	s1 =	srdreg.scid  }
0x8b: {  	s0 =	sand.u32 $0x1, s1  }
0x8c: {  	s16 =	sshll.u32 s0, $0xA;
	s2 =	sadd.s32 s3, s2  }
0x8d: {  	s2 =	sadd.s32 s2, s16  }
0x8e: {  	[smem:$0x3FB7] =	sst s2  }
0x8f: {  	_ = 	snop  }
0x90: {  	(tm) =	ssettm $0x1  }
0x91: {  	s17 =	sld [smem:$0x3FFB];
	_ =	sdelay $0x3  }
0x92: {  	_ =	strace s17  }
0x93: {  	s2 =	sld [smem:$0x3FFC];
	_ =	sdelay $0x3  }
0x94: {  	_ =	strace s2  }
0x95: {  	s2 =	sld [smem:$0x3FFD];
	_ =	sdelay $0x3  }
0x96: {  	_ =	strace s2  }
0x97: {  	_ =	strace $0x8FFFFFFF  }
0x98: {  	s18 =	sld [smem:$0x3FDB];
	_ =	sdelay $0x1  }
0x99: {  	s19 =	simm.s32 $_scs_section_size  }
0x9a: {  	s4 =	simm.s32 $_size__tile_overlayer_lowered;
	s5 =	simm.s32 $_tile_overlayer_lowered  }
0x9b: {  	s22 =	simm.s32 $0x1BFF;
	s21 =	sshll.u32 s5, $0x1;
	s2 =	sadd.s32 s19, s18  }
0x9c: {  	s6 =	simm.s32 $0x0;
	s20 =	sshll.u32 s4, $0x1;
	s4 =	sadd.s32 s21, s2  }
0x9d: {  	[timem:s6], [sflag:s22] =	dma.local [hbm:s4], s20  }
0x9e: {  	_ =	swait.ge [sflag:s22], s20  }
0x9f: {  	s3 =	ssub.s32 $0x0, s20;
	[sflag:s22] =	ssyncset.done $0x0  }
0xa0: {  	[sflag:s22] =	ssyncadd.s32 s3;
	_ =	sdelay $0x1  }
0xa1: {  	s23 =	simm.s32 $0x1B8B  }
0xa2: {  	_ =	swait.ge [sflag:s23], $0x1  }
0xa3: {  	[sflag:s23] =	ssyncset.done $0x0  }
0xa4: {  	s25 =	simm.s32 $0x1B8E;
	s24 =	sld [smem:$0x3FFE];
	[sflag:s23] =	ssyncadd.s32 $0xFFFFFFFF  }
0xa5: {  	s26 =	simm.s32 $execute0_lowered;
	[smem:$0x3FD2] =	sst s25  }
0xa6: {  	s4 =	sshll.u32 s26, $0x1;
	_ =	strace $0x80000046;
	[dreg:$0x1] =	wrdreg $0xFFFFFFFF  }
0xa7: {  	s28 =	simm.s32 $_size_execute0_lowered;
	s2 =	sadd.s32 s2, s4;
	[dreg:$0x0] =	wrdreg $0x0  }
0xa8: {  	s4 =	sshll.u32 s28, $0x1;
	[dreg:$0x2] =	wrdreg s2  }
0xa9: {  	[dreg:$0x3] =	wrdreg s4  }
0xaa: {  	[dreg:$0x4] =	wrdreg $0xC0  }
0xab: {  	_ =	task [dreg:s6], $0x5FFFF  }
0xac: {  	[dreg:$0x1] =	wrdreg $0xFFFFFFFF  }
0xad: {  	[dreg:$0x0] =	wrdreg $0x60  }
0xae: {  	[dreg:$0x2] =	wrdreg s24  }
0xaf: {  	[dreg:$0x3] =	wrdreg $0xC000  }
0xb0: {  	[dreg:$0x4] =	wrdreg $0x9  }
0xb1: {  	_ =	task.clear_ibuf [dreg:s6], $0x5FFFF;
	_ =	strace $0x90000046  }
0xb2: {  	s29 =	simm.s32 $0x9;
	_ =	strace $0x80000048  }
0xb3: {  	_ =	swait.ge [sflag:s29], $0x1  }
0xb4: {  	[sflag:s29] =	ssyncadd.s32 $0xFFFFFFFF  }
0xb5: {  	_ =	strace $0x90000048  }
0xb6: {  	_ =	sfence  }
0xb7: {  	s30 =	sld [smem:$0x0];
	_ =	sdelay $0x2  }
0xb8: {  	s31 =	sshll.u32 s1, $0xD;
	s1 =	sshrl.u32 s1, $0x2  }
0xb9: {  	s3 =	sand.u32 $0x4000, s31;
	s1 =	sadd.s32 s1, s30  }
0xba: {  	s0 =	sor.u32 s3, s0;
	s1 =	sshll.u32 s1, $0x11  }
0xbb: {  	s0 =	sor.u32 s1, s0  }
0xbc: {  	s0 =	sadd.s32 $0x8F2B, s0  }
0xbd: {  	[sflag:s0] =	ssyncadd.remote.s32 $0x1  }
0xbe: {  	_ =	sfence.sel $0xFFFF  }
0xbf: {  	[dreg:$0x0] =	wrdreg $0xFFFFFFFF;
	(pc) =	sbr.abs _section_cstart, $3  }
0xc0: {  	[dreg:$0x1] =	wrdreg $0xFFFFFFFF  }
0xc1: {  	_ =	task.clear_ibuf [dreg:s6], $0x2FFFF;
	_ =	strace $0x9FFFFFFF  }
0xc2: {  	(tm) =	ssettm $0x7FFFFFFF  }
0xc3: {  	_ =	shalt  }
tec
execute0_lowered:
.L_overlay_start_1:
0x0: {  	(tag) =	ssettag $0x1  }
0x1: {  	s4 =	rddreg [dreg:$0x0]  }
0x2: {  	s1 =	rddreg [dreg:$0x1]  }
0x3: {  	s3 =	srdreg.scid;
	s0 =	rddreg [dreg:$0x2]  }
0x4: {  	s2 =	simm.s32 $0x0;
	s11 =	simm.s32 $0x1;
	s12 =	simm.s32 $0x80  }
0x5: {  	s13 =	simm.s32 $0x100;
	s14 =	simm.s32 $0x180;
	s15 =	simm.s32 $0x200  }
0x6: {  	s16 =	simm.s32 $0x280;
	s17 =	simm.s32 $0x380;
	s7 =	sand.u32 $0x1, s3  }
0x7: {  	s18 =	simm.s32 $0x400;
	s3 =	stileid.u32;
	s5 =	smul.u32 $0x31200, s7  }
0x8: {  	s19 =	simm.s32 $0x0;
	[smem:$0x7FF] =	sst s2;
	s6 =	smul.u32 $0x6200, s3  }
0x9: {  	_ =	strace $0x80000047;
	s31 =	ssub.s32 $0x2, s7;
	s10 =	smul.u32 $0x3120, s3  }
0xa: {  	s7 =	smul.u32 $0x188000, s7;
	s9 =	sshrl.u32 s31, $0x1;
	s8 =	sadd.s32 s5, s4  }
0xb: {  	s4 =	sadd.s32 $0x66000, s4;
	s9 =	ssub.s32 s31, s9;
	s6 =	sshrl.u32 s6, $0x2  }
0xc: {  	s5 =	smul.u32 $0x1880, s3;
	s6 =	sadd.s32 s6, s1;
	s10 =	sadd.s32 s10, s8  }
0xd: {  	v0 =	vimm.f32 $0.0e+00;
	v1 =	vimm.f32 $1.000000000e+00;
	s8 =	smax.u32 s9, $0x1;
	s9 =	sadd.s32 $0x3C00, s10;
	s10 =	simm.s32 $0x300  }
.LBB2_1:
0xe: {  	[tilespmem:$0x300] =	vst v0  }
0xf: {  	[tilespmem:$0x310] =	vst v0  }
0x10: {  	[tilespmem:$0x320] =	vst v0  }
0x11: {  	[tilespmem:$0x330] =	vst v0  }
0x12: {  	[tilespmem:$0x340] =	vst v0  }
0x13: {  	[tilespmem:$0x350] =	vst v0  }
0x14: {  	[tilespmem:$0x360] =	vst v0  }
0x15: {  	[tilespmem:$0x370] =	vst v0;
	s20 =	sadd.s32 $0x0, s6  }
0x16: {  	[spmem:s20] =	stream.linear.scatter [tilespmem:s10], [sflag:$0x1], $0x80, $0x38;
	[tilespmem:$0x2480] =	vst v63  }
0x17: {  	s20 =	simm.s32 $0x200;
	_ =	swait.ge [sflag:s11], $0x80  }
.LBB2_2:
0x18: {  	s21 =	sshra.s32 s20, $0x2;
	[sflag:s11] =	ssyncset.done $0x0;
	p0 =	sne.s32 s20, $0x6000  }
.Ltmp0:
0x19: {  	s21 =	sadd.s32 s21, s6;
	[sflag:s11] =	ssyncadd.s32 $0xFFFFFF80;
	(pc) =	sbr.rel @p0 .LBB2_2-.Ltmp0, $3  }
0x1a: {  	[spmem:s21] =	stream.linear.scatter [tilespmem:s10], [sflag:$0x1], $0x80, $0x38;
	[tilespmem:$0x2480] =	vst v63  }
0x1b: {  	s20 =	sadd.s32 $0x200, s20;
	_ =	sdelay $0x1  }
0x1c: {  	_ =	swait.ge [sflag:s11], $0x80  }
0x1d: {  	[sflag:s11] =	ssyncset.done $0x0  }
0x1e: {  	[sflag:s11] =	ssyncadd.s32 $0xFFFFFF80  }
0x1f: {  	[tilespmem:$0x300] =	vst v1  }
0x20: {  	[tilespmem:$0x310] =	vst v1  }
0x21: {  	[tilespmem:$0x320] =	vst v1  }
0x22: {  	[tilespmem:$0x330] =	vst v1  }
0x23: {  	[tilespmem:$0x340] =	vst v1  }
0x24: {  	[tilespmem:$0x350] =	vst v1  }
0x25: {  	[tilespmem:$0x360] =	vst v1  }
0x26: {  	[tilespmem:$0x370] =	vst v1  }
0x27: {  	s20 =	sadd.s32 $0x0, s9;
	[bflag:$0x0] =	sbarrier.arrive $0xFFFF  }
0x28: {  	[tilespmem:s2], [sflag:$0x1] =	stream.linear.gather [hbm4b:s20+s2], $0x300, $0x38;
	[tilespmem:$0x2480] =	vst v63  }
0x29: {  	_ =	swait.ge [sflag:s11], $0x300  }
0x2a: {  	[sflag:s11] =	ssyncset.done $0x0  }
0x2b: {  	[sflag:s11] =	ssyncadd.s32 $0xFFFFFD00  }
0x2c: {  	[spmem:s1] =	stream.indirect.scatter.add.f32 [tilespmem:s10], [sflag:$0x1], $0x1, s2, s12, $0xb8;
	[tilespmem:$0x2480] =	vst v63  }
0x2d: {  	_ =	swait.ge [sflag:s11], $0x80  }
0x2e: {  	[sflag:s11] =	ssyncset.done $0x0  }
0x2f: {  	[sflag:s11] =	ssyncadd.s32 $0xFFFFFF80  }
0x30: {  	[spmem:s1] =	stream.indirect.scatter.add.f32 [tilespmem:s10], [sflag:$0x1], $0x1, s12, s12, $0xb8;
	[tilespmem:$0x2480] =	vst v63  }
0x31: {  	_ =	swait.ge [sflag:s11], $0x80  }
0x32: {  	[sflag:s11] =	ssyncset.done $0x0  }
0x33: {  	[sflag:s11] =	ssyncadd.s32 $0xFFFFFF80  }
0x34: {  	[spmem:s1] =	stream.indirect.scatter.add.f32 [tilespmem:s10], [sflag:$0x1], $0x1, s13, s12, $0xb8;
	[tilespmem:$0x2480] =	vst v63  }
0x35: {  	_ =	swait.ge [sflag:s11], $0x80  }
0x36: {  	[sflag:s11] =	ssyncset.done $0x0  }
0x37: {  	[sflag:s11] =	ssyncadd.s32 $0xFFFFFF80  }
0x38: {  	[spmem:s1] =	stream.indirect.scatter.add.f32 [tilespmem:s10], [sflag:$0x1], $0x1, s14, s12, $0xb8;
	[tilespmem:$0x2480] =	vst v63  }
0x39: {  	_ =	swait.ge [sflag:s11], $0x80  }
0x3a: {  	[sflag:s11] =	ssyncset.done $0x0  }
0x3b: {  	[sflag:s11] =	ssyncadd.s32 $0xFFFFFF80  }
0x3c: {  	[spmem:s1] =	stream.indirect.scatter.add.f32 [tilespmem:s10], [sflag:$0x1], $0x1, s15, s12, $0xb8;
	[tilespmem:$0x2480] =	vst v63  }
0x3d: {  	_ =	swait.ge [sflag:s11], $0x80  }
0x3e: {  	[sflag:s11] =	ssyncset.done $0x0  }
0x3f: {  	[sflag:s11] =	ssyncadd.s32 $0xFFFFFF80  }
0x40: {  	[spmem:s1] =	stream.indirect.scatter.add.f32 [tilespmem:s10], [sflag:$0x1], $0x1, s16, s12, $0xb8;
	[tilespmem:$0x2480] =	vst v63  }
0x41: {  	_ =	swait.ge [sflag:s11], $0x80  }
0x42: {  	s21 =	simm.s32 $0xC0;
	s20 =	simm.s32 $0x60;
	[sflag:s11] =	ssyncset.done $0x0  }
.LBB2_4:
0x43: {  	s22 =	sadd.s32 s20, s9  }
0x44: {  	[sflag:s11] =	ssyncadd.s32 $0xFFFFFF80;
	s20 =	smov.u32 s21;
	s23 =	sadd.s32 $0x60, s21  }
0x45: {  	[tilespmem:s2], [sflag:$0x1] =	stream.linear.gather [hbm4b:s22+s2], $0x300, $0x38;
	[tilespmem:$0x2480] =	vst v63  }
0x46: {  	p0 =	sne.s32 s21, $0x30C0;
	_ =	swait.ge [sflag:s11], $0x300  }
0x47: {  	[sflag:s11] =	ssyncset.done $0x0  }
0x48: {  	[sflag:s11] =	ssyncadd.s32 $0xFFFFFD00  }
0x49: {  	[spmem:s1] =	stream.indirect.scatter.add.f32 [tilespmem:s10], [sflag:$0x1], $0x1, s2, s12, $0xb8;
	[tilespmem:$0x2480] =	vst v63  }
0x4a: {  	_ =	swait.ge [sflag:s11], $0x80  }
0x4b: {  	[sflag:s11] =	ssyncset.done $0x0  }
0x4c: {  	[sflag:s11] =	ssyncadd.s32 $0xFFFFFF80  }
0x4d: {  	[spmem:s1] =	stream.indirect.scatter.add.f32 [tilespmem:s10], [sflag:$0x1], $0x1, s12, s12, $0xb8;
	[tilespmem:$0x2480] =	vst v63  }
0x4e: {  	_ =	swait.ge [sflag:s11], $0x80  }
0x4f: {  	[sflag:s11] =	ssyncset.done $0x0  }
0x50: {  	[sflag:s11] =	ssyncadd.s32 $0xFFFFFF80  }
0x51: {  	[spmem:s1] =	stream.indirect.scatter.add.f32 [tilespmem:s10], [sflag:$0x1], $0x1, s13, s12, $0xb8;
	[tilespmem:$0x2480] =	vst v63  }
0x52: {  	_ =	swait.ge [sflag:s11], $0x80  }
0x53: {  	[sflag:s11] =	ssyncset.done $0x0  }
0x54: {  	[sflag:s11] =	ssyncadd.s32 $0xFFFFFF80  }
0x55: {  	[spmem:s1] =	stream.indirect.scatter.add.f32 [tilespmem:s10], [sflag:$0x1], $0x1, s14, s12, $0xb8;
	[tilespmem:$0x2480] =	vst v63  }
0x56: {  	_ =	swait.ge [sflag:s11], $0x80  }
0x57: {  	[sflag:s11] =	ssyncset.done $0x0  }
0x58: {  	[sflag:s11] =	ssyncadd.s32 $0xFFFFFF80  }
0x59: {  	[spmem:s1] =	stream.indirect.scatter.add.f32 [tilespmem:s10], [sflag:$0x1], $0x1, s15, s12, $0xb8;
	[tilespmem:$0x2480] =	vst v63  }
0x5a: {  	_ =	swait.ge [sflag:s11], $0x80  }
.Ltmp1:
0x5b: {  	[sflag:s11] =	ssyncset.done $0x0;
	(pc) =	sbr.rel @p0 .LBB2_4-.Ltmp1, $4  }
0x5c: {  	[sflag:s11] =	ssyncadd.s32 $0xFFFFFF80  }
0x5d: {  	[spmem:s1] =	stream.indirect.scatter.add.f32 [tilespmem:s10], [sflag:$0x1], $0x1, s16, s12, $0xb8;
	[tilespmem:$0x2480] =	vst v63  }
0x5e: {  	_ =	swait.ge [sflag:s11], $0x80  }
0x5f: {  	s21 =	smov.u32 s23;
	[sflag:s11] =	ssyncset.done $0x0  }
0x60: {  	s20 =	sadd.s32 s20, s9;
	[sflag:s11] =	ssyncadd.s32 $0xFFFFFF80  }
0x61: {  	[tilespmem:s2], [sflag:$0x1] =	stream.linear.gather [hbm4b:s20+s2], $0x300, $0x38;
	[tilespmem:$0x2480] =	vst v63  }
0x62: {  	_ =	swait.ge [sflag:s11], $0x300  }
0x63: {  	[sflag:s11] =	ssyncset.done $0x0  }
0x64: {  	[sflag:s11] =	ssyncadd.s32 $0xFFFFFD00  }
0x65: {  	[spmem:s1] =	stream.indirect.scatter.add.f32 [tilespmem:s10], [sflag:$0x1], $0x1, s2, s12, $0xb8;
	[tilespmem:$0x2480] =	vst v63  }
0x66: {  	_ =	swait.ge [sflag:s11], $0x80  }
0x67: {  	[sflag:s11] =	ssyncset.done $0x0  }
0x68: {  	[sflag:s11] =	ssyncadd.s32 $0xFFFFFF80  }
0x69: {  	[spmem:s1] =	stream.indirect.scatter.add.f32 [tilespmem:s10], [sflag:$0x1], $0x1, s12, s12, $0xb8;
	[tilespmem:$0x2480] =	vst v63  }
0x6a: {  	_ =	swait.ge [sflag:s11], $0x80  }
0x6b: {  	[sflag:s11] =	ssyncset.done $0x0  }
0x6c: {  	[sflag:s11] =	ssyncadd.s32 $0xFFFFFF80  }
0x6d: {  	[spmem:s1] =	stream.indirect.scatter.add.f32 [tilespmem:s10], [sflag:$0x1], $0x1, s13, s12, $0xb8;
	[tilespmem:$0x2480] =	vst v63  }
0x6e: {  	_ =	swait.ge [sflag:s11], $0x80  }
0x6f: {  	[sflag:s11] =	ssyncset.done $0x0  }
0x70: {  	[sflag:s11] =	ssyncadd.s32 $0xFFFFFF80  }
0x71: {  	[spmem:s1] =	stream.indirect.scatter.add.f32 [tilespmem:s10], [sflag:$0x1], $0x1, s14, s12, $0xb8;
	[tilespmem:$0x2480] =	vst v63  }
0x72: {  	_ =	swait.ge [sflag:s11], $0x80  }
0x73: {  	[sflag:s11] =	ssyncset.done $0x0  }
0x74: {  	[sflag:s11] =	ssyncadd.s32 $0xFFFFFF80  }
0x75: {  	[spmem:s1] =	stream.indirect.scatter.add.f32 [tilespmem:s10], [sflag:$0x1], $0x1, s15, s12, $0xb8;
	[tilespmem:$0x2480] =	vst v63  }
0x76: {  	_ =	swait.ge [sflag:s11], $0x80  }
0x77: {  	[sflag:s11] =	ssyncset.done $0x0  }
0x78: {  	[sflag:s11] =	ssyncadd.s32 $0xFFFFFF80  }
0x79: {  	[spmem:s1] =	stream.indirect.scatter.add.f32 [tilespmem:s10], [sflag:$0x1], $0x1, s16, s12, $0xb8;
	[tilespmem:$0x2480] =	vst v63  }
0x7a: {  	_ =	swait.ge [sflag:s11], $0x80  }
0x7b: {  	[sflag:s11] =	ssyncset.done $0x0  }
0x7c: {  	[sflag:s11] =	ssyncadd.s32 $0xFFFFFF80  }
0x7d: {  	s20 =	simm.s32 $0x0;
	[bflag:$0x0] =	sbarrier.arrive $0xFFFF  }
.LBB2_6:
0x7e: {  	s21 =	sshll.u32 s20, $0x7  }
0x7f: {  	s21 =	sadd.s32 s5, s21  }
0x80: {  	s22 =	sadd.s32 s21, s1  }
0x81: {  	[tilespmem:s17], [sflag:$0x1] =	stream.linear.gather [spmem:s22], $0x80, $0x38;
	[tilespmem:$0x2480] =	vst v63  }
0x82: {  	_ =	swait.ge [sflag:s11], $0x80  }
0x83: {  	[sflag:s11] =	ssyncset.done $0x0  }
0x84: {  	s31 =	simm.s32 $0x0;
	[sflag:s11] =	ssyncadd.s32 $0xFFFFFF80  }
0x85: {  	v2 =	vld [tilespmem:s31+$0x380];
	_ =	sdelay $0x4  }
0x86: {  	v3 =	vbroadcast v2, $0x0  }
0x87: {  	s22 =	simm.s32 $0x480;
	v4 =	vbroadcast v2, $0x1  }
0x88: {  	v5 =	vbroadcast v2, $0x2;
	[tilespmem:s22+$0xFFFFFF80] =	vst v3  }
0x89: {  	v56 =	vbroadcast v2, $0x4;
	[tilespmem:s22+$0xFFFFFF90] =	vst v4  }
0x8a: {  	v57 =	vbroadcast v2, $0x5;
	[tilespmem:s22+$0xFFFFFFA0] =	vst v5  }
0x8b: {  	v58 =	vbroadcast v2, $0x7;
	[tilespmem:s22+$0xFFFFFFC0] =	vst v56  }
0x8c: {  	v59 =	vbroadcast v2, $0x8;
	[tilespmem:s22+$0xFFFFFFD0] =	vst v57  }
0x8d: {  	v60 =	vbroadcast v2, $0xA;
	[tilespmem:s22+$0xFFFFFFF0] =	vst v58  }
0x8e: {  	v3 =	vbroadcast v2, $0x3;
	[tilespmem:s22+$0x0] =	vst v59  }
0x8f: {  	v61 =	vbroadcast v2, $0xB;
	[tilespmem:s22+$0x20] =	vst v60  }
0x90: {  	[tilespmem:s22+$0xFFFFFFB0] =	vst v3;
	v3 =	vbroadcast v2, $0x6  }
0x91: {  	v62 =	vbroadcast v2, $0xD;
	[tilespmem:s22+$0x30] =	vst v61  }
0x92: {  	[tilespmem:s22+$0xFFFFFFE0] =	vst v3;
	v3 =	vbroadcast v2, $0x9  }
0x93: {  	v63 =	vbroadcast v2, $0xE;
	[tilespmem:s22+$0x50] =	vst v62  }
0x94: {  	[tilespmem:s22+$0x10] =	vst v3;
	v3 =	vbroadcast v2, $0xC  }
0x95: {  	[tilespmem:s22+$0x60] =	vst v63;
	v2 =	vbroadcast v2, $0xF  }
0x96: {  	[tilespmem:s22+$0x40] =	vst v3  }
0x97: {  	s24 =	simm.s32 $0x10;
	s23 =	simm.s32 $0x80;
	[tilespmem:s22+$0x70] =	vst v2  }
.LBB2_7:
0x98: {  	p0 =	sne.s32 s23, $0x1C0;
	v2 =	vld [tilespmem:s24+$0x380];
	_ =	sdelay $0x4  }
0x99: {  	v3 =	vbroadcast v2, $0x0;
	v4 =	vbroadcast v2, $0x1  }
0x9a: {  	s22 =	sadd.s32 $0x100, s22;
	v5 =	vbroadcast v2, $0x2;
	v6 =	vbroadcast v2, $0x3  }
0x9b: {  	v7 =	vbroadcast v2, $0x5;
	[tilespmem:s22+$0xFFFFFF80] =	vst v3;
	v3 =	vbroadcast v2, $0x4  }
0x9c: {  	v8 =	vbroadcast v2, $0x7;
	[tilespmem:s22+$0xFFFFFF90] =	vst v4;
	v4 =	vbroadcast v2, $0x6  }
0x9d: {  	v9 =	vbroadcast v2, $0x9;
	[tilespmem:s22+$0xFFFFFFA0] =	vst v5;
	v5 =	vbroadcast v2, $0x8  }
0x9e: {  	v10 =	vbroadcast v2, $0xB;
	[tilespmem:s22+$0xFFFFFFB0] =	vst v6;
	v6 =	vbroadcast v2, $0xA  }
0x9f: {  	v11 =	vbroadcast v2, $0xD;
	[tilespmem:s22+$0xFFFFFFC0] =	vst v3;
	v3 =	vbroadcast v2, $0xC  }
0xa0: {  	[tilespmem:s22+$0xFFFFFFD0] =	vst v7;
	v7 =	vbroadcast v2, $0xE;
	v2 =	vbroadcast v2, $0xF  }
0xa1: {  	[tilespmem:s22+$0xFFFFFFE0] =	vst v4  }
0xa2: {  	[tilespmem:s22+$0xFFFFFFF0] =	vst v8  }
0xa3: {  	[tilespmem:s22+$0x0] =	vst v5  }
0xa4: {  	[tilespmem:s22+$0x10] =	vst v9  }
0xa5: {  	[tilespmem:s22+$0x20] =	vst v6  }
.Ltmp2:
0xa6: {  	[tilespmem:s22+$0x30] =	vst v10;
	(pc) =	sbr.rel @p0 .LBB2_7-.Ltmp2, $4  }
0xa7: {  	[tilespmem:s22+$0x40] =	vst v3  }
0xa8: {  	[tilespmem:s22+$0x50] =	vst v11  }
0xa9: {  	[tilespmem:s22+$0x60] =	vst v7  }
0xaa: {  	s24 =	sshra.s32 s23, $0x2;
	s23 =	sadd.s32 $0x40, s23;
	[tilespmem:s22+$0x70] =	vst v2  }
0xab: {  	v2 =	vld [tilespmem:s24+$0x380];
	_ =	sdelay $0x4  }
0xac: {  	v3 =	vbroadcast v2, $0x0  }
0xad: {  	s22 =	sadd.s32 $0x100, s22;
	v4 =	vbroadcast v2, $0x1  }
0xae: {  	v5 =	vbroadcast v2, $0x2;
	[tilespmem:s22+$0xFFFFFF80] =	vst v3  }
0xaf: {  	v56 =	vbroadcast v2, $0x4;
	[tilespmem:s22+$0xFFFFFF90] =	vst v4  }
0xb0: {  	v57 =	vbroadcast v2, $0x5;
	[tilespmem:s22+$0xFFFFFFA0] =	vst v5  }
0xb1: {  	v58 =	vbroadcast v2, $0x7;
	[tilespmem:s22+$0xFFFFFFC0] =	vst v56  }
0xb2: {  	v59 =	vbroadcast v2, $0x8;
	[tilespmem:s22+$0xFFFFFFD0] =	vst v57  }
0xb3: {  	v60 =	vbroadcast v2, $0xA;
	[tilespmem:s22+$0xFFFFFFF0] =	vst v58  }
0xb4: {  	v3 =	vbroadcast v2, $0x3;
	[tilespmem:s22+$0x0] =	vst v59  }
0xb5: {  	v61 =	vbroadcast v2, $0xB;
	[tilespmem:s22+$0x20] =	vst v60  }
0xb6: {  	[tilespmem:s22+$0xFFFFFFB0] =	vst v3;
	v3 =	vbroadcast v2, $0x6  }
0xb7: {  	v62 =	vbroadcast v2, $0xD;
	[tilespmem:s22+$0x30] =	vst v61  }
0xb8: {  	[tilespmem:s22+$0xFFFFFFE0] =	vst v3;
	v3 =	vbroadcast v2, $0x9  }
0xb9: {  	v63 =	vbroadcast v2, $0xE;
	[tilespmem:s22+$0x50] =	vst v62  }
0xba: {  	s21 =	sshll.u32 s21, $0x4;
	[tilespmem:s22+$0x10] =	vst v3;
	v3 =	vbroadcast v2, $0xC  }
0xbb: {  	s20 =	sadd.s32 $0x1, s20;
	s21 =	sadd.s32 s7, s21;
	[tilespmem:s22+$0x60] =	vst v63;
	v2 =	vbroadcast v2, $0xF  }
0xbc: {  	p0 =	sne.s32 s20, $0x31;
	s21 =	sshrl.u32 s21, $0x3;
	[tilespmem:s22+$0x40] =	vst v3  }
.Ltmp3:
0xbd: {  	s21 =	sadd.s32 s4, s21;
	[tilespmem:s22+$0x70] =	vst v2;
	(pc) =	sbr.rel @p0 .LBB2_6-.Ltmp3, $4  }
0xbe: {  	[hbm4b:s21+s2] =	stream.linear.scatter [tilespmem:s18], [sflag:$0x1], $0x800, $0x38;
	[tilespmem:$0x2480] =	vst v63  }
0xbf: {  	_ =	swait.ge [sflag:s11], $0x800  }
0xc0: {  	[sflag:s11] =	ssyncset.done $0x0  }
0xc1: {  	[sflag:s11] =	ssyncadd.s32 $0xFFFFF800  }
0xc2: {  	s19 =	sadd.s32 $0x1, s19  }
0xc3: {  	p0 =	sne.s32 s19, s8  }
.Ltmp4:
0xc4: {  	_ = 	snop;
	(pc) =	sbr.rel @p0 .LBB2_1-.Ltmp4, $1  }
0xc5: {  	_ =	sdelay $0x3  }
0xc6: {  	_ =	sfence.sel $0x180000  }
0xc7: {  	[bflag:$0x0] =	sbarrier.arrive $0xFFFF  }
0xc8: {  	p0 =	sne.s32 s3, $0x0;
	_ =	strace $0x90000047  }
0xc9: {  	s0 =	sadd.s32 @!p0 $0x100000, s0;
	[bflag:$0x2] =	sbarrier.arrive $0xFFFF  }
0xca: {  	[sflag:s0] =	ssyncadd.tile.s32 @!p0 $0x1;
	_ =	shalt  }
.Lfunc_end2:
_tile_overlayer_lowered:
.L_overlay_start_2:
0xcb: {  	(tag) =	ssettag $0x2  }
0xcc: {  	s0 =	rddreg [dreg:$0x0];
	s2 =	stileid.u32  }
0xcd: {  	s1 =	rddreg [dreg:$0x1];
	p0 =	sne.s32 s2, $0x0  }
0xce: {  	s3 =	rddreg [dreg:$0x2];
	[bflag:$0x3] =	sbarrier.arrive $0xFFFF;
	s2 =	simm.s32 @!p0 $0x1C01  }
0xcf: {  	[timem:s3], [sflag:s2] =	dma.local @!p0 [hbm:s0], s1  }
0xd0: {  	s0 =	simm.s32 @!p0 $0x1  }
0xd1: {  	_ =	swait.ge @!p0 [sflag:s0], s1  }
0xd2: {  	s1 =	ssub.s32 @!p0 $0x0, s1;
	[sflag:s0] =	ssyncset.done @!p0 $0x0  }
0xd3: {  	[sflag:s0] =	ssyncadd.s32 @!p0 s1  }
0xd4: {  	[bflag:$0x3] =	sbarrier.arrive $0xFFFF  }
0xd5: {  	_ =	shalt  }

</sc_bundles>
